<compile_context>
chip_gen: v7x
topology: tpu7x:2x2x1
jax: 0.10.2.dev20260603
libtpu: 0.0.44.dev20260713+nightly
codegen_flags: <defaults>
</compile_context>

<pallas_src>
import jax
import jax.numpy as jnp
from jax import lax
from jax.experimental import pallas as pl
from jax.experimental.pallas import tpu as pltpu
from jax.experimental.pallas import tpu_sc as plsc

N_NODES = 10000
D_FEAT = 128
D_OUT = 131
D_PAD = 144
N_W = 32
NPW = 320
N_PAD = N_W * NPW
W_EDGES = 8000
C_GATH = 128


def _scalar(v, e, lane):
    return jnp.max(jnp.where(lane == e, v, 0))


def _sc_body(xp_hbm, pospad_hbm, src_hbm, dst_hbm, out_hbm,
             acc, dstw, srcw, cls, cll, rows, posd, sem):
    n_edges = src_hbm.shape[0]
    nc = 2
    wid = lax.axis_index("s") * nc + lax.axis_index("c")
    lo = wid * NPW
    lane = lax.broadcasted_iota(jnp.int32, (16,), 0)

    pltpu.sync_copy(xp_hbm.at[pl.ds(lo, NPW)], acc.at[pl.ds(0, NPW)])
    zf = jnp.zeros((16,), jnp.float32)
    for c in range(D_PAD // 16):
        acc[NPW, pl.ds(c * 16, 16)] = zf
    pltpu.sync_copy(pospad_hbm.at[pl.ds(lo, NPW)], posd)

    def window(w, _):
        base = w * W_EDGES
        pltpu.sync_copy(dst_hbm.at[pl.ds(base, W_EDGES)], dstw)
        pltpu.sync_copy(src_hbm.at[pl.ds(base, W_EDGES)], srcw)

        def filt(i, cnt_v):
            d = dstw[pl.ds(i * 16, 16)]
            s = srcw[pl.ds(i * 16, 16)]
            dl = d - lo
            m = dl.astype(jnp.uint32) < jnp.uint32(NPW)
            ps = plsc.cumsum(jnp.where(m, 1, 0))
            idx = cnt_v + ps - 1
            plsc.store_scatter(cls, [idx], s, mask=m)
            plsc.store_scatter(cll, [idx], dl, mask=m)
            npop = plsc.all_reduce_population_count(m)
            npop = npop if getattr(npop, "ndim", 0) else jnp.full(
                (16,), npop, jnp.int32)
            return cnt_v + npop

        cnt_v = lax.fori_loop(0, W_EDGES // 16, filt,
                              jnp.zeros((16,), jnp.int32))
        cnt = jnp.max(cnt_v)

        for t in range(C_GATH // 16):
            tidx = cnt_v + (t * 16) + lane
            plsc.store_scatter(cls, [tidx], jnp.zeros((16,), jnp.int32))
            plsc.store_scatter(cll, [tidx], jnp.full((16,), NPW, jnp.int32))

        def chunk(ci, _):
            cb = pl.multiple_of(ci * C_GATH, 8)
            pltpu.async_copy(xp_hbm.at[cls.at[pl.ds(cb, C_GATH)]], rows,
                             sem).wait()

            def group(g, _):
                ldv = cll[pl.ds(pl.multiple_of(cb + g * 16, 8), 16)]
                for e in range(16):
                    ld = _scalar(ldv, e, lane)
                    r = g * 16 + e
                    for c in range(D_PAD // 16):
                        sl = pl.ds(c * 16, 16)
                        acc[ld, sl] = jnp.maximum(acc[ld, sl], rows[r, sl])
                return 0

            lax.fori_loop(0, C_GATH // 16, group, 0)
            return 0

        nch = lax.shift_right_logical(cnt + (C_GATH - 1), 7)
        lax.fori_loop(0, nch, chunk, 0)
        return 0

    lax.fori_loop(0, n_edges // W_EDGES, window, 0)

    def fin(r, _):
        acc[r, pl.ds(128, 16)] = acc[r, pl.ds(128, 16)] - posd[r, :]
        return 0

    lax.fori_loop(0, NPW, fin, 0)
    pltpu.sync_copy(acc.at[pl.ds(0, NPW)], out_hbm.at[pl.ds(lo, NPW)])


@jax.jit
def _pointconv_sc(xp, pospad, src, dst):
    mesh = plsc.VectorSubcoreMesh(core_axis_name="c", subcore_axis_name="s")
    f = pl.kernel(
        _sc_body, mesh=mesh,
        out_type=jax.ShapeDtypeStruct((N_PAD, D_PAD), jnp.float32),
        compiler_params=pltpu.CompilerParams(
            use_tc_tiling_on_sc=False, needs_layout_passes=False),
        scratch_types=[
            pltpu.VMEM((NPW + 1, D_PAD), jnp.float32),
            pltpu.VMEM((W_EDGES,), jnp.int32),
            pltpu.VMEM((W_EDGES,), jnp.int32),
            pltpu.VMEM((W_EDGES + C_GATH,), jnp.int32),
            pltpu.VMEM((W_EDGES + C_GATH,), jnp.int32),
            pltpu.VMEM((C_GATH, D_PAD), jnp.float32),
            pltpu.VMEM((NPW, 16), jnp.float32),
            pltpu.SemaphoreType.DMA,
        ],
    )
    return f(xp, pospad, src, dst)


def kernel(x, pos, edge_index):
    n = x.shape[0]
    src = edge_index[0].astype(jnp.int32)
    dst = edge_index[1].astype(jnp.int32)
    xp = jnp.concatenate(
        [x, pos, jnp.zeros((n, D_PAD - D_OUT), jnp.float32)], axis=1)
    xp = jnp.concatenate(
        [xp, jnp.zeros((N_PAD - n, D_PAD), jnp.float32)], axis=0)
    pospad = jnp.concatenate([pos, jnp.zeros((n, 13), jnp.float32)], axis=1)
    pospad = jnp.concatenate(
        [pospad, jnp.zeros((N_PAD - n, 16), jnp.float32)], axis=0)
    out = _pointconv_sc(xp, pospad, src, dst)
    return out[:n, :D_OUT]

# --- scband reference (transcript-rebuilt; emitter-appended) ---
"""Pipeline reference for scband-my-point-conv-2508260901520 (READ-ONLY COPY).

The authoritative reference and input builder live on the scoring server;
editing this copy changes nothing except your own understanding.
"""

import jax, jax.numpy as jnp
import numpy as np

N_NODES = 10000
N_EDGES = 320000
D_FEAT = 128


def setup_inputs(seed: int = 0) -> dict:
    key = jax.random.key(seed)
    k1, k2, k3 = jax.random.split(key, 3)
    x = jax.random.normal(k1, (N_NODES, D_FEAT), dtype=jnp.float32)
    pos = jax.random.normal(k2, (N_NODES, 3), dtype=jnp.float32)
    edge_index = jax.random.randint(k3, (2, N_EDGES), 0, N_NODES, dtype=jnp.int64)
    return {"x": x, "pos": pos, "edge_index": edge_index}


def reference(x, pos, edge_index):
    # MyPointConv with local_nn=None, global_nn=None, aggr='max', add_self_loops=True
    N = x.shape[0]
    # add self loops (PyG add_self_loops appends [i, i] edges)
    loop = jnp.arange(N, dtype=edge_index.dtype)
    ei = jnp.concatenate([edge_index, jnp.stack([loop, loop], axis=0)], axis=1)
    src = ei[0]  # j (source / neighbor)
    dst = ei[1]  # i (target / center)
    # message: concat(x_j, pos_j - pos_i); local_nn is None -> identity
    rel_pos = pos[src] - pos[dst]
    msg = jnp.concatenate([x[src], rel_pos], axis=1)  # [E+N, D_FEAT+3]
    # aggregate with max over destination nodes (every node has a self loop, so no empty segments)
    out = jax.ops.segment_max(msg, dst, num_segments=N)
    # global_nn is None -> identity
    return out

if __name__ == "__main__":
    import jax
    _d = setup_inputs()
    print(jax.jit(kernel)(*tuple(_d.values())))

</pallas_src>

<mosaic_0001>
#map = affine_map<(d0, d1) -> (0, 0)>
#map1 = affine_map<(d0, d1) -> (0)>
module attributes {stable_mosaic.version = 14 : i64} {
  func.func @_sc_body(%arg0: i32, %arg1: i32, %arg2: memref<10240x144xf32, #tpu.memory_space<hbm>>, %arg3: memref<10240x16xf32, #tpu.memory_space<hbm>>, %arg4: memref<320000xi32, #tpu.memory_space<hbm>>, %arg5: memref<320000xi32, #tpu.memory_space<hbm>>, %arg6: memref<10240x144xf32, #tpu.memory_space<hbm>>, %arg7: memref<321x144xf32, #tpu.memory_space<vmem>>, %arg8: memref<8000xi32, #tpu.memory_space<vmem>>, %arg9: memref<8000xi32, #tpu.memory_space<vmem>>, %arg10: memref<8128xi32, #tpu.memory_space<vmem>>, %arg11: memref<8128xi32, #tpu.memory_space<vmem>>, %arg12: memref<128x144xf32, #tpu.memory_space<vmem>>, %arg13: memref<320x16xf32, #tpu.memory_space<vmem>>, %arg14: memref<!tpu.dma_semaphore, #tpu.memory_space<semaphore_mem>>) attributes {dimension_semantics = [#tpu.dimension_semantics<core_parallel>, #tpu.dimension_semantics<subcore_parallel>], iteration_bounds = array<i64: 2, 16>, scalar_prefetch = 0 : i64, scratch_operands = 8 : i64, tpu.core_type = #tpu.core_type<sc_vector_subcore>, window_params = [{transform_indices = #map}, {transform_indices = #map}, {transform_indices = #map1}, {transform_indices = #map1}, {transform_indices = #map}]} {
    %mul3A = arith.constant 2 : i32
    %mul3A_0 = arith.muli %arg1, %mul3A : i32
    %add3A = arith.addi %mul3A_0, %arg0 : i32
    %mul3A_1 = arith.constant 320 : i32
    %mul3A_2 = arith.muli %add3A, %mul3A_1 : i32
    %iota3A = tpu.iota {dimensions = array<i32: 0>} : vector<16xi32>
    "tpu.region"() ({
      %run_scoped3A = tpu.sem_alloc : memref<!tpu.dma_semaphore, #tpu.memory_space<semaphore_mem>>
      %dma_start3A = arith.constant 0 : i32
      %dma_start3A_52 = arith.constant 0 : i32
      %dma_start3A_53 = tpu.memref_slice %arg7[%dma_start3A, %dma_start3A_52] : memref<321x144xf32, #tpu.memory_space<vmem>> -> memref<320x144xf32, #tpu.memory_space<vmem>>
      %dma_start3A_54 = arith.constant 0 : i32
      %dma_start3A_55 = tpu.memref_slice %arg2[%mul3A_2, %dma_start3A_54] : memref<10240x144xf32, #tpu.memory_space<hbm>> -> memref<320x144xf32, #tpu.memory_space<hbm>>
      %dma_start3A_56 = arith.constant 0 : i32
      %dma_start3A_57 = arith.constant 0 : i32
      %dma_start3A_58 = tpu.memref_slice %arg7[%dma_start3A_56, %dma_start3A_57] : memref<321x144xf32, #tpu.memory_space<vmem>> -> memref<320x144xf32, #tpu.memory_space<vmem>>
      %dma_start3A_59 = arith.constant 0 : i32
      %dma_start3A_60 = tpu.memref_slice %arg2[%mul3A_2, %dma_start3A_59] : memref<10240x144xf32, #tpu.memory_space<hbm>> -> memref<320x144xf32, #tpu.memory_space<hbm>>
      tpu.enqueue_dma source(%dma_start3A_60 : memref<320x144xf32, #tpu.memory_space<hbm>>) target(%dma_start3A_58 : memref<320x144xf32, #tpu.memory_space<vmem>>) target_semaphore(%run_scoped3A : memref<!tpu.dma_semaphore, #tpu.memory_space<semaphore_mem>>)
      %dma_wait3A = arith.constant 0 : i32
      %dma_wait3A_61 = arith.constant 0 : i32
      %dma_wait3A_62 = tpu.memref_slice %arg7[%dma_wait3A, %dma_wait3A_61] : memref<321x144xf32, #tpu.memory_space<vmem>> -> memref<320x144xf32, #tpu.memory_space<vmem>>
      %dma_wait3A_63 = arith.constant 0 : i32
      %dma_wait3A_64 = tpu.memref_slice %arg2[%mul3A_2, %dma_wait3A_63] : memref<10240x144xf32, #tpu.memory_space<hbm>> -> memref<320x144xf32, #tpu.memory_space<hbm>>
      %dma_wait3A_65 = arith.constant 0 : i32
      %dma_wait3A_66 = arith.constant 0 : i32
      %dma_wait3A_67 = tpu.memref_slice %arg7[%dma_wait3A_65, %dma_wait3A_66] : memref<321x144xf32, #tpu.memory_space<vmem>> -> memref<320x144xf32, #tpu.memory_space<vmem>>
      %dma_wait3A_68 = arith.constant 0 : i32
      %dma_wait3A_69 = tpu.memref_slice %arg2[%mul3A_2, %dma_wait3A_68] : memref<10240x144xf32, #tpu.memory_space<hbm>> -> memref<320x144xf32, #tpu.memory_space<hbm>>
      tpu.wait_dma2 semaphore(%run_scoped3A : memref<!tpu.dma_semaphore, #tpu.memory_space<semaphore_mem>>) src(%dma_wait3A_69 : memref<320x144xf32, #tpu.memory_space<hbm>>) dst(%dma_wait3A_67 : memref<320x144xf32, #tpu.memory_space<vmem>>)
      tpu.yield
    }) : () -> ()
    %broadcast_in_dim3A = arith.constant 0.000000e+00 : f32
    %broadcast_in_dim3A_3 = vector.broadcast %broadcast_in_dim3A : f32 to vector<16xf32>
    %swap3A = arith.constant 320 : i32
    %swap3A_4 = arith.index_cast %swap3A : i32 to index
    %swap3A_5 = arith.constant 0 : index
    %swap3A_6 = tpu.vector_load %arg7[%swap3A_4, %swap3A_5] {strides = array<i32>} : memref<321x144xf32, #tpu.memory_space<vmem>>, vector<16xf32>,
    tpu.vector_store %arg7[%swap3A_4, %swap3A_5], %broadcast_in_dim3A_3 {strides = array<i32>} : memref<321x144xf32, #tpu.memory_space<vmem>>, vector<16xf32>,
    %swap3A_7 = arith.constant 320 : i32
    %swap3A_8 = arith.index_cast %swap3A_7 : i32 to index
    %swap3A_9 = arith.constant 16 : index
    %swap3A_10 = tpu.vector_load %arg7[%swap3A_8, %swap3A_9] {strides = array<i32>} : memref<321x144xf32, #tpu.memory_space<vmem>>, vector<16xf32>,
    tpu.vector_store %arg7[%swap3A_8, %swap3A_9], %broadcast_in_dim3A_3 {strides = array<i32>} : memref<321x144xf32, #tpu.memory_space<vmem>>, vector<16xf32>,
    %swap3A_11 = arith.constant 320 : i32
    %swap3A_12 = arith.index_cast %swap3A_11 : i32 to index
    %swap3A_13 = arith.constant 32 : index
    %swap3A_14 = tpu.vector_load %arg7[%swap3A_12, %swap3A_13] {strides = array<i32>} : memref<321x144xf32, #tpu.memory_space<vmem>>, vector<16xf32>,
    tpu.vector_store %arg7[%swap3A_12, %swap3A_13], %broadcast_in_dim3A_3 {strides = array<i32>} : memref<321x144xf32, #tpu.memory_space<vmem>>, vector<16xf32>,
    %swap3A_15 = arith.constant 320 : i32
    %swap3A_16 = arith.index_cast %swap3A_15 : i32 to index
    %swap3A_17 = arith.constant 48 : index
    %swap3A_18 = tpu.vector_load %arg7[%swap3A_16, %swap3A_17] {strides = array<i32>} : memref<321x144xf32, #tpu.memory_space<vmem>>, vector<16xf32>,
    tpu.vector_store %arg7[%swap3A_16, %swap3A_17], %broadcast_in_dim3A_3 {strides = array<i32>} : memref<321x144xf32, #tpu.memory_space<vmem>>, vector<16xf32>,
    %swap3A_19 = arith.constant 320 : i32
    %swap3A_20 = arith.index_cast %swap3A_19 : i32 to index
    %swap3A_21 = arith.constant 64 : index
    %swap3A_22 = tpu.vector_load %arg7[%swap3A_20, %swap3A_21] {strides = array<i32>} : memref<321x144xf32, #tpu.memory_space<vmem>>, vector<16xf32>,
    tpu.vector_store %arg7[%swap3A_20, %swap3A_21], %broadcast_in_dim3A_3 {strides = array<i32>} : memref<321x144xf32, #tpu.memory_space<vmem>>, vector<16xf32>,
    %swap3A_23 = arith.constant 320 : i32
    %swap3A_24 = arith.index_cast %swap3A_23 : i32 to index
    %swap3A_25 = arith.constant 80 : index
    %swap3A_26 = tpu.vector_load %arg7[%swap3A_24, %swap3A_25] {strides = array<i32>} : memref<321x144xf32, #tpu.memory_space<vmem>>, vector<16xf32>,
    tpu.vector_store %arg7[%swap3A_24, %swap3A_25], %broadcast_in_dim3A_3 {strides = array<i32>} : memref<321x144xf32, #tpu.memory_space<vmem>>, vector<16xf32>,
    %swap3A_27 = arith.constant 320 : i32
    %swap3A_28 = arith.index_cast %swap3A_27 : i32 to index
    %swap3A_29 = arith.constant 96 : index
    %swap3A_30 = tpu.vector_load %arg7[%swap3A_28, %swap3A_29] {strides = array<i32>} : memref<321x144xf32, #tpu.memory_space<vmem>>, vector<16xf32>,
    tpu.vector_store %arg7[%swap3A_28, %swap3A_29], %broadcast_in_dim3A_3 {strides = array<i32>} : memref<321x144xf32, #tpu.memory_space<vmem>>, vector<16xf32>,
    %swap3A_31 = arith.constant 320 : i32
    %swap3A_32 = arith.index_cast %swap3A_31 : i32 to index
    %swap3A_33 = arith.constant 112 : index
    %swap3A_34 = tpu.vector_load %arg7[%swap3A_32, %swap3A_33] {strides = array<i32>} : memref<321x144xf32, #tpu.memory_space<vmem>>, vector<16xf32>,
    tpu.vector_store %arg7[%swap3A_32, %swap3A_33], %broadcast_in_dim3A_3 {strides = array<i32>} : memref<321x144xf32, #tpu.memory_space<vmem>>, vector<16xf32>,
    %swap3A_35 = arith.constant 320 : i32
    %swap3A_36 = arith.index_cast %swap3A_35 : i32 to index
    %swap3A_37 = arith.constant 128 : index
    %swap3A_38 = tpu.vector_load %arg7[%swap3A_36, %swap3A_37] {strides = array<i32>} : memref<321x144xf32, #tpu.memory_space<vmem>>, vector<16xf32>,
    tpu.vector_store %arg7[%swap3A_36, %swap3A_37], %broadcast_in_dim3A_3 {strides = array<i32>} : memref<321x144xf32, #tpu.memory_space<vmem>>, vector<16xf32>,
    "tpu.region"() ({
      %run_scoped3A = tpu.sem_alloc : memref<!tpu.dma_semaphore, #tpu.memory_space<semaphore_mem>>
      %dma_start3A = arith.constant 0 : i32
      %dma_start3A_52 = tpu.memref_slice %arg3[%mul3A_2, %dma_start3A] : memref<10240x16xf32, #tpu.memory_space<hbm>> -> memref<320x16xf32, #tpu.memory_space<hbm>>
      %dma_start3A_53 = arith.constant 0 : i32
      %dma_start3A_54 = tpu.memref_slice %arg3[%mul3A_2, %dma_start3A_53] : memref<10240x16xf32, #tpu.memory_space<hbm>> -> memref<320x16xf32, #tpu.memory_space<hbm>>
      tpu.enqueue_dma source(%dma_start3A_54 : memref<320x16xf32, #tpu.memory_space<hbm>>) target(%arg13 : memref<320x16xf32, #tpu.memory_space<vmem>>) target_semaphore(%run_scoped3A : memref<!tpu.dma_semaphore, #tpu.memory_space<semaphore_mem>>)
      %dma_wait3A = arith.constant 0 : i32
      %dma_wait3A_55 = tpu.memref_slice %arg3[%mul3A_2, %dma_wait3A] : memref<10240x16xf32, #tpu.memory_space<hbm>> -> memref<320x16xf32, #tpu.memory_space<hbm>>
      %dma_wait3A_56 = arith.constant 0 : i32
      %dma_wait3A_57 = tpu.memref_slice %arg3[%mul3A_2, %dma_wait3A_56] : memref<10240x16xf32, #tpu.memory_space<hbm>> -> memref<320x16xf32, #tpu.memory_space<hbm>>
      tpu.wait_dma2 semaphore(%run_scoped3A : memref<!tpu.dma_semaphore, #tpu.memory_space<semaphore_mem>>) src(%dma_wait3A_57 : memref<320x16xf32, #tpu.memory_space<hbm>>) dst(%arg13 : memref<320x16xf32, #tpu.memory_space<vmem>>)
      tpu.yield
    }) : () -> ()
    %scan3A = arith.constant 0 : i32
    %scan3A_39 = arith.constant 0 : i32
    %scan3A_40 = arith.constant 40 : i32
    %scan3A_41 = arith.addi %scan3A_39, %scan3A_40 : i32
    %scan3A_42 = arith.constant 1 : i32
    %scan3A_43 = scf.for %scan3A_52 = %scan3A_39 to %scan3A_41 step %scan3A_42 iter_args(%scan3A_53 = %scan3A) -> (i32)  : i32 {
      %mul3A_54 = arith.constant 8000 : i32
      %mul3A_55 = arith.muli %scan3A_52, %mul3A_54 : i32
      "tpu.region"() ({
        %run_scoped3A = tpu.sem_alloc : memref<!tpu.dma_semaphore, #tpu.memory_space<semaphore_mem>>
        %dma_start3A = tpu.memref_slice %arg5[%mul3A_55] : memref<320000xi32, #tpu.memory_space<hbm>> -> memref<8000xi32, #tpu.memory_space<hbm>>
        %dma_start3A_150 = tpu.memref_slice %arg5[%mul3A_55] : memref<320000xi32, #tpu.memory_space<hbm>> -> memref<8000xi32, #tpu.memory_space<hbm>>
        tpu.enqueue_dma source(%dma_start3A_150 : memref<8000xi32, #tpu.memory_space<hbm>>) target(%arg8 : memref<8000xi32, #tpu.memory_space<vmem>>) target_semaphore(%run_scoped3A : memref<!tpu.dma_semaphore, #tpu.memory_space<semaphore_mem>>)
        %dma_wait3A = tpu.memref_slice %arg5[%mul3A_55] : memref<320000xi32, #tpu.memory_space<hbm>> -> memref<8000xi32, #tpu.memory_space<hbm>>
        %dma_wait3A_151 = tpu.memref_slice %arg5[%mul3A_55] : memref<320000xi32, #tpu.memory_space<hbm>> -> memref<8000xi32, #tpu.memory_space<hbm>>
        tpu.wait_dma2 semaphore(%run_scoped3A : memref<!tpu.dma_semaphore, #tpu.memory_space<semaphore_mem>>) src(%dma_wait3A_151 : memref<8000xi32, #tpu.memory_space<hbm>>) dst(%arg8 : memref<8000xi32, #tpu.memory_space<vmem>>)
        tpu.yield
      }) : () -> ()
      "tpu.region"() ({
        %run_scoped3A = tpu.sem_alloc : memref<!tpu.dma_semaphore, #tpu.memory_space<semaphore_mem>>
        %dma_start3A = tpu.memref_slice %arg4[%mul3A_55] : memref<320000xi32, #tpu.memory_space<hbm>> -> memref<8000xi32, #tpu.memory_space<hbm>>
        %dma_start3A_150 = tpu.memref_slice %arg4[%mul3A_55] : memref<320000xi32, #tpu.memory_space<hbm>> -> memref<8000xi32, #tpu.memory_space<hbm>>
        tpu.enqueue_dma source(%dma_start3A_150 : memref<8000xi32, #tpu.memory_space<hbm>>) target(%arg9 : memref<8000xi32, #tpu.memory_space<vmem>>) target_semaphore(%run_scoped3A : memref<!tpu.dma_semaphore, #tpu.memory_space<semaphore_mem>>)
        %dma_wait3A = tpu.memref_slice %arg4[%mul3A_55] : memref<320000xi32, #tpu.memory_space<hbm>> -> memref<8000xi32, #tpu.memory_space<hbm>>
        %dma_wait3A_151 = tpu.memref_slice %arg4[%mul3A_55] : memref<320000xi32, #tpu.memory_space<hbm>> -> memref<8000xi32, #tpu.memory_space<hbm>>
        tpu.wait_dma2 semaphore(%run_scoped3A : memref<!tpu.dma_semaphore, #tpu.memory_space<semaphore_mem>>) src(%dma_wait3A_151 : memref<8000xi32, #tpu.memory_space<hbm>>) dst(%arg9 : memref<8000xi32, #tpu.memory_space<vmem>>)
        tpu.yield
      }) : () -> ()
      %broadcast_in_dim3A_56 = arith.constant 0 : i32
      %broadcast_in_dim3A_57 = vector.broadcast %broadcast_in_dim3A_56 : i32 to vector<16xi32>
      %scan3A_58 = arith.constant 0 : i32
      %scan3A_59 = arith.constant 500 : i32
      %scan3A_60 = arith.addi %scan3A_58, %scan3A_59 : i32
      %scan3A_61 = arith.constant 1 : i32
      %scan3A_62 = scf.for %scan3A_150 = %scan3A_58 to %scan3A_60 step %scan3A_61 iter_args(%scan3A_151 = %broadcast_in_dim3A_57) -> (vector<16xi32>)  : i32 {
        %mul3A_152 = arith.constant 16 : i32
        %mul3A_153 = arith.muli %scan3A_150, %mul3A_152 : i32
        %get3A = arith.index_cast %mul3A_153 : i32 to index
        %get3A_154 = tpu.vector_load %arg8[%get3A] {strides = array<i32>} : memref<8000xi32, #tpu.memory_space<vmem>>, vector<16xi32>,
        %mul3A_155 = arith.constant 16 : i32
        %mul3A_156 = arith.muli %scan3A_150, %mul3A_155 : i32
        %get3A_157 = arith.index_cast %mul3A_156 : i32 to index
        %get3A_158 = tpu.vector_load %arg9[%get3A_157] {strides = array<i32>} : memref<8000xi32, #tpu.memory_space<vmem>>, vector<16xi32>,
        %sub3A = vector.broadcast %mul3A_2 : i32 to vector<16xi32>
        %sub3A_159 = arith.subi %get3A_154, %sub3A : vector<16xi32>
        %lt3A = arith.constant 320 : i32
        %lt3A_160 = vector.broadcast %lt3A : i32 to vector<16xi32>
        %lt3A_161 = arith.cmpi ult, %sub3A_159, %lt3A_160 : vector<16xi32>
        %jit3A = arith.constant 1 : i32
        %jit3A_162 = arith.constant 0 : i32
        %broadcast_in_dim3A_163 = vector.broadcast %jit3A : i32 to vector<16xi32>
        %broadcast_in_dim3A_164 = vector.broadcast %jit3A_162 : i32 to vector<16xi32>
        %select_n3A = arith.select %lt3A_161, %broadcast_in_dim3A_163, %broadcast_in_dim3A_164 : vector<16xi1>, vector<16xi32>
        %broadcast_in_dim3A_165 = arith.constant true
        %broadcast_in_dim3A_166 = vector.broadcast %broadcast_in_dim3A_165 : i1 to vector<16xi1>
        %masked_cumsum3A = tpu.scan <sum>, %select_n3A masked %broadcast_in_dim3A_166 : vector<16xi32>, vector<16xi1> -> vector<16xi32>
        %add3A_167 = arith.addi %scan3A_151, %masked_cumsum3A : vector<16xi32>
        %sub3A_168 = arith.constant 1 : i32
        %sub3A_169 = vector.broadcast %sub3A_168 : i32 to vector<16xi32>
        %sub3A_170 = arith.subi %add3A_167, %sub3A_169 : vector<16xi32>
        tpu.vector_store_idx %arg10[%sub3A_170], %get3A_158 masked %lt3A_161 : memref<8128xi32, #tpu.memory_space<vmem>>[vector<16xi32>], vector<16xi32>, vector<16xi1>
        tpu.vector_store_idx %arg11[%sub3A_170], %sub3A_159 masked %lt3A_161 : memref<8128xi32, #tpu.memory_space<vmem>>[vector<16xi32>], vector<16xi32>, vector<16xi1>
        %all_reduce_population_count3A = tpu.all_reduce %lt3A_161 {dim = 0 : i64, kind = #tpu.reduction_kind<sum>} : vector<16xi1> -> vector<16xi32>
        %add3A_171 = arith.addi %scan3A_151, %all_reduce_population_count3A : vector<16xi32>
        scf.yield %add3A_171 : vector<16xi32>
      }
      %scan3A_63 = arith.constant 500 : i32
      %reduce_max3A = arith.constant true
      %reduce_max3A_64 = vector.broadcast %reduce_max3A : i1 to vector<16xi1>
      %reduce_max3A_65 = arith.constant -2147483648 : i32
      %reduce_max3A_66 = vector.broadcast %reduce_max3A_65 : i32 to vector<16xi32>
      %reduce_max3A_67 = arith.xori %scan3A_62, %reduce_max3A_66 : vector<16xi32>
      %reduce_max3A_68 = tpu.scan <max>, %reduce_max3A_67 masked %reduce_max3A_64 : vector<16xi32>, vector<16xi1> -> vector<16xi32>
      %reduce_max3A_69 = arith.xori %reduce_max3A_68, %reduce_max3A_66 : vector<16xi32>
      %reduce_max3A_70 = vector.extract %reduce_max3A_69[15] : i32 from vector<16xi32>
      %add3A_71 = arith.constant 0 : i32
      %add3A_72 = vector.broadcast %add3A_71 : i32 to vector<16xi32>
      %add3A_73 = arith.addi %scan3A_62, %add3A_72 : vector<16xi32>
      %add3A_74 = arith.addi %add3A_73, %iota3A : vector<16xi32>
      %broadcast_in_dim3A_75 = arith.constant 0 : i32
      %broadcast_in_dim3A_76 = vector.broadcast %broadcast_in_dim3A_75 : i32 to vector<16xi32>
      tpu.vector_store_idx %arg10[%add3A_74], %broadcast_in_dim3A_76 : memref<8128xi32, #tpu.memory_space<vmem>>[vector<16xi32>], vector<16xi32>,
      %broadcast_in_dim3A_77 = arith.constant 320 : i32
      %broadcast_in_dim3A_78 = vector.broadcast %broadcast_in_dim3A_77 : i32 to vector<16xi32>
      tpu.vector_store_idx %arg11[%add3A_74], %broadcast_in_dim3A_78 : memref<8128xi32, #tpu.memory_space<vmem>>[vector<16xi32>], vector<16xi32>,
      %add3A_79 = arith.constant 16 : i32
      %add3A_80 = vector.broadcast %add3A_79 : i32 to vector<16xi32>
      %add3A_81 = arith.addi %scan3A_62, %add3A_80 : vector<16xi32>
      %add3A_82 = arith.addi %add3A_81, %iota3A : vector<16xi32>
      %broadcast_in_dim3A_83 = arith.constant 0 : i32
      %broadcast_in_dim3A_84 = vector.broadcast %broadcast_in_dim3A_83 : i32 to vector<16xi32>
      tpu.vector_store_idx %arg10[%add3A_82], %broadcast_in_dim3A_84 : memref<8128xi32, #tpu.memory_space<vmem>>[vector<16xi32>], vector<16xi32>,
      %broadcast_in_dim3A_85 = arith.constant 320 : i32
      %broadcast_in_dim3A_86 = vector.broadcast %broadcast_in_dim3A_85 : i32 to vector<16xi32>
      tpu.vector_store_idx %arg11[%add3A_82], %broadcast_in_dim3A_86 : memref<8128xi32, #tpu.memory_space<vmem>>[vector<16xi32>], vector<16xi32>,
      %add3A_87 = arith.constant 32 : i32
      %add3A_88 = vector.broadcast %add3A_87 : i32 to vector<16xi32>
      %add3A_89 = arith.addi %scan3A_62, %add3A_88 : vector<16xi32>
      %add3A_90 = arith.addi %add3A_89, %iota3A : vector<16xi32>
      %broadcast_in_dim3A_91 = arith.constant 0 : i32
      %broadcast_in_dim3A_92 = vector.broadcast %broadcast_in_dim3A_91 : i32 to vector<16xi32>
      tpu.vector_store_idx %arg10[%add3A_90], %broadcast_in_dim3A_92 : memref<8128xi32, #tpu.memory_space<vmem>>[vector<16xi32>], vector<16xi32>,
      %broadcast_in_dim3A_93 = arith.constant 320 : i32
      %broadcast_in_dim3A_94 = vector.broadcast %broadcast_in_dim3A_93 : i32 to vector<16xi32>
      tpu.vector_store_idx %arg11[%add3A_90], %broadcast_in_dim3A_94 : memref<8128xi32, #tpu.memory_space<vmem>>[vector<16xi32>], vector<16xi32>,
      %add3A_95 = arith.constant 48 : i32
      %add3A_96 = vector.broadcast %add3A_95 : i32 to vector<16xi32>
      %add3A_97 = arith.addi %scan3A_62, %add3A_96 : vector<16xi32>
      %add3A_98 = arith.addi %add3A_97, %iota3A : vector<16xi32>
      %broadcast_in_dim3A_99 = arith.constant 0 : i32
      %broadcast_in_dim3A_100 = vector.broadcast %broadcast_in_dim3A_99 : i32 to vector<16xi32>
      tpu.vector_store_idx %arg10[%add3A_98], %broadcast_in_dim3A_100 : memref<8128xi32, #tpu.memory_space<vmem>>[vector<16xi32>], vector<16xi32>,
      %broadcast_in_dim3A_101 = arith.constant 320 : i32
      %broadcast_in_dim3A_102 = vector.broadcast %broadcast_in_dim3A_101 : i32 to vector<16xi32>
      tpu.vector_store_idx %arg11[%add3A_98], %broadcast_in_dim3A_102 : memref<8128xi32, #tpu.memory_space<vmem>>[vector<16xi32>], vector<16xi32>,
      %add3A_103 = arith.constant 64 : i32
      %add3A_104 = vector.broadcast %add3A_103 : i32 to vector<16xi32>
      %add3A_105 = arith.addi %scan3A_62, %add3A_104 : vector<16xi32>
      %add3A_106 = arith.addi %add3A_105, %iota3A : vector<16xi32>
      %broadcast_in_dim3A_107 = arith.constant 0 : i32
      %broadcast_in_dim3A_108 = vector.broadcast %broadcast_in_dim3A_107 : i32 to vector<16xi32>
      tpu.vector_store_idx %arg10[%add3A_106], %broadcast_in_dim3A_108 : memref<8128xi32, #tpu.memory_space<vmem>>[vector<16xi32>], vector<16xi32>,
      %broadcast_in_dim3A_109 = arith.constant 320 : i32
      %broadcast_in_dim3A_110 = vector.broadcast %broadcast_in_dim3A_109 : i32 to vector<16xi32>
      tpu.vector_store_idx %arg11[%add3A_106], %broadcast_in_dim3A_110 : memref<8128xi32, #tpu.memory_space<vmem>>[vector<16xi32>], vector<16xi32>,
      %add3A_111 = arith.constant 80 : i32
      %add3A_112 = vector.broadcast %add3A_111 : i32 to vector<16xi32>
      %add3A_113 = arith.addi %scan3A_62, %add3A_112 : vector<16xi32>
      %add3A_114 = arith.addi %add3A_113, %iota3A : vector<16xi32>
      %broadcast_in_dim3A_115 = arith.constant 0 : i32
      %broadcast_in_dim3A_116 = vector.broadcast %broadcast_in_dim3A_115 : i32 to vector<16xi32>
      tpu.vector_store_idx %arg10[%add3A_114], %broadcast_in_dim3A_116 : memref<8128xi32, #tpu.memory_space<vmem>>[vector<16xi32>], vector<16xi32>,
      %broadcast_in_dim3A_117 = arith.constant 320 : i32
      %broadcast_in_dim3A_118 = vector.broadcast %broadcast_in_dim3A_117 : i32 to vector<16xi32>
      tpu.vector_store_idx %arg11[%add3A_114], %broadcast_in_dim3A_118 : memref<8128xi32, #tpu.memory_space<vmem>>[vector<16xi32>], vector<16xi32>,
      %add3A_119 = arith.constant 96 : i32
      %add3A_120 = vector.broadcast %add3A_119 : i32 to vector<16xi32>
      %add3A_121 = arith.addi %scan3A_62, %add3A_120 : vector<16xi32>
      %add3A_122 = arith.addi %add3A_121, %iota3A : vector<16xi32>
      %broadcast_in_dim3A_123 = arith.constant 0 : i32
      %broadcast_in_dim3A_124 = vector.broadcast %broadcast_in_dim3A_123 : i32 to vector<16xi32>
      tpu.vector_store_idx %arg10[%add3A_122], %broadcast_in_dim3A_124 : memref<8128xi32, #tpu.memory_space<vmem>>[vector<16xi32>], vector<16xi32>,
      %broadcast_in_dim3A_125 = arith.constant 320 : i32
      %broadcast_in_dim3A_126 = vector.broadcast %broadcast_in_dim3A_125 : i32 to vector<16xi32>
      tpu.vector_store_idx %arg11[%add3A_122], %broadcast_in_dim3A_126 : memref<8128xi32, #tpu.memory_space<vmem>>[vector<16xi32>], vector<16xi32>,
      %add3A_127 = arith.constant 112 : i32
      %add3A_128 = vector.broadcast %add3A_127 : i32 to vector<16xi32>
      %add3A_129 = arith.addi %scan3A_62, %add3A_128 : vector<16xi32>
      %add3A_130 = arith.addi %add3A_129, %iota3A : vector<16xi32>
      %broadcast_in_dim3A_131 = arith.constant 0 : i32
      %broadcast_in_dim3A_132 = vector.broadcast %broadcast_in_dim3A_131 : i32 to vector<16xi32>
      tpu.vector_store_idx %arg10[%add3A_130], %broadcast_in_dim3A_132 : memref<8128xi32, #tpu.memory_space<vmem>>[vector<16xi32>], vector<16xi32>,
      %broadcast_in_dim3A_133 = arith.constant 320 : i32
      %broadcast_in_dim3A_134 = vector.broadcast %broadcast_in_dim3A_133 : i32 to vector<16xi32>
      tpu.vector_store_idx %arg11[%add3A_130], %broadcast_in_dim3A_134 : memref<8128xi32, #tpu.memory_space<vmem>>[vector<16xi32>], vector<16xi32>,
      %add3A_135 = arith.constant 127 : i32
      %add3A_136 = arith.addi %reduce_max3A_70, %add3A_135 : i32
      %shift_right_logical3A = arith.constant 7 : i32
      %shift_right_logical3A_137 = arith.shrui %add3A_136, %shift_right_logical3A : i32
      %while3A = arith.constant 0 : i32
      %while3A_138 = arith.constant 0 : i32
      %while3A_139 = arith.subi %shift_right_logical3A_137, %while3A : i32
      %while3A_140 = arith.addi %while3A, %while3A_139 : i32
      %while3A_141 = arith.constant 1 : i32
      %while3A_142 = arith.divsi %while3A_139, %while3A_141 : i32
      %while3A_143 = arith.muli %while3A_142, %while3A_141 : i32
      %while3A_144 = arith.addi %while3A, %while3A_143 : i32
      %while3A_145 = arith.constant 1 : i32
      %while3A_146 = scf.for %while3A_150 = %while3A to %while3A_144 step %while3A_145 iter_args(%while3A_151 = %while3A_138) -> (i32)  : i32 {
        %mul3A_152 = arith.constant 128 : i32
        %mul3A_153 = arith.muli %while3A_150, %mul3A_152 : i32
        %multiple_of3A = tpu.assume_multiple %mul3A_153, 8 : i32
        %dma_start3A = tpu.memref_slice %arg10[%multiple_of3A] : memref<8128xi32, #tpu.memory_space<vmem>> -> memref<128xi32, #tpu.memory_space<vmem>>
        %dma_start3A_154 = arith.constant 0 : i32
        %dma_start3A_155 = arith.constant 0 : i32
        %dma_start3A_156 = tpu.memref_slice %arg2[%dma_start3A_154, %dma_start3A_155] : memref<10240x144xf32, #tpu.memory_space<hbm>> -> memref<10240x144xf32, #tpu.memory_space<hbm>>
        tpu.enqueue_indirect_dma source(%dma_start3A_156 : memref<10240x144xf32, #tpu.memory_space<hbm>>) target(%arg12 : memref<128x144xf32, #tpu.memory_space<vmem>>) offsets(%dma_start3A : memref<128xi32, #tpu.memory_space<vmem>>) semaphore(%arg14 : memref<!tpu.dma_semaphore, #tpu.memory_space<semaphore_mem>>)
        %dma_wait3A = tpu.memref_slice %arg10[%multiple_of3A] : memref<8128xi32, #tpu.memory_space<vmem>> -> memref<128xi32, #tpu.memory_space<vmem>>
        %dma_wait3A_157 = arith.constant 0 : i32
        %dma_wait3A_158 = arith.constant 0 : i32
        %dma_wait3A_159 = tpu.memref_slice %arg2[%dma_wait3A_157, %dma_wait3A_158] : memref<10240x144xf32, #tpu.memory_space<hbm>> -> memref<10240x144xf32, #tpu.memory_space<hbm>>
        tpu.wait_indirect_dma semaphore(%arg14 : memref<!tpu.dma_semaphore, #tpu.memory_space<semaphore_mem>>) src(%dma_wait3A_159 : memref<10240x144xf32, #tpu.memory_space<hbm>>) dst(%arg12 : memref<128x144xf32, #tpu.memory_space<vmem>>)
        %scan3A_160 = arith.constant 0 : i32
        %scan3A_161 = arith.constant 0 : i32
        %scan3A_162 = arith.constant 8 : i32
        %scan3A_163 = arith.addi %scan3A_161, %scan3A_162 : i32
        %scan3A_164 = arith.constant 1 : i32
        %scan3A_165 = scf.for %scan3A_168 = %scan3A_161 to %scan3A_163 step %scan3A_164 iter_args(%scan3A_169 = %scan3A_160) -> (i32)  : i32 {
          %mul3A_170 = arith.constant 16 : i32
          %mul3A_171 = arith.muli %scan3A_168, %mul3A_170 : i32
          %add3A_172 = arith.addi %multiple_of3A, %mul3A_171 : i32
          %multiple_of3A_173 = tpu.assume_multiple %add3A_172, 8 : i32
          %get3A = arith.index_cast %multiple_of3A_173 : i32 to index
          %get3A_174 = tpu.vector_load %arg11[%get3A] {strides = array<i32>} : memref<8128xi32, #tpu.memory_space<vmem>>, vector<16xi32>,
          %eq3A = arith.constant 0 : i32
          %eq3A_175 = vector.broadcast %eq3A : i32 to vector<16xi32>
          %eq3A_176 = arith.cmpi eq, %iota3A, %eq3A_175 : vector<16xi32>
          %jit3A = arith.constant 0 : i32
          %broadcast_in_dim3A_177 = vector.broadcast %jit3A : i32 to vector<16xi32>
          %select_n3A = arith.select %eq3A_176, %get3A_174, %broadcast_in_dim3A_177 : vector<16xi1>, vector<16xi32>
          %reduce_max3A_178 = arith.constant true
          %reduce_max3A_179 = vector.broadcast %reduce_max3A_178 : i1 to vector<16xi1>
          %reduce_max3A_180 = arith.constant -2147483648 : i32
          %reduce_max3A_181 = vector.broadcast %reduce_max3A_180 : i32 to vector<16xi32>
          %reduce_max3A_182 = arith.xori %select_n3A, %reduce_max3A_181 : vector<16xi32>
          %reduce_max3A_183 = tpu.scan <max>, %reduce_max3A_182 masked %reduce_max3A_179 : vector<16xi32>, vector<16xi1> -> vector<16xi32>
          %reduce_max3A_184 = arith.xori %reduce_max3A_183, %reduce_max3A_181 : vector<16xi32>
          %reduce_max3A_185 = vector.extract %reduce_max3A_184[15] : i32 from vector<16xi32>
          %mul3A_186 = arith.constant 16 : i32
          %mul3A_187 = arith.muli %scan3A_168, %mul3A_186 : i32
          %add3A_188 = arith.constant 0 : i32
          %add3A_189 = arith.addi %mul3A_187, %add3A_188 : i32
          %get3A_190 = arith.index_cast %reduce_max3A_185 : i32 to index
          %get3A_191 = arith.constant 0 : index
          %get3A_192 = tpu.vector_load %arg7[%get3A_190, %get3A_191] {strides = array<i32>} : memref<321x144xf32, #tpu.memory_space<vmem>>, vector<16xf32>,
          %get3A_193 = arith.index_cast %add3A_189 : i32 to index
          %get3A_194 = arith.constant 0 : index
          %get3A_195 = tpu.vector_load %arg12[%get3A_193, %get3A_194] {strides = array<i32>} : memref<128x144xf32, #tpu.memory_space<vmem>>, vector<16xf32>,
          %max3A = arith.maximumf %get3A_192, %get3A_195 : vector<16xf32>
          %swap3A_196 = arith.index_cast %reduce_max3A_185 : i32 to index
          %swap3A_197 = arith.constant 0 : index
          %swap3A_198 = tpu.vector_load %arg7[%swap3A_196, %swap3A_197] {strides = array<i32>} : memref<321x144xf32, #tpu.memory_space<vmem>>, vector<16xf32>,
          tpu.vector_store %arg7[%swap3A_196, %swap3A_197], %max3A {strides = array<i32>} : memref<321x144xf32, #tpu.memory_space<vmem>>, vector<16xf32>,
          %get3A_199 = arith.index_cast %reduce_max3A_185 : i32 to index
          %get3A_200 = arith.constant 16 : index
          %get3A_201 = tpu.vector_load %arg7[%get3A_199, %get3A_200] {strides = array<i32>} : memref<321x144xf32, #tpu.memory_space<vmem>>, vector<16xf32>,
          %get3A_202 = arith.index_cast %add3A_189 : i32 to index
          %get3A_203 = arith.constant 16 : index
          %get3A_204 = tpu.vector_load %arg12[%get3A_202, %get3A_203] {strides = array<i32>} : memref<128x144xf32, #tpu.memory_space<vmem>>, vector<16xf32>,
          %max3A_205 = arith.maximumf %get3A_201, %get3A_204 : vector<16xf32>
          %swap3A_206 = arith.index_cast %reduce_max3A_185 : i32 to index
          %swap3A_207 = arith.constant 16 : index
          %swap3A_208 = tpu.vector_load %arg7[%swap3A_206, %swap3A_207] {strides = array<i32>} : memref<321x144xf32, #tpu.memory_space<vmem>>, vector<16xf32>,
          tpu.vector_store %arg7[%swap3A_206, %swap3A_207], %max3A_205 {strides = array<i32>} : memref<321x144xf32, #tpu.memory_space<vmem>>, vector<16xf32>,
          %get3A_209 = arith.index_cast %reduce_max3A_185 : i32 to index
          %get3A_210 = arith.constant 32 : index
          %get3A_211 = tpu.vector_load %arg7[%get3A_209, %get3A_210] {strides = array<i32>} : memref<321x144xf32, #tpu.memory_space<vmem>>, vector<16xf32>,
          %get3A_212 = arith.index_cast %add3A_189 : i32 to index
          %get3A_213 = arith.constant 32 : index
          %get3A_214 = tpu.vector_load %arg12[%get3A_212, %get3A_213] {strides = array<i32>} : memref<128x144xf32, #tpu.memory_space<vmem>>, vector<16xf32>,
          %max3A_215 = arith.maximumf %get3A_211, %get3A_214 : vector<16xf32>
          %swap3A_216 = arith.index_cast %reduce_max3A_185 : i32 to index
          %swap3A_217 = arith.constant 32 : index
          %swap3A_218 = tpu.vector_load %arg7[%swap3A_216, %swap3A_217] {strides = array<i32>} : memref<321x144xf32, #tpu.memory_space<vmem>>, vector<16xf32>,
          tpu.vector_store %arg7[%swap3A_216, %swap3A_217], %max3A_215 {strides = array<i32>} : memref<321x144xf32, #tpu.memory_space<vmem>>, vector<16xf32>,
          %get3A_219 = arith.index_cast %reduce_max3A_185 : i32 to index
          %get3A_220 = arith.constant 48 : index
          %get3A_221 = tpu.vector_load %arg7[%get3A_219, %get3A_220] {strides = array<i32>} : memref<321x144xf32, #tpu.memory_space<vmem>>, vector<16xf32>,
          %get3A_222 = arith.index_cast %add3A_189 : i32 to index
          %get3A_223 = arith.constant 48 : index
          %get3A_224 = tpu.vector_load %arg12[%get3A_222, %get3A_223] {strides = array<i32>} : memref<128x144xf32, #tpu.memory_space<vmem>>, vector<16xf32>,
          %max3A_225 = arith.maximumf %get3A_221, %get3A_224 : vector<16xf32>
          %swap3A_226 = arith.index_cast %reduce_max3A_185 : i32 to index
          %swap3A_227 = arith.constant 48 : index
          %swap3A_228 = tpu.vector_load %arg7[%swap3A_226, %swap3A_227] {strides = array<i32>} : memref<321x144xf32, #tpu.memory_space<vmem>>, vector<16xf32>,
          tpu.vector_store %arg7[%swap3A_226, %swap3A_227], %max3A_225 {strides = array<i32>} : memref<321x144xf32, #tpu.memory_space<vmem>>, vector<16xf32>,
          %get3A_229 = arith.index_cast %reduce_max3A_185 : i32 to index
          %get3A_230 = arith.constant 64 : index
          %get3A_231 = tpu.vector_load %arg7[%get3A_229, %get3A_230] {strides = array<i32>} : memref<321x144xf32, #tpu.memory_space<vmem>>, vector<16xf32>,
          %get3A_232 = arith.index_cast %add3A_189 : i32 to index
          %get3A_233 = arith.constant 64 : index
          %get3A_234 = tpu.vector_load %arg12[%get3A_232, %get3A_233] {strides = array<i32>} : memref<128x144xf32, #tpu.memory_space<vmem>>, vector<16xf32>,
          %max3A_235 = arith.maximumf %get3A_231, %get3A_234 : vector<16xf32>
          %swap3A_236 = arith.index_cast %reduce_max3A_185 : i32 to index
          %swap3A_237 = arith.constant 64 : index
          %swap3A_238 = tpu.vector_load %arg7[%swap3A_236, %swap3A_237] {strides = array<i32>} : memref<321x144xf32, #tpu.memory_space<vmem>>, vector<16xf32>,
          tpu.vector_store %arg7[%swap3A_236, %swap3A_237], %max3A_235 {strides = array<i32>} : memref<321x144xf32, #tpu.memory_space<vmem>>, vector<16xf32>,
          %get3A_239 = arith.index_cast %reduce_max3A_185 : i32 to index
          %get3A_240 = arith.constant 80 : index
          %get3A_241 = tpu.vector_load %arg7[%get3A_239, %get3A_240] {strides = array<i32>} : memref<321x144xf32, #tpu.memory_space<vmem>>, vector<16xf32>,
          %get3A_242 = arith.index_cast %add3A_189 : i32 to index
          %get3A_243 = arith.constant 80 : index
          %get3A_244 = tpu.vector_load %arg12[%get3A_242, %get3A_243] {strides = array<i32>} : memref<128x144xf32, #tpu.memory_space<vmem>>, vector<16xf32>,
          %max3A_245 = arith.maximumf %get3A_241, %get3A_244 : vector<16xf32>
          %swap3A_246 = arith.index_cast %reduce_max3A_185 : i32 to index
          %swap3A_247 = arith.constant 80 : index
          %swap3A_248 = tpu.vector_load %arg7[%swap3A_246, %swap3A_247] {strides = array<i32>} : memref<321x144xf32, #tpu.memory_space<vmem>>, vector<16xf32>,
          tpu.vector_store %arg7[%swap3A_246, %swap3A_247], %max3A_245 {strides = array<i32>} : memref<321x144xf32, #tpu.memory_space<vmem>>, vector<16xf32>,
          %get3A_249 = arith.index_cast %reduce_max3A_185 : i32 to index
          %get3A_250 = arith.constant 96 : index
          %get3A_251 = tpu.vector_load %arg7[%get3A_249, %get3A_250] {strides = array<i32>} : memref<321x144xf32, #tpu.memory_space<vmem>>, vector<16xf32>,
          %get3A_252 = arith.index_cast %add3A_189 : i32 to index
          %get3A_253 = arith.constant 96 : index
          %get3A_254 = tpu.vector_load %arg12[%get3A_252, %get3A_253] {strides = array<i32>} : memref<128x144xf32, #tpu.memory_space<vmem>>, vector<16xf32>,
          %max3A_255 = arith.maximumf %get3A_251, %get3A_254 : vector<16xf32>
          %swap3A_256 = arith.index_cast %reduce_max3A_185 : i32 to index
          %swap3A_257 = arith.constant 96 : index
          %swap3A_258 = tpu.vector_load %arg7[%swap3A_256, %swap3A_257] {strides = array<i32>} : memref<321x144xf32, #tpu.memory_space<vmem>>, vector<16xf32>,
          tpu.vector_store %arg7[%swap3A_256, %swap3A_257], %max3A_255 {strides = array<i32>} : memref<321x144xf32, #tpu.memory_space<vmem>>, vector<16xf32>,
          %get3A_259 = arith.index_cast %reduce_max3A_185 : i32 to index
          %get3A_260 = arith.constant 112 : index
          %get3A_261 = tpu.vector_load %arg7[%get3A_259, %get3A_260] {strides = array<i32>} : memref<321x144xf32, #tpu.memory_space<vmem>>, vector<16xf32>,
          %get3A_262 = arith.index_cast %add3A_189 : i32 to index
          %get3A_263 = arith.constant 112 : index
          %get3A_264 = tpu.vector_load %arg12[%get3A_262, %get3A_263] {strides = array<i32>} : memref<128x144xf32, #tpu.memory_space<vmem>>, vector<16xf32>,
          %max3A_265 = arith.maximumf %get3A_261, %get3A_264 : vector<16xf32>
          %swap3A_266 = arith.index_cast %reduce_max3A_185 : i32 to index
          %swap3A_267 = arith.constant 112 : index
          %swap3A_268 = tpu.vector_load %arg7[%swap3A_266, %swap3A_267] {strides = array<i32>} : memref<321x144xf32, #tpu.memory_space<vmem>>, vector<16xf32>,
          tpu.vector_store %arg7[%swap3A_266, %swap3A_267], %max3A_265 {strides = array<i32>} : memref<321x144xf32, #tpu.memory_space<vmem>>, vector<16xf32>,
          %get3A_269 = arith.index_cast %reduce_max3A_185 : i32 to index
          %get3A_270 = arith.constant 128 : index
          %get3A_271 = tpu.vector_load %arg7[%get3A_269, %get3A_270] {strides = array<i32>} : memref<321x144xf32, #tpu.memory_space<vmem>>, vector<16xf32>,
          %get3A_272 = arith.index_cast %add3A_189 : i32 to index
          %get3A_273 = arith.constant 128 : index
          %get3A_274 = tpu.vector_load %arg12[%get3A_272, %get3A_273] {strides = array<i32>} : memref<128x144xf32, #tpu.memory_space<vmem>>, vector<16xf32>,
          %max3A_275 = arith.maximumf %get3A_271, %get3A_274 : vector<16xf32>
          %swap3A_276 = arith.index_cast %reduce_max3A_185 : i32 to index
          %swap3A_277 = arith.constant 128 : index
          %swap3A_278 = tpu.vector_load %arg7[%swap3A_276, %swap3A_277] {strides = array<i32>} : memref<321x144xf32, #tpu.memory_space<vmem>>, vector<16xf32>,
          tpu.vector_store %arg7[%swap3A_276, %swap3A_277], %max3A_275 {strides = array<i32>} : memref<321x144xf32, #tpu.memory_space<vmem>>, vector<16xf32>,
          %eq3A_279 = arith.constant 1 : i32
          %eq3A_280 = vector.broadcast %eq3A_279 : i32 to vector<16xi32>
          %eq3A_281 = arith.cmpi eq, %iota3A, %eq3A_280 : vector<16xi32>
          %jit3A_282 = arith.constant 0 : i32
          %broadcast_in_dim3A_283 = vector.broadcast %jit3A_282 : i32 to vector<16xi32>
          %select_n3A_284 = arith.select %eq3A_281, %get3A_174, %broadcast_in_dim3A_283 : vector<16xi1>, vector<16xi32>
          %reduce_max3A_285 = arith.constant true
          %reduce_max3A_286 = vector.broadcast %reduce_max3A_285 : i1 to vector<16xi1>
          %reduce_max3A_287 = arith.constant -2147483648 : i32
          %reduce_max3A_288 = vector.broadcast %reduce_max3A_287 : i32 to vector<16xi32>
          %reduce_max3A_289 = arith.xori %select_n3A_284, %reduce_max3A_288 : vector<16xi32>
          %reduce_max3A_290 = tpu.scan <max>, %reduce_max3A_289 masked %reduce_max3A_286 : vector<16xi32>, vector<16xi1> -> vector<16xi32>
          %reduce_max3A_291 = arith.xori %reduce_max3A_290, %reduce_max3A_288 : vector<16xi32>
          %reduce_max3A_292 = vector.extract %reduce_max3A_291[15] : i32 from vector<16xi32>
          %mul3A_293 = arith.constant 16 : i32
          %mul3A_294 = arith.muli %scan3A_168, %mul3A_293 : i32
          %add3A_295 = arith.constant 1 : i32
          %add3A_296 = arith.addi %mul3A_294, %add3A_295 : i32
          %get3A_297 = arith.index_cast %reduce_max3A_292 : i32 to index
          %get3A_298 = arith.constant 0 : index
          %get3A_299 = tpu.vector_load %arg7[%get3A_297, %get3A_298] {strides = array<i32>} : memref<321x144xf32, #tpu.memory_space<vmem>>, vector<16xf32>,
          %get3A_300 = arith.index_cast %add3A_296 : i32 to index
          %get3A_301 = arith.constant 0 : index
          %get3A_302 = tpu.vector_load %arg12[%get3A_300, %get3A_301] {strides = array<i32>} : memref<128x144xf32, #tpu.memory_space<vmem>>, vector<16xf32>,
          %max3A_303 = arith.maximumf %get3A_299, %get3A_302 : vector<16xf32>
          %swap3A_304 = arith.index_cast %reduce_max3A_292 : i32 to index
          %swap3A_305 = arith.constant 0 : index
          %swap3A_306 = tpu.vector_load %arg7[%swap3A_304, %swap3A_305] {strides = array<i32>} : memref<321x144xf32, #tpu.memory_space<vmem>>, vector<16xf32>,
          tpu.vector_store %arg7[%swap3A_304, %swap3A_305], %max3A_303 {strides = array<i32>} : memref<321x144xf32, #tpu.memory_space<vmem>>, vector<16xf32>,
          %get3A_307 = arith.index_cast %reduce_max3A_292 : i32 to index
          %get3A_308 = arith.constant 16 : index
          %get3A_309 = tpu.vector_load %arg7[%get3A_307, %get3A_308] {strides = array<i32>} : memref<321x144xf32, #tpu.memory_space<vmem>>, vector<16xf32>,
          %get3A_310 = arith.index_cast %add3A_296 : i32 to index
          %get3A_311 = arith.constant 16 : index
          %get3A_312 = tpu.vector_load %arg12[%get3A_310, %get3A_311] {strides = array<i32>} : memref<128x144xf32, #tpu.memory_space<vmem>>, vector<16xf32>,
          %max3A_313 = arith.maximumf %get3A_309, %get3A_312 : vector<16xf32>
          %swap3A_314 = arith.index_cast %reduce_max3A_292 : i32 to index
          %swap3A_315 = arith.constant 16 : index
          %swap3A_316 = tpu.vector_load %arg7[%swap3A_314, %swap3A_315] {strides = array<i32>} : memref<321x144xf32, #tpu.memory_space<vmem>>, vector<16xf32>,
          tpu.vector_store %arg7[%swap3A_314, %swap3A_315], %max3A_313 {strides = array<i32>} : memref<321x144xf32, #tpu.memory_space<vmem>>, vector<16xf32>,
          %get3A_317 = arith.index_cast %reduce_max3A_292 : i32 to index
          %get3A_318 = arith.constant 32 : index
          %get3A_319 = tpu.vector_load %arg7[%get3A_317, %get3A_318] {strides = array<i32>} : memref<321x144xf32, #tpu.memory_space<vmem>>, vector<16xf32>,
          %get3A_320 = arith.index_cast %add3A_296 : i32 to index
          %get3A_321 = arith.constant 32 : index
          %get3A_322 = tpu.vector_load %arg12[%get3A_320, %get3A_321] {strides = array<i32>} : memref<128x144xf32, #tpu.memory_space<vmem>>, vector<16xf32>,
          %max3A_323 = arith.maximumf %get3A_319, %get3A_322 : vector<16xf32>
          %swap3A_324 = arith.index_cast %reduce_max3A_292 : i32 to index
          %swap3A_325 = arith.constant 32 : index
          %swap3A_326 = tpu.vector_load %arg7[%swap3A_324, %swap3A_325] {strides = array<i32>} : memref<321x144xf32, #tpu.memory_space<vmem>>, vector<16xf32>,
          tpu.vector_store %arg7[%swap3A_324, %swap3A_325], %max3A_323 {strides = array<i32>} : memref<321x144xf32, #tpu.memory_space<vmem>>, vector<16xf32>,
          %get3A_327 = arith.index_cast %reduce_max3A_292 : i32 to index
          %get3A_328 = arith.constant 48 : index
          %get3A_329 = tpu.vector_load %arg7[%get3A_327, %get3A_328] {strides = array<i32>} : memref<321x144xf32, #tpu.memory_space<vmem>>, vector<16xf32>,
          %get3A_330 = arith.index_cast %add3A_296 : i32 to index
          %get3A_331 = arith.constant 48 : index
          %get3A_332 = tpu.vector_load %arg12[%get3A_330, %get3A_331] {strides = array<i32>} : memref<128x144xf32, #tpu.memory_space<vmem>>, vector<16xf32>,
          %max3A_333 = arith.maximumf %get3A_329, %get3A_332 : vector<16xf32>
          %swap3A_334 = arith.index_cast %reduce_max3A_292 : i32 to index
          %swap3A_335 = arith.constant 48 : index
          %swap3A_336 = tpu.vector_load %arg7[%swap3A_334, %swap3A_335] {strides = array<i32>} : memref<321x144xf32, #tpu.memory_space<vmem>>, vector<16xf32>,
          tpu.vector_store %arg7[%swap3A_334, %swap3A_335], %max3A_333 {strides = array<i32>} : memref<321x144xf32, #tpu.memory_space<vmem>>, vector<16xf32>,
          %get3A_337 = arith.index_cast %reduce_max3A_292 : i32 to index
          %get3A_338 = arith.constant 64 : index
          %get3A_339 = tpu.vector_load %arg7[%get3A_337, %get3A_338] {strides = array<i32>} : memref<321x144xf32, #tpu.memory_space<vmem>>, vector<16xf32>,
          %get3A_340 = arith.index_cast %add3A_296 : i32 to index
          %get3A_341 = arith.constant 64 : index
          %get3A_342 = tpu.vector_load %arg12[%get3A_340, %get3A_341] {strides = array<i32>} : memref<128x144xf32, #tpu.memory_space<vmem>>, vector<16xf32>,
          %max3A_343 = arith.maximumf %get3A_339, %get3A_342 : vector<16xf32>
          %swap3A_344 = arith.index_cast %reduce_max3A_292 : i32 to index
          %swap3A_345 = arith.constant 64 : index
          %swap3A_346 = tpu.vector_load %arg7[%swap3A_344, %swap3A_345] {strides = array<i32>} : memref<321x144xf32, #tpu.memory_space<vmem>>, vector<16xf32>,
          tpu.vector_store %arg7[%swap3A_344, %swap3A_345], %max3A_343 {strides = array<i32>} : memref<321x144xf32, #tpu.memory_space<vmem>>, vector<16xf32>,
          %get3A_347 = arith.index_cast %reduce_max3A_292 : i32 to index
          %get3A_348 = arith.constant 80 : index
          %get3A_349 = tpu.vector_load %arg7[%get3A_347, %get3A_348] {strides = array<i32>} : memref<321x144xf32, #tpu.memory_space<vmem>>, vector<16xf32>,
          %get3A_350 = arith.index_cast %add3A_296 : i32 to index
          %get3A_351 = arith.constant 80 : index
          %get3A_352 = tpu.vector_load %arg12[%get3A_350, %get3A_351] {strides = array<i32>} : memref<128x144xf32, #tpu.memory_space<vmem>>, vector<16xf32>,
          %max3A_353 = arith.maximumf %get3A_349, %get3A_352 : vector<16xf32>
          %swap3A_354 = arith.index_cast %reduce_max3A_292 : i32 to index
          %swap3A_355 = arith.constant 80 : index
          %swap3A_356 = tpu.vector_load %arg7[%swap3A_354, %swap3A_355] {strides = array<i32>} : memref<321x144xf32, #tpu.memory_space<vmem>>, vector<16xf32>,
          tpu.vector_store %arg7[%swap3A_354, %swap3A_355], %max3A_353 {strides = array<i32>} : memref<321x144xf32, #tpu.memory_space<vmem>>, vector<16xf32>,
          %get3A_357 = arith.index_cast %reduce_max3A_292 : i32 to index
          %get3A_358 = arith.constant 96 : index
          %get3A_359 = tpu.vector_load %arg7[%get3A_357, %get3A_358] {strides = array<i32>} : memref<321x144xf32, #tpu.memory_space<vmem>>, vector<16xf32>,
          %get3A_360 = arith.index_cast %add3A_296 : i32 to index
          %get3A_361 = arith.constant 96 : index
          %get3A_362 = tpu.vector_load %arg12[%get3A_360, %get3A_361] {strides = array<i32>} : memref<128x144xf32, #tpu.memory_space<vmem>>, vector<16xf32>,
          %max3A_363 = arith.maximumf %get3A_359, %get3A_362 : vector<16xf32>
          %swap3A_364 = arith.index_cast %reduce_max3A_292 : i32 to index
          %swap3A_365 = arith.constant 96 : index
          %swap3A_366 = tpu.vector_load %arg7[%swap3A_364, %swap3A_365] {strides = array<i32>} : memref<321x144xf32, #tpu.memory_space<vmem>>, vector<16xf32>,
          tpu.vector_store %arg7[%swap3A_364, %swap3A_365], %max3A_363 {strides = array<i32>} : memref<321x144xf32, #tpu.memory_space<vmem>>, vector<16xf32>,
          %get3A_367 = arith.index_cast %reduce_max3A_292 : i32 to index
          %get3A_368 = arith.constant 112 : index
          %get3A_369 = tpu.vector_load %arg7[%get3A_367, %get3A_368] {strides = array<i32>} : memref<321x144xf32, #tpu.memory_space<vmem>>, vector<16xf32>,
          %get3A_370 = arith.index_cast %add3A_296 : i32 to index
          %get3A_371 = arith.constant 112 : index
          %get3A_372 = tpu.vector_load %arg12[%get3A_370, %get3A_371] {strides = array<i32>} : memref<128x144xf32, #tpu.memory_space<vmem>>, vector<16xf32>,
          %max3A_373 = arith.maximumf %get3A_369, %get3A_372 : vector<16xf32>
          %swap3A_374 = arith.index_cast %reduce_max3A_292 : i32 to index
          %swap3A_375 = arith.constant 112 : index
          %swap3A_376 = tpu.vector_load %arg7[%swap3A_374, %swap3A_375] {strides = array<i32>} : memref<321x144xf32, #tpu.memory_space<vmem>>, vector<16xf32>,
          tpu.vector_store %arg7[%swap3A_374, %swap3A_375], %max3A_373 {strides = array<i32>} : memref<321x144xf32, #tpu.memory_space<vmem>>, vector<16xf32>,
          %get3A_377 = arith.index_cast %reduce_max3A_292 : i32 to index
          %get3A_378 = arith.constant 128 : index
          %get3A_379 = tpu.vector_load %arg7[%get3A_377, %get3A_378] {strides = array<i32>} : memref<321x144xf32, #tpu.memory_space<vmem>>, vector<16xf32>,
          %get3A_380 = arith.index_cast %add3A_296 : i32 to index
          %get3A_381 = arith.constant 128 : index
          %get3A_382 = tpu.vector_load %arg12[%get3A_380, %get3A_381] {strides = array<i32>} : memref<128x144xf32, #tpu.memory_space<vmem>>, vector<16xf32>,
          %max3A_383 = arith.maximumf %get3A_379, %get3A_382 : vector<16xf32>
          %swap3A_384 = arith.index_cast %reduce_max3A_292 : i32 to index
          %swap3A_385 = arith.constant 128 : index
          %swap3A_386 = tpu.vector_load %arg7[%swap3A_384, %swap3A_385] {strides = array<i32>} : memref<321x144xf32, #tpu.memory_space<vmem>>, vector<16xf32>,
          tpu.vector_store %arg7[%swap3A_384, %swap3A_385], %max3A_383 {strides = array<i32>} : memref<321x144xf32, #tpu.memory_space<vmem>>, vector<16xf32>,
          %eq3A_387 = arith.constant 2 : i32
          %eq3A_388 = vector.broadcast %eq3A_387 : i32 to vector<16xi32>
          %eq3A_389 = arith.cmpi eq, %iota3A, %eq3A_388 : vector<16xi32>
          %jit3A_390 = arith.constant 0 : i32
          %broadcast_in_dim3A_391 = vector.broadcast %jit3A_390 : i32 to vector<16xi32>
          %select_n3A_392 = arith.select %eq3A_389, %get3A_174, %broadcast_in_dim3A_391 : vector<16xi1>, vector<16xi32>
          %reduce_max3A_393 = arith.constant true
          %reduce_max3A_394 = vector.broadcast %reduce_max3A_393 : i1 to vector<16xi1>
          %reduce_max3A_395 = arith.constant -2147483648 : i32
          %reduce_max3A_396 = vector.broadcast %reduce_max3A_395 : i32 to vector<16xi32>
          %reduce_max3A_397 = arith.xori %select_n3A_392, %reduce_max3A_396 : vector<16xi32>
          %reduce_max3A_398 = tpu.scan <max>, %reduce_max3A_397 masked %reduce_max3A_394 : vector<16xi32>, vector<16xi1> -> vector<16xi32>
          %reduce_max3A_399 = arith.xori %reduce_max3A_398, %reduce_max3A_396 : vector<16xi32>
          %reduce_max3A_400 = vector.extract %reduce_max3A_399[15] : i32 from vector<16xi32>
          %mul3A_401 = arith.constant 16 : i32
          %mul3A_402 = arith.muli %scan3A_168, %mul3A_401 : i32
          %add3A_403 = arith.constant 2 : i32
          %add3A_404 = arith.addi %mul3A_402, %add3A_403 : i32
          %get3A_405 = arith.index_cast %reduce_max3A_400 : i32 to index
          %get3A_406 = arith.constant 0 : index
          %get3A_407 = tpu.vector_load %arg7[%get3A_405, %get3A_406] {strides = array<i32>} : memref<321x144xf32, #tpu.memory_space<vmem>>, vector<16xf32>,
          %get3A_408 = arith.index_cast %add3A_404 : i32 to index
          %get3A_409 = arith.constant 0 : index
          %get3A_410 = tpu.vector_load %arg12[%get3A_408, %get3A_409] {strides = array<i32>} : memref<128x144xf32, #tpu.memory_space<vmem>>, vector<16xf32>,
          %max3A_411 = arith.maximumf %get3A_407, %get3A_410 : vector<16xf32>
          %swap3A_412 = arith.index_cast %reduce_max3A_400 : i32 to index
          %swap3A_413 = arith.constant 0 : index
          %swap3A_414 = tpu.vector_load %arg7[%swap3A_412, %swap3A_413] {strides = array<i32>} : memref<321x144xf32, #tpu.memory_space<vmem>>, vector<16xf32>,
          tpu.vector_store %arg7[%swap3A_412, %swap3A_413], %max3A_411 {strides = array<i32>} : memref<321x144xf32, #tpu.memory_space<vmem>>, vector<16xf32>,
          %get3A_415 = arith.index_cast %reduce_max3A_400 : i32 to index
          %get3A_416 = arith.constant 16 : index
          %get3A_417 = tpu.vector_load %arg7[%get3A_415, %get3A_416] {strides = array<i32>} : memref<321x144xf32, #tpu.memory_space<vmem>>, vector<16xf32>,
          %get3A_418 = arith.index_cast %add3A_404 : i32 to index
          %get3A_419 = arith.constant 16 : index
          %get3A_420 = tpu.vector_load %arg12[%get3A_418, %get3A_419] {strides = array<i32>} : memref<128x144xf32, #tpu.memory_space<vmem>>, vector<16xf32>,
          %max3A_421 = arith.maximumf %get3A_417, %get3A_420 : vector<16xf32>
          %swap3A_422 = arith.index_cast %reduce_max3A_400 : i32 to index
          %swap3A_423 = arith.constant 16 : index
          %swap3A_424 = tpu.vector_load %arg7[%swap3A_422, %swap3A_423] {strides = array<i32>} : memref<321x144xf32, #tpu.memory_space<vmem>>, vector<16xf32>,
          tpu.vector_store %arg7[%swap3A_422, %swap3A_423], %max3A_421 {strides = array<i32>} : memref<321x144xf32, #tpu.memory_space<vmem>>, vector<16xf32>,
          %get3A_425 = arith.index_cast %reduce_max3A_400 : i32 to index
          %get3A_426 = arith.constant 32 : index
          %get3A_427 = tpu.vector_load %arg7[%get3A_425, %get3A_426] {strides = array<i32>} : memref<321x144xf32, #tpu.memory_space<vmem>>, vector<16xf32>,
          %get3A_428 = arith.index_cast %add3A_404 : i32 to index
          %get3A_429 = arith.constant 32 : index
          %get3A_430 = tpu.vector_load %arg12[%get3A_428, %get3A_429] {strides = array<i32>} : memref<128x144xf32, #tpu.memory_space<vmem>>, vector<16xf32>,
          %max3A_431 = arith.maximumf %get3A_427, %get3A_430 : vector<16xf32>
          %swap3A_432 = arith.index_cast %reduce_max3A_400 : i32 to index
          %swap3A_433 = arith.constant 32 : index
          %swap3A_434 = tpu.vector_load %arg7[%swap3A_432, %swap3A_433] {strides = array<i32>} : memref<321x144xf32, #tpu.memory_space<vmem>>, vector<16xf32>,
          tpu.vector_store %arg7[%swap3A_432, %swap3A_433], %max3A_431 {strides = array<i32>} : memref<321x144xf32, #tpu.memory_space<vmem>>, vector<16xf32>,
          %get3A_435 = arith.index_cast %reduce_max3A_400 : i32 to index
          %get3A_436 = arith.constant 48 : index
          %get3A_437 = tpu.vector_load %arg7[%get3A_435, %get3A_436] {strides = array<i32>} : memref<321x144xf32, #tpu.memory_space<vmem>>, vector<16xf32>,
          %get3A_438 = arith.index_cast %add3A_404 : i32 to index
          %get3A_439 = arith.constant 48 : index
          %get3A_440 = tpu.vector_load %arg12[%get3A_438, %get3A_439] {strides = array<i32>} : memref<128x144xf32, #tpu.memory_space<vmem>>, vector<16xf32>,
          %max3A_441 = arith.maximumf %get3A_437, %get3A_440 : vector<16xf32>
          %swap3A_442 = arith.index_cast %reduce_max3A_400 : i32 to index
          %swap3A_443 = arith.constant 48 : index
          %swap3A_444 = tpu.vector_load %arg7[%swap3A_442, %swap3A_443] {strides = array<i32>} : memref<321x144xf32, #tpu.memory_space<vmem>>, vector<16xf32>,
          tpu.vector_store %arg7[%swap3A_442, %swap3A_443], %max3A_441 {strides = array<i32>} : memref<321x144xf32, #tpu.memory_space<vmem>>, vector<16xf32>,
          %get3A_445 = arith.index_cast %reduce_max3A_400 : i32 to index
          %get3A_446 = arith.constant 64 : index
          %get3A_447 = tpu.vector_load %arg7[%get3A_445, %get3A_446] {strides = array<i32>} : memref<321x144xf32, #tpu.memory_space<vmem>>, vector<16xf32>,
          %get3A_448 = arith.index_cast %add3A_404 : i32 to index
          %get3A_449 = arith.constant 64 : index
          %get3A_450 = tpu.vector_load %arg12[%get3A_448, %get3A_449] {strides = array<i32>} : memref<128x144xf32, #tpu.memory_space<vmem>>, vector<16xf32>,
          %max3A_451 = arith.maximumf %get3A_447, %get3A_450 : vector<16xf32>
          %swap3A_452 = arith.index_cast %reduce_max3A_400 : i32 to index
          %swap3A_453 = arith.constant 64 : index
          %swap3A_454 = tpu.vector_load %arg7[%swap3A_452, %swap3A_453] {strides = array<i32>} : memref<321x144xf32, #tpu.memory_space<vmem>>, vector<16xf32>,
          tpu.vector_store %arg7[%swap3A_452, %swap3A_453], %max3A_451 {strides = array<i32>} : memref<321x144xf32, #tpu.memory_space<vmem>>, vector<16xf32>,
          %get3A_455 = arith.index_cast %reduce_max3A_400 : i32 to index
          %get3A_456 = arith.constant 80 : index
          %get3A_457 = tpu.vector_load %arg7[%get3A_455, %get3A_456] {strides = array<i32>} : memref<321x144xf32, #tpu.memory_space<vmem>>, vector<16xf32>,
          %get3A_458 = arith.index_cast %add3A_404 : i32 to index
          %get3A_459 = arith.constant 80 : index
          %get3A_460 = tpu.vector_load %arg12[%get3A_458, %get3A_459] {strides = array<i32>} : memref<128x144xf32, #tpu.memory_space<vmem>>, vector<16xf32>,
          %max3A_461 = arith.maximumf %get3A_457, %get3A_460 : vector<16xf32>
          %swap3A_462 = arith.index_cast %reduce_max3A_400 : i32 to index
          %swap3A_463 = arith.constant 80 : index
          %swap3A_464 = tpu.vector_load %arg7[%swap3A_462, %swap3A_463] {strides = array<i32>} : memref<321x144xf32, #tpu.memory_space<vmem>>, vector<16xf32>,
          tpu.vector_store %arg7[%swap3A_462, %swap3A_463], %max3A_461 {strides = array<i32>} : memref<321x144xf32, #tpu.memory_space<vmem>>, vector<16xf32>,
          %get3A_465 = arith.index_cast %reduce_max3A_400 : i32 to index
          %get3A_466 = arith.constant 96 : index
          %get3A_467 = tpu.vector_load %arg7[%get3A_465, %get3A_466] {strides = array<i32>} : memref<321x144xf32, #tpu.memory_space<vmem>>, vector<16xf32>,
          %get3A_468 = arith.index_cast %add3A_404 : i32 to index
          %get3A_469 = arith.constant 96 : index
          %get3A_470 = tpu.vector_load %arg12[%get3A_468, %get3A_469] {strides = array<i32>} : memref<128x144xf32, #tpu.memory_space<vmem>>, vector<16xf32>,
          %max3A_471 = arith.maximumf %get3A_467, %get3A_470 : vector<16xf32>
          %swap3A_472 = arith.index_cast %reduce_max3A_400 : i32 to index
          %swap3A_473 = arith.constant 96 : index
          %swap3A_474 = tpu.vector_load %arg7[%swap3A_472, %swap3A_473] {strides = array<i32>} : memref<321x144xf32, #tpu.memory_space<vmem>>, vector<16xf32>,
          tpu.vector_store %arg7[%swap3A_472, %swap3A_473], %max3A_471 {strides = array<i32>} : memref<321x144xf32, #tpu.memory_space<vmem>>, vector<16xf32>,
          %get3A_475 = arith.index_cast %reduce_max3A_400 : i32 to index
          %get3A_476 = arith.constant 112 : index
          %get3A_477 = tpu.vector_load %arg7[%get3A_475, %get3A_476] {strides = array<i32>} : memref<321x144xf32, #tpu.memory_space<vmem>>, vector<16xf32>,
          %get3A_478 = arith.index_cast %add3A_404 : i32 to index
          %get3A_479 = arith.constant 112 : index
          %get3A_480 = tpu.vector_load %arg12[%get3A_478, %get3A_479] {strides = array<i32>} : memref<128x144xf32, #tpu.memory_space<vmem>>, vector<16xf32>,
          %max3A_481 = arith.maximumf %get3A_477, %get3A_480 : vector<16xf32>
          %swap3A_482 = arith.index_cast %reduce_max3A_400 : i32 to index
          %swap3A_483 = arith.constant 112 : index
          %swap3A_484 = tpu.vector_load %arg7[%swap3A_482, %swap3A_483] {strides = array<i32>} : memref<321x144xf32, #tpu.memory_space<vmem>>, vector<16xf32>,
          tpu.vector_store %arg7[%swap3A_482, %swap3A_483], %max3A_481 {strides = array<i32>} : memref<321x144xf32, #tpu.memory_space<vmem>>, vector<16xf32>,
          %get3A_485 = arith.index_cast %reduce_max3A_400 : i32 to index
          %get3A_486 = arith.constant 128 : index
          %get3A_487 = tpu.vector_load %arg7[%get3A_485, %get3A_486] {strides = array<i32>} : memref<321x144xf32, #tpu.memory_space<vmem>>, vector<16xf32>,
          %get3A_488 = arith.index_cast %add3A_404 : i32 to index
          %get3A_489 = arith.constant 128 : index
          %get3A_490 = tpu.vector_load %arg12[%get3A_488, %get3A_489] {strides = array<i32>} : memref<128x144xf32, #tpu.memory_space<vmem>>, vector<16xf32>,
          %max3A_491 = arith.maximumf %get3A_487, %get3A_490 : vector<16xf32>
          %swap3A_492 = arith.index_cast %reduce_max3A_400 : i32 to index
          %swap3A_493 = arith.constant 128 : index
          %swap3A_494 = tpu.vector_load %arg7[%swap3A_492, %swap3A_493] {strides = array<i32>} : memref<321x144xf32, #tpu.memory_space<vmem>>, vector<16xf32>,
          tpu.vector_store %arg7[%swap3A_492, %swap3A_493], %max3A_491 {strides = array<i32>} : memref<321x144xf32, #tpu.memory_space<vmem>>, vector<16xf32>,
          %eq3A_495 = arith.constant 3 : i32
          %eq3A_496 = vector.broadcast %eq3A_495 : i32 to vector<16xi32>
          %eq3A_497 = arith.cmpi eq, %iota3A, %eq3A_496 : vector<16xi32>
          %jit3A_498 = arith.constant 0 : i32
          %broadcast_in_dim3A_499 = vector.broadcast %jit3A_498 : i32 to vector<16xi32>
          %select_n3A_500 = arith.select %eq3A_497, %get3A_174, %broadcast_in_dim3A_499 : vector<16xi1>, vector<16xi32>
          %reduce_max3A_501 = arith.constant true
          %reduce_max3A_502 = vector.broadcast %reduce_max3A_501 : i1 to vector<16xi1>
          %reduce_max3A_503 = arith.constant -2147483648 : i32
          %reduce_max3A_504 = vector.broadcast %reduce_max3A_503 : i32 to vector<16xi32>
          %reduce_max3A_505 = arith.xori %select_n3A_500, %reduce_max3A_504 : vector<16xi32>
          %reduce_max3A_506 = tpu.scan <max>, %reduce_max3A_505 masked %reduce_max3A_502 : vector<16xi32>, vector<16xi1> -> vector<16xi32>
          %reduce_max3A_507 = arith.xori %reduce_max3A_506, %reduce_max3A_504 : vector<16xi32>
          %reduce_max3A_508 = vector.extract %reduce_max3A_507[15] : i32 from vector<16xi32>
          %mul3A_509 = arith.constant 16 : i32
          %mul3A_510 = arith.muli %scan3A_168, %mul3A_509 : i32
          %add3A_511 = arith.constant 3 : i32
          %add3A_512 = arith.addi %mul3A_510, %add3A_511 : i32
          %get3A_513 = arith.index_cast %reduce_max3A_508 : i32 to index
          %get3A_514 = arith.constant 0 : index
          %get3A_515 = tpu.vector_load %arg7[%get3A_513, %get3A_514] {strides = array<i32>} : memref<321x144xf32, #tpu.memory_space<vmem>>, vector<16xf32>,
          %get3A_516 = arith.index_cast %add3A_512 : i32 to index
          %get3A_517 = arith.constant 0 : index
          %get3A_518 = tpu.vector_load %arg12[%get3A_516, %get3A_517] {strides = array<i32>} : memref<128x144xf32, #tpu.memory_space<vmem>>, vector<16xf32>,
          %max3A_519 = arith.maximumf %get3A_515, %get3A_518 : vector<16xf32>
          %swap3A_520 = arith.index_cast %reduce_max3A_508 : i32 to index
          %swap3A_521 = arith.constant 0 : index
          %swap3A_522 = tpu.vector_load %arg7[%swap3A_520, %swap3A_521] {strides = array<i32>} : memref<321x144xf32, #tpu.memory_space<vmem>>, vector<16xf32>,
          tpu.vector_store %arg7[%swap3A_520, %swap3A_521], %max3A_519 {strides = array<i32>} : memref<321x144xf32, #tpu.memory_space<vmem>>, vector<16xf32>,
          %get3A_523 = arith.index_cast %reduce_max3A_508 : i32 to index
          %get3A_524 = arith.constant 16 : index
          %get3A_525 = tpu.vector_load %arg7[%get3A_523, %get3A_524] {strides = array<i32>} : memref<321x144xf32, #tpu.memory_space<vmem>>, vector<16xf32>,
          %get3A_526 = arith.index_cast %add3A_512 : i32 to index
          %get3A_527 = arith.constant 16 : index
          %get3A_528 = tpu.vector_load %arg12[%get3A_526, %get3A_527] {strides = array<i32>} : memref<128x144xf32, #tpu.memory_space<vmem>>, vector<16xf32>,
          %max3A_529 = arith.maximumf %get3A_525, %get3A_528 : vector<16xf32>
          %swap3A_530 = arith.index_cast %reduce_max3A_508 : i32 to index
          %swap3A_531 = arith.constant 16 : index
          %swap3A_532 = tpu.vector_load %arg7[%swap3A_530, %swap3A_531] {strides = array<i32>} : memref<321x144xf32, #tpu.memory_space<vmem>>, vector<16xf32>,
          tpu.vector_store %arg7[%swap3A_530, %swap3A_531], %max3A_529 {strides = array<i32>} : memref<321x144xf32, #tpu.memory_space<vmem>>, vector<16xf32>,
          %get3A_533 = arith.index_cast %reduce_max3A_508 : i32 to index
          %get3A_534 = arith.constant 32 : index
          %get3A_535 = tpu.vector_load %arg7[%get3A_533, %get3A_534] {strides = array<i32>} : memref<321x144xf32, #tpu.memory_space<vmem>>, vector<16xf32>,
          %get3A_536 = arith.index_cast %add3A_512 : i32 to index
          %get3A_537 = arith.constant 32 : index
          %get3A_538 = tpu.vector_load %arg12[%get3A_536, %get3A_537] {strides = array<i32>} : memref<128x144xf32, #tpu.memory_space<vmem>>, vector<16xf32>,
          %max3A_539 = arith.maximumf %get3A_535, %get3A_538 : vector<16xf32>
          %swap3A_540 = arith.index_cast %reduce_max3A_508 : i32 to index
          %swap3A_541 = arith.constant 32 : index
          %swap3A_542 = tpu.vector_load %arg7[%swap3A_540, %swap3A_541] {strides = array<i32>} : memref<321x144xf32, #tpu.memory_space<vmem>>, vector<16xf32>,
          tpu.vector_store %arg7[%swap3A_540, %swap3A_541], %max3A_539 {strides = array<i32>} : memref<321x144xf32, #tpu.memory_space<vmem>>, vector<16xf32>,
          %get3A_543 = arith.index_cast %reduce_max3A_508 : i32 to index
          %get3A_544 = arith.constant 48 : index
          %get3A_545 = tpu.vector_load %arg7[%get3A_543, %get3A_544] {strides = array<i32>} : memref<321x144xf32, #tpu.memory_space<vmem>>, vector<16xf32>,
          %get3A_546 = arith.index_cast %add3A_512 : i32 to index
          %get3A_547 = arith.constant 48 : index
          %get3A_548 = tpu.vector_load %arg12[%get3A_546, %get3A_547] {strides = array<i32>} : memref<128x144xf32, #tpu.memory_space<vmem>>, vector<16xf32>,
          %max3A_549 = arith.maximumf %get3A_545, %get3A_548 : vector<16xf32>
          %swap3A_550 = arith.index_cast %reduce_max3A_508 : i32 to index
          %swap3A_551 = arith.constant 48 : index
          %swap3A_552 = tpu.vector_load %arg7[%swap3A_550, %swap3A_551] {strides = array<i32>} : memref<321x144xf32, #tpu.memory_space<vmem>>, vector<16xf32>,
          tpu.vector_store %arg7[%swap3A_550, %swap3A_551], %max3A_549 {strides = array<i32>} : memref<321x144xf32, #tpu.memory_space<vmem>>, vector<16xf32>,
          %get3A_553 = arith.index_cast %reduce_max3A_508 : i32 to index
          %get3A_554 = arith.constant 64 : index
          %get3A_555 = tpu.vector_load %arg7[%get3A_553, %get3A_554] {strides = array<i32>} : memref<321x144xf32, #tpu.memory_space<vmem>>, vector<16xf32>,
          %get3A_556 = arith.index_cast %add3A_512 : i32 to index
          %get3A_557 = arith.constant 64 : index
          %get3A_558 = tpu.vector_load %arg12[%get3A_556, %get3A_557] {strides = array<i32>} : memref<128x144xf32, #tpu.memory_space<vmem>>, vector<16xf32>,
          %max3A_559 = arith.maximumf %get3A_555, %get3A_558 : vector<16xf32>
          %swap3A_560 = arith.index_cast %reduce_max3A_508 : i32 to index
          %swap3A_561 = arith.constant 64 : index
          %swap3A_562 = tpu.vector_load %arg7[%swap3A_560, %swap3A_561] {strides = array<i32>} : memref<321x144xf32, #tpu.memory_space<vmem>>, vector<16xf32>,
          tpu.vector_store %arg7[%swap3A_560, %swap3A_561], %max3A_559 {strides = array<i32>} : memref<321x144xf32, #tpu.memory_space<vmem>>, vector<16xf32>,
          %get3A_563 = arith.index_cast %reduce_max3A_508 : i32 to index
          %get3A_564 = arith.constant 80 : index
          %get3A_565 = tpu.vector_load %arg7[%get3A_563, %get3A_564] {strides = array<i32>} : memref<321x144xf32, #tpu.memory_space<vmem>>, vector<16xf32>,
          %get3A_566 = arith.index_cast %add3A_512 : i32 to index
          %get3A_567 = arith.constant 80 : index
          %get3A_568 = tpu.vector_load %arg12[%get3A_566, %get3A_567] {strides = array<i32>} : memref<128x144xf32, #tpu.memory_space<vmem>>, vector<16xf32>,
          %max3A_569 = arith.maximumf %get3A_565, %get3A_568 : vector<16xf32>
          %swap3A_570 = arith.index_cast %reduce_max3A_508 : i32 to index
          %swap3A_571 = arith.constant 80 : index
          %swap3A_572 = tpu.vector_load %arg7[%swap3A_570, %swap3A_571] {strides = array<i32>} : memref<321x144xf32, #tpu.memory_space<vmem>>, vector<16xf32>,
          tpu.vector_store %arg7[%swap3A_570, %swap3A_571], %max3A_569 {strides = array<i32>} : memref<321x144xf32, #tpu.memory_space<vmem>>, vector<16xf32>,
          %get3A_573 = arith.index_cast %reduce_max3A_508 : i32 to index
          %get3A_574 = arith.constant 96 : index
          %get3A_575 = tpu.vector_load %arg7[%get3A_573, %get3A_574] {strides = array<i32>} : memref<321x144xf32, #tpu.memory_space<vmem>>, vector<16xf32>,
          %get3A_576 = arith.index_cast %add3A_512 : i32 to index
          %get3A_577 = arith.constant 96 : index
          %get3A_578 = tpu.vector_load %arg12[%get3A_576, %get3A_577] {strides = array<i32>} : memref<128x144xf32, #tpu.memory_space<vmem>>, vector<16xf32>,
          %max3A_579 = arith.maximumf %get3A_575, %get3A_578 : vector<16xf32>
          %swap3A_580 = arith.index_cast %reduce_max3A_508 : i32 to index
          %swap3A_581 = arith.constant 96 : index
          %swap3A_582 = tpu.vector_load %arg7[%swap3A_580, %swap3A_581] {strides = array<i32>} : memref<321x144xf32, #tpu.memory_space<vmem>>, vector<16xf32>,
          tpu.vector_store %arg7[%swap3A_580, %swap3A_581], %max3A_579 {strides = array<i32>} : memref<321x144xf32, #tpu.memory_space<vmem>>, vector<16xf32>,
          %get3A_583 = arith.index_cast %reduce_max3A_508 : i32 to index
          %get3A_584 = arith.constant 112 : index
          %get3A_585 = tpu.vector_load %arg7[%get3A_583, %get3A_584] {strides = array<i32>} : memref<321x144xf32, #tpu.memory_space<vmem>>, vector<16xf32>,
          %get3A_586 = arith.index_cast %add3A_512 : i32 to index
          %get3A_587 = arith.constant 112 : index
          %get3A_588 = tpu.vector_load %arg12[%get3A_586, %get3A_587] {strides = array<i32>} : memref<128x144xf32, #tpu.memory_space<vmem>>, vector<16xf32>,
          %max3A_589 = arith.maximumf %get3A_585, %get3A_588 : vector<16xf32>
          %swap3A_590 = arith.index_cast %reduce_max3A_508 : i32 to index
          %swap3A_591 = arith.constant 112 : index
          %swap3A_592 = tpu.vector_load %arg7[%swap3A_590, %swap3A_591] {strides = array<i32>} : memref<321x144xf32, #tpu.memory_space<vmem>>, vector<16xf32>,
          tpu.vector_store %arg7[%swap3A_590, %swap3A_591], %max3A_589 {strides = array<i32>} : memref<321x144xf32, #tpu.memory_space<vmem>>, vector<16xf32>,
          %get3A_593 = arith.index_cast %reduce_max3A_508 : i32 to index
          %get3A_594 = arith.constant 128 : index
          %get3A_595 = tpu.vector_load %arg7[%get3A_593, %get3A_594] {strides = array<i32>} : memref<321x144xf32, #tpu.memory_space<vmem>>, vector<16xf32>,
          %get3A_596 = arith.index_cast %add3A_512 : i32 to index
          %get3A_597 = arith.constant 128 : index
          %get3A_598 = tpu.vector_load %arg12[%get3A_596, %get3A_597] {strides = array<i32>} : memref<128x144xf32, #tpu.memory_space<vmem>>, vector<16xf32>,
          %max3A_599 = arith.maximumf %get3A_595, %get3A_598 : vector<16xf32>
          %swap3A_600 = arith.index_cast %reduce_max3A_508 : i32 to index
          %swap3A_601 = arith.constant 128 : index
          %swap3A_602 = tpu.vector_load %arg7[%swap3A_600, %swap3A_601] {strides = array<i32>} : memref<321x144xf32, #tpu.memory_space<vmem>>, vector<16xf32>,
          tpu.vector_store %arg7[%swap3A_600, %swap3A_601], %max3A_599 {strides = array<i32>} : memref<321x144xf32, #tpu.memory_space<vmem>>, vector<16xf32>,
          %eq3A_603 = arith.constant 4 : i32
          %eq3A_604 = vector.broadcast %eq3A_603 : i32 to vector<16xi32>
          %eq3A_605 = arith.cmpi eq, %iota3A, %eq3A_604 : vector<16xi32>
          %jit3A_606 = arith.constant 0 : i32
          %broadcast_in_dim3A_607 = vector.broadcast %jit3A_606 : i32 to vector<16xi32>
          %select_n3A_608 = arith.select %eq3A_605, %get3A_174, %broadcast_in_dim3A_607 : vector<16xi1>, vector<16xi32>
          %reduce_max3A_609 = arith.constant true
          %reduce_max3A_610 = vector.broadcast %reduce_max3A_609 : i1 to vector<16xi1>
          %reduce_max3A_611 = arith.constant -2147483648 : i32
          %reduce_max3A_612 = vector.broadcast %reduce_max3A_611 : i32 to vector<16xi32>
          %reduce_max3A_613 = arith.xori %select_n3A_608, %reduce_max3A_612 : vector<16xi32>
          %reduce_max3A_614 = tpu.scan <max>, %reduce_max3A_613 masked %reduce_max3A_610 : vector<16xi32>, vector<16xi1> -> vector<16xi32>
          %reduce_max3A_615 = arith.xori %reduce_max3A_614, %reduce_max3A_612 : vector<16xi32>
          %reduce_max3A_616 = vector.extract %reduce_max3A_615[15] : i32 from vector<16xi32>
          %mul3A_617 = arith.constant 16 : i32
          %mul3A_618 = arith.muli %scan3A_168, %mul3A_617 : i32
          %add3A_619 = arith.constant 4 : i32
          %add3A_620 = arith.addi %mul3A_618, %add3A_619 : i32
          %get3A_621 = arith.index_cast %reduce_max3A_616 : i32 to index
          %get3A_622 = arith.constant 0 : index
          %get3A_623 = tpu.vector_load %arg7[%get3A_621, %get3A_622] {strides = array<i32>} : memref<321x144xf32, #tpu.memory_space<vmem>>, vector<16xf32>,
          %get3A_624 = arith.index_cast %add3A_620 : i32 to index
          %get3A_625 = arith.constant 0 : index
          %get3A_626 = tpu.vector_load %arg12[%get3A_624, %get3A_625] {strides = array<i32>} : memref<128x144xf32, #tpu.memory_space<vmem>>, vector<16xf32>,
          %max3A_627 = arith.maximumf %get3A_623, %get3A_626 : vector<16xf32>
          %swap3A_628 = arith.index_cast %reduce_max3A_616 : i32 to index
          %swap3A_629 = arith.constant 0 : index
          %swap3A_630 = tpu.vector_load %arg7[%swap3A_628, %swap3A_629] {strides = array<i32>} : memref<321x144xf32, #tpu.memory_space<vmem>>, vector<16xf32>,
          tpu.vector_store %arg7[%swap3A_628, %swap3A_629], %max3A_627 {strides = array<i32>} : memref<321x144xf32, #tpu.memory_space<vmem>>, vector<16xf32>,
          %get3A_631 = arith.index_cast %reduce_max3A_616 : i32 to index
          %get3A_632 = arith.constant 16 : index
          %get3A_633 = tpu.vector_load %arg7[%get3A_631, %get3A_632] {strides = array<i32>} : memref<321x144xf32, #tpu.memory_space<vmem>>, vector<16xf32>,
          %get3A_634 = arith.index_cast %add3A_620 : i32 to index
          %get3A_635 = arith.constant 16 : index
          %get3A_636 = tpu.vector_load %arg12[%get3A_634, %get3A_635] {strides = array<i32>} : memref<128x144xf32, #tpu.memory_space<vmem>>, vector<16xf32>,
          %max3A_637 = arith.maximumf %get3A_633, %get3A_636 : vector<16xf32>
          %swap3A_638 = arith.index_cast %reduce_max3A_616 : i32 to index
          %swap3A_639 = arith.constant 16 : index
          %swap3A_640 = tpu.vector_load %arg7[%swap3A_638, %swap3A_639] {strides = array<i32>} : memref<321x144xf32, #tpu.memory_space<vmem>>, vector<16xf32>,
          tpu.vector_store %arg7[%swap3A_638, %swap3A_639], %max3A_637 {strides = array<i32>} : memref<321x144xf32, #tpu.memory_space<vmem>>, vector<16xf32>,
          %get3A_641 = arith.index_cast %reduce_max3A_616 : i32 to index
          %get3A_642 = arith.constant 32 : index
          %get3A_643 = tpu.vector_load %arg7[%get3A_641, %get3A_642] {strides = array<i32>} : memref<321x144xf32, #tpu.memory_space<vmem>>, vector<16xf32>,
          %get3A_644 = arith.index_cast %add3A_620 : i32 to index
          %get3A_645 = arith.constant 32 : index
          %get3A_646 = tpu.vector_load %arg12[%get3A_644, %get3A_645] {strides = array<i32>} : memref<128x144xf32, #tpu.memory_space<vmem>>, vector<16xf32>,
          %max3A_647 = arith.maximumf %get3A_643, %get3A_646 : vector<16xf32>
          %swap3A_648 = arith.index_cast %reduce_max3A_616 : i32 to index
          %swap3A_649 = arith.constant 32 : index
          %swap3A_650 = tpu.vector_load %arg7[%swap3A_648, %swap3A_649] {strides = array<i32>} : memref<321x144xf32, #tpu.memory_space<vmem>>, vector<16xf32>,
          tpu.vector_store %arg7[%swap3A_648, %swap3A_649], %max3A_647 {strides = array<i32>} : memref<321x144xf32, #tpu.memory_space<vmem>>, vector<16xf32>,
          %get3A_651 = arith.index_cast %reduce_max3A_616 : i32 to index
          %get3A_652 = arith.constant 48 : index
          %get3A_653 = tpu.vector_load %arg7[%get3A_651, %get3A_652] {strides = array<i32>} : memref<321x144xf32, #tpu.memory_space<vmem>>, vector<16xf32>,
          %get3A_654 = arith.index_cast %add3A_620 : i32 to index
          %get3A_655 = arith.constant 48 : index
          %get3A_656 = tpu.vector_load %arg12[%get3A_654, %get3A_655] {strides = array<i32>} : memref<128x144xf32, #tpu.memory_space<vmem>>, vector<16xf32>,
          %max3A_657 = arith.maximumf %get3A_653, %get3A_656 : vector<16xf32>
          %swap3A_658 = arith.index_cast %reduce_max3A_616 : i32 to index
          %swap3A_659 = arith.constant 48 : index
          %swap3A_660 = tpu.vector_load %arg7[%swap3A_658, %swap3A_659] {strides = array<i32>} : memref<321x144xf32, #tpu.memory_space<vmem>>, vector<16xf32>,
          tpu.vector_store %arg7[%swap3A_658, %swap3A_659], %max3A_657 {strides = array<i32>} : memref<321x144xf32, #tpu.memory_space<vmem>>, vector<16xf32>,
          %get3A_661 = arith.index_cast %reduce_max3A_616 : i32 to index
          %get3A_662 = arith.constant 64 : index
          %get3A_663 = tpu.vector_load %arg7[%get3A_661, %get3A_662] {strides = array<i32>} : memref<321x144xf32, #tpu.memory_space<vmem>>, vector<16xf32>,
          %get3A_664 = arith.index_cast %add3A_620 : i32 to index
          %get3A_665 = arith.constant 64 : index
          %get3A_666 = tpu.vector_load %arg12[%get3A_664, %get3A_665] {strides = array<i32>} : memref<128x144xf32, #tpu.memory_space<vmem>>, vector<16xf32>,
          %max3A_667 = arith.maximumf %get3A_663, %get3A_666 : vector<16xf32>
          %swap3A_668 = arith.index_cast %reduce_max3A_616 : i32 to index
          %swap3A_669 = arith.constant 64 : index
          %swap3A_670 = tpu.vector_load %arg7[%swap3A_668, %swap3A_669] {strides = array<i32>} : memref<321x144xf32, #tpu.memory_space<vmem>>, vector<16xf32>,
          tpu.vector_store %arg7[%swap3A_668, %swap3A_669], %max3A_667 {strides = array<i32>} : memref<321x144xf32, #tpu.memory_space<vmem>>, vector<16xf32>,
          %get3A_671 = arith.index_cast %reduce_max3A_616 : i32 to index
          %get3A_672 = arith.constant 80 : index
          %get3A_673 = tpu.vector_load %arg7[%get3A_671, %get3A_672] {strides = array<i32>} : memref<321x144xf32, #tpu.memory_space<vmem>>, vector<16xf32>,
          %get3A_674 = arith.index_cast %add3A_620 : i32 to index
          %get3A_675 = arith.constant 80 : index
          %get3A_676 = tpu.vector_load %arg12[%get3A_674, %get3A_675] {strides = array<i32>} : memref<128x144xf32, #tpu.memory_space<vmem>>, vector<16xf32>,
          %max3A_677 = arith.maximumf %get3A_673, %get3A_676 : vector<16xf32>
          %swap3A_678 = arith.index_cast %reduce_max3A_616 : i32 to index
          %swap3A_679 = arith.constant 80 : index
          %swap3A_680 = tpu.vector_load %arg7[%swap3A_678, %swap3A_679] {strides = array<i32>} : memref<321x144xf32, #tpu.memory_space<vmem>>, vector<16xf32>,
          tpu.vector_store %arg7[%swap3A_678, %swap3A_679], %max3A_677 {strides = array<i32>} : memref<321x144xf32, #tpu.memory_space<vmem>>, vector<16xf32>,
          %get3A_681 = arith.index_cast %reduce_max3A_616 : i32 to index
          %get3A_682 = arith.constant 96 : index
          %get3A_683 = tpu.vector_load %arg7[%get3A_681, %get3A_682] {strides = array<i32>} : memref<321x144xf32, #tpu.memory_space<vmem>>, vector<16xf32>,
          %get3A_684 = arith.index_cast %add3A_620 : i32 to index
          %get3A_685 = arith.constant 96 : index
          %get3A_686 = tpu.vector_load %arg12[%get3A_684, %get3A_685] {strides = array<i32>} : memref<128x144xf32, #tpu.memory_space<vmem>>, vector<16xf32>,
          %max3A_687 = arith.maximumf %get3A_683, %get3A_686 : vector<16xf32>
          %swap3A_688 = arith.index_cast %reduce_max3A_616 : i32 to index
          %swap3A_689 = arith.constant 96 : index
          %swap3A_690 = tpu.vector_load %arg7[%swap3A_688, %swap3A_689] {strides = array<i32>} : memref<321x144xf32, #tpu.memory_space<vmem>>, vector<16xf32>,
          tpu.vector_store %arg7[%swap3A_688, %swap3A_689], %max3A_687 {strides = array<i32>} : memref<321x144xf32, #tpu.memory_space<vmem>>, vector<16xf32>,
          %get3A_691 = arith.index_cast %reduce_max3A_616 : i32 to index
          %get3A_692 = arith.constant 112 : index
          %get3A_693 = tpu.vector_load %arg7[%get3A_691, %get3A_692] {strides = array<i32>} : memref<321x144xf32, #tpu.memory_space<vmem>>, vector<16xf32>,
          %get3A_694 = arith.index_cast %add3A_620 : i32 to index
          %get3A_695 = arith.constant 112 : index
          %get3A_696 = tpu.vector_load %arg12[%get3A_694, %get3A_695] {strides = array<i32>} : memref<128x144xf32, #tpu.memory_space<vmem>>, vector<16xf32>,
          %max3A_697 = arith.maximumf %get3A_693, %get3A_696 : vector<16xf32>
          %swap3A_698 = arith.index_cast %reduce_max3A_616 : i32 to index
          %swap3A_699 = arith.constant 112 : index
          %swap3A_700 = tpu.vector_load %arg7[%swap3A_698, %swap3A_699] {strides = array<i32>} : memref<321x144xf32, #tpu.memory_space<vmem>>, vector<16xf32>,
          tpu.vector_store %arg7[%swap3A_698, %swap3A_699], %max3A_697 {strides = array<i32>} : memref<321x144xf32, #tpu.memory_space<vmem>>, vector<16xf32>,
          %get3A_701 = arith.index_cast %reduce_max3A_616 : i32 to index
          %get3A_702 = arith.constant 128 : index
          %get3A_703 = tpu.vector_load %arg7[%get3A_701, %get3A_702] {strides = array<i32>} : memref<321x144xf32, #tpu.memory_space<vmem>>, vector<16xf32>,
          %get3A_704 = arith.index_cast %add3A_620 : i32 to index
          %get3A_705 = arith.constant 128 : index
          %get3A_706 = tpu.vector_load %arg12[%get3A_704, %get3A_705] {strides = array<i32>} : memref<128x144xf32, #tpu.memory_space<vmem>>, vector<16xf32>,
          %max3A_707 = arith.maximumf %get3A_703, %get3A_706 : vector<16xf32>
          %swap3A_708 = arith.index_cast %reduce_max3A_616 : i32 to index
          %swap3A_709 = arith.constant 128 : index
          %swap3A_710 = tpu.vector_load %arg7[%swap3A_708, %swap3A_709] {strides = array<i32>} : memref<321x144xf32, #tpu.memory_space<vmem>>, vector<16xf32>,
          tpu.vector_store %arg7[%swap3A_708, %swap3A_709], %max3A_707 {strides = array<i32>} : memref<321x144xf32, #tpu.memory_space<vmem>>, vector<16xf32>,
          %eq3A_711 = arith.constant 5 : i32
          %eq3A_712 = vector.broadcast %eq3A_711 : i32 to vector<16xi32>
          %eq3A_713 = arith.cmpi eq, %iota3A, %eq3A_712 : vector<16xi32>
          %jit3A_714 = arith.constant 0 : i32
          %broadcast_in_dim3A_715 = vector.broadcast %jit3A_714 : i32 to vector<16xi32>
          %select_n3A_716 = arith.select %eq3A_713, %get3A_174, %broadcast_in_dim3A_715 : vector<16xi1>, vector<16xi32>
          %reduce_max3A_717 = arith.constant true
          %reduce_max3A_718 = vector.broadcast %reduce_max3A_717 : i1 to vector<16xi1>
          %reduce_max3A_719 = arith.constant -2147483648 : i32
          %reduce_max3A_720 = vector.broadcast %reduce_max3A_719 : i32 to vector<16xi32>
          %reduce_max3A_721 = arith.xori %select_n3A_716, %reduce_max3A_720 : vector<16xi32>
          %reduce_max3A_722 = tpu.scan <max>, %reduce_max3A_721 masked %reduce_max3A_718 : vector<16xi32>, vector<16xi1> -> vector<16xi32>
          %reduce_max3A_723 = arith.xori %reduce_max3A_722, %reduce_max3A_720 : vector<16xi32>
          %reduce_max3A_724 = vector.extract %reduce_max3A_723[15] : i32 from vector<16xi32>
          %mul3A_725 = arith.constant 16 : i32
          %mul3A_726 = arith.muli %scan3A_168, %mul3A_725 : i32
          %add3A_727 = arith.constant 5 : i32
          %add3A_728 = arith.addi %mul3A_726, %add3A_727 : i32
          %get3A_729 = arith.index_cast %reduce_max3A_724 : i32 to index
          %get3A_730 = arith.constant 0 : index
          %get3A_731 = tpu.vector_load %arg7[%get3A_729, %get3A_730] {strides = array<i32>} : memref<321x144xf32, #tpu.memory_space<vmem>>, vector<16xf32>,
          %get3A_732 = arith.index_cast %add3A_728 : i32 to index
          %get3A_733 = arith.constant 0 : index
          %get3A_734 = tpu.vector_load %arg12[%get3A_732, %get3A_733] {strides = array<i32>} : memref<128x144xf32, #tpu.memory_space<vmem>>, vector<16xf32>,
          %max3A_735 = arith.maximumf %get3A_731, %get3A_734 : vector<16xf32>
          %swap3A_736 = arith.index_cast %reduce_max3A_724 : i32 to index
          %swap3A_737 = arith.constant 0 : index
          %swap3A_738 = tpu.vector_load %arg7[%swap3A_736, %swap3A_737] {strides = array<i32>} : memref<321x144xf32, #tpu.memory_space<vmem>>, vector<16xf32>,
          tpu.vector_store %arg7[%swap3A_736, %swap3A_737], %max3A_735 {strides = array<i32>} : memref<321x144xf32, #tpu.memory_space<vmem>>, vector<16xf32>,
          %get3A_739 = arith.index_cast %reduce_max3A_724 : i32 to index
          %get3A_740 = arith.constant 16 : index
          %get3A_741 = tpu.vector_load %arg7[%get3A_739, %get3A_740] {strides = array<i32>} : memref<321x144xf32, #tpu.memory_space<vmem>>, vector<16xf32>,
          %get3A_742 = arith.index_cast %add3A_728 : i32 to index
          %get3A_743 = arith.constant 16 : index
          %get3A_744 = tpu.vector_load %arg12[%get3A_742, %get3A_743] {strides = array<i32>} : memref<128x144xf32, #tpu.memory_space<vmem>>, vector<16xf32>,
          %max3A_745 = arith.maximumf %get3A_741, %get3A_744 : vector<16xf32>
          %swap3A_746 = arith.index_cast %reduce_max3A_724 : i32 to index
          %swap3A_747 = arith.constant 16 : index
          %swap3A_748 = tpu.vector_load %arg7[%swap3A_746, %swap3A_747] {strides = array<i32>} : memref<321x144xf32, #tpu.memory_space<vmem>>, vector<16xf32>,
          tpu.vector_store %arg7[%swap3A_746, %swap3A_747], %max3A_745 {strides = array<i32>} : memref<321x144xf32, #tpu.memory_space<vmem>>, vector<16xf32>,
          %get3A_749 = arith.index_cast %reduce_max3A_724 : i32 to index
          %get3A_750 = arith.constant 32 : index
          %get3A_751 = tpu.vector_load %arg7[%get3A_749, %get3A_750] {strides = array<i32>} : memref<321x144xf32, #tpu.memory_space<vmem>>, vector<16xf32>,
          %get3A_752 = arith.index_cast %add3A_728 : i32 to index
          %get3A_753 = arith.constant 32 : index
          %get3A_754 = tpu.vector_load %arg12[%get3A_752, %get3A_753] {strides = array<i32>} : memref<128x144xf32, #tpu.memory_space<vmem>>, vector<16xf32>,
          %max3A_755 = arith.maximumf %get3A_751, %get3A_754 : vector<16xf32>
          %swap3A_756 = arith.index_cast %reduce_max3A_724 : i32 to index
          %swap3A_757 = arith.constant 32 : index
          %swap3A_758 = tpu.vector_load %arg7[%swap3A_756, %swap3A_757] {strides = array<i32>} : memref<321x144xf32, #tpu.memory_space<vmem>>, vector<16xf32>,
          tpu.vector_store %arg7[%swap3A_756, %swap3A_757], %max3A_755 {strides = array<i32>} : memref<321x144xf32, #tpu.memory_space<vmem>>, vector<16xf32>,
          %get3A_759 = arith.index_cast %reduce_max3A_724 : i32 to index
          %get3A_760 = arith.constant 48 : index
          %get3A_761 = tpu.vector_load %arg7[%get3A_759, %get3A_760] {strides = array<i32>} : memref<321x144xf32, #tpu.memory_space<vmem>>, vector<16xf32>,
          %get3A_762 = arith.index_cast %add3A_728 : i32 to index
          %get3A_763 = arith.constant 48 : index
          %get3A_764 = tpu.vector_load %arg12[%get3A_762, %get3A_763] {strides = array<i32>} : memref<128x144xf32, #tpu.memory_space<vmem>>, vector<16xf32>,
          %max3A_765 = arith.maximumf %get3A_761, %get3A_764 : vector<16xf32>
          %swap3A_766 = arith.index_cast %reduce_max3A_724 : i32 to index
          %swap3A_767 = arith.constant 48 : index
          %swap3A_768 = tpu.vector_load %arg7[%swap3A_766, %swap3A_767] {strides = array<i32>} : memref<321x144xf32, #tpu.memory_space<vmem>>, vector<16xf32>,
          tpu.vector_store %arg7[%swap3A_766, %swap3A_767], %max3A_765 {strides = array<i32>} : memref<321x144xf32, #tpu.memory_space<vmem>>, vector<16xf32>,
          %get3A_769 = arith.index_cast %reduce_max3A_724 : i32 to index
          %get3A_770 = arith.constant 64 : index
          %get3A_771 = tpu.vector_load %arg7[%get3A_769, %get3A_770] {strides = array<i32>} : memref<321x144xf32, #tpu.memory_space<vmem>>, vector<16xf32>,
          %get3A_772 = arith.index_cast %add3A_728 : i32 to index
          %get3A_773 = arith.constant 64 : index
          %get3A_774 = tpu.vector_load %arg12[%get3A_772, %get3A_773] {strides = array<i32>} : memref<128x144xf32, #tpu.memory_space<vmem>>, vector<16xf32>,
          %max3A_775 = arith.maximumf %get3A_771, %get3A_774 : vector<16xf32>
          %swap3A_776 = arith.index_cast %reduce_max3A_724 : i32 to index
          %swap3A_777 = arith.constant 64 : index
          %swap3A_778 = tpu.vector_load %arg7[%swap3A_776, %swap3A_777] {strides = array<i32>} : memref<321x144xf32, #tpu.memory_space<vmem>>, vector<16xf32>,
          tpu.vector_store %arg7[%swap3A_776, %swap3A_777], %max3A_775 {strides = array<i32>} : memref<321x144xf32, #tpu.memory_space<vmem>>, vector<16xf32>,
          %get3A_779 = arith.index_cast %reduce_max3A_724 : i32 to index
          %get3A_780 = arith.constant 80 : index
          %get3A_781 = tpu.vector_load %arg7[%get3A_779, %get3A_780] {strides = array<i32>} : memref<321x144xf32, #tpu.memory_space<vmem>>, vector<16xf32>,
          %get3A_782 = arith.index_cast %add3A_728 : i32 to index
          %get3A_783 = arith.constant 80 : index
          %get3A_784 = tpu.vector_load %arg12[%get3A_782, %get3A_783] {strides = array<i32>} : memref<128x144xf32, #tpu.memory_space<vmem>>, vector<16xf32>,
          %max3A_785 = arith.maximumf %get3A_781, %get3A_784 : vector<16xf32>
          %swap3A_786 = arith.index_cast %reduce_max3A_724 : i32 to index
          %swap3A_787 = arith.constant 80 : index
          %swap3A_788 = tpu.vector_load %arg7[%swap3A_786, %swap3A_787] {strides = array<i32>} : memref<321x144xf32, #tpu.memory_space<vmem>>, vector<16xf32>,
          tpu.vector_store %arg7[%swap3A_786, %swap3A_787], %max3A_785 {strides = array<i32>} : memref<321x144xf32, #tpu.memory_space<vmem>>, vector<16xf32>,
          %get3A_789 = arith.index_cast %reduce_max3A_724 : i32 to index
          %get3A_790 = arith.constant 96 : index
          %get3A_791 = tpu.vector_load %arg7[%get3A_789, %get3A_790] {strides = array<i32>} : memref<321x144xf32, #tpu.memory_space<vmem>>, vector<16xf32>,
          %get3A_792 = arith.index_cast %add3A_728 : i32 to index
          %get3A_793 = arith.constant 96 : index
          %get3A_794 = tpu.vector_load %arg12[%get3A_792, %get3A_793] {strides = array<i32>} : memref<128x144xf32, #tpu.memory_space<vmem>>, vector<16xf32>,
          %max3A_795 = arith.maximumf %get3A_791, %get3A_794 : vector<16xf32>
          %swap3A_796 = arith.index_cast %reduce_max3A_724 : i32 to index
          %swap3A_797 = arith.constant 96 : index
          %swap3A_798 = tpu.vector_load %arg7[%swap3A_796, %swap3A_797] {strides = array<i32>} : memref<321x144xf32, #tpu.memory_space<vmem>>, vector<16xf32>,
          tpu.vector_store %arg7[%swap3A_796, %swap3A_797], %max3A_795 {strides = array<i32>} : memref<321x144xf32, #tpu.memory_space<vmem>>, vector<16xf32>,
          %get3A_799 = arith.index_cast %reduce_max3A_724 : i32 to index
          %get3A_800 = arith.constant 112 : index
          %get3A_801 = tpu.vector_load %arg7[%get3A_799, %get3A_800] {strides = array<i32>} : memref<321x144xf32, #tpu.memory_space<vmem>>, vector<16xf32>,
          %get3A_802 = arith.index_cast %add3A_728 : i32 to index
          %get3A_803 = arith.constant 112 : index
          %get3A_804 = tpu.vector_load %arg12[%get3A_802, %get3A_803] {strides = array<i32>} : memref<128x144xf32, #tpu.memory_space<vmem>>, vector<16xf32>,
          %max3A_805 = arith.maximumf %get3A_801, %get3A_804 : vector<16xf32>
          %swap3A_806 = arith.index_cast %reduce_max3A_724 : i32 to index
          %swap3A_807 = arith.constant 112 : index
          %swap3A_808 = tpu.vector_load %arg7[%swap3A_806, %swap3A_807] {strides = array<i32>} : memref<321x144xf32, #tpu.memory_space<vmem>>, vector<16xf32>,
          tpu.vector_store %arg7[%swap3A_806, %swap3A_807], %max3A_805 {strides = array<i32>} : memref<321x144xf32, #tpu.memory_space<vmem>>, vector<16xf32>,
          %get3A_809 = arith.index_cast %reduce_max3A_724 : i32 to index
          %get3A_810 = arith.constant 128 : index
          %get3A_811 = tpu.vector_load %arg7[%get3A_809, %get3A_810] {strides = array<i32>} : memref<321x144xf32, #tpu.memory_space<vmem>>, vector<16xf32>,
          %get3A_812 = arith.index_cast %add3A_728 : i32 to index
          %get3A_813 = arith.constant 128 : index
          %get3A_814 = tpu.vector_load %arg12[%get3A_812, %get3A_813] {strides = array<i32>} : memref<128x144xf32, #tpu.memory_space<vmem>>, vector<16xf32>,
          %max3A_815 = arith.maximumf %get3A_811, %get3A_814 : vector<16xf32>
          %swap3A_816 = arith.index_cast %reduce_max3A_724 : i32 to index
          %swap3A_817 = arith.constant 128 : index
          %swap3A_818 = tpu.vector_load %arg7[%swap3A_816, %swap3A_817] {strides = array<i32>} : memref<321x144xf32, #tpu.memory_space<vmem>>, vector<16xf32>,
          tpu.vector_store %arg7[%swap3A_816, %swap3A_817], %max3A_815 {strides = array<i32>} : memref<321x144xf32, #tpu.memory_space<vmem>>, vector<16xf32>,
          %eq3A_819 = arith.constant 6 : i32
          %eq3A_820 = vector.broadcast %eq3A_819 : i32 to vector<16xi32>
          %eq3A_821 = arith.cmpi eq, %iota3A, %eq3A_820 : vector<16xi32>
          %jit3A_822 = arith.constant 0 : i32
          %broadcast_in_dim3A_823 = vector.broadcast %jit3A_822 : i32 to vector<16xi32>
          %select_n3A_824 = arith.select %eq3A_821, %get3A_174, %broadcast_in_dim3A_823 : vector<16xi1>, vector<16xi32>
          %reduce_max3A_825 = arith.constant true
          %reduce_max3A_826 = vector.broadcast %reduce_max3A_825 : i1 to vector<16xi1>
          %reduce_max3A_827 = arith.constant -2147483648 : i32
          %reduce_max3A_828 = vector.broadcast %reduce_max3A_827 : i32 to vector<16xi32>
          %reduce_max3A_829 = arith.xori %select_n3A_824, %reduce_max3A_828 : vector<16xi32>
          %reduce_max3A_830 = tpu.scan <max>, %reduce_max3A_829 masked %reduce_max3A_826 : vector<16xi32>, vector<16xi1> -> vector<16xi32>
          %reduce_max3A_831 = arith.xori %reduce_max3A_830, %reduce_max3A_828 : vector<16xi32>
          %reduce_max3A_832 = vector.extract %reduce_max3A_831[15] : i32 from vector<16xi32>
          %mul3A_833 = arith.constant 16 : i32
          %mul3A_834 = arith.muli %scan3A_168, %mul3A_833 : i32
          %add3A_835 = arith.constant 6 : i32
          %add3A_836 = arith.addi %mul3A_834, %add3A_835 : i32
          %get3A_837 = arith.index_cast %reduce_max3A_832 : i32 to index
          %get3A_838 = arith.constant 0 : index
          %get3A_839 = tpu.vector_load %arg7[%get3A_837, %get3A_838] {strides = array<i32>} : memref<321x144xf32, #tpu.memory_space<vmem>>, vector<16xf32>,
          %get3A_840 = arith.index_cast %add3A_836 : i32 to index
          %get3A_841 = arith.constant 0 : index
          %get3A_842 = tpu.vector_load %arg12[%get3A_840, %get3A_841] {strides = array<i32>} : memref<128x144xf32, #tpu.memory_space<vmem>>, vector<16xf32>,
          %max3A_843 = arith.maximumf %get3A_839, %get3A_842 : vector<16xf32>
          %swap3A_844 = arith.index_cast %reduce_max3A_832 : i32 to index
          %swap3A_845 = arith.constant 0 : index
          %swap3A_846 = tpu.vector_load %arg7[%swap3A_844, %swap3A_845] {strides = array<i32>} : memref<321x144xf32, #tpu.memory_space<vmem>>, vector<16xf32>,
          tpu.vector_store %arg7[%swap3A_844, %swap3A_845], %max3A_843 {strides = array<i32>} : memref<321x144xf32, #tpu.memory_space<vmem>>, vector<16xf32>,
          %get3A_847 = arith.index_cast %reduce_max3A_832 : i32 to index
          %get3A_848 = arith.constant 16 : index
          %get3A_849 = tpu.vector_load %arg7[%get3A_847, %get3A_848] {strides = array<i32>} : memref<321x144xf32, #tpu.memory_space<vmem>>, vector<16xf32>,
          %get3A_850 = arith.index_cast %add3A_836 : i32 to index
          %get3A_851 = arith.constant 16 : index
          %get3A_852 = tpu.vector_load %arg12[%get3A_850, %get3A_851] {strides = array<i32>} : memref<128x144xf32, #tpu.memory_space<vmem>>, vector<16xf32>,
          %max3A_853 = arith.maximumf %get3A_849, %get3A_852 : vector<16xf32>
          %swap3A_854 = arith.index_cast %reduce_max3A_832 : i32 to index
          %swap3A_855 = arith.constant 16 : index
          %swap3A_856 = tpu.vector_load %arg7[%swap3A_854, %swap3A_855] {strides = array<i32>} : memref<321x144xf32, #tpu.memory_space<vmem>>, vector<16xf32>,
          tpu.vector_store %arg7[%swap3A_854, %swap3A_855], %max3A_853 {strides = array<i32>} : memref<321x144xf32, #tpu.memory_space<vmem>>, vector<16xf32>,
          %get3A_857 = arith.index_cast %reduce_max3A_832 : i32 to index
          %get3A_858 = arith.constant 32 : index
          %get3A_859 = tpu.vector_load %arg7[%get3A_857, %get3A_858] {strides = array<i32>} : memref<321x144xf32, #tpu.memory_space<vmem>>, vector<16xf32>,
          %get3A_860 = arith.index_cast %add3A_836 : i32 to index
          %get3A_861 = arith.constant 32 : index
          %get3A_862 = tpu.vector_load %arg12[%get3A_860, %get3A_861] {strides = array<i32>} : memref<128x144xf32, #tpu.memory_space<vmem>>, vector<16xf32>,
          %max3A_863 = arith.maximumf %get3A_859, %get3A_862 : vector<16xf32>
          %swap3A_864 = arith.index_cast %reduce_max3A_832 : i32 to index
          %swap3A_865 = arith.constant 32 : index
          %swap3A_866 = tpu.vector_load %arg7[%swap3A_864, %swap3A_865] {strides = array<i32>} : memref<321x144xf32, #tpu.memory_space<vmem>>, vector<16xf32>,
          tpu.vector_store %arg7[%swap3A_864, %swap3A_865], %max3A_863 {strides = array<i32>} : memref<321x144xf32, #tpu.memory_space<vmem>>, vector<16xf32>,
          %get3A_867 = arith.index_cast %reduce_max3A_832 : i32 to index
          %get3A_868 = arith.constant 48 : index
          %get3A_869 = tpu.vector_load %arg7[%get3A_867, %get3A_868] {strides = array<i32>} : memref<321x144xf32, #tpu.memory_space<vmem>>, vector<16xf32>,
          %get3A_870 = arith.index_cast %add3A_836 : i32 to index
          %get3A_871 = arith.constant 48 : index
          %get3A_872 = tpu.vector_load %arg12[%get3A_870, %get3A_871] {strides = array<i32>} : memref<128x144xf32, #tpu.memory_space<vmem>>, vector<16xf32>,
          %max3A_873 = arith.maximumf %get3A_869, %get3A_872 : vector<16xf32>
          %swap3A_874 = arith.index_cast %reduce_max3A_832 : i32 to index
          %swap3A_875 = arith.constant 48 : index
          %swap3A_876 = tpu.vector_load %arg7[%swap3A_874, %swap3A_875] {strides = array<i32>} : memref<321x144xf32, #tpu.memory_space<vmem>>, vector<16xf32>,
          tpu.vector_store %arg7[%swap3A_874, %swap3A_875], %max3A_873 {strides = array<i32>} : memref<321x144xf32, #tpu.memory_space<vmem>>, vector<16xf32>,
          %get3A_877 = arith.index_cast %reduce_max3A_832 : i32 to index
          %get3A_878 = arith.constant 64 : index
          %get3A_879 = tpu.vector_load %arg7[%get3A_877, %get3A_878] {strides = array<i32>} : memref<321x144xf32, #tpu.memory_space<vmem>>, vector<16xf32>,
          %get3A_880 = arith.index_cast %add3A_836 : i32 to index
          %get3A_881 = arith.constant 64 : index
          %get3A_882 = tpu.vector_load %arg12[%get3A_880, %get3A_881] {strides = array<i32>} : memref<128x144xf32, #tpu.memory_space<vmem>>, vector<16xf32>,
          %max3A_883 = arith.maximumf %get3A_879, %get3A_882 : vector<16xf32>
          %swap3A_884 = arith.index_cast %reduce_max3A_832 : i32 to index
          %swap3A_885 = arith.constant 64 : index
          %swap3A_886 = tpu.vector_load %arg7[%swap3A_884, %swap3A_885] {strides = array<i32>} : memref<321x144xf32, #tpu.memory_space<vmem>>, vector<16xf32>,
          tpu.vector_store %arg7[%swap3A_884, %swap3A_885], %max3A_883 {strides = array<i32>} : memref<321x144xf32, #tpu.memory_space<vmem>>, vector<16xf32>,
          %get3A_887 = arith.index_cast %reduce_max3A_832 : i32 to index
          %get3A_888 = arith.constant 80 : index
          %get3A_889 = tpu.vector_load %arg7[%get3A_887, %get3A_888] {strides = array<i32>} : memref<321x144xf32, #tpu.memory_space<vmem>>, vector<16xf32>,
          %get3A_890 = arith.index_cast %add3A_836 : i32 to index
          %get3A_891 = arith.constant 80 : index
          %get3A_892 = tpu.vector_load %arg12[%get3A_890, %get3A_891] {strides = array<i32>} : memref<128x144xf32, #tpu.memory_space<vmem>>, vector<16xf32>,
          %max3A_893 = arith.maximumf %get3A_889, %get3A_892 : vector<16xf32>
          %swap3A_894 = arith.index_cast %reduce_max3A_832 : i32 to index
          %swap3A_895 = arith.constant 80 : index
          %swap3A_896 = tpu.vector_load %arg7[%swap3A_894, %swap3A_895] {strides = array<i32>} : memref<321x144xf32, #tpu.memory_space<vmem>>, vector<16xf32>,
          tpu.vector_store %arg7[%swap3A_894, %swap3A_895], %max3A_893 {strides = array<i32>} : memref<321x144xf32, #tpu.memory_space<vmem>>, vector<16xf32>,
          %get3A_897 = arith.index_cast %reduce_max3A_832 : i32 to index
          %get3A_898 = arith.constant 96 : index
          %get3A_899 = tpu.vector_load %arg7[%get3A_897, %get3A_898] {strides = array<i32>} : memref<321x144xf32, #tpu.memory_space<vmem>>, vector<16xf32>,
          %get3A_900 = arith.index_cast %add3A_836 : i32 to index
          %get3A_901 = arith.constant 96 : index
          %get3A_902 = tpu.vector_load %arg12[%get3A_900, %get3A_901] {strides = array<i32>} : memref<128x144xf32, #tpu.memory_space<vmem>>, vector<16xf32>,
          %max3A_903 = arith.maximumf %get3A_899, %get3A_902 : vector<16xf32>
          %swap3A_904 = arith.index_cast %reduce_max3A_832 : i32 to index
          %swap3A_905 = arith.constant 96 : index
          %swap3A_906 = tpu.vector_load %arg7[%swap3A_904, %swap3A_905] {strides = array<i32>} : memref<321x144xf32, #tpu.memory_space<vmem>>, vector<16xf32>,
          tpu.vector_store %arg7[%swap3A_904, %swap3A_905], %max3A_903 {strides = array<i32>} : memref<321x144xf32, #tpu.memory_space<vmem>>, vector<16xf32>,
          %get3A_907 = arith.index_cast %reduce_max3A_832 : i32 to index
          %get3A_908 = arith.constant 112 : index
          %get3A_909 = tpu.vector_load %arg7[%get3A_907, %get3A_908] {strides = array<i32>} : memref<321x144xf32, #tpu.memory_space<vmem>>, vector<16xf32>,
          %get3A_910 = arith.index_cast %add3A_836 : i32 to index
          %get3A_911 = arith.constant 112 : index
          %get3A_912 = tpu.vector_load %arg12[%get3A_910, %get3A_911] {strides = array<i32>} : memref<128x144xf32, #tpu.memory_space<vmem>>, vector<16xf32>,
          %max3A_913 = arith.maximumf %get3A_909, %get3A_912 : vector<16xf32>
          %swap3A_914 = arith.index_cast %reduce_max3A_832 : i32 to index
          %swap3A_915 = arith.constant 112 : index
          %swap3A_916 = tpu.vector_load %arg7[%swap3A_914, %swap3A_915] {strides = array<i32>} : memref<321x144xf32, #tpu.memory_space<vmem>>, vector<16xf32>,
          tpu.vector_store %arg7[%swap3A_914, %swap3A_915], %max3A_913 {strides = array<i32>} : memref<321x144xf32, #tpu.memory_space<vmem>>, vector<16xf32>,
          %get3A_917 = arith.index_cast %reduce_max3A_832 : i32 to index
          %get3A_918 = arith.constant 128 : index
          %get3A_919 = tpu.vector_load %arg7[%get3A_917, %get3A_918] {strides = array<i32>} : memref<321x144xf32, #tpu.memory_space<vmem>>, vector<16xf32>,
          %get3A_920 = arith.index_cast %add3A_836 : i32 to index
          %get3A_921 = arith.constant 128 : index
          %get3A_922 = tpu.vector_load %arg12[%get3A_920, %get3A_921] {strides = array<i32>} : memref<128x144xf32, #tpu.memory_space<vmem>>, vector<16xf32>,
          %max3A_923 = arith.maximumf %get3A_919, %get3A_922 : vector<16xf32>
          %swap3A_924 = arith.index_cast %reduce_max3A_832 : i32 to index
          %swap3A_925 = arith.constant 128 : index
          %swap3A_926 = tpu.vector_load %arg7[%swap3A_924, %swap3A_925] {strides = array<i32>} : memref<321x144xf32, #tpu.memory_space<vmem>>, vector<16xf32>,
          tpu.vector_store %arg7[%swap3A_924, %swap3A_925], %max3A_923 {strides = array<i32>} : memref<321x144xf32, #tpu.memory_space<vmem>>, vector<16xf32>,
          %eq3A_927 = arith.constant 7 : i32
          %eq3A_928 = vector.broadcast %eq3A_927 : i32 to vector<16xi32>
          %eq3A_929 = arith.cmpi eq, %iota3A, %eq3A_928 : vector<16xi32>
          %jit3A_930 = arith.constant 0 : i32
          %broadcast_in_dim3A_931 = vector.broadcast %jit3A_930 : i32 to vector<16xi32>
          %select_n3A_932 = arith.select %eq3A_929, %get3A_174, %broadcast_in_dim3A_931 : vector<16xi1>, vector<16xi32>
          %reduce_max3A_933 = arith.constant true
          %reduce_max3A_934 = vector.broadcast %reduce_max3A_933 : i1 to vector<16xi1>
          %reduce_max3A_935 = arith.constant -2147483648 : i32
          %reduce_max3A_936 = vector.broadcast %reduce_max3A_935 : i32 to vector<16xi32>
          %reduce_max3A_937 = arith.xori %select_n3A_932, %reduce_max3A_936 : vector<16xi32>
          %reduce_max3A_938 = tpu.scan <max>, %reduce_max3A_937 masked %reduce_max3A_934 : vector<16xi32>, vector<16xi1> -> vector<16xi32>
          %reduce_max3A_939 = arith.xori %reduce_max3A_938, %reduce_max3A_936 : vector<16xi32>
          %reduce_max3A_940 = vector.extract %reduce_max3A_939[15] : i32 from vector<16xi32>
          %mul3A_941 = arith.constant 16 : i32
          %mul3A_942 = arith.muli %scan3A_168, %mul3A_941 : i32
          %add3A_943 = arith.constant 7 : i32
          %add3A_944 = arith.addi %mul3A_942, %add3A_943 : i32
          %get3A_945 = arith.index_cast %reduce_max3A_940 : i32 to index
          %get3A_946 = arith.constant 0 : index
          %get3A_947 = tpu.vector_load %arg7[%get3A_945, %get3A_946] {strides = array<i32>} : memref<321x144xf32, #tpu.memory_space<vmem>>, vector<16xf32>,
          %get3A_948 = arith.index_cast %add3A_944 : i32 to index
          %get3A_949 = arith.constant 0 : index
          %get3A_950 = tpu.vector_load %arg12[%get3A_948, %get3A_949] {strides = array<i32>} : memref<128x144xf32, #tpu.memory_space<vmem>>, vector<16xf32>,
          %max3A_951 = arith.maximumf %get3A_947, %get3A_950 : vector<16xf32>
          %swap3A_952 = arith.index_cast %reduce_max3A_940 : i32 to index
          %swap3A_953 = arith.constant 0 : index
          %swap3A_954 = tpu.vector_load %arg7[%swap3A_952, %swap3A_953] {strides = array<i32>} : memref<321x144xf32, #tpu.memory_space<vmem>>, vector<16xf32>,
          tpu.vector_store %arg7[%swap3A_952, %swap3A_953], %max3A_951 {strides = array<i32>} : memref<321x144xf32, #tpu.memory_space<vmem>>, vector<16xf32>,
          %get3A_955 = arith.index_cast %reduce_max3A_940 : i32 to index
          %get3A_956 = arith.constant 16 : index
          %get3A_957 = tpu.vector_load %arg7[%get3A_955, %get3A_956] {strides = array<i32>} : memref<321x144xf32, #tpu.memory_space<vmem>>, vector<16xf32>,
          %get3A_958 = arith.index_cast %add3A_944 : i32 to index
          %get3A_959 = arith.constant 16 : index
          %get3A_960 = tpu.vector_load %arg12[%get3A_958, %get3A_959] {strides = array<i32>} : memref<128x144xf32, #tpu.memory_space<vmem>>, vector<16xf32>,
          %max3A_961 = arith.maximumf %get3A_957, %get3A_960 : vector<16xf32>
          %swap3A_962 = arith.index_cast %reduce_max3A_940 : i32 to index
          %swap3A_963 = arith.constant 16 : index
          %swap3A_964 = tpu.vector_load %arg7[%swap3A_962, %swap3A_963] {strides = array<i32>} : memref<321x144xf32, #tpu.memory_space<vmem>>, vector<16xf32>,
          tpu.vector_store %arg7[%swap3A_962, %swap3A_963], %max3A_961 {strides = array<i32>} : memref<321x144xf32, #tpu.memory_space<vmem>>, vector<16xf32>,
          %get3A_965 = arith.index_cast %reduce_max3A_940 : i32 to index
          %get3A_966 = arith.constant 32 : index
          %get3A_967 = tpu.vector_load %arg7[%get3A_965, %get3A_966] {strides = array<i32>} : memref<321x144xf32, #tpu.memory_space<vmem>>, vector<16xf32>,
          %get3A_968 = arith.index_cast %add3A_944 : i32 to index
          %get3A_969 = arith.constant 32 : index
          %get3A_970 = tpu.vector_load %arg12[%get3A_968, %get3A_969] {strides = array<i32>} : memref<128x144xf32, #tpu.memory_space<vmem>>, vector<16xf32>,
          %max3A_971 = arith.maximumf %get3A_967, %get3A_970 : vector<16xf32>
          %swap3A_972 = arith.index_cast %reduce_max3A_940 : i32 to index
          %swap3A_973 = arith.constant 32 : index
          %swap3A_974 = tpu.vector_load %arg7[%swap3A_972, %swap3A_973] {strides = array<i32>} : memref<321x144xf32, #tpu.memory_space<vmem>>, vector<16xf32>,
          tpu.vector_store %arg7[%swap3A_972, %swap3A_973], %max3A_971 {strides = array<i32>} : memref<321x144xf32, #tpu.memory_space<vmem>>, vector<16xf32>,
          %get3A_975 = arith.index_cast %reduce_max3A_940 : i32 to index
          %get3A_976 = arith.constant 48 : index
          %get3A_977 = tpu.vector_load %arg7[%get3A_975, %get3A_976] {strides = array<i32>} : memref<321x144xf32, #tpu.memory_space<vmem>>, vector<16xf32>,
          %get3A_978 = arith.index_cast %add3A_944 : i32 to index
          %get3A_979 = arith.constant 48 : index
          %get3A_980 = tpu.vector_load %arg12[%get3A_978, %get3A_979] {strides = array<i32>} : memref<128x144xf32, #tpu.memory_space<vmem>>, vector<16xf32>,
          %max3A_981 = arith.maximumf %get3A_977, %get3A_980 : vector<16xf32>
          %swap3A_982 = arith.index_cast %reduce_max3A_940 : i32 to index
          %swap3A_983 = arith.constant 48 : index
          %swap3A_984 = tpu.vector_load %arg7[%swap3A_982, %swap3A_983] {strides = array<i32>} : memref<321x144xf32, #tpu.memory_space<vmem>>, vector<16xf32>,
          tpu.vector_store %arg7[%swap3A_982, %swap3A_983], %max3A_981 {strides = array<i32>} : memref<321x144xf32, #tpu.memory_space<vmem>>, vector<16xf32>,
          %get3A_985 = arith.index_cast %reduce_max3A_940 : i32 to index
          %get3A_986 = arith.constant 64 : index
          %get3A_987 = tpu.vector_load %arg7[%get3A_985, %get3A_986] {strides = array<i32>} : memref<321x144xf32, #tpu.memory_space<vmem>>, vector<16xf32>,
          %get3A_988 = arith.index_cast %add3A_944 : i32 to index
          %get3A_989 = arith.constant 64 : index
          %get3A_990 = tpu.vector_load %arg12[%get3A_988, %get3A_989] {strides = array<i32>} : memref<128x144xf32, #tpu.memory_space<vmem>>, vector<16xf32>,
          %max3A_991 = arith.maximumf %get3A_987, %get3A_990 : vector<16xf32>
          %swap3A_992 = arith.index_cast %reduce_max3A_940 : i32 to index
          %swap3A_993 = arith.constant 64 : index
          %swap3A_994 = tpu.vector_load %arg7[%swap3A_992, %swap3A_993] {strides = array<i32>} : memref<321x144xf32, #tpu.memory_space<vmem>>, vector<16xf32>,
          tpu.vector_store %arg7[%swap3A_992, %swap3A_993], %max3A_991 {strides = array<i32>} : memref<321x144xf32, #tpu.memory_space<vmem>>, vector<16xf32>,
          %get3A_995 = arith.index_cast %reduce_max3A_940 : i32 to index
          %get3A_996 = arith.constant 80 : index
          %get3A_997 = tpu.vector_load %arg7[%get3A_995, %get3A_996] {strides = array<i32>} : memref<321x144xf32, #tpu.memory_space<vmem>>, vector<16xf32>,
          %get3A_998 = arith.index_cast %add3A_944 : i32 to index
          %get3A_999 = arith.constant 80 : index
          %get3A_1000 = tpu.vector_load %arg12[%get3A_998, %get3A_999] {strides = array<i32>} : memref<128x144xf32, #tpu.memory_space<vmem>>, vector<16xf32>,
          %max3A_1001 = arith.maximumf %get3A_997, %get3A_1000 : vector<16xf32>
          %swap3A_1002 = arith.index_cast %reduce_max3A_940 : i32 to index
          %swap3A_1003 = arith.constant 80 : index
          %swap3A_1004 = tpu.vector_load %arg7[%swap3A_1002, %swap3A_1003] {strides = array<i32>} : memref<321x144xf32, #tpu.memory_space<vmem>>, vector<16xf32>,
          tpu.vector_store %arg7[%swap3A_1002, %swap3A_1003], %max3A_1001 {strides = array<i32>} : memref<321x144xf32, #tpu.memory_space<vmem>>, vector<16xf32>,
          %get3A_1005 = arith.index_cast %reduce_max3A_940 : i32 to index
          %get3A_1006 = arith.constant 96 : index
          %get3A_1007 = tpu.vector_load %arg7[%get3A_1005, %get3A_1006] {strides = array<i32>} : memref<321x144xf32, #tpu.memory_space<vmem>>, vector<16xf32>,
          %get3A_1008 = arith.index_cast %add3A_944 : i32 to index
          %get3A_1009 = arith.constant 96 : index
          %get3A_1010 = tpu.vector_load %arg12[%get3A_1008, %get3A_1009] {strides = array<i32>} : memref<128x144xf32, #tpu.memory_space<vmem>>, vector<16xf32>,
          %max3A_1011 = arith.maximumf %get3A_1007, %get3A_1010 : vector<16xf32>
          %swap3A_1012 = arith.index_cast %reduce_max3A_940 : i32 to index
          %swap3A_1013 = arith.constant 96 : index
          %swap3A_1014 = tpu.vector_load %arg7[%swap3A_1012, %swap3A_1013] {strides = array<i32>} : memref<321x144xf32, #tpu.memory_space<vmem>>, vector<16xf32>,
          tpu.vector_store %arg7[%swap3A_1012, %swap3A_1013], %max3A_1011 {strides = array<i32>} : memref<321x144xf32, #tpu.memory_space<vmem>>, vector<16xf32>,
          %get3A_1015 = arith.index_cast %reduce_max3A_940 : i32 to index
          %get3A_1016 = arith.constant 112 : index
          %get3A_1017 = tpu.vector_load %arg7[%get3A_1015, %get3A_1016] {strides = array<i32>} : memref<321x144xf32, #tpu.memory_space<vmem>>, vector<16xf32>,
          %get3A_1018 = arith.index_cast %add3A_944 : i32 to index
          %get3A_1019 = arith.constant 112 : index
          %get3A_1020 = tpu.vector_load %arg12[%get3A_1018, %get3A_1019] {strides = array<i32>} : memref<128x144xf32, #tpu.memory_space<vmem>>, vector<16xf32>,
          %max3A_1021 = arith.maximumf %get3A_1017, %get3A_1020 : vector<16xf32>
          %swap3A_1022 = arith.index_cast %reduce_max3A_940 : i32 to index
          %swap3A_1023 = arith.constant 112 : index
          %swap3A_1024 = tpu.vector_load %arg7[%swap3A_1022, %swap3A_1023] {strides = array<i32>} : memref<321x144xf32, #tpu.memory_space<vmem>>, vector<16xf32>,
          tpu.vector_store %arg7[%swap3A_1022, %swap3A_1023], %max3A_1021 {strides = array<i32>} : memref<321x144xf32, #tpu.memory_space<vmem>>, vector<16xf32>,
          %get3A_1025 = arith.index_cast %reduce_max3A_940 : i32 to index
          %get3A_1026 = arith.constant 128 : index
          %get3A_1027 = tpu.vector_load %arg7[%get3A_1025, %get3A_1026] {strides = array<i32>} : memref<321x144xf32, #tpu.memory_space<vmem>>, vector<16xf32>,
          %get3A_1028 = arith.index_cast %add3A_944 : i32 to index
          %get3A_1029 = arith.constant 128 : index
          %get3A_1030 = tpu.vector_load %arg12[%get3A_1028, %get3A_1029] {strides = array<i32>} : memref<128x144xf32, #tpu.memory_space<vmem>>, vector<16xf32>,
          %max3A_1031 = arith.maximumf %get3A_1027, %get3A_1030 : vector<16xf32>
          %swap3A_1032 = arith.index_cast %reduce_max3A_940 : i32 to index
          %swap3A_1033 = arith.constant 128 : index
          %swap3A_1034 = tpu.vector_load %arg7[%swap3A_1032, %swap3A_1033] {strides = array<i32>} : memref<321x144xf32, #tpu.memory_space<vmem>>, vector<16xf32>,
          tpu.vector_store %arg7[%swap3A_1032, %swap3A_1033], %max3A_1031 {strides = array<i32>} : memref<321x144xf32, #tpu.memory_space<vmem>>, vector<16xf32>,
          %eq3A_1035 = arith.constant 8 : i32
          %eq3A_1036 = vector.broadcast %eq3A_1035 : i32 to vector<16xi32>
          %eq3A_1037 = arith.cmpi eq, %iota3A, %eq3A_1036 : vector<16xi32>
          %jit3A_1038 = arith.constant 0 : i32
          %broadcast_in_dim3A_1039 = vector.broadcast %jit3A_1038 : i32 to vector<16xi32>
          %select_n3A_1040 = arith.select %eq3A_1037, %get3A_174, %broadcast_in_dim3A_1039 : vector<16xi1>, vector<16xi32>
          %reduce_max3A_1041 = arith.constant true
          %reduce_max3A_1042 = vector.broadcast %reduce_max3A_1041 : i1 to vector<16xi1>
          %reduce_max3A_1043 = arith.constant -2147483648 : i32
          %reduce_max3A_1044 = vector.broadcast %reduce_max3A_1043 : i32 to vector<16xi32>
          %reduce_max3A_1045 = arith.xori %select_n3A_1040, %reduce_max3A_1044 : vector<16xi32>
          %reduce_max3A_1046 = tpu.scan <max>, %reduce_max3A_1045 masked %reduce_max3A_1042 : vector<16xi32>, vector<16xi1> -> vector<16xi32>
          %reduce_max3A_1047 = arith.xori %reduce_max3A_1046, %reduce_max3A_1044 : vector<16xi32>
          %reduce_max3A_1048 = vector.extract %reduce_max3A_1047[15] : i32 from vector<16xi32>
          %mul3A_1049 = arith.constant 16 : i32
          %mul3A_1050 = arith.muli %scan3A_168, %mul3A_1049 : i32
          %add3A_1051 = arith.constant 8 : i32
          %add3A_1052 = arith.addi %mul3A_1050, %add3A_1051 : i32
          %get3A_1053 = arith.index_cast %reduce_max3A_1048 : i32 to index
          %get3A_1054 = arith.constant 0 : index
          %get3A_1055 = tpu.vector_load %arg7[%get3A_1053, %get3A_1054] {strides = array<i32>} : memref<321x144xf32, #tpu.memory_space<vmem>>, vector<16xf32>,
          %get3A_1056 = arith.index_cast %add3A_1052 : i32 to index
          %get3A_1057 = arith.constant 0 : index
          %get3A_1058 = tpu.vector_load %arg12[%get3A_1056, %get3A_1057] {strides = array<i32>} : memref<128x144xf32, #tpu.memory_space<vmem>>, vector<16xf32>,
          %max3A_1059 = arith.maximumf %get3A_1055, %get3A_1058 : vector<16xf32>
          %swap3A_1060 = arith.index_cast %reduce_max3A_1048 : i32 to index
          %swap3A_1061 = arith.constant 0 : index
          %swap3A_1062 = tpu.vector_load %arg7[%swap3A_1060, %swap3A_1061] {strides = array<i32>} : memref<321x144xf32, #tpu.memory_space<vmem>>, vector<16xf32>,
          tpu.vector_store %arg7[%swap3A_1060, %swap3A_1061], %max3A_1059 {strides = array<i32>} : memref<321x144xf32, #tpu.memory_space<vmem>>, vector<16xf32>,
          %get3A_1063 = arith.index_cast %reduce_max3A_1048 : i32 to index
          %get3A_1064 = arith.constant 16 : index
          %get3A_1065 = tpu.vector_load %arg7[%get3A_1063, %get3A_1064] {strides = array<i32>} : memref<321x144xf32, #tpu.memory_space<vmem>>, vector<16xf32>,
          %get3A_1066 = arith.index_cast %add3A_1052 : i32 to index
          %get3A_1067 = arith.constant 16 : index
          %get3A_1068 = tpu.vector_load %arg12[%get3A_1066, %get3A_1067] {strides = array<i32>} : memref<128x144xf32, #tpu.memory_space<vmem>>, vector<16xf32>,
          %max3A_1069 = arith.maximumf %get3A_1065, %get3A_1068 : vector<16xf32>
          %swap3A_1070 = arith.index_cast %reduce_max3A_1048 : i32 to index
          %swap3A_1071 = arith.constant 16 : index
          %swap3A_1072 = tpu.vector_load %arg7[%swap3A_1070, %swap3A_1071] {strides = array<i32>} : memref<321x144xf32, #tpu.memory_space<vmem>>, vector<16xf32>,
          tpu.vector_store %arg7[%swap3A_1070, %swap3A_1071], %max3A_1069 {strides = array<i32>} : memref<321x144xf32, #tpu.memory_space<vmem>>, vector<16xf32>,
          %get3A_1073 = arith.index_cast %reduce_max3A_1048 : i32 to index
          %get3A_1074 = arith.constant 32 : index
          %get3A_1075 = tpu.vector_load %arg7[%get3A_1073, %get3A_1074] {strides = array<i32>} : memref<321x144xf32, #tpu.memory_space<vmem>>, vector<16xf32>,
          %get3A_1076 = arith.index_cast %add3A_1052 : i32 to index
          %get3A_1077 = arith.constant 32 : index
          %get3A_1078 = tpu.vector_load %arg12[%get3A_1076, %get3A_1077] {strides = array<i32>} : memref<128x144xf32, #tpu.memory_space<vmem>>, vector<16xf32>,
          %max3A_1079 = arith.maximumf %get3A_1075, %get3A_1078 : vector<16xf32>
          %swap3A_1080 = arith.index_cast %reduce_max3A_1048 : i32 to index
          %swap3A_1081 = arith.constant 32 : index
          %swap3A_1082 = tpu.vector_load %arg7[%swap3A_1080, %swap3A_1081] {strides = array<i32>} : memref<321x144xf32, #tpu.memory_space<vmem>>, vector<16xf32>,
          tpu.vector_store %arg7[%swap3A_1080, %swap3A_1081], %max3A_1079 {strides = array<i32>} : memref<321x144xf32, #tpu.memory_space<vmem>>, vector<16xf32>,
          %get3A_1083 = arith.index_cast %reduce_max3A_1048 : i32 to index
          %get3A_1084 = arith.constant 48 : index
          %get3A_1085 = tpu.vector_load %arg7[%get3A_1083, %get3A_1084] {strides = array<i32>} : memref<321x144xf32, #tpu.memory_space<vmem>>, vector<16xf32>,
          %get3A_1086 = arith.index_cast %add3A_1052 : i32 to index
          %get3A_1087 = arith.constant 48 : index
          %get3A_1088 = tpu.vector_load %arg12[%get3A_1086, %get3A_1087] {strides = array<i32>} : memref<128x144xf32, #tpu.memory_space<vmem>>, vector<16xf32>,
          %max3A_1089 = arith.maximumf %get3A_1085, %get3A_1088 : vector<16xf32>
          %swap3A_1090 = arith.index_cast %reduce_max3A_1048 : i32 to index
          %swap3A_1091 = arith.constant 48 : index
          %swap3A_1092 = tpu.vector_load %arg7[%swap3A_1090, %swap3A_1091] {strides = array<i32>} : memref<321x144xf32, #tpu.memory_space<vmem>>, vector<16xf32>,
          tpu.vector_store %arg7[%swap3A_1090, %swap3A_1091], %max3A_1089 {strides = array<i32>} : memref<321x144xf32, #tpu.memory_space<vmem>>, vector<16xf32>,
          %get3A_1093 = arith.index_cast %reduce_max3A_1048 : i32 to index
          %get3A_1094 = arith.constant 64 : index
          %get3A_1095 = tpu.vector_load %arg7[%get3A_1093, %get3A_1094] {strides = array<i32>} : memref<321x144xf32, #tpu.memory_space<vmem>>, vector<16xf32>,
          %get3A_1096 = arith.index_cast %add3A_1052 : i32 to index
          %get3A_1097 = arith.constant 64 : index
          %get3A_1098 = tpu.vector_load %arg12[%get3A_1096, %get3A_1097] {strides = array<i32>} : memref<128x144xf32, #tpu.memory_space<vmem>>, vector<16xf32>,
          %max3A_1099 = arith.maximumf %get3A_1095, %get3A_1098 : vector<16xf32>
          %swap3A_1100 = arith.index_cast %reduce_max3A_1048 : i32 to index
          %swap3A_1101 = arith.constant 64 : index
          %swap3A_1102 = tpu.vector_load %arg7[%swap3A_1100, %swap3A_1101] {strides = array<i32>} : memref<321x144xf32, #tpu.memory_space<vmem>>, vector<16xf32>,
          tpu.vector_store %arg7[%swap3A_1100, %swap3A_1101], %max3A_1099 {strides = array<i32>} : memref<321x144xf32, #tpu.memory_space<vmem>>, vector<16xf32>,
          %get3A_1103 = arith.index_cast %reduce_max3A_1048 : i32 to index
          %get3A_1104 = arith.constant 80 : index
          %get3A_1105 = tpu.vector_load %arg7[%get3A_1103, %get3A_1104] {strides = array<i32>} : memref<321x144xf32, #tpu.memory_space<vmem>>, vector<16xf32>,
          %get3A_1106 = arith.index_cast %add3A_1052 : i32 to index
          %get3A_1107 = arith.constant 80 : index
          %get3A_1108 = tpu.vector_load %arg12[%get3A_1106, %get3A_1107] {strides = array<i32>} : memref<128x144xf32, #tpu.memory_space<vmem>>, vector<16xf32>,
          %max3A_1109 = arith.maximumf %get3A_1105, %get3A_1108 : vector<16xf32>
          %swap3A_1110 = arith.index_cast %reduce_max3A_1048 : i32 to index
          %swap3A_1111 = arith.constant 80 : index
          %swap3A_1112 = tpu.vector_load %arg7[%swap3A_1110, %swap3A_1111] {strides = array<i32>} : memref<321x144xf32, #tpu.memory_space<vmem>>, vector<16xf32>,
          tpu.vector_store %arg7[%swap3A_1110, %swap3A_1111], %max3A_1109 {strides = array<i32>} : memref<321x144xf32, #tpu.memory_space<vmem>>, vector<16xf32>,
          %get3A_1113 = arith.index_cast %reduce_max3A_1048 : i32 to index
          %get3A_1114 = arith.constant 96 : index
          %get3A_1115 = tpu.vector_load %arg7[%get3A_1113, %get3A_1114] {strides = array<i32>} : memref<321x144xf32, #tpu.memory_space<vmem>>, vector<16xf32>,
          %get3A_1116 = arith.index_cast %add3A_1052 : i32 to index
          %get3A_1117 = arith.constant 96 : index
          %get3A_1118 = tpu.vector_load %arg12[%get3A_1116, %get3A_1117] {strides = array<i32>} : memref<128x144xf32, #tpu.memory_space<vmem>>, vector<16xf32>,
          %max3A_1119 = arith.maximumf %get3A_1115, %get3A_1118 : vector<16xf32>
          %swap3A_1120 = arith.index_cast %reduce_max3A_1048 : i32 to index
          %swap3A_1121 = arith.constant 96 : index
          %swap3A_1122 = tpu.vector_load %arg7[%swap3A_1120, %swap3A_1121] {strides = array<i32>} : memref<321x144xf32, #tpu.memory_space<vmem>>, vector<16xf32>,
          tpu.vector_store %arg7[%swap3A_1120, %swap3A_1121], %max3A_1119 {strides = array<i32>} : memref<321x144xf32, #tpu.memory_space<vmem>>, vector<16xf32>,
          %get3A_1123 = arith.index_cast %reduce_max3A_1048 : i32 to index
          %get3A_1124 = arith.constant 112 : index
          %get3A_1125 = tpu.vector_load %arg7[%get3A_1123, %get3A_1124] {strides = array<i32>} : memref<321x144xf32, #tpu.memory_space<vmem>>, vector<16xf32>,
          %get3A_1126 = arith.index_cast %add3A_1052 : i32 to index
          %get3A_1127 = arith.constant 112 : index
          %get3A_1128 = tpu.vector_load %arg12[%get3A_1126, %get3A_1127] {strides = array<i32>} : memref<128x144xf32, #tpu.memory_space<vmem>>, vector<16xf32>,
          %max3A_1129 = arith.maximumf %get3A_1125, %get3A_1128 : vector<16xf32>
          %swap3A_1130 = arith.index_cast %reduce_max3A_1048 : i32 to index
          %swap3A_1131 = arith.constant 112 : index
          %swap3A_1132 = tpu.vector_load %arg7[%swap3A_1130, %swap3A_1131] {strides = array<i32>} : memref<321x144xf32, #tpu.memory_space<vmem>>, vector<16xf32>,
          tpu.vector_store %arg7[%swap3A_1130, %swap3A_1131], %max3A_1129 {strides = array<i32>} : memref<321x144xf32, #tpu.memory_space<vmem>>, vector<16xf32>,
          %get3A_1133 = arith.index_cast %reduce_max3A_1048 : i32 to index
          %get3A_1134 = arith.constant 128 : index
          %get3A_1135 = tpu.vector_load %arg7[%get3A_1133, %get3A_1134] {strides = array<i32>} : memref<321x144xf32, #tpu.memory_space<vmem>>, vector<16xf32>,
          %get3A_1136 = arith.index_cast %add3A_1052 : i32 to index
          %get3A_1137 = arith.constant 128 : index
          %get3A_1138 = tpu.vector_load %arg12[%get3A_1136, %get3A_1137] {strides = array<i32>} : memref<128x144xf32, #tpu.memory_space<vmem>>, vector<16xf32>,
          %max3A_1139 = arith.maximumf %get3A_1135, %get3A_1138 : vector<16xf32>
          %swap3A_1140 = arith.index_cast %reduce_max3A_1048 : i32 to index
          %swap3A_1141 = arith.constant 128 : index
          %swap3A_1142 = tpu.vector_load %arg7[%swap3A_1140, %swap3A_1141] {strides = array<i32>} : memref<321x144xf32, #tpu.memory_space<vmem>>, vector<16xf32>,
          tpu.vector_store %arg7[%swap3A_1140, %swap3A_1141], %max3A_1139 {strides = array<i32>} : memref<321x144xf32, #tpu.memory_space<vmem>>, vector<16xf32>,
          %eq3A_1143 = arith.constant 9 : i32
          %eq3A_1144 = vector.broadcast %eq3A_1143 : i32 to vector<16xi32>
          %eq3A_1145 = arith.cmpi eq, %iota3A, %eq3A_1144 : vector<16xi32>
          %jit3A_1146 = arith.constant 0 : i32
          %broadcast_in_dim3A_1147 = vector.broadcast %jit3A_1146 : i32 to vector<16xi32>
          %select_n3A_1148 = arith.select %eq3A_1145, %get3A_174, %broadcast_in_dim3A_1147 : vector<16xi1>, vector<16xi32>
          %reduce_max3A_1149 = arith.constant true
          %reduce_max3A_1150 = vector.broadcast %reduce_max3A_1149 : i1 to vector<16xi1>
          %reduce_max3A_1151 = arith.constant -2147483648 : i32
          %reduce_max3A_1152 = vector.broadcast %reduce_max3A_1151 : i32 to vector<16xi32>
          %reduce_max3A_1153 = arith.xori %select_n3A_1148, %reduce_max3A_1152 : vector<16xi32>
          %reduce_max3A_1154 = tpu.scan <max>, %reduce_max3A_1153 masked %reduce_max3A_1150 : vector<16xi32>, vector<16xi1> -> vector<16xi32>
          %reduce_max3A_1155 = arith.xori %reduce_max3A_1154, %reduce_max3A_1152 : vector<16xi32>
          %reduce_max3A_1156 = vector.extract %reduce_max3A_1155[15] : i32 from vector<16xi32>
          %mul3A_1157 = arith.constant 16 : i32
          %mul3A_1158 = arith.muli %scan3A_168, %mul3A_1157 : i32
          %add3A_1159 = arith.constant 9 : i32
          %add3A_1160 = arith.addi %mul3A_1158, %add3A_1159 : i32
          %get3A_1161 = arith.index_cast %reduce_max3A_1156 : i32 to index
          %get3A_1162 = arith.constant 0 : index
          %get3A_1163 = tpu.vector_load %arg7[%get3A_1161, %get3A_1162] {strides = array<i32>} : memref<321x144xf32, #tpu.memory_space<vmem>>, vector<16xf32>,
          %get3A_1164 = arith.index_cast %add3A_1160 : i32 to index
          %get3A_1165 = arith.constant 0 : index
          %get3A_1166 = tpu.vector_load %arg12[%get3A_1164, %get3A_1165] {strides = array<i32>} : memref<128x144xf32, #tpu.memory_space<vmem>>, vector<16xf32>,
          %max3A_1167 = arith.maximumf %get3A_1163, %get3A_1166 : vector<16xf32>
          %swap3A_1168 = arith.index_cast %reduce_max3A_1156 : i32 to index
          %swap3A_1169 = arith.constant 0 : index
          %swap3A_1170 = tpu.vector_load %arg7[%swap3A_1168, %swap3A_1169] {strides = array<i32>} : memref<321x144xf32, #tpu.memory_space<vmem>>, vector<16xf32>,
          tpu.vector_store %arg7[%swap3A_1168, %swap3A_1169], %max3A_1167 {strides = array<i32>} : memref<321x144xf32, #tpu.memory_space<vmem>>, vector<16xf32>,
          %get3A_1171 = arith.index_cast %reduce_max3A_1156 : i32 to index
          %get3A_1172 = arith.constant 16 : index
          %get3A_1173 = tpu.vector_load %arg7[%get3A_1171, %get3A_1172] {strides = array<i32>} : memref<321x144xf32, #tpu.memory_space<vmem>>, vector<16xf32>,
          %get3A_1174 = arith.index_cast %add3A_1160 : i32 to index
          %get3A_1175 = arith.constant 16 : index
          %get3A_1176 = tpu.vector_load %arg12[%get3A_1174, %get3A_1175] {strides = array<i32>} : memref<128x144xf32, #tpu.memory_space<vmem>>, vector<16xf32>,
          %max3A_1177 = arith.maximumf %get3A_1173, %get3A_1176 : vector<16xf32>
          %swap3A_1178 = arith.index_cast %reduce_max3A_1156 : i32 to index
          %swap3A_1179 = arith.constant 16 : index
          %swap3A_1180 = tpu.vector_load %arg7[%swap3A_1178, %swap3A_1179] {strides = array<i32>} : memref<321x144xf32, #tpu.memory_space<vmem>>, vector<16xf32>,
          tpu.vector_store %arg7[%swap3A_1178, %swap3A_1179], %max3A_1177 {strides = array<i32>} : memref<321x144xf32, #tpu.memory_space<vmem>>, vector<16xf32>,
          %get3A_1181 = arith.index_cast %reduce_max3A_1156 : i32 to index
          %get3A_1182 = arith.constant 32 : index
          %get3A_1183 = tpu.vector_load %arg7[%get3A_1181, %get3A_1182] {strides = array<i32>} : memref<321x144xf32, #tpu.memory_space<vmem>>, vector<16xf32>,
          %get3A_1184 = arith.index_cast %add3A_1160 : i32 to index
          %get3A_1185 = arith.constant 32 : index
          %get3A_1186 = tpu.vector_load %arg12[%get3A_1184, %get3A_1185] {strides = array<i32>} : memref<128x144xf32, #tpu.memory_space<vmem>>, vector<16xf32>,
          %max3A_1187 = arith.maximumf %get3A_1183, %get3A_1186 : vector<16xf32>
          %swap3A_1188 = arith.index_cast %reduce_max3A_1156 : i32 to index
          %swap3A_1189 = arith.constant 32 : index
          %swap3A_1190 = tpu.vector_load %arg7[%swap3A_1188, %swap3A_1189] {strides = array<i32>} : memref<321x144xf32, #tpu.memory_space<vmem>>, vector<16xf32>,
          tpu.vector_store %arg7[%swap3A_1188, %swap3A_1189], %max3A_1187 {strides = array<i32>} : memref<321x144xf32, #tpu.memory_space<vmem>>, vector<16xf32>,
          %get3A_1191 = arith.index_cast %reduce_max3A_1156 : i32 to index
          %get3A_1192 = arith.constant 48 : index
          %get3A_1193 = tpu.vector_load %arg7[%get3A_1191, %get3A_1192] {strides = array<i32>} : memref<321x144xf32, #tpu.memory_space<vmem>>, vector<16xf32>,
          %get3A_1194 = arith.index_cast %add3A_1160 : i32 to index
          %get3A_1195 = arith.constant 48 : index
          %get3A_1196 = tpu.vector_load %arg12[%get3A_1194, %get3A_1195] {strides = array<i32>} : memref<128x144xf32, #tpu.memory_space<vmem>>, vector<16xf32>,
          %max3A_1197 = arith.maximumf %get3A_1193, %get3A_1196 : vector<16xf32>
          %swap3A_1198 = arith.index_cast %reduce_max3A_1156 : i32 to index
          %swap3A_1199 = arith.constant 48 : index
          %swap3A_1200 = tpu.vector_load %arg7[%swap3A_1198, %swap3A_1199] {strides = array<i32>} : memref<321x144xf32, #tpu.memory_space<vmem>>, vector<16xf32>,
          tpu.vector_store %arg7[%swap3A_1198, %swap3A_1199], %max3A_1197 {strides = array<i32>} : memref<321x144xf32, #tpu.memory_space<vmem>>, vector<16xf32>,
          %get3A_1201 = arith.index_cast %reduce_max3A_1156 : i32 to index
          %get3A_1202 = arith.constant 64 : index
          %get3A_1203 = tpu.vector_load %arg7[%get3A_1201, %get3A_1202] {strides = array<i32>} : memref<321x144xf32, #tpu.memory_space<vmem>>, vector<16xf32>,
          %get3A_1204 = arith.index_cast %add3A_1160 : i32 to index
          %get3A_1205 = arith.constant 64 : index
          %get3A_1206 = tpu.vector_load %arg12[%get3A_1204, %get3A_1205] {strides = array<i32>} : memref<128x144xf32, #tpu.memory_space<vmem>>, vector<16xf32>,
          %max3A_1207 = arith.maximumf %get3A_1203, %get3A_1206 : vector<16xf32>
          %swap3A_1208 = arith.index_cast %reduce_max3A_1156 : i32 to index
          %swap3A_1209 = arith.constant 64 : index
          %swap3A_1210 = tpu.vector_load %arg7[%swap3A_1208, %swap3A_1209] {strides = array<i32>} : memref<321x144xf32, #tpu.memory_space<vmem>>, vector<16xf32>,
          tpu.vector_store %arg7[%swap3A_1208, %swap3A_1209], %max3A_1207 {strides = array<i32>} : memref<321x144xf32, #tpu.memory_space<vmem>>, vector<16xf32>,
          %get3A_1211 = arith.index_cast %reduce_max3A_1156 : i32 to index
          %get3A_1212 = arith.constant 80 : index
          %get3A_1213 = tpu.vector_load %arg7[%get3A_1211, %get3A_1212] {strides = array<i32>} : memref<321x144xf32, #tpu.memory_space<vmem>>, vector<16xf32>,
          %get3A_1214 = arith.index_cast %add3A_1160 : i32 to index
          %get3A_1215 = arith.constant 80 : index
          %get3A_1216 = tpu.vector_load %arg12[%get3A_1214, %get3A_1215] {strides = array<i32>} : memref<128x144xf32, #tpu.memory_space<vmem>>, vector<16xf32>,
          %max3A_1217 = arith.maximumf %get3A_1213, %get3A_1216 : vector<16xf32>
          %swap3A_1218 = arith.index_cast %reduce_max3A_1156 : i32 to index
          %swap3A_1219 = arith.constant 80 : index
          %swap3A_1220 = tpu.vector_load %arg7[%swap3A_1218, %swap3A_1219] {strides = array<i32>} : memref<321x144xf32, #tpu.memory_space<vmem>>, vector<16xf32>,
          tpu.vector_store %arg7[%swap3A_1218, %swap3A_1219], %max3A_1217 {strides = array<i32>} : memref<321x144xf32, #tpu.memory_space<vmem>>, vector<16xf32>,
          %get3A_1221 = arith.index_cast %reduce_max3A_1156 : i32 to index
          %get3A_1222 = arith.constant 96 : index
          %get3A_1223 = tpu.vector_load %arg7[%get3A_1221, %get3A_1222] {strides = array<i32>} : memref<321x144xf32, #tpu.memory_space<vmem>>, vector<16xf32>,
          %get3A_1224 = arith.index_cast %add3A_1160 : i32 to index
          %get3A_1225 = arith.constant 96 : index
          %get3A_1226 = tpu.vector_load %arg12[%get3A_1224, %get3A_1225] {strides = array<i32>} : memref<128x144xf32, #tpu.memory_space<vmem>>, vector<16xf32>,
          %max3A_1227 = arith.maximumf %get3A_1223, %get3A_1226 : vector<16xf32>
          %swap3A_1228 = arith.index_cast %reduce_max3A_1156 : i32 to index
          %swap3A_1229 = arith.constant 96 : index
          %swap3A_1230 = tpu.vector_load %arg7[%swap3A_1228, %swap3A_1229] {strides = array<i32>} : memref<321x144xf32, #tpu.memory_space<vmem>>, vector<16xf32>,
          tpu.vector_store %arg7[%swap3A_1228, %swap3A_1229], %max3A_1227 {strides = array<i32>} : memref<321x144xf32, #tpu.memory_space<vmem>>, vector<16xf32>,
          %get3A_1231 = arith.index_cast %reduce_max3A_1156 : i32 to index
          %get3A_1232 = arith.constant 112 : index
          %get3A_1233 = tpu.vector_load %arg7[%get3A_1231, %get3A_1232] {strides = array<i32>} : memref<321x144xf32, #tpu.memory_space<vmem>>, vector<16xf32>,
          %get3A_1234 = arith.index_cast %add3A_1160 : i32 to index
          %get3A_1235 = arith.constant 112 : index
          %get3A_1236 = tpu.vector_load %arg12[%get3A_1234, %get3A_1235] {strides = array<i32>} : memref<128x144xf32, #tpu.memory_space<vmem>>, vector<16xf32>,
          %max3A_1237 = arith.maximumf %get3A_1233, %get3A_1236 : vector<16xf32>
          %swap3A_1238 = arith.index_cast %reduce_max3A_1156 : i32 to index
          %swap3A_1239 = arith.constant 112 : index
          %swap3A_1240 = tpu.vector_load %arg7[%swap3A_1238, %swap3A_1239] {strides = array<i32>} : memref<321x144xf32, #tpu.memory_space<vmem>>, vector<16xf32>,
          tpu.vector_store %arg7[%swap3A_1238, %swap3A_1239], %max3A_1237 {strides = array<i32>} : memref<321x144xf32, #tpu.memory_space<vmem>>, vector<16xf32>,
          %get3A_1241 = arith.index_cast %reduce_max3A_1156 : i32 to index
          %get3A_1242 = arith.constant 128 : index
          %get3A_1243 = tpu.vector_load %arg7[%get3A_1241, %get3A_1242] {strides = array<i32>} : memref<321x144xf32, #tpu.memory_space<vmem>>, vector<16xf32>,
          %get3A_1244 = arith.index_cast %add3A_1160 : i32 to index
          %get3A_1245 = arith.constant 128 : index
          %get3A_1246 = tpu.vector_load %arg12[%get3A_1244, %get3A_1245] {strides = array<i32>} : memref<128x144xf32, #tpu.memory_space<vmem>>, vector<16xf32>,
          %max3A_1247 = arith.maximumf %get3A_1243, %get3A_1246 : vector<16xf32>
          %swap3A_1248 = arith.index_cast %reduce_max3A_1156 : i32 to index
          %swap3A_1249 = arith.constant 128 : index
          %swap3A_1250 = tpu.vector_load %arg7[%swap3A_1248, %swap3A_1249] {strides = array<i32>} : memref<321x144xf32, #tpu.memory_space<vmem>>, vector<16xf32>,
          tpu.vector_store %arg7[%swap3A_1248, %swap3A_1249], %max3A_1247 {strides = array<i32>} : memref<321x144xf32, #tpu.memory_space<vmem>>, vector<16xf32>,
          %eq3A_1251 = arith.constant 10 : i32
          %eq3A_1252 = vector.broadcast %eq3A_1251 : i32 to vector<16xi32>
          %eq3A_1253 = arith.cmpi eq, %iota3A, %eq3A_1252 : vector<16xi32>
          %jit3A_1254 = arith.constant 0 : i32
          %broadcast_in_dim3A_1255 = vector.broadcast %jit3A_1254 : i32 to vector<16xi32>
          %select_n3A_1256 = arith.select %eq3A_1253, %get3A_174, %broadcast_in_dim3A_1255 : vector<16xi1>, vector<16xi32>
          %reduce_max3A_1257 = arith.constant true
          %reduce_max3A_1258 = vector.broadcast %reduce_max3A_1257 : i1 to vector<16xi1>
          %reduce_max3A_1259 = arith.constant -2147483648 : i32
          %reduce_max3A_1260 = vector.broadcast %reduce_max3A_1259 : i32 to vector<16xi32>
          %reduce_max3A_1261 = arith.xori %select_n3A_1256, %reduce_max3A_1260 : vector<16xi32>
          %reduce_max3A_1262 = tpu.scan <max>, %reduce_max3A_1261 masked %reduce_max3A_1258 : vector<16xi32>, vector<16xi1> -> vector<16xi32>
          %reduce_max3A_1263 = arith.xori %reduce_max3A_1262, %reduce_max3A_1260 : vector<16xi32>
          %reduce_max3A_1264 = vector.extract %reduce_max3A_1263[15] : i32 from vector<16xi32>
          %mul3A_1265 = arith.constant 16 : i32
          %mul3A_1266 = arith.muli %scan3A_168, %mul3A_1265 : i32
          %add3A_1267 = arith.constant 10 : i32
          %add3A_1268 = arith.addi %mul3A_1266, %add3A_1267 : i32
          %get3A_1269 = arith.index_cast %reduce_max3A_1264 : i32 to index
          %get3A_1270 = arith.constant 0 : index
          %get3A_1271 = tpu.vector_load %arg7[%get3A_1269, %get3A_1270] {strides = array<i32>} : memref<321x144xf32, #tpu.memory_space<vmem>>, vector<16xf32>,
          %get3A_1272 = arith.index_cast %add3A_1268 : i32 to index
          %get3A_1273 = arith.constant 0 : index
          %get3A_1274 = tpu.vector_load %arg12[%get3A_1272, %get3A_1273] {strides = array<i32>} : memref<128x144xf32, #tpu.memory_space<vmem>>, vector<16xf32>,
          %max3A_1275 = arith.maximumf %get3A_1271, %get3A_1274 : vector<16xf32>
          %swap3A_1276 = arith.index_cast %reduce_max3A_1264 : i32 to index
          %swap3A_1277 = arith.constant 0 : index
          %swap3A_1278 = tpu.vector_load %arg7[%swap3A_1276, %swap3A_1277] {strides = array<i32>} : memref<321x144xf32, #tpu.memory_space<vmem>>, vector<16xf32>,
          tpu.vector_store %arg7[%swap3A_1276, %swap3A_1277], %max3A_1275 {strides = array<i32>} : memref<321x144xf32, #tpu.memory_space<vmem>>, vector<16xf32>,
          %get3A_1279 = arith.index_cast %reduce_max3A_1264 : i32 to index
          %get3A_1280 = arith.constant 16 : index
          %get3A_1281 = tpu.vector_load %arg7[%get3A_1279, %get3A_1280] {strides = array<i32>} : memref<321x144xf32, #tpu.memory_space<vmem>>, vector<16xf32>,
          %get3A_1282 = arith.index_cast %add3A_1268 : i32 to index
          %get3A_1283 = arith.constant 16 : index
          %get3A_1284 = tpu.vector_load %arg12[%get3A_1282, %get3A_1283] {strides = array<i32>} : memref<128x144xf32, #tpu.memory_space<vmem>>, vector<16xf32>,
          %max3A_1285 = arith.maximumf %get3A_1281, %get3A_1284 : vector<16xf32>
          %swap3A_1286 = arith.index_cast %reduce_max3A_1264 : i32 to index
          %swap3A_1287 = arith.constant 16 : index
          %swap3A_1288 = tpu.vector_load %arg7[%swap3A_1286, %swap3A_1287] {strides = array<i32>} : memref<321x144xf32, #tpu.memory_space<vmem>>, vector<16xf32>,
          tpu.vector_store %arg7[%swap3A_1286, %swap3A_1287], %max3A_1285 {strides = array<i32>} : memref<321x144xf32, #tpu.memory_space<vmem>>, vector<16xf32>,
          %get3A_1289 = arith.index_cast %reduce_max3A_1264 : i32 to index
          %get3A_1290 = arith.constant 32 : index
          %get3A_1291 = tpu.vector_load %arg7[%get3A_1289, %get3A_1290] {strides = array<i32>} : memref<321x144xf32, #tpu.memory_space<vmem>>, vector<16xf32>,
          %get3A_1292 = arith.index_cast %add3A_1268 : i32 to index
          %get3A_1293 = arith.constant 32 : index
          %get3A_1294 = tpu.vector_load %arg12[%get3A_1292, %get3A_1293] {strides = array<i32>} : memref<128x144xf32, #tpu.memory_space<vmem>>, vector<16xf32>,
          %max3A_1295 = arith.maximumf %get3A_1291, %get3A_1294 : vector<16xf32>
          %swap3A_1296 = arith.index_cast %reduce_max3A_1264 : i32 to index
          %swap3A_1297 = arith.constant 32 : index
          %swap3A_1298 = tpu.vector_load %arg7[%swap3A_1296, %swap3A_1297] {strides = array<i32>} : memref<321x144xf32, #tpu.memory_space<vmem>>, vector<16xf32>,
          tpu.vector_store %arg7[%swap3A_1296, %swap3A_1297], %max3A_1295 {strides = array<i32>} : memref<321x144xf32, #tpu.memory_space<vmem>>, vector<16xf32>,
          %get3A_1299 = arith.index_cast %reduce_max3A_1264 : i32 to index
          %get3A_1300 = arith.constant 48 : index
          %get3A_1301 = tpu.vector_load %arg7[%get3A_1299, %get3A_1300] {strides = array<i32>} : memref<321x144xf32, #tpu.memory_space<vmem>>, vector<16xf32>,
          %get3A_1302 = arith.index_cast %add3A_1268 : i32 to index
          %get3A_1303 = arith.constant 48 : index
          %get3A_1304 = tpu.vector_load %arg12[%get3A_1302, %get3A_1303] {strides = array<i32>} : memref<128x144xf32, #tpu.memory_space<vmem>>, vector<16xf32>,
          %max3A_1305 = arith.maximumf %get3A_1301, %get3A_1304 : vector<16xf32>
          %swap3A_1306 = arith.index_cast %reduce_max3A_1264 : i32 to index
          %swap3A_1307 = arith.constant 48 : index
          %swap3A_1308 = tpu.vector_load %arg7[%swap3A_1306, %swap3A_1307] {strides = array<i32>} : memref<321x144xf32, #tpu.memory_space<vmem>>, vector<16xf32>,
          tpu.vector_store %arg7[%swap3A_1306, %swap3A_1307], %max3A_1305 {strides = array<i32>} : memref<321x144xf32, #tpu.memory_space<vmem>>, vector<16xf32>,
          %get3A_1309 = arith.index_cast %reduce_max3A_1264 : i32 to index
          %get3A_1310 = arith.constant 64 : index
          %get3A_1311 = tpu.vector_load %arg7[%get3A_1309, %get3A_1310] {strides = array<i32>} : memref<321x144xf32, #tpu.memory_space<vmem>>, vector<16xf32>,
          %get3A_1312 = arith.index_cast %add3A_1268 : i32 to index
          %get3A_1313 = arith.constant 64 : index
          %get3A_1314 = tpu.vector_load %arg12[%get3A_1312, %get3A_1313] {strides = array<i32>} : memref<128x144xf32, #tpu.memory_space<vmem>>, vector<16xf32>,
          %max3A_1315 = arith.maximumf %get3A_1311, %get3A_1314 : vector<16xf32>
          %swap3A_1316 = arith.index_cast %reduce_max3A_1264 : i32 to index
          %swap3A_1317 = arith.constant 64 : index
          %swap3A_1318 = tpu.vector_load %arg7[%swap3A_1316, %swap3A_1317] {strides = array<i32>} : memref<321x144xf32, #tpu.memory_space<vmem>>, vector<16xf32>,
          tpu.vector_store %arg7[%swap3A_1316, %swap3A_1317], %max3A_1315 {strides = array<i32>} : memref<321x144xf32, #tpu.memory_space<vmem>>, vector<16xf32>,
          %get3A_1319 = arith.index_cast %reduce_max3A_1264 : i32 to index
          %get3A_1320 = arith.constant 80 : index
          %get3A_1321 = tpu.vector_load %arg7[%get3A_1319, %get3A_1320] {strides = array<i32>} : memref<321x144xf32, #tpu.memory_space<vmem>>, vector<16xf32>,
          %get3A_1322 = arith.index_cast %add3A_1268 : i32 to index
          %get3A_1323 = arith.constant 80 : index
          %get3A_1324 = tpu.vector_load %arg12[%get3A_1322, %get3A_1323] {strides = array<i32>} : memref<128x144xf32, #tpu.memory_space<vmem>>, vector<16xf32>,
          %max3A_1325 = arith.maximumf %get3A_1321, %get3A_1324 : vector<16xf32>
          %swap3A_1326 = arith.index_cast %reduce_max3A_1264 : i32 to index
          %swap3A_1327 = arith.constant 80 : index
          %swap3A_1328 = tpu.vector_load %arg7[%swap3A_1326, %swap3A_1327] {strides = array<i32>} : memref<321x144xf32, #tpu.memory_space<vmem>>, vector<16xf32>,
          tpu.vector_store %arg7[%swap3A_1326, %swap3A_1327], %max3A_1325 {strides = array<i32>} : memref<321x144xf32, #tpu.memory_space<vmem>>, vector<16xf32>,
          %get3A_1329 = arith.index_cast %reduce_max3A_1264 : i32 to index
          %get3A_1330 = arith.constant 96 : index
          %get3A_1331 = tpu.vector_load %arg7[%get3A_1329, %get3A_1330] {strides = array<i32>} : memref<321x144xf32, #tpu.memory_space<vmem>>, vector<16xf32>,
          %get3A_1332 = arith.index_cast %add3A_1268 : i32 to index
          %get3A_1333 = arith.constant 96 : index
          %get3A_1334 = tpu.vector_load %arg12[%get3A_1332, %get3A_1333] {strides = array<i32>} : memref<128x144xf32, #tpu.memory_space<vmem>>, vector<16xf32>,
          %max3A_1335 = arith.maximumf %get3A_1331, %get3A_1334 : vector<16xf32>
          %swap3A_1336 = arith.index_cast %reduce_max3A_1264 : i32 to index
          %swap3A_1337 = arith.constant 96 : index
          %swap3A_1338 = tpu.vector_load %arg7[%swap3A_1336, %swap3A_1337] {strides = array<i32>} : memref<321x144xf32, #tpu.memory_space<vmem>>, vector<16xf32>,
          tpu.vector_store %arg7[%swap3A_1336, %swap3A_1337], %max3A_1335 {strides = array<i32>} : memref<321x144xf32, #tpu.memory_space<vmem>>, vector<16xf32>,
          %get3A_1339 = arith.index_cast %reduce_max3A_1264 : i32 to index
          %get3A_1340 = arith.constant 112 : index
          %get3A_1341 = tpu.vector_load %arg7[%get3A_1339, %get3A_1340] {strides = array<i32>} : memref<321x144xf32, #tpu.memory_space<vmem>>, vector<16xf32>,
          %get3A_1342 = arith.index_cast %add3A_1268 : i32 to index
          %get3A_1343 = arith.constant 112 : index
          %get3A_1344 = tpu.vector_load %arg12[%get3A_1342, %get3A_1343] {strides = array<i32>} : memref<128x144xf32, #tpu.memory_space<vmem>>, vector<16xf32>,
          %max3A_1345 = arith.maximumf %get3A_1341, %get3A_1344 : vector<16xf32>
          %swap3A_1346 = arith.index_cast %reduce_max3A_1264 : i32 to index
          %swap3A_1347 = arith.constant 112 : index
          %swap3A_1348 = tpu.vector_load %arg7[%swap3A_1346, %swap3A_1347] {strides = array<i32>} : memref<321x144xf32, #tpu.memory_space<vmem>>, vector<16xf32>,
          tpu.vector_store %arg7[%swap3A_1346, %swap3A_1347], %max3A_1345 {strides = array<i32>} : memref<321x144xf32, #tpu.memory_space<vmem>>, vector<16xf32>,
          %get3A_1349 = arith.index_cast %reduce_max3A_1264 : i32 to index
          %get3A_1350 = arith.constant 128 : index
          %get3A_1351 = tpu.vector_load %arg7[%get3A_1349, %get3A_1350] {strides = array<i32>} : memref<321x144xf32, #tpu.memory_space<vmem>>, vector<16xf32>,
          %get3A_1352 = arith.index_cast %add3A_1268 : i32 to index
          %get3A_1353 = arith.constant 128 : index
          %get3A_1354 = tpu.vector_load %arg12[%get3A_1352, %get3A_1353] {strides = array<i32>} : memref<128x144xf32, #tpu.memory_space<vmem>>, vector<16xf32>,
          %max3A_1355 = arith.maximumf %get3A_1351, %get3A_1354 : vector<16xf32>
          %swap3A_1356 = arith.index_cast %reduce_max3A_1264 : i32 to index
          %swap3A_1357 = arith.constant 128 : index
          %swap3A_1358 = tpu.vector_load %arg7[%swap3A_1356, %swap3A_1357] {strides = array<i32>} : memref<321x144xf32, #tpu.memory_space<vmem>>, vector<16xf32>,
          tpu.vector_store %arg7[%swap3A_1356, %swap3A_1357], %max3A_1355 {strides = array<i32>} : memref<321x144xf32, #tpu.memory_space<vmem>>, vector<16xf32>,
          %eq3A_1359 = arith.constant 11 : i32
          %eq3A_1360 = vector.broadcast %eq3A_1359 : i32 to vector<16xi32>
          %eq3A_1361 = arith.cmpi eq, %iota3A, %eq3A_1360 : vector<16xi32>
          %jit3A_1362 = arith.constant 0 : i32
          %broadcast_in_dim3A_1363 = vector.broadcast %jit3A_1362 : i32 to vector<16xi32>
          %select_n3A_1364 = arith.select %eq3A_1361, %get3A_174, %broadcast_in_dim3A_1363 : vector<16xi1>, vector<16xi32>
          %reduce_max3A_1365 = arith.constant true
          %reduce_max3A_1366 = vector.broadcast %reduce_max3A_1365 : i1 to vector<16xi1>
          %reduce_max3A_1367 = arith.constant -2147483648 : i32
          %reduce_max3A_1368 = vector.broadcast %reduce_max3A_1367 : i32 to vector<16xi32>
          %reduce_max3A_1369 = arith.xori %select_n3A_1364, %reduce_max3A_1368 : vector<16xi32>
          %reduce_max3A_1370 = tpu.scan <max>, %reduce_max3A_1369 masked %reduce_max3A_1366 : vector<16xi32>, vector<16xi1> -> vector<16xi32>
          %reduce_max3A_1371 = arith.xori %reduce_max3A_1370, %reduce_max3A_1368 : vector<16xi32>
          %reduce_max3A_1372 = vector.extract %reduce_max3A_1371[15] : i32 from vector<16xi32>
          %mul3A_1373 = arith.constant 16 : i32
          %mul3A_1374 = arith.muli %scan3A_168, %mul3A_1373 : i32
          %add3A_1375 = arith.constant 11 : i32
          %add3A_1376 = arith.addi %mul3A_1374, %add3A_1375 : i32
          %get3A_1377 = arith.index_cast %reduce_max3A_1372 : i32 to index
          %get3A_1378 = arith.constant 0 : index
          %get3A_1379 = tpu.vector_load %arg7[%get3A_1377, %get3A_1378] {strides = array<i32>} : memref<321x144xf32, #tpu.memory_space<vmem>>, vector<16xf32>,
          %get3A_1380 = arith.index_cast %add3A_1376 : i32 to index
          %get3A_1381 = arith.constant 0 : index
          %get3A_1382 = tpu.vector_load %arg12[%get3A_1380, %get3A_1381] {strides = array<i32>} : memref<128x144xf32, #tpu.memory_space<vmem>>, vector<16xf32>,
          %max3A_1383 = arith.maximumf %get3A_1379, %get3A_1382 : vector<16xf32>
          %swap3A_1384 = arith.index_cast %reduce_max3A_1372 : i32 to index
          %swap3A_1385 = arith.constant 0 : index
          %swap3A_1386 = tpu.vector_load %arg7[%swap3A_1384, %swap3A_1385] {strides = array<i32>} : memref<321x144xf32, #tpu.memory_space<vmem>>, vector<16xf32>,
          tpu.vector_store %arg7[%swap3A_1384, %swap3A_1385], %max3A_1383 {strides = array<i32>} : memref<321x144xf32, #tpu.memory_space<vmem>>, vector<16xf32>,
          %get3A_1387 = arith.index_cast %reduce_max3A_1372 : i32 to index
          %get3A_1388 = arith.constant 16 : index
          %get3A_1389 = tpu.vector_load %arg7[%get3A_1387, %get3A_1388] {strides = array<i32>} : memref<321x144xf32, #tpu.memory_space<vmem>>, vector<16xf32>,
          %get3A_1390 = arith.index_cast %add3A_1376 : i32 to index
          %get3A_1391 = arith.constant 16 : index
          %get3A_1392 = tpu.vector_load %arg12[%get3A_1390, %get3A_1391] {strides = array<i32>} : memref<128x144xf32, #tpu.memory_space<vmem>>, vector<16xf32>,
          %max3A_1393 = arith.maximumf %get3A_1389, %get3A_1392 : vector<16xf32>
          %swap3A_1394 = arith.index_cast %reduce_max3A_1372 : i32 to index
          %swap3A_1395 = arith.constant 16 : index
          %swap3A_1396 = tpu.vector_load %arg7[%swap3A_1394, %swap3A_1395] {strides = array<i32>} : memref<321x144xf32, #tpu.memory_space<vmem>>, vector<16xf32>,
          tpu.vector_store %arg7[%swap3A_1394, %swap3A_1395], %max3A_1393 {strides = array<i32>} : memref<321x144xf32, #tpu.memory_space<vmem>>, vector<16xf32>,
          %get3A_1397 = arith.index_cast %reduce_max3A_1372 : i32 to index
          %get3A_1398 = arith.constant 32 : index
          %get3A_1399 = tpu.vector_load %arg7[%get3A_1397, %get3A_1398] {strides = array<i32>} : memref<321x144xf32, #tpu.memory_space<vmem>>, vector<16xf32>,
          %get3A_1400 = arith.index_cast %add3A_1376 : i32 to index
          %get3A_1401 = arith.constant 32 : index
          %get3A_1402 = tpu.vector_load %arg12[%get3A_1400, %get3A_1401] {strides = array<i32>} : memref<128x144xf32, #tpu.memory_space<vmem>>, vector<16xf32>,
          %max3A_1403 = arith.maximumf %get3A_1399, %get3A_1402 : vector<16xf32>
          %swap3A_1404 = arith.index_cast %reduce_max3A_1372 : i32 to index
          %swap3A_1405 = arith.constant 32 : index
          %swap3A_1406 = tpu.vector_load %arg7[%swap3A_1404, %swap3A_1405] {strides = array<i32>} : memref<321x144xf32, #tpu.memory_space<vmem>>, vector<16xf32>,
          tpu.vector_store %arg7[%swap3A_1404, %swap3A_1405], %max3A_1403 {strides = array<i32>} : memref<321x144xf32, #tpu.memory_space<vmem>>, vector<16xf32>,
          %get3A_1407 = arith.index_cast %reduce_max3A_1372 : i32 to index
          %get3A_1408 = arith.constant 48 : index
          %get3A_1409 = tpu.vector_load %arg7[%get3A_1407, %get3A_1408] {strides = array<i32>} : memref<321x144xf32, #tpu.memory_space<vmem>>, vector<16xf32>,
          %get3A_1410 = arith.index_cast %add3A_1376 : i32 to index
          %get3A_1411 = arith.constant 48 : index
          %get3A_1412 = tpu.vector_load %arg12[%get3A_1410, %get3A_1411] {strides = array<i32>} : memref<128x144xf32, #tpu.memory_space<vmem>>, vector<16xf32>,
          %max3A_1413 = arith.maximumf %get3A_1409, %get3A_1412 : vector<16xf32>
          %swap3A_1414 = arith.index_cast %reduce_max3A_1372 : i32 to index
          %swap3A_1415 = arith.constant 48 : index
          %swap3A_1416 = tpu.vector_load %arg7[%swap3A_1414, %swap3A_1415] {strides = array<i32>} : memref<321x144xf32, #tpu.memory_space<vmem>>, vector<16xf32>,
          tpu.vector_store %arg7[%swap3A_1414, %swap3A_1415], %max3A_1413 {strides = array<i32>} : memref<321x144xf32, #tpu.memory_space<vmem>>, vector<16xf32>,
          %get3A_1417 = arith.index_cast %reduce_max3A_1372 : i32 to index
          %get3A_1418 = arith.constant 64 : index
          %get3A_1419 = tpu.vector_load %arg7[%get3A_1417, %get3A_1418] {strides = array<i32>} : memref<321x144xf32, #tpu.memory_space<vmem>>, vector<16xf32>,
          %get3A_1420 = arith.index_cast %add3A_1376 : i32 to index
          %get3A_1421 = arith.constant 64 : index
          %get3A_1422 = tpu.vector_load %arg12[%get3A_1420, %get3A_1421] {strides = array<i32>} : memref<128x144xf32, #tpu.memory_space<vmem>>, vector<16xf32>,
          %max3A_1423 = arith.maximumf %get3A_1419, %get3A_1422 : vector<16xf32>
          %swap3A_1424 = arith.index_cast %reduce_max3A_1372 : i32 to index
          %swap3A_1425 = arith.constant 64 : index
          %swap3A_1426 = tpu.vector_load %arg7[%swap3A_1424, %swap3A_1425] {strides = array<i32>} : memref<321x144xf32, #tpu.memory_space<vmem>>, vector<16xf32>,
          tpu.vector_store %arg7[%swap3A_1424, %swap3A_1425], %max3A_1423 {strides = array<i32>} : memref<321x144xf32, #tpu.memory_space<vmem>>, vector<16xf32>,
          %get3A_1427 = arith.index_cast %reduce_max3A_1372 : i32 to index
          %get3A_1428 = arith.constant 80 : index
          %get3A_1429 = tpu.vector_load %arg7[%get3A_1427, %get3A_1428] {strides = array<i32>} : memref<321x144xf32, #tpu.memory_space<vmem>>, vector<16xf32>,
          %get3A_1430 = arith.index_cast %add3A_1376 : i32 to index
          %get3A_1431 = arith.constant 80 : index
          %get3A_1432 = tpu.vector_load %arg12[%get3A_1430, %get3A_1431] {strides = array<i32>} : memref<128x144xf32, #tpu.memory_space<vmem>>, vector<16xf32>,
          %max3A_1433 = arith.maximumf %get3A_1429, %get3A_1432 : vector<16xf32>
          %swap3A_1434 = arith.index_cast %reduce_max3A_1372 : i32 to index
          %swap3A_1435 = arith.constant 80 : index
          %swap3A_1436 = tpu.vector_load %arg7[%swap3A_1434, %swap3A_1435] {strides = array<i32>} : memref<321x144xf32, #tpu.memory_space<vmem>>, vector<16xf32>,
          tpu.vector_store %arg7[%swap3A_1434, %swap3A_1435], %max3A_1433 {strides = array<i32>} : memref<321x144xf32, #tpu.memory_space<vmem>>, vector<16xf32>,
          %get3A_1437 = arith.index_cast %reduce_max3A_1372 : i32 to index
          %get3A_1438 = arith.constant 96 : index
          %get3A_1439 = tpu.vector_load %arg7[%get3A_1437, %get3A_1438] {strides = array<i32>} : memref<321x144xf32, #tpu.memory_space<vmem>>, vector<16xf32>,
          %get3A_1440 = arith.index_cast %add3A_1376 : i32 to index
          %get3A_1441 = arith.constant 96 : index
          %get3A_1442 = tpu.vector_load %arg12[%get3A_1440, %get3A_1441] {strides = array<i32>} : memref<128x144xf32, #tpu.memory_space<vmem>>, vector<16xf32>,
          %max3A_1443 = arith.maximumf %get3A_1439, %get3A_1442 : vector<16xf32>
          %swap3A_1444 = arith.index_cast %reduce_max3A_1372 : i32 to index
          %swap3A_1445 = arith.constant 96 : index
          %swap3A_1446 = tpu.vector_load %arg7[%swap3A_1444, %swap3A_1445] {strides = array<i32>} : memref<321x144xf32, #tpu.memory_space<vmem>>, vector<16xf32>,
          tpu.vector_store %arg7[%swap3A_1444, %swap3A_1445], %max3A_1443 {strides = array<i32>} : memref<321x144xf32, #tpu.memory_space<vmem>>, vector<16xf32>,
          %get3A_1447 = arith.index_cast %reduce_max3A_1372 : i32 to index
          %get3A_1448 = arith.constant 112 : index
          %get3A_1449 = tpu.vector_load %arg7[%get3A_1447, %get3A_1448] {strides = array<i32>} : memref<321x144xf32, #tpu.memory_space<vmem>>, vector<16xf32>,
          %get3A_1450 = arith.index_cast %add3A_1376 : i32 to index
          %get3A_1451 = arith.constant 112 : index
          %get3A_1452 = tpu.vector_load %arg12[%get3A_1450, %get3A_1451] {strides = array<i32>} : memref<128x144xf32, #tpu.memory_space<vmem>>, vector<16xf32>,
          %max3A_1453 = arith.maximumf %get3A_1449, %get3A_1452 : vector<16xf32>
          %swap3A_1454 = arith.index_cast %reduce_max3A_1372 : i32 to index
          %swap3A_1455 = arith.constant 112 : index
          %swap3A_1456 = tpu.vector_load %arg7[%swap3A_1454, %swap3A_1455] {strides = array<i32>} : memref<321x144xf32, #tpu.memory_space<vmem>>, vector<16xf32>,
          tpu.vector_store %arg7[%swap3A_1454, %swap3A_1455], %max3A_1453 {strides = array<i32>} : memref<321x144xf32, #tpu.memory_space<vmem>>, vector<16xf32>,
          %get3A_1457 = arith.index_cast %reduce_max3A_1372 : i32 to index
          %get3A_1458 = arith.constant 128 : index
          %get3A_1459 = tpu.vector_load %arg7[%get3A_1457, %get3A_1458] {strides = array<i32>} : memref<321x144xf32, #tpu.memory_space<vmem>>, vector<16xf32>,
          %get3A_1460 = arith.index_cast %add3A_1376 : i32 to index
          %get3A_1461 = arith.constant 128 : index
          %get3A_1462 = tpu.vector_load %arg12[%get3A_1460, %get3A_1461] {strides = array<i32>} : memref<128x144xf32, #tpu.memory_space<vmem>>, vector<16xf32>,
          %max3A_1463 = arith.maximumf %get3A_1459, %get3A_1462 : vector<16xf32>
          %swap3A_1464 = arith.index_cast %reduce_max3A_1372 : i32 to index
          %swap3A_1465 = arith.constant 128 : index
          %swap3A_1466 = tpu.vector_load %arg7[%swap3A_1464, %swap3A_1465] {strides = array<i32>} : memref<321x144xf32, #tpu.memory_space<vmem>>, vector<16xf32>,
          tpu.vector_store %arg7[%swap3A_1464, %swap3A_1465], %max3A_1463 {strides = array<i32>} : memref<321x144xf32, #tpu.memory_space<vmem>>, vector<16xf32>,
          %eq3A_1467 = arith.constant 12 : i32
          %eq3A_1468 = vector.broadcast %eq3A_1467 : i32 to vector<16xi32>
          %eq3A_1469 = arith.cmpi eq, %iota3A, %eq3A_1468 : vector<16xi32>
          %jit3A_1470 = arith.constant 0 : i32
          %broadcast_in_dim3A_1471 = vector.broadcast %jit3A_1470 : i32 to vector<16xi32>
          %select_n3A_1472 = arith.select %eq3A_1469, %get3A_174, %broadcast_in_dim3A_1471 : vector<16xi1>, vector<16xi32>
          %reduce_max3A_1473 = arith.constant true
          %reduce_max3A_1474 = vector.broadcast %reduce_max3A_1473 : i1 to vector<16xi1>
          %reduce_max3A_1475 = arith.constant -2147483648 : i32
          %reduce_max3A_1476 = vector.broadcast %reduce_max3A_1475 : i32 to vector<16xi32>
          %reduce_max3A_1477 = arith.xori %select_n3A_1472, %reduce_max3A_1476 : vector<16xi32>
          %reduce_max3A_1478 = tpu.scan <max>, %reduce_max3A_1477 masked %reduce_max3A_1474 : vector<16xi32>, vector<16xi1> -> vector<16xi32>
          %reduce_max3A_1479 = arith.xori %reduce_max3A_1478, %reduce_max3A_1476 : vector<16xi32>
          %reduce_max3A_1480 = vector.extract %reduce_max3A_1479[15] : i32 from vector<16xi32>
          %mul3A_1481 = arith.constant 16 : i32
          %mul3A_1482 = arith.muli %scan3A_168, %mul3A_1481 : i32
          %add3A_1483 = arith.constant 12 : i32
          %add3A_1484 = arith.addi %mul3A_1482, %add3A_1483 : i32
          %get3A_1485 = arith.index_cast %reduce_max3A_1480 : i32 to index
          %get3A_1486 = arith.constant 0 : index
          %get3A_1487 = tpu.vector_load %arg7[%get3A_1485, %get3A_1486] {strides = array<i32>} : memref<321x144xf32, #tpu.memory_space<vmem>>, vector<16xf32>,
          %get3A_1488 = arith.index_cast %add3A_1484 : i32 to index
          %get3A_1489 = arith.constant 0 : index
          %get3A_1490 = tpu.vector_load %arg12[%get3A_1488, %get3A_1489] {strides = array<i32>} : memref<128x144xf32, #tpu.memory_space<vmem>>, vector<16xf32>,
          %max3A_1491 = arith.maximumf %get3A_1487, %get3A_1490 : vector<16xf32>
          %swap3A_1492 = arith.index_cast %reduce_max3A_1480 : i32 to index
          %swap3A_1493 = arith.constant 0 : index
          %swap3A_1494 = tpu.vector_load %arg7[%swap3A_1492, %swap3A_1493] {strides = array<i32>} : memref<321x144xf32, #tpu.memory_space<vmem>>, vector<16xf32>,
          tpu.vector_store %arg7[%swap3A_1492, %swap3A_1493], %max3A_1491 {strides = array<i32>} : memref<321x144xf32, #tpu.memory_space<vmem>>, vector<16xf32>,
          %get3A_1495 = arith.index_cast %reduce_max3A_1480 : i32 to index
          %get3A_1496 = arith.constant 16 : index
          %get3A_1497 = tpu.vector_load %arg7[%get3A_1495, %get3A_1496] {strides = array<i32>} : memref<321x144xf32, #tpu.memory_space<vmem>>, vector<16xf32>,
          %get3A_1498 = arith.index_cast %add3A_1484 : i32 to index
          %get3A_1499 = arith.constant 16 : index
          %get3A_1500 = tpu.vector_load %arg12[%get3A_1498, %get3A_1499] {strides = array<i32>} : memref<128x144xf32, #tpu.memory_space<vmem>>, vector<16xf32>,
          %max3A_1501 = arith.maximumf %get3A_1497, %get3A_1500 : vector<16xf32>
          %swap3A_1502 = arith.index_cast %reduce_max3A_1480 : i32 to index
          %swap3A_1503 = arith.constant 16 : index
          %swap3A_1504 = tpu.vector_load %arg7[%swap3A_1502, %swap3A_1503] {strides = array<i32>} : memref<321x144xf32, #tpu.memory_space<vmem>>, vector<16xf32>,
          tpu.vector_store %arg7[%swap3A_1502, %swap3A_1503], %max3A_1501 {strides = array<i32>} : memref<321x144xf32, #tpu.memory_space<vmem>>, vector<16xf32>,
          %get3A_1505 = arith.index_cast %reduce_max3A_1480 : i32 to index
          %get3A_1506 = arith.constant 32 : index
          %get3A_1507 = tpu.vector_load %arg7[%get3A_1505, %get3A_1506] {strides = array<i32>} : memref<321x144xf32, #tpu.memory_space<vmem>>, vector<16xf32>,
          %get3A_1508 = arith.index_cast %add3A_1484 : i32 to index
          %get3A_1509 = arith.constant 32 : index
          %get3A_1510 = tpu.vector_load %arg12[%get3A_1508, %get3A_1509] {strides = array<i32>} : memref<128x144xf32, #tpu.memory_space<vmem>>, vector<16xf32>,
          %max3A_1511 = arith.maximumf %get3A_1507, %get3A_1510 : vector<16xf32>
          %swap3A_1512 = arith.index_cast %reduce_max3A_1480 : i32 to index
          %swap3A_1513 = arith.constant 32 : index
          %swap3A_1514 = tpu.vector_load %arg7[%swap3A_1512, %swap3A_1513] {strides = array<i32>} : memref<321x144xf32, #tpu.memory_space<vmem>>, vector<16xf32>,
          tpu.vector_store %arg7[%swap3A_1512, %swap3A_1513], %max3A_1511 {strides = array<i32>} : memref<321x144xf32, #tpu.memory_space<vmem>>, vector<16xf32>,
          %get3A_1515 = arith.index_cast %reduce_max3A_1480 : i32 to index
          %get3A_1516 = arith.constant 48 : index
          %get3A_1517 = tpu.vector_load %arg7[%get3A_1515, %get3A_1516] {strides = array<i32>} : memref<321x144xf32, #tpu.memory_space<vmem>>, vector<16xf32>,
          %get3A_1518 = arith.index_cast %add3A_1484 : i32 to index
          %get3A_1519 = arith.constant 48 : index
          %get3A_1520 = tpu.vector_load %arg12[%get3A_1518, %get3A_1519] {strides = array<i32>} : memref<128x144xf32, #tpu.memory_space<vmem>>, vector<16xf32>,
          %max3A_1521 = arith.maximumf %get3A_1517, %get3A_1520 : vector<16xf32>
          %swap3A_1522 = arith.index_cast %reduce_max3A_1480 : i32 to index
          %swap3A_1523 = arith.constant 48 : index
          %swap3A_1524 = tpu.vector_load %arg7[%swap3A_1522, %swap3A_1523] {strides = array<i32>} : memref<321x144xf32, #tpu.memory_space<vmem>>, vector<16xf32>,
          tpu.vector_store %arg7[%swap3A_1522, %swap3A_1523], %max3A_1521 {strides = array<i32>} : memref<321x144xf32, #tpu.memory_space<vmem>>, vector<16xf32>,
          %get3A_1525 = arith.index_cast %reduce_max3A_1480 : i32 to index
          %get3A_1526 = arith.constant 64 : index
          %get3A_1527 = tpu.vector_load %arg7[%get3A_1525, %get3A_1526] {strides = array<i32>} : memref<321x144xf32, #tpu.memory_space<vmem>>, vector<16xf32>,
          %get3A_1528 = arith.index_cast %add3A_1484 : i32 to index
          %get3A_1529 = arith.constant 64 : index
          %get3A_1530 = tpu.vector_load %arg12[%get3A_1528, %get3A_1529] {strides = array<i32>} : memref<128x144xf32, #tpu.memory_space<vmem>>, vector<16xf32>,
          %max3A_1531 = arith.maximumf %get3A_1527, %get3A_1530 : vector<16xf32>
          %swap3A_1532 = arith.index_cast %reduce_max3A_1480 : i32 to index
          %swap3A_1533 = arith.constant 64 : index
          %swap3A_1534 = tpu.vector_load %arg7[%swap3A_1532, %swap3A_1533] {strides = array<i32>} : memref<321x144xf32, #tpu.memory_space<vmem>>, vector<16xf32>,
          tpu.vector_store %arg7[%swap3A_1532, %swap3A_1533], %max3A_1531 {strides = array<i32>} : memref<321x144xf32, #tpu.memory_space<vmem>>, vector<16xf32>,
          %get3A_1535 = arith.index_cast %reduce_max3A_1480 : i32 to index
          %get3A_1536 = arith.constant 80 : index
          %get3A_1537 = tpu.vector_load %arg7[%get3A_1535, %get3A_1536] {strides = array<i32>} : memref<321x144xf32, #tpu.memory_space<vmem>>, vector<16xf32>,
          %get3A_1538 = arith.index_cast %add3A_1484 : i32 to index
          %get3A_1539 = arith.constant 80 : index
          %get3A_1540 = tpu.vector_load %arg12[%get3A_1538, %get3A_1539] {strides = array<i32>} : memref<128x144xf32, #tpu.memory_space<vmem>>, vector<16xf32>,
          %max3A_1541 = arith.maximumf %get3A_1537, %get3A_1540 : vector<16xf32>
          %swap3A_1542 = arith.index_cast %reduce_max3A_1480 : i32 to index
          %swap3A_1543 = arith.constant 80 : index
          %swap3A_1544 = tpu.vector_load %arg7[%swap3A_1542, %swap3A_1543] {strides = array<i32>} : memref<321x144xf32, #tpu.memory_space<vmem>>, vector<16xf32>,
          tpu.vector_store %arg7[%swap3A_1542, %swap3A_1543], %max3A_1541 {strides = array<i32>} : memref<321x144xf32, #tpu.memory_space<vmem>>, vector<16xf32>,
          %get3A_1545 = arith.index_cast %reduce_max3A_1480 : i32 to index
          %get3A_1546 = arith.constant 96 : index
          %get3A_1547 = tpu.vector_load %arg7[%get3A_1545, %get3A_1546] {strides = array<i32>} : memref<321x144xf32, #tpu.memory_space<vmem>>, vector<16xf32>,
          %get3A_1548 = arith.index_cast %add3A_1484 : i32 to index
          %get3A_1549 = arith.constant 96 : index
          %get3A_1550 = tpu.vector_load %arg12[%get3A_1548, %get3A_1549] {strides = array<i32>} : memref<128x144xf32, #tpu.memory_space<vmem>>, vector<16xf32>,
          %max3A_1551 = arith.maximumf %get3A_1547, %get3A_1550 : vector<16xf32>
          %swap3A_1552 = arith.index_cast %reduce_max3A_1480 : i32 to index
          %swap3A_1553 = arith.constant 96 : index
          %swap3A_1554 = tpu.vector_load %arg7[%swap3A_1552, %swap3A_1553] {strides = array<i32>} : memref<321x144xf32, #tpu.memory_space<vmem>>, vector<16xf32>,
          tpu.vector_store %arg7[%swap3A_1552, %swap3A_1553], %max3A_1551 {strides = array<i32>} : memref<321x144xf32, #tpu.memory_space<vmem>>, vector<16xf32>,
          %get3A_1555 = arith.index_cast %reduce_max3A_1480 : i32 to index
          %get3A_1556 = arith.constant 112 : index
          %get3A_1557 = tpu.vector_load %arg7[%get3A_1555, %get3A_1556] {strides = array<i32>} : memref<321x144xf32, #tpu.memory_space<vmem>>, vector<16xf32>,
          %get3A_1558 = arith.index_cast %add3A_1484 : i32 to index
          %get3A_1559 = arith.constant 112 : index
          %get3A_1560 = tpu.vector_load %arg12[%get3A_1558, %get3A_1559] {strides = array<i32>} : memref<128x144xf32, #tpu.memory_space<vmem>>, vector<16xf32>,
          %max3A_1561 = arith.maximumf %get3A_1557, %get3A_1560 : vector<16xf32>
          %swap3A_1562 = arith.index_cast %reduce_max3A_1480 : i32 to index
          %swap3A_1563 = arith.constant 112 : index
          %swap3A_1564 = tpu.vector_load %arg7[%swap3A_1562, %swap3A_1563] {strides = array<i32>} : memref<321x144xf32, #tpu.memory_space<vmem>>, vector<16xf32>,
          tpu.vector_store %arg7[%swap3A_1562, %swap3A_1563], %max3A_1561 {strides = array<i32>} : memref<321x144xf32, #tpu.memory_space<vmem>>, vector<16xf32>,
          %get3A_1565 = arith.index_cast %reduce_max3A_1480 : i32 to index
          %get3A_1566 = arith.constant 128 : index
          %get3A_1567 = tpu.vector_load %arg7[%get3A_1565, %get3A_1566] {strides = array<i32>} : memref<321x144xf32, #tpu.memory_space<vmem>>, vector<16xf32>,
          %get3A_1568 = arith.index_cast %add3A_1484 : i32 to index
          %get3A_1569 = arith.constant 128 : index
          %get3A_1570 = tpu.vector_load %arg12[%get3A_1568, %get3A_1569] {strides = array<i32>} : memref<128x144xf32, #tpu.memory_space<vmem>>, vector<16xf32>,
          %max3A_1571 = arith.maximumf %get3A_1567, %get3A_1570 : vector<16xf32>
          %swap3A_1572 = arith.index_cast %reduce_max3A_1480 : i32 to index
          %swap3A_1573 = arith.constant 128 : index
          %swap3A_1574 = tpu.vector_load %arg7[%swap3A_1572, %swap3A_1573] {strides = array<i32>} : memref<321x144xf32, #tpu.memory_space<vmem>>, vector<16xf32>,
          tpu.vector_store %arg7[%swap3A_1572, %swap3A_1573], %max3A_1571 {strides = array<i32>} : memref<321x144xf32, #tpu.memory_space<vmem>>, vector<16xf32>,
          %eq3A_1575 = arith.constant 13 : i32
          %eq3A_1576 = vector.broadcast %eq3A_1575 : i32 to vector<16xi32>
          %eq3A_1577 = arith.cmpi eq, %iota3A, %eq3A_1576 : vector<16xi32>
          %jit3A_1578 = arith.constant 0 : i32
          %broadcast_in_dim3A_1579 = vector.broadcast %jit3A_1578 : i32 to vector<16xi32>
          %select_n3A_1580 = arith.select %eq3A_1577, %get3A_174, %broadcast_in_dim3A_1579 : vector<16xi1>, vector<16xi32>
          %reduce_max3A_1581 = arith.constant true
          %reduce_max3A_1582 = vector.broadcast %reduce_max3A_1581 : i1 to vector<16xi1>
          %reduce_max3A_1583 = arith.constant -2147483648 : i32
          %reduce_max3A_1584 = vector.broadcast %reduce_max3A_1583 : i32 to vector<16xi32>
          %reduce_max3A_1585 = arith.xori %select_n3A_1580, %reduce_max3A_1584 : vector<16xi32>
          %reduce_max3A_1586 = tpu.scan <max>, %reduce_max3A_1585 masked %reduce_max3A_1582 : vector<16xi32>, vector<16xi1> -> vector<16xi32>
          %reduce_max3A_1587 = arith.xori %reduce_max3A_1586, %reduce_max3A_1584 : vector<16xi32>
          %reduce_max3A_1588 = vector.extract %reduce_max3A_1587[15] : i32 from vector<16xi32>
          %mul3A_1589 = arith.constant 16 : i32
          %mul3A_1590 = arith.muli %scan3A_168, %mul3A_1589 : i32
          %add3A_1591 = arith.constant 13 : i32
          %add3A_1592 = arith.addi %mul3A_1590, %add3A_1591 : i32
          %get3A_1593 = arith.index_cast %reduce_max3A_1588 : i32 to index
          %get3A_1594 = arith.constant 0 : index
          %get3A_1595 = tpu.vector_load %arg7[%get3A_1593, %get3A_1594] {strides = array<i32>} : memref<321x144xf32, #tpu.memory_space<vmem>>, vector<16xf32>,
          %get3A_1596 = arith.index_cast %add3A_1592 : i32 to index
          %get3A_1597 = arith.constant 0 : index
          %get3A_1598 = tpu.vector_load %arg12[%get3A_1596, %get3A_1597] {strides = array<i32>} : memref<128x144xf32, #tpu.memory_space<vmem>>, vector<16xf32>,
          %max3A_1599 = arith.maximumf %get3A_1595, %get3A_1598 : vector<16xf32>
          %swap3A_1600 = arith.index_cast %reduce_max3A_1588 : i32 to index
          %swap3A_1601 = arith.constant 0 : index
          %swap3A_1602 = tpu.vector_load %arg7[%swap3A_1600, %swap3A_1601] {strides = array<i32>} : memref<321x144xf32, #tpu.memory_space<vmem>>, vector<16xf32>,
          tpu.vector_store %arg7[%swap3A_1600, %swap3A_1601], %max3A_1599 {strides = array<i32>} : memref<321x144xf32, #tpu.memory_space<vmem>>, vector<16xf32>,
          %get3A_1603 = arith.index_cast %reduce_max3A_1588 : i32 to index
          %get3A_1604 = arith.constant 16 : index
          %get3A_1605 = tpu.vector_load %arg7[%get3A_1603, %get3A_1604] {strides = array<i32>} : memref<321x144xf32, #tpu.memory_space<vmem>>, vector<16xf32>,
          %get3A_1606 = arith.index_cast %add3A_1592 : i32 to index
          %get3A_1607 = arith.constant 16 : index
          %get3A_1608 = tpu.vector_load %arg12[%get3A_1606, %get3A_1607] {strides = array<i32>} : memref<128x144xf32, #tpu.memory_space<vmem>>, vector<16xf32>,
          %max3A_1609 = arith.maximumf %get3A_1605, %get3A_1608 : vector<16xf32>
          %swap3A_1610 = arith.index_cast %reduce_max3A_1588 : i32 to index
          %swap3A_1611 = arith.constant 16 : index
          %swap3A_1612 = tpu.vector_load %arg7[%swap3A_1610, %swap3A_1611] {strides = array<i32>} : memref<321x144xf32, #tpu.memory_space<vmem>>, vector<16xf32>,
          tpu.vector_store %arg7[%swap3A_1610, %swap3A_1611], %max3A_1609 {strides = array<i32>} : memref<321x144xf32, #tpu.memory_space<vmem>>, vector<16xf32>,
          %get3A_1613 = arith.index_cast %reduce_max3A_1588 : i32 to index
          %get3A_1614 = arith.constant 32 : index
          %get3A_1615 = tpu.vector_load %arg7[%get3A_1613, %get3A_1614] {strides = array<i32>} : memref<321x144xf32, #tpu.memory_space<vmem>>, vector<16xf32>,
          %get3A_1616 = arith.index_cast %add3A_1592 : i32 to index
          %get3A_1617 = arith.constant 32 : index
          %get3A_1618 = tpu.vector_load %arg12[%get3A_1616, %get3A_1617] {strides = array<i32>} : memref<128x144xf32, #tpu.memory_space<vmem>>, vector<16xf32>,
          %max3A_1619 = arith.maximumf %get3A_1615, %get3A_1618 : vector<16xf32>
          %swap3A_1620 = arith.index_cast %reduce_max3A_1588 : i32 to index
          %swap3A_1621 = arith.constant 32 : index
          %swap3A_1622 = tpu.vector_load %arg7[%swap3A_1620, %swap3A_1621] {strides = array<i32>} : memref<321x144xf32, #tpu.memory_space<vmem>>, vector<16xf32>,
          tpu.vector_store %arg7[%swap3A_1620, %swap3A_1621], %max3A_1619 {strides = array<i32>} : memref<321x144xf32, #tpu.memory_space<vmem>>, vector<16xf32>,
          %get3A_1623 = arith.index_cast %reduce_max3A_1588 : i32 to index
          %get3A_1624 = arith.constant 48 : index
          %get3A_1625 = tpu.vector_load %arg7[%get3A_1623, %get3A_1624] {strides = array<i32>} : memref<321x144xf32, #tpu.memory_space<vmem>>, vector<16xf32>,
          %get3A_1626 = arith.index_cast %add3A_1592 : i32 to index
          %get3A_1627 = arith.constant 48 : index
          %get3A_1628 = tpu.vector_load %arg12[%get3A_1626, %get3A_1627] {strides = array<i32>} : memref<128x144xf32, #tpu.memory_space<vmem>>, vector<16xf32>,
          %max3A_1629 = arith.maximumf %get3A_1625, %get3A_1628 : vector<16xf32>
          %swap3A_1630 = arith.index_cast %reduce_max3A_1588 : i32 to index
          %swap3A_1631 = arith.constant 48 : index
          %swap3A_1632 = tpu.vector_load %arg7[%swap3A_1630, %swap3A_1631] {strides = array<i32>} : memref<321x144xf32, #tpu.memory_space<vmem>>, vector<16xf32>,
          tpu.vector_store %arg7[%swap3A_1630, %swap3A_1631], %max3A_1629 {strides = array<i32>} : memref<321x144xf32, #tpu.memory_space<vmem>>, vector<16xf32>,
          %get3A_1633 = arith.index_cast %reduce_max3A_1588 : i32 to index
          %get3A_1634 = arith.constant 64 : index
          %get3A_1635 = tpu.vector_load %arg7[%get3A_1633, %get3A_1634] {strides = array<i32>} : memref<321x144xf32, #tpu.memory_space<vmem>>, vector<16xf32>,
          %get3A_1636 = arith.index_cast %add3A_1592 : i32 to index
          %get3A_1637 = arith.constant 64 : index
          %get3A_1638 = tpu.vector_load %arg12[%get3A_1636, %get3A_1637] {strides = array<i32>} : memref<128x144xf32, #tpu.memory_space<vmem>>, vector<16xf32>,
          %max3A_1639 = arith.maximumf %get3A_1635, %get3A_1638 : vector<16xf32>
          %swap3A_1640 = arith.index_cast %reduce_max3A_1588 : i32 to index
          %swap3A_1641 = arith.constant 64 : index
          %swap3A_1642 = tpu.vector_load %arg7[%swap3A_1640, %swap3A_1641] {strides = array<i32>} : memref<321x144xf32, #tpu.memory_space<vmem>>, vector<16xf32>,
          tpu.vector_store %arg7[%swap3A_1640, %swap3A_1641], %max3A_1639 {strides = array<i32>} : memref<321x144xf32, #tpu.memory_space<vmem>>, vector<16xf32>,
          %get3A_1643 = arith.index_cast %reduce_max3A_1588 : i32 to index
          %get3A_1644 = arith.constant 80 : index
          %get3A_1645 = tpu.vector_load %arg7[%get3A_1643, %get3A_1644] {strides = array<i32>} : memref<321x144xf32, #tpu.memory_space<vmem>>, vector<16xf32>,
          %get3A_1646 = arith.index_cast %add3A_1592 : i32 to index
          %get3A_1647 = arith.constant 80 : index
          %get3A_1648 = tpu.vector_load %arg12[%get3A_1646, %get3A_1647] {strides = array<i32>} : memref<128x144xf32, #tpu.memory_space<vmem>>, vector<16xf32>,
          %max3A_1649 = arith.maximumf %get3A_1645, %get3A_1648 : vector<16xf32>
          %swap3A_1650 = arith.index_cast %reduce_max3A_1588 : i32 to index
          %swap3A_1651 = arith.constant 80 : index
          %swap3A_1652 = tpu.vector_load %arg7[%swap3A_1650, %swap3A_1651] {strides = array<i32>} : memref<321x144xf32, #tpu.memory_space<vmem>>, vector<16xf32>,
          tpu.vector_store %arg7[%swap3A_1650, %swap3A_1651], %max3A_1649 {strides = array<i32>} : memref<321x144xf32, #tpu.memory_space<vmem>>, vector<16xf32>,
          %get3A_1653 = arith.index_cast %reduce_max3A_1588 : i32 to index
          %get3A_1654 = arith.constant 96 : index
          %get3A_1655 = tpu.vector_load %arg7[%get3A_1653, %get3A_1654] {strides = array<i32>} : memref<321x144xf32, #tpu.memory_space<vmem>>, vector<16xf32>,
          %get3A_1656 = arith.index_cast %add3A_1592 : i32 to index
          %get3A_1657 = arith.constant 96 : index
          %get3A_1658 = tpu.vector_load %arg12[%get3A_1656, %get3A_1657] {strides = array<i32>} : memref<128x144xf32, #tpu.memory_space<vmem>>, vector<16xf32>,
          %max3A_1659 = arith.maximumf %get3A_1655, %get3A_1658 : vector<16xf32>
          %swap3A_1660 = arith.index_cast %reduce_max3A_1588 : i32 to index
          %swap3A_1661 = arith.constant 96 : index
          %swap3A_1662 = tpu.vector_load %arg7[%swap3A_1660, %swap3A_1661] {strides = array<i32>} : memref<321x144xf32, #tpu.memory_space<vmem>>, vector<16xf32>,
          tpu.vector_store %arg7[%swap3A_1660, %swap3A_1661], %max3A_1659 {strides = array<i32>} : memref<321x144xf32, #tpu.memory_space<vmem>>, vector<16xf32>,
          %get3A_1663 = arith.index_cast %reduce_max3A_1588 : i32 to index
          %get3A_1664 = arith.constant 112 : index
          %get3A_1665 = tpu.vector_load %arg7[%get3A_1663, %get3A_1664] {strides = array<i32>} : memref<321x144xf32, #tpu.memory_space<vmem>>, vector<16xf32>,
          %get3A_1666 = arith.index_cast %add3A_1592 : i32 to index
          %get3A_1667 = arith.constant 112 : index
          %get3A_1668 = tpu.vector_load %arg12[%get3A_1666, %get3A_1667] {strides = array<i32>} : memref<128x144xf32, #tpu.memory_space<vmem>>, vector<16xf32>,
          %max3A_1669 = arith.maximumf %get3A_1665, %get3A_1668 : vector<16xf32>
          %swap3A_1670 = arith.index_cast %reduce_max3A_1588 : i32 to index
          %swap3A_1671 = arith.constant 112 : index
          %swap3A_1672 = tpu.vector_load %arg7[%swap3A_1670, %swap3A_1671] {strides = array<i32>} : memref<321x144xf32, #tpu.memory_space<vmem>>, vector<16xf32>,
          tpu.vector_store %arg7[%swap3A_1670, %swap3A_1671], %max3A_1669 {strides = array<i32>} : memref<321x144xf32, #tpu.memory_space<vmem>>, vector<16xf32>,
          %get3A_1673 = arith.index_cast %reduce_max3A_1588 : i32 to index
          %get3A_1674 = arith.constant 128 : index
          %get3A_1675 = tpu.vector_load %arg7[%get3A_1673, %get3A_1674] {strides = array<i32>} : memref<321x144xf32, #tpu.memory_space<vmem>>, vector<16xf32>,
          %get3A_1676 = arith.index_cast %add3A_1592 : i32 to index
          %get3A_1677 = arith.constant 128 : index
          %get3A_1678 = tpu.vector_load %arg12[%get3A_1676, %get3A_1677] {strides = array<i32>} : memref<128x144xf32, #tpu.memory_space<vmem>>, vector<16xf32>,
          %max3A_1679 = arith.maximumf %get3A_1675, %get3A_1678 : vector<16xf32>
          %swap3A_1680 = arith.index_cast %reduce_max3A_1588 : i32 to index
          %swap3A_1681 = arith.constant 128 : index
          %swap3A_1682 = tpu.vector_load %arg7[%swap3A_1680, %swap3A_1681] {strides = array<i32>} : memref<321x144xf32, #tpu.memory_space<vmem>>, vector<16xf32>,
          tpu.vector_store %arg7[%swap3A_1680, %swap3A_1681], %max3A_1679 {strides = array<i32>} : memref<321x144xf32, #tpu.memory_space<vmem>>, vector<16xf32>,
          %eq3A_1683 = arith.constant 14 : i32
          %eq3A_1684 = vector.broadcast %eq3A_1683 : i32 to vector<16xi32>
          %eq3A_1685 = arith.cmpi eq, %iota3A, %eq3A_1684 : vector<16xi32>
          %jit3A_1686 = arith.constant 0 : i32
          %broadcast_in_dim3A_1687 = vector.broadcast %jit3A_1686 : i32 to vector<16xi32>
          %select_n3A_1688 = arith.select %eq3A_1685, %get3A_174, %broadcast_in_dim3A_1687 : vector<16xi1>, vector<16xi32>
          %reduce_max3A_1689 = arith.constant true
          %reduce_max3A_1690 = vector.broadcast %reduce_max3A_1689 : i1 to vector<16xi1>
          %reduce_max3A_1691 = arith.constant -2147483648 : i32
          %reduce_max3A_1692 = vector.broadcast %reduce_max3A_1691 : i32 to vector<16xi32>
          %reduce_max3A_1693 = arith.xori %select_n3A_1688, %reduce_max3A_1692 : vector<16xi32>
          %reduce_max3A_1694 = tpu.scan <max>, %reduce_max3A_1693 masked %reduce_max3A_1690 : vector<16xi32>, vector<16xi1> -> vector<16xi32>
          %reduce_max3A_1695 = arith.xori %reduce_max3A_1694, %reduce_max3A_1692 : vector<16xi32>
          %reduce_max3A_1696 = vector.extract %reduce_max3A_1695[15] : i32 from vector<16xi32>
          %mul3A_1697 = arith.constant 16 : i32
          %mul3A_1698 = arith.muli %scan3A_168, %mul3A_1697 : i32
          %add3A_1699 = arith.constant 14 : i32
          %add3A_1700 = arith.addi %mul3A_1698, %add3A_1699 : i32
          %get3A_1701 = arith.index_cast %reduce_max3A_1696 : i32 to index
          %get3A_1702 = arith.constant 0 : index
          %get3A_1703 = tpu.vector_load %arg7[%get3A_1701, %get3A_1702] {strides = array<i32>} : memref<321x144xf32, #tpu.memory_space<vmem>>, vector<16xf32>,
          %get3A_1704 = arith.index_cast %add3A_1700 : i32 to index
          %get3A_1705 = arith.constant 0 : index
          %get3A_1706 = tpu.vector_load %arg12[%get3A_1704, %get3A_1705] {strides = array<i32>} : memref<128x144xf32, #tpu.memory_space<vmem>>, vector<16xf32>,
          %max3A_1707 = arith.maximumf %get3A_1703, %get3A_1706 : vector<16xf32>
          %swap3A_1708 = arith.index_cast %reduce_max3A_1696 : i32 to index
          %swap3A_1709 = arith.constant 0 : index
          %swap3A_1710 = tpu.vector_load %arg7[%swap3A_1708, %swap3A_1709] {strides = array<i32>} : memref<321x144xf32, #tpu.memory_space<vmem>>, vector<16xf32>,
          tpu.vector_store %arg7[%swap3A_1708, %swap3A_1709], %max3A_1707 {strides = array<i32>} : memref<321x144xf32, #tpu.memory_space<vmem>>, vector<16xf32>,
          %get3A_1711 = arith.index_cast %reduce_max3A_1696 : i32 to index
          %get3A_1712 = arith.constant 16 : index
          %get3A_1713 = tpu.vector_load %arg7[%get3A_1711, %get3A_1712] {strides = array<i32>} : memref<321x144xf32, #tpu.memory_space<vmem>>, vector<16xf32>,
          %get3A_1714 = arith.index_cast %add3A_1700 : i32 to index
          %get3A_1715 = arith.constant 16 : index
          %get3A_1716 = tpu.vector_load %arg12[%get3A_1714, %get3A_1715] {strides = array<i32>} : memref<128x144xf32, #tpu.memory_space<vmem>>, vector<16xf32>,
          %max3A_1717 = arith.maximumf %get3A_1713, %get3A_1716 : vector<16xf32>
          %swap3A_1718 = arith.index_cast %reduce_max3A_1696 : i32 to index
          %swap3A_1719 = arith.constant 16 : index
          %swap3A_1720 = tpu.vector_load %arg7[%swap3A_1718, %swap3A_1719] {strides = array<i32>} : memref<321x144xf32, #tpu.memory_space<vmem>>, vector<16xf32>,
          tpu.vector_store %arg7[%swap3A_1718, %swap3A_1719], %max3A_1717 {strides = array<i32>} : memref<321x144xf32, #tpu.memory_space<vmem>>, vector<16xf32>,
          %get3A_1721 = arith.index_cast %reduce_max3A_1696 : i32 to index
          %get3A_1722 = arith.constant 32 : index
          %get3A_1723 = tpu.vector_load %arg7[%get3A_1721, %get3A_1722] {strides = array<i32>} : memref<321x144xf32, #tpu.memory_space<vmem>>, vector<16xf32>,
          %get3A_1724 = arith.index_cast %add3A_1700 : i32 to index
          %get3A_1725 = arith.constant 32 : index
          %get3A_1726 = tpu.vector_load %arg12[%get3A_1724, %get3A_1725] {strides = array<i32>} : memref<128x144xf32, #tpu.memory_space<vmem>>, vector<16xf32>,
          %max3A_1727 = arith.maximumf %get3A_1723, %get3A_1726 : vector<16xf32>
          %swap3A_1728 = arith.index_cast %reduce_max3A_1696 : i32 to index
          %swap3A_1729 = arith.constant 32 : index
          %swap3A_1730 = tpu.vector_load %arg7[%swap3A_1728, %swap3A_1729] {strides = array<i32>} : memref<321x144xf32, #tpu.memory_space<vmem>>, vector<16xf32>,
          tpu.vector_store %arg7[%swap3A_1728, %swap3A_1729], %max3A_1727 {strides = array<i32>} : memref<321x144xf32, #tpu.memory_space<vmem>>, vector<16xf32>,
          %get3A_1731 = arith.index_cast %reduce_max3A_1696 : i32 to index
          %get3A_1732 = arith.constant 48 : index
          %get3A_1733 = tpu.vector_load %arg7[%get3A_1731, %get3A_1732] {strides = array<i32>} : memref<321x144xf32, #tpu.memory_space<vmem>>, vector<16xf32>,
          %get3A_1734 = arith.index_cast %add3A_1700 : i32 to index
          %get3A_1735 = arith.constant 48 : index
          %get3A_1736 = tpu.vector_load %arg12[%get3A_1734, %get3A_1735] {strides = array<i32>} : memref<128x144xf32, #tpu.memory_space<vmem>>, vector<16xf32>,
          %max3A_1737 = arith.maximumf %get3A_1733, %get3A_1736 : vector<16xf32>
          %swap3A_1738 = arith.index_cast %reduce_max3A_1696 : i32 to index
          %swap3A_1739 = arith.constant 48 : index
          %swap3A_1740 = tpu.vector_load %arg7[%swap3A_1738, %swap3A_1739] {strides = array<i32>} : memref<321x144xf32, #tpu.memory_space<vmem>>, vector<16xf32>,
          tpu.vector_store %arg7[%swap3A_1738, %swap3A_1739], %max3A_1737 {strides = array<i32>} : memref<321x144xf32, #tpu.memory_space<vmem>>, vector<16xf32>,
          %get3A_1741 = arith.index_cast %reduce_max3A_1696 : i32 to index
          %get3A_1742 = arith.constant 64 : index
          %get3A_1743 = tpu.vector_load %arg7[%get3A_1741, %get3A_1742] {strides = array<i32>} : memref<321x144xf32, #tpu.memory_space<vmem>>, vector<16xf32>,
          %get3A_1744 = arith.index_cast %add3A_1700 : i32 to index
          %get3A_1745 = arith.constant 64 : index
          %get3A_1746 = tpu.vector_load %arg12[%get3A_1744, %get3A_1745] {strides = array<i32>} : memref<128x144xf32, #tpu.memory_space<vmem>>, vector<16xf32>,
          %max3A_1747 = arith.maximumf %get3A_1743, %get3A_1746 : vector<16xf32>
          %swap3A_1748 = arith.index_cast %reduce_max3A_1696 : i32 to index
          %swap3A_1749 = arith.constant 64 : index
          %swap3A_1750 = tpu.vector_load %arg7[%swap3A_1748, %swap3A_1749] {strides = array<i32>} : memref<321x144xf32, #tpu.memory_space<vmem>>, vector<16xf32>,
          tpu.vector_store %arg7[%swap3A_1748, %swap3A_1749], %max3A_1747 {strides = array<i32>} : memref<321x144xf32, #tpu.memory_space<vmem>>, vector<16xf32>,
          %get3A_1751 = arith.index_cast %reduce_max3A_1696 : i32 to index
          %get3A_1752 = arith.constant 80 : index
          %get3A_1753 = tpu.vector_load %arg7[%get3A_1751, %get3A_1752] {strides = array<i32>} : memref<321x144xf32, #tpu.memory_space<vmem>>, vector<16xf32>,
          %get3A_1754 = arith.index_cast %add3A_1700 : i32 to index
          %get3A_1755 = arith.constant 80 : index
          %get3A_1756 = tpu.vector_load %arg12[%get3A_1754, %get3A_1755] {strides = array<i32>} : memref<128x144xf32, #tpu.memory_space<vmem>>, vector<16xf32>,
          %max3A_1757 = arith.maximumf %get3A_1753, %get3A_1756 : vector<16xf32>
          %swap3A_1758 = arith.index_cast %reduce_max3A_1696 : i32 to index
          %swap3A_1759 = arith.constant 80 : index
          %swap3A_1760 = tpu.vector_load %arg7[%swap3A_1758, %swap3A_1759] {strides = array<i32>} : memref<321x144xf32, #tpu.memory_space<vmem>>, vector<16xf32>,
          tpu.vector_store %arg7[%swap3A_1758, %swap3A_1759], %max3A_1757 {strides = array<i32>} : memref<321x144xf32, #tpu.memory_space<vmem>>, vector<16xf32>,
          %get3A_1761 = arith.index_cast %reduce_max3A_1696 : i32 to index
          %get3A_1762 = arith.constant 96 : index
          %get3A_1763 = tpu.vector_load %arg7[%get3A_1761, %get3A_1762] {strides = array<i32>} : memref<321x144xf32, #tpu.memory_space<vmem>>, vector<16xf32>,
          %get3A_1764 = arith.index_cast %add3A_1700 : i32 to index
          %get3A_1765 = arith.constant 96 : index
          %get3A_1766 = tpu.vector_load %arg12[%get3A_1764, %get3A_1765] {strides = array<i32>} : memref<128x144xf32, #tpu.memory_space<vmem>>, vector<16xf32>,
          %max3A_1767 = arith.maximumf %get3A_1763, %get3A_1766 : vector<16xf32>
          %swap3A_1768 = arith.index_cast %reduce_max3A_1696 : i32 to index
          %swap3A_1769 = arith.constant 96 : index
          %swap3A_1770 = tpu.vector_load %arg7[%swap3A_1768, %swap3A_1769] {strides = array<i32>} : memref<321x144xf32, #tpu.memory_space<vmem>>, vector<16xf32>,
          tpu.vector_store %arg7[%swap3A_1768, %swap3A_1769], %max3A_1767 {strides = array<i32>} : memref<321x144xf32, #tpu.memory_space<vmem>>, vector<16xf32>,
          %get3A_1771 = arith.index_cast %reduce_max3A_1696 : i32 to index
          %get3A_1772 = arith.constant 112 : index
          %get3A_1773 = tpu.vector_load %arg7[%get3A_1771, %get3A_1772] {strides = array<i32>} : memref<321x144xf32, #tpu.memory_space<vmem>>, vector<16xf32>,
          %get3A_1774 = arith.index_cast %add3A_1700 : i32 to index
          %get3A_1775 = arith.constant 112 : index
          %get3A_1776 = tpu.vector_load %arg12[%get3A_1774, %get3A_1775] {strides = array<i32>} : memref<128x144xf32, #tpu.memory_space<vmem>>, vector<16xf32>,
          %max3A_1777 = arith.maximumf %get3A_1773, %get3A_1776 : vector<16xf32>
          %swap3A_1778 = arith.index_cast %reduce_max3A_1696 : i32 to index
          %swap3A_1779 = arith.constant 112 : index
          %swap3A_1780 = tpu.vector_load %arg7[%swap3A_1778, %swap3A_1779] {strides = array<i32>} : memref<321x144xf32, #tpu.memory_space<vmem>>, vector<16xf32>,
          tpu.vector_store %arg7[%swap3A_1778, %swap3A_1779], %max3A_1777 {strides = array<i32>} : memref<321x144xf32, #tpu.memory_space<vmem>>, vector<16xf32>,
          %get3A_1781 = arith.index_cast %reduce_max3A_1696 : i32 to index
          %get3A_1782 = arith.constant 128 : index
          %get3A_1783 = tpu.vector_load %arg7[%get3A_1781, %get3A_1782] {strides = array<i32>} : memref<321x144xf32, #tpu.memory_space<vmem>>, vector<16xf32>,
          %get3A_1784 = arith.index_cast %add3A_1700 : i32 to index
          %get3A_1785 = arith.constant 128 : index
          %get3A_1786 = tpu.vector_load %arg12[%get3A_1784, %get3A_1785] {strides = array<i32>} : memref<128x144xf32, #tpu.memory_space<vmem>>, vector<16xf32>,
          %max3A_1787 = arith.maximumf %get3A_1783, %get3A_1786 : vector<16xf32>
          %swap3A_1788 = arith.index_cast %reduce_max3A_1696 : i32 to index
          %swap3A_1789 = arith.constant 128 : index
          %swap3A_1790 = tpu.vector_load %arg7[%swap3A_1788, %swap3A_1789] {strides = array<i32>} : memref<321x144xf32, #tpu.memory_space<vmem>>, vector<16xf32>,
          tpu.vector_store %arg7[%swap3A_1788, %swap3A_1789], %max3A_1787 {strides = array<i32>} : memref<321x144xf32, #tpu.memory_space<vmem>>, vector<16xf32>,
          %eq3A_1791 = arith.constant 15 : i32
          %eq3A_1792 = vector.broadcast %eq3A_1791 : i32 to vector<16xi32>
          %eq3A_1793 = arith.cmpi eq, %iota3A, %eq3A_1792 : vector<16xi32>
          %jit3A_1794 = arith.constant 0 : i32
          %broadcast_in_dim3A_1795 = vector.broadcast %jit3A_1794 : i32 to vector<16xi32>
          %select_n3A_1796 = arith.select %eq3A_1793, %get3A_174, %broadcast_in_dim3A_1795 : vector<16xi1>, vector<16xi32>
          %reduce_max3A_1797 = arith.constant true
          %reduce_max3A_1798 = vector.broadcast %reduce_max3A_1797 : i1 to vector<16xi1>
          %reduce_max3A_1799 = arith.constant -2147483648 : i32
          %reduce_max3A_1800 = vector.broadcast %reduce_max3A_1799 : i32 to vector<16xi32>
          %reduce_max3A_1801 = arith.xori %select_n3A_1796, %reduce_max3A_1800 : vector<16xi32>
          %reduce_max3A_1802 = tpu.scan <max>, %reduce_max3A_1801 masked %reduce_max3A_1798 : vector<16xi32>, vector<16xi1> -> vector<16xi32>
          %reduce_max3A_1803 = arith.xori %reduce_max3A_1802, %reduce_max3A_1800 : vector<16xi32>
          %reduce_max3A_1804 = vector.extract %reduce_max3A_1803[15] : i32 from vector<16xi32>
          %mul3A_1805 = arith.constant 16 : i32
          %mul3A_1806 = arith.muli %scan3A_168, %mul3A_1805 : i32
          %add3A_1807 = arith.constant 15 : i32
          %add3A_1808 = arith.addi %mul3A_1806, %add3A_1807 : i32
          %get3A_1809 = arith.index_cast %reduce_max3A_1804 : i32 to index
          %get3A_1810 = arith.constant 0 : index
          %get3A_1811 = tpu.vector_load %arg7[%get3A_1809, %get3A_1810] {strides = array<i32>} : memref<321x144xf32, #tpu.memory_space<vmem>>, vector<16xf32>,
          %get3A_1812 = arith.index_cast %add3A_1808 : i32 to index
          %get3A_1813 = arith.constant 0 : index
          %get3A_1814 = tpu.vector_load %arg12[%get3A_1812, %get3A_1813] {strides = array<i32>} : memref<128x144xf32, #tpu.memory_space<vmem>>, vector<16xf32>,
          %max3A_1815 = arith.maximumf %get3A_1811, %get3A_1814 : vector<16xf32>
          %swap3A_1816 = arith.index_cast %reduce_max3A_1804 : i32 to index
          %swap3A_1817 = arith.constant 0 : index
          %swap3A_1818 = tpu.vector_load %arg7[%swap3A_1816, %swap3A_1817] {strides = array<i32>} : memref<321x144xf32, #tpu.memory_space<vmem>>, vector<16xf32>,
          tpu.vector_store %arg7[%swap3A_1816, %swap3A_1817], %max3A_1815 {strides = array<i32>} : memref<321x144xf32, #tpu.memory_space<vmem>>, vector<16xf32>,
          %get3A_1819 = arith.index_cast %reduce_max3A_1804 : i32 to index
          %get3A_1820 = arith.constant 16 : index
          %get3A_1821 = tpu.vector_load %arg7[%get3A_1819, %get3A_1820] {strides = array<i32>} : memref<321x144xf32, #tpu.memory_space<vmem>>, vector<16xf32>,
          %get3A_1822 = arith.index_cast %add3A_1808 : i32 to index
          %get3A_1823 = arith.constant 16 : index
          %get3A_1824 = tpu.vector_load %arg12[%get3A_1822, %get3A_1823] {strides = array<i32>} : memref<128x144xf32, #tpu.memory_space<vmem>>, vector<16xf32>,
          %max3A_1825 = arith.maximumf %get3A_1821, %get3A_1824 : vector<16xf32>
          %swap3A_1826 = arith.index_cast %reduce_max3A_1804 : i32 to index
          %swap3A_1827 = arith.constant 16 : index
          %swap3A_1828 = tpu.vector_load %arg7[%swap3A_1826, %swap3A_1827] {strides = array<i32>} : memref<321x144xf32, #tpu.memory_space<vmem>>, vector<16xf32>,
          tpu.vector_store %arg7[%swap3A_1826, %swap3A_1827], %max3A_1825 {strides = array<i32>} : memref<321x144xf32, #tpu.memory_space<vmem>>, vector<16xf32>,
          %get3A_1829 = arith.index_cast %reduce_max3A_1804 : i32 to index
          %get3A_1830 = arith.constant 32 : index
          %get3A_1831 = tpu.vector_load %arg7[%get3A_1829, %get3A_1830] {strides = array<i32>} : memref<321x144xf32, #tpu.memory_space<vmem>>, vector<16xf32>,
          %get3A_1832 = arith.index_cast %add3A_1808 : i32 to index
          %get3A_1833 = arith.constant 32 : index
          %get3A_1834 = tpu.vector_load %arg12[%get3A_1832, %get3A_1833] {strides = array<i32>} : memref<128x144xf32, #tpu.memory_space<vmem>>, vector<16xf32>,
          %max3A_1835 = arith.maximumf %get3A_1831, %get3A_1834 : vector<16xf32>
          %swap3A_1836 = arith.index_cast %reduce_max3A_1804 : i32 to index
          %swap3A_1837 = arith.constant 32 : index
          %swap3A_1838 = tpu.vector_load %arg7[%swap3A_1836, %swap3A_1837] {strides = array<i32>} : memref<321x144xf32, #tpu.memory_space<vmem>>, vector<16xf32>,
          tpu.vector_store %arg7[%swap3A_1836, %swap3A_1837], %max3A_1835 {strides = array<i32>} : memref<321x144xf32, #tpu.memory_space<vmem>>, vector<16xf32>,
          %get3A_1839 = arith.index_cast %reduce_max3A_1804 : i32 to index
          %get3A_1840 = arith.constant 48 : index
          %get3A_1841 = tpu.vector_load %arg7[%get3A_1839, %get3A_1840] {strides = array<i32>} : memref<321x144xf32, #tpu.memory_space<vmem>>, vector<16xf32>,
          %get3A_1842 = arith.index_cast %add3A_1808 : i32 to index
          %get3A_1843 = arith.constant 48 : index
          %get3A_1844 = tpu.vector_load %arg12[%get3A_1842, %get3A_1843] {strides = array<i32>} : memref<128x144xf32, #tpu.memory_space<vmem>>, vector<16xf32>,
          %max3A_1845 = arith.maximumf %get3A_1841, %get3A_1844 : vector<16xf32>
          %swap3A_1846 = arith.index_cast %reduce_max3A_1804 : i32 to index
          %swap3A_1847 = arith.constant 48 : index
          %swap3A_1848 = tpu.vector_load %arg7[%swap3A_1846, %swap3A_1847] {strides = array<i32>} : memref<321x144xf32, #tpu.memory_space<vmem>>, vector<16xf32>,
          tpu.vector_store %arg7[%swap3A_1846, %swap3A_1847], %max3A_1845 {strides = array<i32>} : memref<321x144xf32, #tpu.memory_space<vmem>>, vector<16xf32>,
          %get3A_1849 = arith.index_cast %reduce_max3A_1804 : i32 to index
          %get3A_1850 = arith.constant 64 : index
          %get3A_1851 = tpu.vector_load %arg7[%get3A_1849, %get3A_1850] {strides = array<i32>} : memref<321x144xf32, #tpu.memory_space<vmem>>, vector<16xf32>,
          %get3A_1852 = arith.index_cast %add3A_1808 : i32 to index
          %get3A_1853 = arith.constant 64 : index
          %get3A_1854 = tpu.vector_load %arg12[%get3A_1852, %get3A_1853] {strides = array<i32>} : memref<128x144xf32, #tpu.memory_space<vmem>>, vector<16xf32>,
          %max3A_1855 = arith.maximumf %get3A_1851, %get3A_1854 : vector<16xf32>
          %swap3A_1856 = arith.index_cast %reduce_max3A_1804 : i32 to index
          %swap3A_1857 = arith.constant 64 : index
          %swap3A_1858 = tpu.vector_load %arg7[%swap3A_1856, %swap3A_1857] {strides = array<i32>} : memref<321x144xf32, #tpu.memory_space<vmem>>, vector<16xf32>,
          tpu.vector_store %arg7[%swap3A_1856, %swap3A_1857], %max3A_1855 {strides = array<i32>} : memref<321x144xf32, #tpu.memory_space<vmem>>, vector<16xf32>,
          %get3A_1859 = arith.index_cast %reduce_max3A_1804 : i32 to index
          %get3A_1860 = arith.constant 80 : index
          %get3A_1861 = tpu.vector_load %arg7[%get3A_1859, %get3A_1860] {strides = array<i32>} : memref<321x144xf32, #tpu.memory_space<vmem>>, vector<16xf32>,
          %get3A_1862 = arith.index_cast %add3A_1808 : i32 to index
          %get3A_1863 = arith.constant 80 : index
          %get3A_1864 = tpu.vector_load %arg12[%get3A_1862, %get3A_1863] {strides = array<i32>} : memref<128x144xf32, #tpu.memory_space<vmem>>, vector<16xf32>,
          %max3A_1865 = arith.maximumf %get3A_1861, %get3A_1864 : vector<16xf32>
          %swap3A_1866 = arith.index_cast %reduce_max3A_1804 : i32 to index
          %swap3A_1867 = arith.constant 80 : index
          %swap3A_1868 = tpu.vector_load %arg7[%swap3A_1866, %swap3A_1867] {strides = array<i32>} : memref<321x144xf32, #tpu.memory_space<vmem>>, vector<16xf32>,
          tpu.vector_store %arg7[%swap3A_1866, %swap3A_1867], %max3A_1865 {strides = array<i32>} : memref<321x144xf32, #tpu.memory_space<vmem>>, vector<16xf32>,
          %get3A_1869 = arith.index_cast %reduce_max3A_1804 : i32 to index
          %get3A_1870 = arith.constant 96 : index
          %get3A_1871 = tpu.vector_load %arg7[%get3A_1869, %get3A_1870] {strides = array<i32>} : memref<321x144xf32, #tpu.memory_space<vmem>>, vector<16xf32>,
          %get3A_1872 = arith.index_cast %add3A_1808 : i32 to index
          %get3A_1873 = arith.constant 96 : index
          %get3A_1874 = tpu.vector_load %arg12[%get3A_1872, %get3A_1873] {strides = array<i32>} : memref<128x144xf32, #tpu.memory_space<vmem>>, vector<16xf32>,
          %max3A_1875 = arith.maximumf %get3A_1871, %get3A_1874 : vector<16xf32>
          %swap3A_1876 = arith.index_cast %reduce_max3A_1804 : i32 to index
          %swap3A_1877 = arith.constant 96 : index
          %swap3A_1878 = tpu.vector_load %arg7[%swap3A_1876, %swap3A_1877] {strides = array<i32>} : memref<321x144xf32, #tpu.memory_space<vmem>>, vector<16xf32>,
          tpu.vector_store %arg7[%swap3A_1876, %swap3A_1877], %max3A_1875 {strides = array<i32>} : memref<321x144xf32, #tpu.memory_space<vmem>>, vector<16xf32>,
          %get3A_1879 = arith.index_cast %reduce_max3A_1804 : i32 to index
          %get3A_1880 = arith.constant 112 : index
          %get3A_1881 = tpu.vector_load %arg7[%get3A_1879, %get3A_1880] {strides = array<i32>} : memref<321x144xf32, #tpu.memory_space<vmem>>, vector<16xf32>,
          %get3A_1882 = arith.index_cast %add3A_1808 : i32 to index
          %get3A_1883 = arith.constant 112 : index
          %get3A_1884 = tpu.vector_load %arg12[%get3A_1882, %get3A_1883] {strides = array<i32>} : memref<128x144xf32, #tpu.memory_space<vmem>>, vector<16xf32>,
          %max3A_1885 = arith.maximumf %get3A_1881, %get3A_1884 : vector<16xf32>
          %swap3A_1886 = arith.index_cast %reduce_max3A_1804 : i32 to index
          %swap3A_1887 = arith.constant 112 : index
          %swap3A_1888 = tpu.vector_load %arg7[%swap3A_1886, %swap3A_1887] {strides = array<i32>} : memref<321x144xf32, #tpu.memory_space<vmem>>, vector<16xf32>,
          tpu.vector_store %arg7[%swap3A_1886, %swap3A_1887], %max3A_1885 {strides = array<i32>} : memref<321x144xf32, #tpu.memory_space<vmem>>, vector<16xf32>,
          %get3A_1889 = arith.index_cast %reduce_max3A_1804 : i32 to index
          %get3A_1890 = arith.constant 128 : index
          %get3A_1891 = tpu.vector_load %arg7[%get3A_1889, %get3A_1890] {strides = array<i32>} : memref<321x144xf32, #tpu.memory_space<vmem>>, vector<16xf32>,
          %get3A_1892 = arith.index_cast %add3A_1808 : i32 to index
          %get3A_1893 = arith.constant 128 : index
          %get3A_1894 = tpu.vector_load %arg12[%get3A_1892, %get3A_1893] {strides = array<i32>} : memref<128x144xf32, #tpu.memory_space<vmem>>, vector<16xf32>,
          %max3A_1895 = arith.maximumf %get3A_1891, %get3A_1894 : vector<16xf32>
          %swap3A_1896 = arith.index_cast %reduce_max3A_1804 : i32 to index
          %swap3A_1897 = arith.constant 128 : index
          %swap3A_1898 = tpu.vector_load %arg7[%swap3A_1896, %swap3A_1897] {strides = array<i32>} : memref<321x144xf32, #tpu.memory_space<vmem>>, vector<16xf32>,
          tpu.vector_store %arg7[%swap3A_1896, %swap3A_1897], %max3A_1895 {strides = array<i32>} : memref<321x144xf32, #tpu.memory_space<vmem>>, vector<16xf32>,
          %scan3A_1899 = arith.constant 0 : i32
          scf.yield %scan3A_1899 : i32
        }
        %scan3A_166 = arith.constant 8 : i32
        %while3A_167 = arith.constant 0 : i32
        scf.yield %while3A_167 : i32
      }
      %while3A_147 = arith.constant 1 : i32
      %while3A_148 = scf.for %while3A_150 = %while3A_144 to %while3A_140 step %while3A_147 iter_args(%while3A_151 = %while3A_146) -> (i32)  : i32 {
        %mul3A_152 = arith.constant 128 : i32
        %mul3A_153 = arith.muli %while3A_150, %mul3A_152 : i32
        %multiple_of3A = tpu.assume_multiple %mul3A_153, 8 : i32
        %dma_start3A = tpu.memref_slice %arg10[%multiple_of3A] : memref<8128xi32, #tpu.memory_space<vmem>> -> memref<128xi32, #tpu.memory_space<vmem>>
        %dma_start3A_154 = arith.constant 0 : i32
        %dma_start3A_155 = arith.constant 0 : i32
        %dma_start3A_156 = tpu.memref_slice %arg2[%dma_start3A_154, %dma_start3A_155] : memref<10240x144xf32, #tpu.memory_space<hbm>> -> memref<10240x144xf32, #tpu.memory_space<hbm>>
        tpu.enqueue_indirect_dma source(%dma_start3A_156 : memref<10240x144xf32, #tpu.memory_space<hbm>>) target(%arg12 : memref<128x144xf32, #tpu.memory_space<vmem>>) offsets(%dma_start3A : memref<128xi32, #tpu.memory_space<vmem>>) semaphore(%arg14 : memref<!tpu.dma_semaphore, #tpu.memory_space<semaphore_mem>>)
        %dma_wait3A = tpu.memref_slice %arg10[%multiple_of3A] : memref<8128xi32, #tpu.memory_space<vmem>> -> memref<128xi32, #tpu.memory_space<vmem>>
        %dma_wait3A_157 = arith.constant 0 : i32
        %dma_wait3A_158 = arith.constant 0 : i32
        %dma_wait3A_159 = tpu.memref_slice %arg2[%dma_wait3A_157, %dma_wait3A_158] : memref<10240x144xf32, #tpu.memory_space<hbm>> -> memref<10240x144xf32, #tpu.memory_space<hbm>>
        tpu.wait_indirect_dma semaphore(%arg14 : memref<!tpu.dma_semaphore, #tpu.memory_space<semaphore_mem>>) src(%dma_wait3A_159 : memref<10240x144xf32, #tpu.memory_space<hbm>>) dst(%arg12 : memref<128x144xf32, #tpu.memory_space<vmem>>)
        %scan3A_160 = arith.constant 0 : i32
        %scan3A_161 = arith.constant 0 : i32
        %scan3A_162 = arith.constant 8 : i32
        %scan3A_163 = arith.addi %scan3A_161, %scan3A_162 : i32
        %scan3A_164 = arith.constant 1 : i32
        %scan3A_165 = scf.for %scan3A_168 = %scan3A_161 to %scan3A_163 step %scan3A_164 iter_args(%scan3A_169 = %scan3A_160) -> (i32)  : i32 {
          %mul3A_170 = arith.constant 16 : i32
          %mul3A_171 = arith.muli %scan3A_168, %mul3A_170 : i32
          %add3A_172 = arith.addi %multiple_of3A, %mul3A_171 : i32
          %multiple_of3A_173 = tpu.assume_multiple %add3A_172, 8 : i32
          %get3A = arith.index_cast %multiple_of3A_173 : i32 to index
          %get3A_174 = tpu.vector_load %arg11[%get3A] {strides = array<i32>} : memref<8128xi32, #tpu.memory_space<vmem>>, vector<16xi32>,
          %eq3A = arith.constant 0 : i32
          %eq3A_175 = vector.broadcast %eq3A : i32 to vector<16xi32>
          %eq3A_176 = arith.cmpi eq, %iota3A, %eq3A_175 : vector<16xi32>
          %jit3A = arith.constant 0 : i32
          %broadcast_in_dim3A_177 = vector.broadcast %jit3A : i32 to vector<16xi32>
          %select_n3A = arith.select %eq3A_176, %get3A_174, %broadcast_in_dim3A_177 : vector<16xi1>, vector<16xi32>
          %reduce_max3A_178 = arith.constant true
          %reduce_max3A_179 = vector.broadcast %reduce_max3A_178 : i1 to vector<16xi1>
          %reduce_max3A_180 = arith.constant -2147483648 : i32
          %reduce_max3A_181 = vector.broadcast %reduce_max3A_180 : i32 to vector<16xi32>
          %reduce_max3A_182 = arith.xori %select_n3A, %reduce_max3A_181 : vector<16xi32>
          %reduce_max3A_183 = tpu.scan <max>, %reduce_max3A_182 masked %reduce_max3A_179 : vector<16xi32>, vector<16xi1> -> vector<16xi32>
          %reduce_max3A_184 = arith.xori %reduce_max3A_183, %reduce_max3A_181 : vector<16xi32>
          %reduce_max3A_185 = vector.extract %reduce_max3A_184[15] : i32 from vector<16xi32>
          %mul3A_186 = arith.constant 16 : i32
          %mul3A_187 = arith.muli %scan3A_168, %mul3A_186 : i32
          %add3A_188 = arith.constant 0 : i32
          %add3A_189 = arith.addi %mul3A_187, %add3A_188 : i32
          %get3A_190 = arith.index_cast %reduce_max3A_185 : i32 to index
          %get3A_191 = arith.constant 0 : index
          %get3A_192 = tpu.vector_load %arg7[%get3A_190, %get3A_191] {strides = array<i32>} : memref<321x144xf32, #tpu.memory_space<vmem>>, vector<16xf32>,
          %get3A_193 = arith.index_cast %add3A_189 : i32 to index
          %get3A_194 = arith.constant 0 : index
          %get3A_195 = tpu.vector_load %arg12[%get3A_193, %get3A_194] {strides = array<i32>} : memref<128x144xf32, #tpu.memory_space<vmem>>, vector<16xf32>,
          %max3A = arith.maximumf %get3A_192, %get3A_195 : vector<16xf32>
          %swap3A_196 = arith.index_cast %reduce_max3A_185 : i32 to index
          %swap3A_197 = arith.constant 0 : index
          %swap3A_198 = tpu.vector_load %arg7[%swap3A_196, %swap3A_197] {strides = array<i32>} : memref<321x144xf32, #tpu.memory_space<vmem>>, vector<16xf32>,
          tpu.vector_store %arg7[%swap3A_196, %swap3A_197], %max3A {strides = array<i32>} : memref<321x144xf32, #tpu.memory_space<vmem>>, vector<16xf32>,
          %get3A_199 = arith.index_cast %reduce_max3A_185 : i32 to index
          %get3A_200 = arith.constant 16 : index
          %get3A_201 = tpu.vector_load %arg7[%get3A_199, %get3A_200] {strides = array<i32>} : memref<321x144xf32, #tpu.memory_space<vmem>>, vector<16xf32>,
          %get3A_202 = arith.index_cast %add3A_189 : i32 to index
          %get3A_203 = arith.constant 16 : index
          %get3A_204 = tpu.vector_load %arg12[%get3A_202, %get3A_203] {strides = array<i32>} : memref<128x144xf32, #tpu.memory_space<vmem>>, vector<16xf32>,
          %max3A_205 = arith.maximumf %get3A_201, %get3A_204 : vector<16xf32>
          %swap3A_206 = arith.index_cast %reduce_max3A_185 : i32 to index
          %swap3A_207 = arith.constant 16 : index
          %swap3A_208 = tpu.vector_load %arg7[%swap3A_206, %swap3A_207] {strides = array<i32>} : memref<321x144xf32, #tpu.memory_space<vmem>>, vector<16xf32>,
          tpu.vector_store %arg7[%swap3A_206, %swap3A_207], %max3A_205 {strides = array<i32>} : memref<321x144xf32, #tpu.memory_space<vmem>>, vector<16xf32>,
          %get3A_209 = arith.index_cast %reduce_max3A_185 : i32 to index
          %get3A_210 = arith.constant 32 : index
          %get3A_211 = tpu.vector_load %arg7[%get3A_209, %get3A_210] {strides = array<i32>} : memref<321x144xf32, #tpu.memory_space<vmem>>, vector<16xf32>,
          %get3A_212 = arith.index_cast %add3A_189 : i32 to index
          %get3A_213 = arith.constant 32 : index
          %get3A_214 = tpu.vector_load %arg12[%get3A_212, %get3A_213] {strides = array<i32>} : memref<128x144xf32, #tpu.memory_space<vmem>>, vector<16xf32>,
          %max3A_215 = arith.maximumf %get3A_211, %get3A_214 : vector<16xf32>
          %swap3A_216 = arith.index_cast %reduce_max3A_185 : i32 to index
          %swap3A_217 = arith.constant 32 : index
          %swap3A_218 = tpu.vector_load %arg7[%swap3A_216, %swap3A_217] {strides = array<i32>} : memref<321x144xf32, #tpu.memory_space<vmem>>, vector<16xf32>,
          tpu.vector_store %arg7[%swap3A_216, %swap3A_217], %max3A_215 {strides = array<i32>} : memref<321x144xf32, #tpu.memory_space<vmem>>, vector<16xf32>,
          %get3A_219 = arith.index_cast %reduce_max3A_185 : i32 to index
          %get3A_220 = arith.constant 48 : index
          %get3A_221 = tpu.vector_load %arg7[%get3A_219, %get3A_220] {strides = array<i32>} : memref<321x144xf32, #tpu.memory_space<vmem>>, vector<16xf32>,
          %get3A_222 = arith.index_cast %add3A_189 : i32 to index
          %get3A_223 = arith.constant 48 : index
          %get3A_224 = tpu.vector_load %arg12[%get3A_222, %get3A_223] {strides = array<i32>} : memref<128x144xf32, #tpu.memory_space<vmem>>, vector<16xf32>,
          %max3A_225 = arith.maximumf %get3A_221, %get3A_224 : vector<16xf32>
          %swap3A_226 = arith.index_cast %reduce_max3A_185 : i32 to index
          %swap3A_227 = arith.constant 48 : index
          %swap3A_228 = tpu.vector_load %arg7[%swap3A_226, %swap3A_227] {strides = array<i32>} : memref<321x144xf32, #tpu.memory_space<vmem>>, vector<16xf32>,
          tpu.vector_store %arg7[%swap3A_226, %swap3A_227], %max3A_225 {strides = array<i32>} : memref<321x144xf32, #tpu.memory_space<vmem>>, vector<16xf32>,
          %get3A_229 = arith.index_cast %reduce_max3A_185 : i32 to index
          %get3A_230 = arith.constant 64 : index
          %get3A_231 = tpu.vector_load %arg7[%get3A_229, %get3A_230] {strides = array<i32>} : memref<321x144xf32, #tpu.memory_space<vmem>>, vector<16xf32>,
          %get3A_232 = arith.index_cast %add3A_189 : i32 to index
          %get3A_233 = arith.constant 64 : index
          %get3A_234 = tpu.vector_load %arg12[%get3A_232, %get3A_233] {strides = array<i32>} : memref<128x144xf32, #tpu.memory_space<vmem>>, vector<16xf32>,
          %max3A_235 = arith.maximumf %get3A_231, %get3A_234 : vector<16xf32>
          %swap3A_236 = arith.index_cast %reduce_max3A_185 : i32 to index
          %swap3A_237 = arith.constant 64 : index
          %swap3A_238 = tpu.vector_load %arg7[%swap3A_236, %swap3A_237] {strides = array<i32>} : memref<321x144xf32, #tpu.memory_space<vmem>>, vector<16xf32>,
          tpu.vector_store %arg7[%swap3A_236, %swap3A_237], %max3A_235 {strides = array<i32>} : memref<321x144xf32, #tpu.memory_space<vmem>>, vector<16xf32>,
          %get3A_239 = arith.index_cast %reduce_max3A_185 : i32 to index
          %get3A_240 = arith.constant 80 : index
          %get3A_241 = tpu.vector_load %arg7[%get3A_239, %get3A_240] {strides = array<i32>} : memref<321x144xf32, #tpu.memory_space<vmem>>, vector<16xf32>,
          %get3A_242 = arith.index_cast %add3A_189 : i32 to index
          %get3A_243 = arith.constant 80 : index
          %get3A_244 = tpu.vector_load %arg12[%get3A_242, %get3A_243] {strides = array<i32>} : memref<128x144xf32, #tpu.memory_space<vmem>>, vector<16xf32>,
          %max3A_245 = arith.maximumf %get3A_241, %get3A_244 : vector<16xf32>
          %swap3A_246 = arith.index_cast %reduce_max3A_185 : i32 to index
          %swap3A_247 = arith.constant 80 : index
          %swap3A_248 = tpu.vector_load %arg7[%swap3A_246, %swap3A_247] {strides = array<i32>} : memref<321x144xf32, #tpu.memory_space<vmem>>, vector<16xf32>,
          tpu.vector_store %arg7[%swap3A_246, %swap3A_247], %max3A_245 {strides = array<i32>} : memref<321x144xf32, #tpu.memory_space<vmem>>, vector<16xf32>,
          %get3A_249 = arith.index_cast %reduce_max3A_185 : i32 to index
          %get3A_250 = arith.constant 96 : index
          %get3A_251 = tpu.vector_load %arg7[%get3A_249, %get3A_250] {strides = array<i32>} : memref<321x144xf32, #tpu.memory_space<vmem>>, vector<16xf32>,
          %get3A_252 = arith.index_cast %add3A_189 : i32 to index
          %get3A_253 = arith.constant 96 : index
          %get3A_254 = tpu.vector_load %arg12[%get3A_252, %get3A_253] {strides = array<i32>} : memref<128x144xf32, #tpu.memory_space<vmem>>, vector<16xf32>,
          %max3A_255 = arith.maximumf %get3A_251, %get3A_254 : vector<16xf32>
          %swap3A_256 = arith.index_cast %reduce_max3A_185 : i32 to index
          %swap3A_257 = arith.constant 96 : index
          %swap3A_258 = tpu.vector_load %arg7[%swap3A_256, %swap3A_257] {strides = array<i32>} : memref<321x144xf32, #tpu.memory_space<vmem>>, vector<16xf32>,
          tpu.vector_store %arg7[%swap3A_256, %swap3A_257], %max3A_255 {strides = array<i32>} : memref<321x144xf32, #tpu.memory_space<vmem>>, vector<16xf32>,
          %get3A_259 = arith.index_cast %reduce_max3A_185 : i32 to index
          %get3A_260 = arith.constant 112 : index
          %get3A_261 = tpu.vector_load %arg7[%get3A_259, %get3A_260] {strides = array<i32>} : memref<321x144xf32, #tpu.memory_space<vmem>>, vector<16xf32>,
          %get3A_262 = arith.index_cast %add3A_189 : i32 to index
          %get3A_263 = arith.constant 112 : index
          %get3A_264 = tpu.vector_load %arg12[%get3A_262, %get3A_263] {strides = array<i32>} : memref<128x144xf32, #tpu.memory_space<vmem>>, vector<16xf32>,
          %max3A_265 = arith.maximumf %get3A_261, %get3A_264 : vector<16xf32>
          %swap3A_266 = arith.index_cast %reduce_max3A_185 : i32 to index
          %swap3A_267 = arith.constant 112 : index
          %swap3A_268 = tpu.vector_load %arg7[%swap3A_266, %swap3A_267] {strides = array<i32>} : memref<321x144xf32, #tpu.memory_space<vmem>>, vector<16xf32>,
          tpu.vector_store %arg7[%swap3A_266, %swap3A_267], %max3A_265 {strides = array<i32>} : memref<321x144xf32, #tpu.memory_space<vmem>>, vector<16xf32>,
          %get3A_269 = arith.index_cast %reduce_max3A_185 : i32 to index
          %get3A_270 = arith.constant 128 : index
          %get3A_271 = tpu.vector_load %arg7[%get3A_269, %get3A_270] {strides = array<i32>} : memref<321x144xf32, #tpu.memory_space<vmem>>, vector<16xf32>,
          %get3A_272 = arith.index_cast %add3A_189 : i32 to index
          %get3A_273 = arith.constant 128 : index
          %get3A_274 = tpu.vector_load %arg12[%get3A_272, %get3A_273] {strides = array<i32>} : memref<128x144xf32, #tpu.memory_space<vmem>>, vector<16xf32>,
          %max3A_275 = arith.maximumf %get3A_271, %get3A_274 : vector<16xf32>
          %swap3A_276 = arith.index_cast %reduce_max3A_185 : i32 to index
          %swap3A_277 = arith.constant 128 : index
          %swap3A_278 = tpu.vector_load %arg7[%swap3A_276, %swap3A_277] {strides = array<i32>} : memref<321x144xf32, #tpu.memory_space<vmem>>, vector<16xf32>,
          tpu.vector_store %arg7[%swap3A_276, %swap3A_277], %max3A_275 {strides = array<i32>} : memref<321x144xf32, #tpu.memory_space<vmem>>, vector<16xf32>,
          %eq3A_279 = arith.constant 1 : i32
          %eq3A_280 = vector.broadcast %eq3A_279 : i32 to vector<16xi32>
          %eq3A_281 = arith.cmpi eq, %iota3A, %eq3A_280 : vector<16xi32>
          %jit3A_282 = arith.constant 0 : i32
          %broadcast_in_dim3A_283 = vector.broadcast %jit3A_282 : i32 to vector<16xi32>
          %select_n3A_284 = arith.select %eq3A_281, %get3A_174, %broadcast_in_dim3A_283 : vector<16xi1>, vector<16xi32>
          %reduce_max3A_285 = arith.constant true
          %reduce_max3A_286 = vector.broadcast %reduce_max3A_285 : i1 to vector<16xi1>
          %reduce_max3A_287 = arith.constant -2147483648 : i32
          %reduce_max3A_288 = vector.broadcast %reduce_max3A_287 : i32 to vector<16xi32>
          %reduce_max3A_289 = arith.xori %select_n3A_284, %reduce_max3A_288 : vector<16xi32>
          %reduce_max3A_290 = tpu.scan <max>, %reduce_max3A_289 masked %reduce_max3A_286 : vector<16xi32>, vector<16xi1> -> vector<16xi32>
          %reduce_max3A_291 = arith.xori %reduce_max3A_290, %reduce_max3A_288 : vector<16xi32>
          %reduce_max3A_292 = vector.extract %reduce_max3A_291[15] : i32 from vector<16xi32>
          %mul3A_293 = arith.constant 16 : i32
          %mul3A_294 = arith.muli %scan3A_168, %mul3A_293 : i32
          %add3A_295 = arith.constant 1 : i32
          %add3A_296 = arith.addi %mul3A_294, %add3A_295 : i32
          %get3A_297 = arith.index_cast %reduce_max3A_292 : i32 to index
          %get3A_298 = arith.constant 0 : index
          %get3A_299 = tpu.vector_load %arg7[%get3A_297, %get3A_298] {strides = array<i32>} : memref<321x144xf32, #tpu.memory_space<vmem>>, vector<16xf32>,
          %get3A_300 = arith.index_cast %add3A_296 : i32 to index
          %get3A_301 = arith.constant 0 : index
          %get3A_302 = tpu.vector_load %arg12[%get3A_300, %get3A_301] {strides = array<i32>} : memref<128x144xf32, #tpu.memory_space<vmem>>, vector<16xf32>,
          %max3A_303 = arith.maximumf %get3A_299, %get3A_302 : vector<16xf32>
          %swap3A_304 = arith.index_cast %reduce_max3A_292 : i32 to index
          %swap3A_305 = arith.constant 0 : index
          %swap3A_306 = tpu.vector_load %arg7[%swap3A_304, %swap3A_305] {strides = array<i32>} : memref<321x144xf32, #tpu.memory_space<vmem>>, vector<16xf32>,
          tpu.vector_store %arg7[%swap3A_304, %swap3A_305], %max3A_303 {strides = array<i32>} : memref<321x144xf32, #tpu.memory_space<vmem>>, vector<16xf32>,
          %get3A_307 = arith.index_cast %reduce_max3A_292 : i32 to index
          %get3A_308 = arith.constant 16 : index
          %get3A_309 = tpu.vector_load %arg7[%get3A_307, %get3A_308] {strides = array<i32>} : memref<321x144xf32, #tpu.memory_space<vmem>>, vector<16xf32>,
          %get3A_310 = arith.index_cast %add3A_296 : i32 to index
          %get3A_311 = arith.constant 16 : index
          %get3A_312 = tpu.vector_load %arg12[%get3A_310, %get3A_311] {strides = array<i32>} : memref<128x144xf32, #tpu.memory_space<vmem>>, vector<16xf32>,
          %max3A_313 = arith.maximumf %get3A_309, %get3A_312 : vector<16xf32>
          %swap3A_314 = arith.index_cast %reduce_max3A_292 : i32 to index
          %swap3A_315 = arith.constant 16 : index
          %swap3A_316 = tpu.vector_load %arg7[%swap3A_314, %swap3A_315] {strides = array<i32>} : memref<321x144xf32, #tpu.memory_space<vmem>>, vector<16xf32>,
          tpu.vector_store %arg7[%swap3A_314, %swap3A_315], %max3A_313 {strides = array<i32>} : memref<321x144xf32, #tpu.memory_space<vmem>>, vector<16xf32>,
          %get3A_317 = arith.index_cast %reduce_max3A_292 : i32 to index
          %get3A_318 = arith.constant 32 : index
          %get3A_319 = tpu.vector_load %arg7[%get3A_317, %get3A_318] {strides = array<i32>} : memref<321x144xf32, #tpu.memory_space<vmem>>, vector<16xf32>,
          %get3A_320 = arith.index_cast %add3A_296 : i32 to index
          %get3A_321 = arith.constant 32 : index
          %get3A_322 = tpu.vector_load %arg12[%get3A_320, %get3A_321] {strides = array<i32>} : memref<128x144xf32, #tpu.memory_space<vmem>>, vector<16xf32>,
          %max3A_323 = arith.maximumf %get3A_319, %get3A_322 : vector<16xf32>
          %swap3A_324 = arith.index_cast %reduce_max3A_292 : i32 to index
          %swap3A_325 = arith.constant 32 : index
          %swap3A_326 = tpu.vector_load %arg7[%swap3A_324, %swap3A_325] {strides = array<i32>} : memref<321x144xf32, #tpu.memory_space<vmem>>, vector<16xf32>,
          tpu.vector_store %arg7[%swap3A_324, %swap3A_325], %max3A_323 {strides = array<i32>} : memref<321x144xf32, #tpu.memory_space<vmem>>, vector<16xf32>,
          %get3A_327 = arith.index_cast %reduce_max3A_292 : i32 to index
          %get3A_328 = arith.constant 48 : index
          %get3A_329 = tpu.vector_load %arg7[%get3A_327, %get3A_328] {strides = array<i32>} : memref<321x144xf32, #tpu.memory_space<vmem>>, vector<16xf32>,
          %get3A_330 = arith.index_cast %add3A_296 : i32 to index
          %get3A_331 = arith.constant 48 : index
          %get3A_332 = tpu.vector_load %arg12[%get3A_330, %get3A_331] {strides = array<i32>} : memref<128x144xf32, #tpu.memory_space<vmem>>, vector<16xf32>,
          %max3A_333 = arith.maximumf %get3A_329, %get3A_332 : vector<16xf32>
          %swap3A_334 = arith.index_cast %reduce_max3A_292 : i32 to index
          %swap3A_335 = arith.constant 48 : index
          %swap3A_336 = tpu.vector_load %arg7[%swap3A_334, %swap3A_335] {strides = array<i32>} : memref<321x144xf32, #tpu.memory_space<vmem>>, vector<16xf32>,
          tpu.vector_store %arg7[%swap3A_334, %swap3A_335], %max3A_333 {strides = array<i32>} : memref<321x144xf32, #tpu.memory_space<vmem>>, vector<16xf32>,
          %get3A_337 = arith.index_cast %reduce_max3A_292 : i32 to index
          %get3A_338 = arith.constant 64 : index
          %get3A_339 = tpu.vector_load %arg7[%get3A_337, %get3A_338] {strides = array<i32>} : memref<321x144xf32, #tpu.memory_space<vmem>>, vector<16xf32>,
          %get3A_340 = arith.index_cast %add3A_296 : i32 to index
          %get3A_341 = arith.constant 64 : index
          %get3A_342 = tpu.vector_load %arg12[%get3A_340, %get3A_341] {strides = array<i32>} : memref<128x144xf32, #tpu.memory_space<vmem>>, vector<16xf32>,
          %max3A_343 = arith.maximumf %get3A_339, %get3A_342 : vector<16xf32>
          %swap3A_344 = arith.index_cast %reduce_max3A_292 : i32 to index
          %swap3A_345 = arith.constant 64 : index
          %swap3A_346 = tpu.vector_load %arg7[%swap3A_344, %swap3A_345] {strides = array<i32>} : memref<321x144xf32, #tpu.memory_space<vmem>>, vector<16xf32>,
          tpu.vector_store %arg7[%swap3A_344, %swap3A_345], %max3A_343 {strides = array<i32>} : memref<321x144xf32, #tpu.memory_space<vmem>>, vector<16xf32>,
          %get3A_347 = arith.index_cast %reduce_max3A_292 : i32 to index
          %get3A_348 = arith.constant 80 : index
          %get3A_349 = tpu.vector_load %arg7[%get3A_347, %get3A_348] {strides = array<i32>} : memref<321x144xf32, #tpu.memory_space<vmem>>, vector<16xf32>,
          %get3A_350 = arith.index_cast %add3A_296 : i32 to index
          %get3A_351 = arith.constant 80 : index
          %get3A_352 = tpu.vector_load %arg12[%get3A_350, %get3A_351] {strides = array<i32>} : memref<128x144xf32, #tpu.memory_space<vmem>>, vector<16xf32>,
          %max3A_353 = arith.maximumf %get3A_349, %get3A_352 : vector<16xf32>
          %swap3A_354 = arith.index_cast %reduce_max3A_292 : i32 to index
          %swap3A_355 = arith.constant 80 : index
          %swap3A_356 = tpu.vector_load %arg7[%swap3A_354, %swap3A_355] {strides = array<i32>} : memref<321x144xf32, #tpu.memory_space<vmem>>, vector<16xf32>,
          tpu.vector_store %arg7[%swap3A_354, %swap3A_355], %max3A_353 {strides = array<i32>} : memref<321x144xf32, #tpu.memory_space<vmem>>, vector<16xf32>,
          %get3A_357 = arith.index_cast %reduce_max3A_292 : i32 to index
          %get3A_358 = arith.constant 96 : index
          %get3A_359 = tpu.vector_load %arg7[%get3A_357, %get3A_358] {strides = array<i32>} : memref<321x144xf32, #tpu.memory_space<vmem>>, vector<16xf32>,
          %get3A_360 = arith.index_cast %add3A_296 : i32 to index
          %get3A_361 = arith.constant 96 : index
          %get3A_362 = tpu.vector_load %arg12[%get3A_360, %get3A_361] {strides = array<i32>} : memref<128x144xf32, #tpu.memory_space<vmem>>, vector<16xf32>,
          %max3A_363 = arith.maximumf %get3A_359, %get3A_362 : vector<16xf32>
          %swap3A_364 = arith.index_cast %reduce_max3A_292 : i32 to index
          %swap3A_365 = arith.constant 96 : index
          %swap3A_366 = tpu.vector_load %arg7[%swap3A_364, %swap3A_365] {strides = array<i32>} : memref<321x144xf32, #tpu.memory_space<vmem>>, vector<16xf32>,
          tpu.vector_store %arg7[%swap3A_364, %swap3A_365], %max3A_363 {strides = array<i32>} : memref<321x144xf32, #tpu.memory_space<vmem>>, vector<16xf32>,
          %get3A_367 = arith.index_cast %reduce_max3A_292 : i32 to index
          %get3A_368 = arith.constant 112 : index
          %get3A_369 = tpu.vector_load %arg7[%get3A_367, %get3A_368] {strides = array<i32>} : memref<321x144xf32, #tpu.memory_space<vmem>>, vector<16xf32>,
          %get3A_370 = arith.index_cast %add3A_296 : i32 to index
          %get3A_371 = arith.constant 112 : index
          %get3A_372 = tpu.vector_load %arg12[%get3A_370, %get3A_371] {strides = array<i32>} : memref<128x144xf32, #tpu.memory_space<vmem>>, vector<16xf32>,
          %max3A_373 = arith.maximumf %get3A_369, %get3A_372 : vector<16xf32>
          %swap3A_374 = arith.index_cast %reduce_max3A_292 : i32 to index
          %swap3A_375 = arith.constant 112 : index
          %swap3A_376 = tpu.vector_load %arg7[%swap3A_374, %swap3A_375] {strides = array<i32>} : memref<321x144xf32, #tpu.memory_space<vmem>>, vector<16xf32>,
          tpu.vector_store %arg7[%swap3A_374, %swap3A_375], %max3A_373 {strides = array<i32>} : memref<321x144xf32, #tpu.memory_space<vmem>>, vector<16xf32>,
          %get3A_377 = arith.index_cast %reduce_max3A_292 : i32 to index
          %get3A_378 = arith.constant 128 : index
          %get3A_379 = tpu.vector_load %arg7[%get3A_377, %get3A_378] {strides = array<i32>} : memref<321x144xf32, #tpu.memory_space<vmem>>, vector<16xf32>,
          %get3A_380 = arith.index_cast %add3A_296 : i32 to index
          %get3A_381 = arith.constant 128 : index
          %get3A_382 = tpu.vector_load %arg12[%get3A_380, %get3A_381] {strides = array<i32>} : memref<128x144xf32, #tpu.memory_space<vmem>>, vector<16xf32>,
          %max3A_383 = arith.maximumf %get3A_379, %get3A_382 : vector<16xf32>
          %swap3A_384 = arith.index_cast %reduce_max3A_292 : i32 to index
          %swap3A_385 = arith.constant 128 : index
          %swap3A_386 = tpu.vector_load %arg7[%swap3A_384, %swap3A_385] {strides = array<i32>} : memref<321x144xf32, #tpu.memory_space<vmem>>, vector<16xf32>,
          tpu.vector_store %arg7[%swap3A_384, %swap3A_385], %max3A_383 {strides = array<i32>} : memref<321x144xf32, #tpu.memory_space<vmem>>, vector<16xf32>,
          %eq3A_387 = arith.constant 2 : i32
          %eq3A_388 = vector.broadcast %eq3A_387 : i32 to vector<16xi32>
          %eq3A_389 = arith.cmpi eq, %iota3A, %eq3A_388 : vector<16xi32>
          %jit3A_390 = arith.constant 0 : i32
          %broadcast_in_dim3A_391 = vector.broadcast %jit3A_390 : i32 to vector<16xi32>
          %select_n3A_392 = arith.select %eq3A_389, %get3A_174, %broadcast_in_dim3A_391 : vector<16xi1>, vector<16xi32>
          %reduce_max3A_393 = arith.constant true
          %reduce_max3A_394 = vector.broadcast %reduce_max3A_393 : i1 to vector<16xi1>
          %reduce_max3A_395 = arith.constant -2147483648 : i32
          %reduce_max3A_396 = vector.broadcast %reduce_max3A_395 : i32 to vector<16xi32>
          %reduce_max3A_397 = arith.xori %select_n3A_392, %reduce_max3A_396 : vector<16xi32>
          %reduce_max3A_398 = tpu.scan <max>, %reduce_max3A_397 masked %reduce_max3A_394 : vector<16xi32>, vector<16xi1> -> vector<16xi32>
          %reduce_max3A_399 = arith.xori %reduce_max3A_398, %reduce_max3A_396 : vector<16xi32>
          %reduce_max3A_400 = vector.extract %reduce_max3A_399[15] : i32 from vector<16xi32>
          %mul3A_401 = arith.constant 16 : i32
          %mul3A_402 = arith.muli %scan3A_168, %mul3A_401 : i32
          %add3A_403 = arith.constant 2 : i32
          %add3A_404 = arith.addi %mul3A_402, %add3A_403 : i32
          %get3A_405 = arith.index_cast %reduce_max3A_400 : i32 to index
          %get3A_406 = arith.constant 0 : index
          %get3A_407 = tpu.vector_load %arg7[%get3A_405, %get3A_406] {strides = array<i32>} : memref<321x144xf32, #tpu.memory_space<vmem>>, vector<16xf32>,
          %get3A_408 = arith.index_cast %add3A_404 : i32 to index
          %get3A_409 = arith.constant 0 : index
          %get3A_410 = tpu.vector_load %arg12[%get3A_408, %get3A_409] {strides = array<i32>} : memref<128x144xf32, #tpu.memory_space<vmem>>, vector<16xf32>,
          %max3A_411 = arith.maximumf %get3A_407, %get3A_410 : vector<16xf32>
          %swap3A_412 = arith.index_cast %reduce_max3A_400 : i32 to index
          %swap3A_413 = arith.constant 0 : index
          %swap3A_414 = tpu.vector_load %arg7[%swap3A_412, %swap3A_413] {strides = array<i32>} : memref<321x144xf32, #tpu.memory_space<vmem>>, vector<16xf32>,
          tpu.vector_store %arg7[%swap3A_412, %swap3A_413], %max3A_411 {strides = array<i32>} : memref<321x144xf32, #tpu.memory_space<vmem>>, vector<16xf32>,
          %get3A_415 = arith.index_cast %reduce_max3A_400 : i32 to index
          %get3A_416 = arith.constant 16 : index
          %get3A_417 = tpu.vector_load %arg7[%get3A_415, %get3A_416] {strides = array<i32>} : memref<321x144xf32, #tpu.memory_space<vmem>>, vector<16xf32>,
          %get3A_418 = arith.index_cast %add3A_404 : i32 to index
          %get3A_419 = arith.constant 16 : index
          %get3A_420 = tpu.vector_load %arg12[%get3A_418, %get3A_419] {strides = array<i32>} : memref<128x144xf32, #tpu.memory_space<vmem>>, vector<16xf32>,
          %max3A_421 = arith.maximumf %get3A_417, %get3A_420 : vector<16xf32>
          %swap3A_422 = arith.index_cast %reduce_max3A_400 : i32 to index
          %swap3A_423 = arith.constant 16 : index
          %swap3A_424 = tpu.vector_load %arg7[%swap3A_422, %swap3A_423] {strides = array<i32>} : memref<321x144xf32, #tpu.memory_space<vmem>>, vector<16xf32>,
          tpu.vector_store %arg7[%swap3A_422, %swap3A_423], %max3A_421 {strides = array<i32>} : memref<321x144xf32, #tpu.memory_space<vmem>>, vector<16xf32>,
          %get3A_425 = arith.index_cast %reduce_max3A_400 : i32 to index
          %get3A_426 = arith.constant 32 : index
          %get3A_427 = tpu.vector_load %arg7[%get3A_425, %get3A_426] {strides = array<i32>} : memref<321x144xf32, #tpu.memory_space<vmem>>, vector<16xf32>,
          %get3A_428 = arith.index_cast %add3A_404 : i32 to index
          %get3A_429 = arith.constant 32 : index
          %get3A_430 = tpu.vector_load %arg12[%get3A_428, %get3A_429] {strides = array<i32>} : memref<128x144xf32, #tpu.memory_space<vmem>>, vector<16xf32>,
          %max3A_431 = arith.maximumf %get3A_427, %get3A_430 : vector<16xf32>
          %swap3A_432 = arith.index_cast %reduce_max3A_400 : i32 to index
          %swap3A_433 = arith.constant 32 : index
          %swap3A_434 = tpu.vector_load %arg7[%swap3A_432, %swap3A_433] {strides = array<i32>} : memref<321x144xf32, #tpu.memory_space<vmem>>, vector<16xf32>,
          tpu.vector_store %arg7[%swap3A_432, %swap3A_433], %max3A_431 {strides = array<i32>} : memref<321x144xf32, #tpu.memory_space<vmem>>, vector<16xf32>,
          %get3A_435 = arith.index_cast %reduce_max3A_400 : i32 to index
          %get3A_436 = arith.constant 48 : index
          %get3A_437 = tpu.vector_load %arg7[%get3A_435, %get3A_436] {strides = array<i32>} : memref<321x144xf32, #tpu.memory_space<vmem>>, vector<16xf32>,
          %get3A_438 = arith.index_cast %add3A_404 : i32 to index
          %get3A_439 = arith.constant 48 : index
          %get3A_440 = tpu.vector_load %arg12[%get3A_438, %get3A_439] {strides = array<i32>} : memref<128x144xf32, #tpu.memory_space<vmem>>, vector<16xf32>,
          %max3A_441 = arith.maximumf %get3A_437, %get3A_440 : vector<16xf32>
          %swap3A_442 = arith.index_cast %reduce_max3A_400 : i32 to index
          %swap3A_443 = arith.constant 48 : index
          %swap3A_444 = tpu.vector_load %arg7[%swap3A_442, %swap3A_443] {strides = array<i32>} : memref<321x144xf32, #tpu.memory_space<vmem>>, vector<16xf32>,
          tpu.vector_store %arg7[%swap3A_442, %swap3A_443], %max3A_441 {strides = array<i32>} : memref<321x144xf32, #tpu.memory_space<vmem>>, vector<16xf32>,
          %get3A_445 = arith.index_cast %reduce_max3A_400 : i32 to index
          %get3A_446 = arith.constant 64 : index
          %get3A_447 = tpu.vector_load %arg7[%get3A_445, %get3A_446] {strides = array<i32>} : memref<321x144xf32, #tpu.memory_space<vmem>>, vector<16xf32>,
          %get3A_448 = arith.index_cast %add3A_404 : i32 to index
          %get3A_449 = arith.constant 64 : index
          %get3A_450 = tpu.vector_load %arg12[%get3A_448, %get3A_449] {strides = array<i32>} : memref<128x144xf32, #tpu.memory_space<vmem>>, vector<16xf32>,
          %max3A_451 = arith.maximumf %get3A_447, %get3A_450 : vector<16xf32>
          %swap3A_452 = arith.index_cast %reduce_max3A_400 : i32 to index
          %swap3A_453 = arith.constant 64 : index
          %swap3A_454 = tpu.vector_load %arg7[%swap3A_452, %swap3A_453] {strides = array<i32>} : memref<321x144xf32, #tpu.memory_space<vmem>>, vector<16xf32>,
          tpu.vector_store %arg7[%swap3A_452, %swap3A_453], %max3A_451 {strides = array<i32>} : memref<321x144xf32, #tpu.memory_space<vmem>>, vector<16xf32>,
          %get3A_455 = arith.index_cast %reduce_max3A_400 : i32 to index
          %get3A_456 = arith.constant 80 : index
          %get3A_457 = tpu.vector_load %arg7[%get3A_455, %get3A_456] {strides = array<i32>} : memref<321x144xf32, #tpu.memory_space<vmem>>, vector<16xf32>,
          %get3A_458 = arith.index_cast %add3A_404 : i32 to index
          %get3A_459 = arith.constant 80 : index
          %get3A_460 = tpu.vector_load %arg12[%get3A_458, %get3A_459] {strides = array<i32>} : memref<128x144xf32, #tpu.memory_space<vmem>>, vector<16xf32>,
          %max3A_461 = arith.maximumf %get3A_457, %get3A_460 : vector<16xf32>
          %swap3A_462 = arith.index_cast %reduce_max3A_400 : i32 to index
          %swap3A_463 = arith.constant 80 : index
          %swap3A_464 = tpu.vector_load %arg7[%swap3A_462, %swap3A_463] {strides = array<i32>} : memref<321x144xf32, #tpu.memory_space<vmem>>, vector<16xf32>,
          tpu.vector_store %arg7[%swap3A_462, %swap3A_463], %max3A_461 {strides = array<i32>} : memref<321x144xf32, #tpu.memory_space<vmem>>, vector<16xf32>,
          %get3A_465 = arith.index_cast %reduce_max3A_400 : i32 to index
          %get3A_466 = arith.constant 96 : index
          %get3A_467 = tpu.vector_load %arg7[%get3A_465, %get3A_466] {strides = array<i32>} : memref<321x144xf32, #tpu.memory_space<vmem>>, vector<16xf32>,
          %get3A_468 = arith.index_cast %add3A_404 : i32 to index
          %get3A_469 = arith.constant 96 : index
          %get3A_470 = tpu.vector_load %arg12[%get3A_468, %get3A_469] {strides = array<i32>} : memref<128x144xf32, #tpu.memory_space<vmem>>, vector<16xf32>,
          %max3A_471 = arith.maximumf %get3A_467, %get3A_470 : vector<16xf32>
          %swap3A_472 = arith.index_cast %reduce_max3A_400 : i32 to index
          %swap3A_473 = arith.constant 96 : index
          %swap3A_474 = tpu.vector_load %arg7[%swap3A_472, %swap3A_473] {strides = array<i32>} : memref<321x144xf32, #tpu.memory_space<vmem>>, vector<16xf32>,
          tpu.vector_store %arg7[%swap3A_472, %swap3A_473], %max3A_471 {strides = array<i32>} : memref<321x144xf32, #tpu.memory_space<vmem>>, vector<16xf32>,
          %get3A_475 = arith.index_cast %reduce_max3A_400 : i32 to index
          %get3A_476 = arith.constant 112 : index
          %get3A_477 = tpu.vector_load %arg7[%get3A_475, %get3A_476] {strides = array<i32>} : memref<321x144xf32, #tpu.memory_space<vmem>>, vector<16xf32>,
          %get3A_478 = arith.index_cast %add3A_404 : i32 to index
          %get3A_479 = arith.constant 112 : index
          %get3A_480 = tpu.vector_load %arg12[%get3A_478, %get3A_479] {strides = array<i32>} : memref<128x144xf32, #tpu.memory_space<vmem>>, vector<16xf32>,
          %max3A_481 = arith.maximumf %get3A_477, %get3A_480 : vector<16xf32>
          %swap3A_482 = arith.index_cast %reduce_max3A_400 : i32 to index
          %swap3A_483 = arith.constant 112 : index
          %swap3A_484 = tpu.vector_load %arg7[%swap3A_482, %swap3A_483] {strides = array<i32>} : memref<321x144xf32, #tpu.memory_space<vmem>>, vector<16xf32>,
          tpu.vector_store %arg7[%swap3A_482, %swap3A_483], %max3A_481 {strides = array<i32>} : memref<321x144xf32, #tpu.memory_space<vmem>>, vector<16xf32>,
          %get3A_485 = arith.index_cast %reduce_max3A_400 : i32 to index
          %get3A_486 = arith.constant 128 : index
          %get3A_487 = tpu.vector_load %arg7[%get3A_485, %get3A_486] {strides = array<i32>} : memref<321x144xf32, #tpu.memory_space<vmem>>, vector<16xf32>,
          %get3A_488 = arith.index_cast %add3A_404 : i32 to index
          %get3A_489 = arith.constant 128 : index
          %get3A_490 = tpu.vector_load %arg12[%get3A_488, %get3A_489] {strides = array<i32>} : memref<128x144xf32, #tpu.memory_space<vmem>>, vector<16xf32>,
          %max3A_491 = arith.maximumf %get3A_487, %get3A_490 : vector<16xf32>
          %swap3A_492 = arith.index_cast %reduce_max3A_400 : i32 to index
          %swap3A_493 = arith.constant 128 : index
          %swap3A_494 = tpu.vector_load %arg7[%swap3A_492, %swap3A_493] {strides = array<i32>} : memref<321x144xf32, #tpu.memory_space<vmem>>, vector<16xf32>,
          tpu.vector_store %arg7[%swap3A_492, %swap3A_493], %max3A_491 {strides = array<i32>} : memref<321x144xf32, #tpu.memory_space<vmem>>, vector<16xf32>,
          %eq3A_495 = arith.constant 3 : i32
          %eq3A_496 = vector.broadcast %eq3A_495 : i32 to vector<16xi32>
          %eq3A_497 = arith.cmpi eq, %iota3A, %eq3A_496 : vector<16xi32>
          %jit3A_498 = arith.constant 0 : i32
          %broadcast_in_dim3A_499 = vector.broadcast %jit3A_498 : i32 to vector<16xi32>
          %select_n3A_500 = arith.select %eq3A_497, %get3A_174, %broadcast_in_dim3A_499 : vector<16xi1>, vector<16xi32>
          %reduce_max3A_501 = arith.constant true
          %reduce_max3A_502 = vector.broadcast %reduce_max3A_501 : i1 to vector<16xi1>
          %reduce_max3A_503 = arith.constant -2147483648 : i32
          %reduce_max3A_504 = vector.broadcast %reduce_max3A_503 : i32 to vector<16xi32>
          %reduce_max3A_505 = arith.xori %select_n3A_500, %reduce_max3A_504 : vector<16xi32>
          %reduce_max3A_506 = tpu.scan <max>, %reduce_max3A_505 masked %reduce_max3A_502 : vector<16xi32>, vector<16xi1> -> vector<16xi32>
          %reduce_max3A_507 = arith.xori %reduce_max3A_506, %reduce_max3A_504 : vector<16xi32>
          %reduce_max3A_508 = vector.extract %reduce_max3A_507[15] : i32 from vector<16xi32>
          %mul3A_509 = arith.constant 16 : i32
          %mul3A_510 = arith.muli %scan3A_168, %mul3A_509 : i32
          %add3A_511 = arith.constant 3 : i32
          %add3A_512 = arith.addi %mul3A_510, %add3A_511 : i32
          %get3A_513 = arith.index_cast %reduce_max3A_508 : i32 to index
          %get3A_514 = arith.constant 0 : index
          %get3A_515 = tpu.vector_load %arg7[%get3A_513, %get3A_514] {strides = array<i32>} : memref<321x144xf32, #tpu.memory_space<vmem>>, vector<16xf32>,
          %get3A_516 = arith.index_cast %add3A_512 : i32 to index
          %get3A_517 = arith.constant 0 : index
          %get3A_518 = tpu.vector_load %arg12[%get3A_516, %get3A_517] {strides = array<i32>} : memref<128x144xf32, #tpu.memory_space<vmem>>, vector<16xf32>,
          %max3A_519 = arith.maximumf %get3A_515, %get3A_518 : vector<16xf32>
          %swap3A_520 = arith.index_cast %reduce_max3A_508 : i32 to index
          %swap3A_521 = arith.constant 0 : index
          %swap3A_522 = tpu.vector_load %arg7[%swap3A_520, %swap3A_521] {strides = array<i32>} : memref<321x144xf32, #tpu.memory_space<vmem>>, vector<16xf32>,
          tpu.vector_store %arg7[%swap3A_520, %swap3A_521], %max3A_519 {strides = array<i32>} : memref<321x144xf32, #tpu.memory_space<vmem>>, vector<16xf32>,
          %get3A_523 = arith.index_cast %reduce_max3A_508 : i32 to index
          %get3A_524 = arith.constant 16 : index
          %get3A_525 = tpu.vector_load %arg7[%get3A_523, %get3A_524] {strides = array<i32>} : memref<321x144xf32, #tpu.memory_space<vmem>>, vector<16xf32>,
          %get3A_526 = arith.index_cast %add3A_512 : i32 to index
          %get3A_527 = arith.constant 16 : index
          %get3A_528 = tpu.vector_load %arg12[%get3A_526, %get3A_527] {strides = array<i32>} : memref<128x144xf32, #tpu.memory_space<vmem>>, vector<16xf32>,
          %max3A_529 = arith.maximumf %get3A_525, %get3A_528 : vector<16xf32>
          %swap3A_530 = arith.index_cast %reduce_max3A_508 : i32 to index
          %swap3A_531 = arith.constant 16 : index
          %swap3A_532 = tpu.vector_load %arg7[%swap3A_530, %swap3A_531] {strides = array<i32>} : memref<321x144xf32, #tpu.memory_space<vmem>>, vector<16xf32>,
          tpu.vector_store %arg7[%swap3A_530, %swap3A_531], %max3A_529 {strides = array<i32>} : memref<321x144xf32, #tpu.memory_space<vmem>>, vector<16xf32>,
          %get3A_533 = arith.index_cast %reduce_max3A_508 : i32 to index
          %get3A_534 = arith.constant 32 : index
          %get3A_535 = tpu.vector_load %arg7[%get3A_533, %get3A_534] {strides = array<i32>} : memref<321x144xf32, #tpu.memory_space<vmem>>, vector<16xf32>,
          %get3A_536 = arith.index_cast %add3A_512 : i32 to index
          %get3A_537 = arith.constant 32 : index
          %get3A_538 = tpu.vector_load %arg12[%get3A_536, %get3A_537] {strides = array<i32>} : memref<128x144xf32, #tpu.memory_space<vmem>>, vector<16xf32>,
          %max3A_539 = arith.maximumf %get3A_535, %get3A_538 : vector<16xf32>
          %swap3A_540 = arith.index_cast %reduce_max3A_508 : i32 to index
          %swap3A_541 = arith.constant 32 : index
          %swap3A_542 = tpu.vector_load %arg7[%swap3A_540, %swap3A_541] {strides = array<i32>} : memref<321x144xf32, #tpu.memory_space<vmem>>, vector<16xf32>,
          tpu.vector_store %arg7[%swap3A_540, %swap3A_541], %max3A_539 {strides = array<i32>} : memref<321x144xf32, #tpu.memory_space<vmem>>, vector<16xf32>,
          %get3A_543 = arith.index_cast %reduce_max3A_508 : i32 to index
          %get3A_544 = arith.constant 48 : index
          %get3A_545 = tpu.vector_load %arg7[%get3A_543, %get3A_544] {strides = array<i32>} : memref<321x144xf32, #tpu.memory_space<vmem>>, vector<16xf32>,
          %get3A_546 = arith.index_cast %add3A_512 : i32 to index
          %get3A_547 = arith.constant 48 : index
          %get3A_548 = tpu.vector_load %arg12[%get3A_546, %get3A_547] {strides = array<i32>} : memref<128x144xf32, #tpu.memory_space<vmem>>, vector<16xf32>,
          %max3A_549 = arith.maximumf %get3A_545, %get3A_548 : vector<16xf32>
          %swap3A_550 = arith.index_cast %reduce_max3A_508 : i32 to index
          %swap3A_551 = arith.constant 48 : index
          %swap3A_552 = tpu.vector_load %arg7[%swap3A_550, %swap3A_551] {strides = array<i32>} : memref<321x144xf32, #tpu.memory_space<vmem>>, vector<16xf32>,
          tpu.vector_store %arg7[%swap3A_550, %swap3A_551], %max3A_549 {strides = array<i32>} : memref<321x144xf32, #tpu.memory_space<vmem>>, vector<16xf32>,
          %get3A_553 = arith.index_cast %reduce_max3A_508 : i32 to index
          %get3A_554 = arith.constant 64 : index
          %get3A_555 = tpu.vector_load %arg7[%get3A_553, %get3A_554] {strides = array<i32>} : memref<321x144xf32, #tpu.memory_space<vmem>>, vector<16xf32>,
          %get3A_556 = arith.index_cast %add3A_512 : i32 to index
          %get3A_557 = arith.constant 64 : index
          %get3A_558 = tpu.vector_load %arg12[%get3A_556, %get3A_557] {strides = array<i32>} : memref<128x144xf32, #tpu.memory_space<vmem>>, vector<16xf32>,
          %max3A_559 = arith.maximumf %get3A_555, %get3A_558 : vector<16xf32>
          %swap3A_560 = arith.index_cast %reduce_max3A_508 : i32 to index
          %swap3A_561 = arith.constant 64 : index
          %swap3A_562 = tpu.vector_load %arg7[%swap3A_560, %swap3A_561] {strides = array<i32>} : memref<321x144xf32, #tpu.memory_space<vmem>>, vector<16xf32>,
          tpu.vector_store %arg7[%swap3A_560, %swap3A_561], %max3A_559 {strides = array<i32>} : memref<321x144xf32, #tpu.memory_space<vmem>>, vector<16xf32>,
          %get3A_563 = arith.index_cast %reduce_max3A_508 : i32 to index
          %get3A_564 = arith.constant 80 : index
          %get3A_565 = tpu.vector_load %arg7[%get3A_563, %get3A_564] {strides = array<i32>} : memref<321x144xf32, #tpu.memory_space<vmem>>, vector<16xf32>,
          %get3A_566 = arith.index_cast %add3A_512 : i32 to index
          %get3A_567 = arith.constant 80 : index
          %get3A_568 = tpu.vector_load %arg12[%get3A_566, %get3A_567] {strides = array<i32>} : memref<128x144xf32, #tpu.memory_space<vmem>>, vector<16xf32>,
          %max3A_569 = arith.maximumf %get3A_565, %get3A_568 : vector<16xf32>
          %swap3A_570 = arith.index_cast %reduce_max3A_508 : i32 to index
          %swap3A_571 = arith.constant 80 : index
          %swap3A_572 = tpu.vector_load %arg7[%swap3A_570, %swap3A_571] {strides = array<i32>} : memref<321x144xf32, #tpu.memory_space<vmem>>, vector<16xf32>,
          tpu.vector_store %arg7[%swap3A_570, %swap3A_571], %max3A_569 {strides = array<i32>} : memref<321x144xf32, #tpu.memory_space<vmem>>, vector<16xf32>,
          %get3A_573 = arith.index_cast %reduce_max3A_508 : i32 to index
          %get3A_574 = arith.constant 96 : index
          %get3A_575 = tpu.vector_load %arg7[%get3A_573, %get3A_574] {strides = array<i32>} : memref<321x144xf32, #tpu.memory_space<vmem>>, vector<16xf32>,
          %get3A_576 = arith.index_cast %add3A_512 : i32 to index
          %get3A_577 = arith.constant 96 : index
          %get3A_578 = tpu.vector_load %arg12[%get3A_576, %get3A_577] {strides = array<i32>} : memref<128x144xf32, #tpu.memory_space<vmem>>, vector<16xf32>,
          %max3A_579 = arith.maximumf %get3A_575, %get3A_578 : vector<16xf32>
          %swap3A_580 = arith.index_cast %reduce_max3A_508 : i32 to index
          %swap3A_581 = arith.constant 96 : index
          %swap3A_582 = tpu.vector_load %arg7[%swap3A_580, %swap3A_581] {strides = array<i32>} : memref<321x144xf32, #tpu.memory_space<vmem>>, vector<16xf32>,
          tpu.vector_store %arg7[%swap3A_580, %swap3A_581], %max3A_579 {strides = array<i32>} : memref<321x144xf32, #tpu.memory_space<vmem>>, vector<16xf32>,
          %get3A_583 = arith.index_cast %reduce_max3A_508 : i32 to index
          %get3A_584 = arith.constant 112 : index
          %get3A_585 = tpu.vector_load %arg7[%get3A_583, %get3A_584] {strides = array<i32>} : memref<321x144xf32, #tpu.memory_space<vmem>>, vector<16xf32>,
          %get3A_586 = arith.index_cast %add3A_512 : i32 to index
          %get3A_587 = arith.constant 112 : index
          %get3A_588 = tpu.vector_load %arg12[%get3A_586, %get3A_587] {strides = array<i32>} : memref<128x144xf32, #tpu.memory_space<vmem>>, vector<16xf32>,
          %max3A_589 = arith.maximumf %get3A_585, %get3A_588 : vector<16xf32>
          %swap3A_590 = arith.index_cast %reduce_max3A_508 : i32 to index
          %swap3A_591 = arith.constant 112 : index
          %swap3A_592 = tpu.vector_load %arg7[%swap3A_590, %swap3A_591] {strides = array<i32>} : memref<321x144xf32, #tpu.memory_space<vmem>>, vector<16xf32>,
          tpu.vector_store %arg7[%swap3A_590, %swap3A_591], %max3A_589 {strides = array<i32>} : memref<321x144xf32, #tpu.memory_space<vmem>>, vector<16xf32>,
          %get3A_593 = arith.index_cast %reduce_max3A_508 : i32 to index
          %get3A_594 = arith.constant 128 : index
          %get3A_595 = tpu.vector_load %arg7[%get3A_593, %get3A_594] {strides = array<i32>} : memref<321x144xf32, #tpu.memory_space<vmem>>, vector<16xf32>,
          %get3A_596 = arith.index_cast %add3A_512 : i32 to index
          %get3A_597 = arith.constant 128 : index
          %get3A_598 = tpu.vector_load %arg12[%get3A_596, %get3A_597] {strides = array<i32>} : memref<128x144xf32, #tpu.memory_space<vmem>>, vector<16xf32>,
          %max3A_599 = arith.maximumf %get3A_595, %get3A_598 : vector<16xf32>
          %swap3A_600 = arith.index_cast %reduce_max3A_508 : i32 to index
          %swap3A_601 = arith.constant 128 : index
          %swap3A_602 = tpu.vector_load %arg7[%swap3A_600, %swap3A_601] {strides = array<i32>} : memref<321x144xf32, #tpu.memory_space<vmem>>, vector<16xf32>,
          tpu.vector_store %arg7[%swap3A_600, %swap3A_601], %max3A_599 {strides = array<i32>} : memref<321x144xf32, #tpu.memory_space<vmem>>, vector<16xf32>,
          %eq3A_603 = arith.constant 4 : i32
          %eq3A_604 = vector.broadcast %eq3A_603 : i32 to vector<16xi32>
          %eq3A_605 = arith.cmpi eq, %iota3A, %eq3A_604 : vector<16xi32>
          %jit3A_606 = arith.constant 0 : i32
          %broadcast_in_dim3A_607 = vector.broadcast %jit3A_606 : i32 to vector<16xi32>
          %select_n3A_608 = arith.select %eq3A_605, %get3A_174, %broadcast_in_dim3A_607 : vector<16xi1>, vector<16xi32>
          %reduce_max3A_609 = arith.constant true
          %reduce_max3A_610 = vector.broadcast %reduce_max3A_609 : i1 to vector<16xi1>
          %reduce_max3A_611 = arith.constant -2147483648 : i32
          %reduce_max3A_612 = vector.broadcast %reduce_max3A_611 : i32 to vector<16xi32>
          %reduce_max3A_613 = arith.xori %select_n3A_608, %reduce_max3A_612 : vector<16xi32>
          %reduce_max3A_614 = tpu.scan <max>, %reduce_max3A_613 masked %reduce_max3A_610 : vector<16xi32>, vector<16xi1> -> vector<16xi32>
          %reduce_max3A_615 = arith.xori %reduce_max3A_614, %reduce_max3A_612 : vector<16xi32>
          %reduce_max3A_616 = vector.extract %reduce_max3A_615[15] : i32 from vector<16xi32>
          %mul3A_617 = arith.constant 16 : i32
          %mul3A_618 = arith.muli %scan3A_168, %mul3A_617 : i32
          %add3A_619 = arith.constant 4 : i32
          %add3A_620 = arith.addi %mul3A_618, %add3A_619 : i32
          %get3A_621 = arith.index_cast %reduce_max3A_616 : i32 to index
          %get3A_622 = arith.constant 0 : index
          %get3A_623 = tpu.vector_load %arg7[%get3A_621, %get3A_622] {strides = array<i32>} : memref<321x144xf32, #tpu.memory_space<vmem>>, vector<16xf32>,
          %get3A_624 = arith.index_cast %add3A_620 : i32 to index
          %get3A_625 = arith.constant 0 : index
          %get3A_626 = tpu.vector_load %arg12[%get3A_624, %get3A_625] {strides = array<i32>} : memref<128x144xf32, #tpu.memory_space<vmem>>, vector<16xf32>,
          %max3A_627 = arith.maximumf %get3A_623, %get3A_626 : vector<16xf32>
          %swap3A_628 = arith.index_cast %reduce_max3A_616 : i32 to index
          %swap3A_629 = arith.constant 0 : index
          %swap3A_630 = tpu.vector_load %arg7[%swap3A_628, %swap3A_629] {strides = array<i32>} : memref<321x144xf32, #tpu.memory_space<vmem>>, vector<16xf32>,
          tpu.vector_store %arg7[%swap3A_628, %swap3A_629], %max3A_627 {strides = array<i32>} : memref<321x144xf32, #tpu.memory_space<vmem>>, vector<16xf32>,
          %get3A_631 = arith.index_cast %reduce_max3A_616 : i32 to index
          %get3A_632 = arith.constant 16 : index
          %get3A_633 = tpu.vector_load %arg7[%get3A_631, %get3A_632] {strides = array<i32>} : memref<321x144xf32, #tpu.memory_space<vmem>>, vector<16xf32>,
          %get3A_634 = arith.index_cast %add3A_620 : i32 to index
          %get3A_635 = arith.constant 16 : index
          %get3A_636 = tpu.vector_load %arg12[%get3A_634, %get3A_635] {strides = array<i32>} : memref<128x144xf32, #tpu.memory_space<vmem>>, vector<16xf32>,
          %max3A_637 = arith.maximumf %get3A_633, %get3A_636 : vector<16xf32>
          %swap3A_638 = arith.index_cast %reduce_max3A_616 : i32 to index
          %swap3A_639 = arith.constant 16 : index
          %swap3A_640 = tpu.vector_load %arg7[%swap3A_638, %swap3A_639] {strides = array<i32>} : memref<321x144xf32, #tpu.memory_space<vmem>>, vector<16xf32>,
          tpu.vector_store %arg7[%swap3A_638, %swap3A_639], %max3A_637 {strides = array<i32>} : memref<321x144xf32, #tpu.memory_space<vmem>>, vector<16xf32>,
          %get3A_641 = arith.index_cast %reduce_max3A_616 : i32 to index
          %get3A_642 = arith.constant 32 : index
          %get3A_643 = tpu.vector_load %arg7[%get3A_641, %get3A_642] {strides = array<i32>} : memref<321x144xf32, #tpu.memory_space<vmem>>, vector<16xf32>,
          %get3A_644 = arith.index_cast %add3A_620 : i32 to index
          %get3A_645 = arith.constant 32 : index
          %get3A_646 = tpu.vector_load %arg12[%get3A_644, %get3A_645] {strides = array<i32>} : memref<128x144xf32, #tpu.memory_space<vmem>>, vector<16xf32>,
          %max3A_647 = arith.maximumf %get3A_643, %get3A_646 : vector<16xf32>
          %swap3A_648 = arith.index_cast %reduce_max3A_616 : i32 to index
          %swap3A_649 = arith.constant 32 : index
          %swap3A_650 = tpu.vector_load %arg7[%swap3A_648, %swap3A_649] {strides = array<i32>} : memref<321x144xf32, #tpu.memory_space<vmem>>, vector<16xf32>,
          tpu.vector_store %arg7[%swap3A_648, %swap3A_649], %max3A_647 {strides = array<i32>} : memref<321x144xf32, #tpu.memory_space<vmem>>, vector<16xf32>,
          %get3A_651 = arith.index_cast %reduce_max3A_616 : i32 to index
          %get3A_652 = arith.constant 48 : index
          %get3A_653 = tpu.vector_load %arg7[%get3A_651, %get3A_652] {strides = array<i32>} : memref<321x144xf32, #tpu.memory_space<vmem>>, vector<16xf32>,
          %get3A_654 = arith.index_cast %add3A_620 : i32 to index
          %get3A_655 = arith.constant 48 : index
          %get3A_656 = tpu.vector_load %arg12[%get3A_654, %get3A_655] {strides = array<i32>} : memref<128x144xf32, #tpu.memory_space<vmem>>, vector<16xf32>,
          %max3A_657 = arith.maximumf %get3A_653, %get3A_656 : vector<16xf32>
          %swap3A_658 = arith.index_cast %reduce_max3A_616 : i32 to index
          %swap3A_659 = arith.constant 48 : index
          %swap3A_660 = tpu.vector_load %arg7[%swap3A_658, %swap3A_659] {strides = array<i32>} : memref<321x144xf32, #tpu.memory_space<vmem>>, vector<16xf32>,
          tpu.vector_store %arg7[%swap3A_658, %swap3A_659], %max3A_657 {strides = array<i32>} : memref<321x144xf32, #tpu.memory_space<vmem>>, vector<16xf32>,
          %get3A_661 = arith.index_cast %reduce_max3A_616 : i32 to index
          %get3A_662 = arith.constant 64 : index
          %get3A_663 = tpu.vector_load %arg7[%get3A_661, %get3A_662] {strides = array<i32>} : memref<321x144xf32, #tpu.memory_space<vmem>>, vector<16xf32>,
          %get3A_664 = arith.index_cast %add3A_620 : i32 to index
          %get3A_665 = arith.constant 64 : index
          %get3A_666 = tpu.vector_load %arg12[%get3A_664, %get3A_665] {strides = array<i32>} : memref<128x144xf32, #tpu.memory_space<vmem>>, vector<16xf32>,
          %max3A_667 = arith.maximumf %get3A_663, %get3A_666 : vector<16xf32>
          %swap3A_668 = arith.index_cast %reduce_max3A_616 : i32 to index
          %swap3A_669 = arith.constant 64 : index
          %swap3A_670 = tpu.vector_load %arg7[%swap3A_668, %swap3A_669] {strides = array<i32>} : memref<321x144xf32, #tpu.memory_space<vmem>>, vector<16xf32>,
          tpu.vector_store %arg7[%swap3A_668, %swap3A_669], %max3A_667 {strides = array<i32>} : memref<321x144xf32, #tpu.memory_space<vmem>>, vector<16xf32>,
          %get3A_671 = arith.index_cast %reduce_max3A_616 : i32 to index
          %get3A_672 = arith.constant 80 : index
          %get3A_673 = tpu.vector_load %arg7[%get3A_671, %get3A_672] {strides = array<i32>} : memref<321x144xf32, #tpu.memory_space<vmem>>, vector<16xf32>,
          %get3A_674 = arith.index_cast %add3A_620 : i32 to index
          %get3A_675 = arith.constant 80 : index
          %get3A_676 = tpu.vector_load %arg12[%get3A_674, %get3A_675] {strides = array<i32>} : memref<128x144xf32, #tpu.memory_space<vmem>>, vector<16xf32>,
          %max3A_677 = arith.maximumf %get3A_673, %get3A_676 : vector<16xf32>
          %swap3A_678 = arith.index_cast %reduce_max3A_616 : i32 to index
          %swap3A_679 = arith.constant 80 : index
          %swap3A_680 = tpu.vector_load %arg7[%swap3A_678, %swap3A_679] {strides = array<i32>} : memref<321x144xf32, #tpu.memory_space<vmem>>, vector<16xf32>,
          tpu.vector_store %arg7[%swap3A_678, %swap3A_679], %max3A_677 {strides = array<i32>} : memref<321x144xf32, #tpu.memory_space<vmem>>, vector<16xf32>,
          %get3A_681 = arith.index_cast %reduce_max3A_616 : i32 to index
          %get3A_682 = arith.constant 96 : index
          %get3A_683 = tpu.vector_load %arg7[%get3A_681, %get3A_682] {strides = array<i32>} : memref<321x144xf32, #tpu.memory_space<vmem>>, vector<16xf32>,
          %get3A_684 = arith.index_cast %add3A_620 : i32 to index
          %get3A_685 = arith.constant 96 : index
          %get3A_686 = tpu.vector_load %arg12[%get3A_684, %get3A_685] {strides = array<i32>} : memref<128x144xf32, #tpu.memory_space<vmem>>, vector<16xf32>,
          %max3A_687 = arith.maximumf %get3A_683, %get3A_686 : vector<16xf32>
          %swap3A_688 = arith.index_cast %reduce_max3A_616 : i32 to index
          %swap3A_689 = arith.constant 96 : index
          %swap3A_690 = tpu.vector_load %arg7[%swap3A_688, %swap3A_689] {strides = array<i32>} : memref<321x144xf32, #tpu.memory_space<vmem>>, vector<16xf32>,
          tpu.vector_store %arg7[%swap3A_688, %swap3A_689], %max3A_687 {strides = array<i32>} : memref<321x144xf32, #tpu.memory_space<vmem>>, vector<16xf32>,
          %get3A_691 = arith.index_cast %reduce_max3A_616 : i32 to index
          %get3A_692 = arith.constant 112 : index
          %get3A_693 = tpu.vector_load %arg7[%get3A_691, %get3A_692] {strides = array<i32>} : memref<321x144xf32, #tpu.memory_space<vmem>>, vector<16xf32>,
          %get3A_694 = arith.index_cast %add3A_620 : i32 to index
          %get3A_695 = arith.constant 112 : index
          %get3A_696 = tpu.vector_load %arg12[%get3A_694, %get3A_695] {strides = array<i32>} : memref<128x144xf32, #tpu.memory_space<vmem>>, vector<16xf32>,
          %max3A_697 = arith.maximumf %get3A_693, %get3A_696 : vector<16xf32>
          %swap3A_698 = arith.index_cast %reduce_max3A_616 : i32 to index
          %swap3A_699 = arith.constant 112 : index
          %swap3A_700 = tpu.vector_load %arg7[%swap3A_698, %swap3A_699] {strides = array<i32>} : memref<321x144xf32, #tpu.memory_space<vmem>>, vector<16xf32>,
          tpu.vector_store %arg7[%swap3A_698, %swap3A_699], %max3A_697 {strides = array<i32>} : memref<321x144xf32, #tpu.memory_space<vmem>>, vector<16xf32>,
          %get3A_701 = arith.index_cast %reduce_max3A_616 : i32 to index
          %get3A_702 = arith.constant 128 : index
          %get3A_703 = tpu.vector_load %arg7[%get3A_701, %get3A_702] {strides = array<i32>} : memref<321x144xf32, #tpu.memory_space<vmem>>, vector<16xf32>,
          %get3A_704 = arith.index_cast %add3A_620 : i32 to index
          %get3A_705 = arith.constant 128 : index
          %get3A_706 = tpu.vector_load %arg12[%get3A_704, %get3A_705] {strides = array<i32>} : memref<128x144xf32, #tpu.memory_space<vmem>>, vector<16xf32>,
          %max3A_707 = arith.maximumf %get3A_703, %get3A_706 : vector<16xf32>
          %swap3A_708 = arith.index_cast %reduce_max3A_616 : i32 to index
          %swap3A_709 = arith.constant 128 : index
          %swap3A_710 = tpu.vector_load %arg7[%swap3A_708, %swap3A_709] {strides = array<i32>} : memref<321x144xf32, #tpu.memory_space<vmem>>, vector<16xf32>,
          tpu.vector_store %arg7[%swap3A_708, %swap3A_709], %max3A_707 {strides = array<i32>} : memref<321x144xf32, #tpu.memory_space<vmem>>, vector<16xf32>,
          %eq3A_711 = arith.constant 5 : i32
          %eq3A_712 = vector.broadcast %eq3A_711 : i32 to vector<16xi32>
          %eq3A_713 = arith.cmpi eq, %iota3A, %eq3A_712 : vector<16xi32>
          %jit3A_714 = arith.constant 0 : i32
          %broadcast_in_dim3A_715 = vector.broadcast %jit3A_714 : i32 to vector<16xi32>
          %select_n3A_716 = arith.select %eq3A_713, %get3A_174, %broadcast_in_dim3A_715 : vector<16xi1>, vector<16xi32>
          %reduce_max3A_717 = arith.constant true
          %reduce_max3A_718 = vector.broadcast %reduce_max3A_717 : i1 to vector<16xi1>
          %reduce_max3A_719 = arith.constant -2147483648 : i32
          %reduce_max3A_720 = vector.broadcast %reduce_max3A_719 : i32 to vector<16xi32>
          %reduce_max3A_721 = arith.xori %select_n3A_716, %reduce_max3A_720 : vector<16xi32>
          %reduce_max3A_722 = tpu.scan <max>, %reduce_max3A_721 masked %reduce_max3A_718 : vector<16xi32>, vector<16xi1> -> vector<16xi32>
          %reduce_max3A_723 = arith.xori %reduce_max3A_722, %reduce_max3A_720 : vector<16xi32>
          %reduce_max3A_724 = vector.extract %reduce_max3A_723[15] : i32 from vector<16xi32>
          %mul3A_725 = arith.constant 16 : i32
          %mul3A_726 = arith.muli %scan3A_168, %mul3A_725 : i32
          %add3A_727 = arith.constant 5 : i32
          %add3A_728 = arith.addi %mul3A_726, %add3A_727 : i32
          %get3A_729 = arith.index_cast %reduce_max3A_724 : i32 to index
          %get3A_730 = arith.constant 0 : index
          %get3A_731 = tpu.vector_load %arg7[%get3A_729, %get3A_730] {strides = array<i32>} : memref<321x144xf32, #tpu.memory_space<vmem>>, vector<16xf32>,
          %get3A_732 = arith.index_cast %add3A_728 : i32 to index
          %get3A_733 = arith.constant 0 : index
          %get3A_734 = tpu.vector_load %arg12[%get3A_732, %get3A_733] {strides = array<i32>} : memref<128x144xf32, #tpu.memory_space<vmem>>, vector<16xf32>,
          %max3A_735 = arith.maximumf %get3A_731, %get3A_734 : vector<16xf32>
          %swap3A_736 = arith.index_cast %reduce_max3A_724 : i32 to index
          %swap3A_737 = arith.constant 0 : index
          %swap3A_738 = tpu.vector_load %arg7[%swap3A_736, %swap3A_737] {strides = array<i32>} : memref<321x144xf32, #tpu.memory_space<vmem>>, vector<16xf32>,
          tpu.vector_store %arg7[%swap3A_736, %swap3A_737], %max3A_735 {strides = array<i32>} : memref<321x144xf32, #tpu.memory_space<vmem>>, vector<16xf32>,
          %get3A_739 = arith.index_cast %reduce_max3A_724 : i32 to index
          %get3A_740 = arith.constant 16 : index
          %get3A_741 = tpu.vector_load %arg7[%get3A_739, %get3A_740] {strides = array<i32>} : memref<321x144xf32, #tpu.memory_space<vmem>>, vector<16xf32>,
          %get3A_742 = arith.index_cast %add3A_728 : i32 to index
          %get3A_743 = arith.constant 16 : index
          %get3A_744 = tpu.vector_load %arg12[%get3A_742, %get3A_743] {strides = array<i32>} : memref<128x144xf32, #tpu.memory_space<vmem>>, vector<16xf32>,
          %max3A_745 = arith.maximumf %get3A_741, %get3A_744 : vector<16xf32>
          %swap3A_746 = arith.index_cast %reduce_max3A_724 : i32 to index
          %swap3A_747 = arith.constant 16 : index
          %swap3A_748 = tpu.vector_load %arg7[%swap3A_746, %swap3A_747] {strides = array<i32>} : memref<321x144xf32, #tpu.memory_space<vmem>>, vector<16xf32>,
          tpu.vector_store %arg7[%swap3A_746, %swap3A_747], %max3A_745 {strides = array<i32>} : memref<321x144xf32, #tpu.memory_space<vmem>>, vector<16xf32>,
          %get3A_749 = arith.index_cast %reduce_max3A_724 : i32 to index
          %get3A_750 = arith.constant 32 : index
          %get3A_751 = tpu.vector_load %arg7[%get3A_749, %get3A_750] {strides = array<i32>} : memref<321x144xf32, #tpu.memory_space<vmem>>, vector<16xf32>,
          %get3A_752 = arith.index_cast %add3A_728 : i32 to index
          %get3A_753 = arith.constant 32 : index
          %get3A_754 = tpu.vector_load %arg12[%get3A_752, %get3A_753] {strides = array<i32>} : memref<128x144xf32, #tpu.memory_space<vmem>>, vector<16xf32>,
          %max3A_755 = arith.maximumf %get3A_751, %get3A_754 : vector<16xf32>
          %swap3A_756 = arith.index_cast %reduce_max3A_724 : i32 to index
          %swap3A_757 = arith.constant 32 : index
          %swap3A_758 = tpu.vector_load %arg7[%swap3A_756, %swap3A_757] {strides = array<i32>} : memref<321x144xf32, #tpu.memory_space<vmem>>, vector<16xf32>,
          tpu.vector_store %arg7[%swap3A_756, %swap3A_757], %max3A_755 {strides = array<i32>} : memref<321x144xf32, #tpu.memory_space<vmem>>, vector<16xf32>,
          %get3A_759 = arith.index_cast %reduce_max3A_724 : i32 to index
          %get3A_760 = arith.constant 48 : index
          %get3A_761 = tpu.vector_load %arg7[%get3A_759, %get3A_760] {strides = array<i32>} : memref<321x144xf32, #tpu.memory_space<vmem>>, vector<16xf32>,
          %get3A_762 = arith.index_cast %add3A_728 : i32 to index
          %get3A_763 = arith.constant 48 : index
          %get3A_764 = tpu.vector_load %arg12[%get3A_762, %get3A_763] {strides = array<i32>} : memref<128x144xf32, #tpu.memory_space<vmem>>, vector<16xf32>,
          %max3A_765 = arith.maximumf %get3A_761, %get3A_764 : vector<16xf32>
          %swap3A_766 = arith.index_cast %reduce_max3A_724 : i32 to index
          %swap3A_767 = arith.constant 48 : index
          %swap3A_768 = tpu.vector_load %arg7[%swap3A_766, %swap3A_767] {strides = array<i32>} : memref<321x144xf32, #tpu.memory_space<vmem>>, vector<16xf32>,
          tpu.vector_store %arg7[%swap3A_766, %swap3A_767], %max3A_765 {strides = array<i32>} : memref<321x144xf32, #tpu.memory_space<vmem>>, vector<16xf32>,
          %get3A_769 = arith.index_cast %reduce_max3A_724 : i32 to index
          %get3A_770 = arith.constant 64 : index
          %get3A_771 = tpu.vector_load %arg7[%get3A_769, %get3A_770] {strides = array<i32>} : memref<321x144xf32, #tpu.memory_space<vmem>>, vector<16xf32>,
          %get3A_772 = arith.index_cast %add3A_728 : i32 to index
          %get3A_773 = arith.constant 64 : index
          %get3A_774 = tpu.vector_load %arg12[%get3A_772, %get3A_773] {strides = array<i32>} : memref<128x144xf32, #tpu.memory_space<vmem>>, vector<16xf32>,
          %max3A_775 = arith.maximumf %get3A_771, %get3A_774 : vector<16xf32>
          %swap3A_776 = arith.index_cast %reduce_max3A_724 : i32 to index
          %swap3A_777 = arith.constant 64 : index
          %swap3A_778 = tpu.vector_load %arg7[%swap3A_776, %swap3A_777] {strides = array<i32>} : memref<321x144xf32, #tpu.memory_space<vmem>>, vector<16xf32>,
          tpu.vector_store %arg7[%swap3A_776, %swap3A_777], %max3A_775 {strides = array<i32>} : memref<321x144xf32, #tpu.memory_space<vmem>>, vector<16xf32>,
          %get3A_779 = arith.index_cast %reduce_max3A_724 : i32 to index
          %get3A_780 = arith.constant 80 : index
          %get3A_781 = tpu.vector_load %arg7[%get3A_779, %get3A_780] {strides = array<i32>} : memref<321x144xf32, #tpu.memory_space<vmem>>, vector<16xf32>,
          %get3A_782 = arith.index_cast %add3A_728 : i32 to index
          %get3A_783 = arith.constant 80 : index
          %get3A_784 = tpu.vector_load %arg12[%get3A_782, %get3A_783] {strides = array<i32>} : memref<128x144xf32, #tpu.memory_space<vmem>>, vector<16xf32>,
          %max3A_785 = arith.maximumf %get3A_781, %get3A_784 : vector<16xf32>
          %swap3A_786 = arith.index_cast %reduce_max3A_724 : i32 to index
          %swap3A_787 = arith.constant 80 : index
          %swap3A_788 = tpu.vector_load %arg7[%swap3A_786, %swap3A_787] {strides = array<i32>} : memref<321x144xf32, #tpu.memory_space<vmem>>, vector<16xf32>,
          tpu.vector_store %arg7[%swap3A_786, %swap3A_787], %max3A_785 {strides = array<i32>} : memref<321x144xf32, #tpu.memory_space<vmem>>, vector<16xf32>,
          %get3A_789 = arith.index_cast %reduce_max3A_724 : i32 to index
          %get3A_790 = arith.constant 96 : index
          %get3A_791 = tpu.vector_load %arg7[%get3A_789, %get3A_790] {strides = array<i32>} : memref<321x144xf32, #tpu.memory_space<vmem>>, vector<16xf32>,
          %get3A_792 = arith.index_cast %add3A_728 : i32 to index
          %get3A_793 = arith.constant 96 : index
          %get3A_794 = tpu.vector_load %arg12[%get3A_792, %get3A_793] {strides = array<i32>} : memref<128x144xf32, #tpu.memory_space<vmem>>, vector<16xf32>,
          %max3A_795 = arith.maximumf %get3A_791, %get3A_794 : vector<16xf32>
          %swap3A_796 = arith.index_cast %reduce_max3A_724 : i32 to index
          %swap3A_797 = arith.constant 96 : index
          %swap3A_798 = tpu.vector_load %arg7[%swap3A_796, %swap3A_797] {strides = array<i32>} : memref<321x144xf32, #tpu.memory_space<vmem>>, vector<16xf32>,
          tpu.vector_store %arg7[%swap3A_796, %swap3A_797], %max3A_795 {strides = array<i32>} : memref<321x144xf32, #tpu.memory_space<vmem>>, vector<16xf32>,
          %get3A_799 = arith.index_cast %reduce_max3A_724 : i32 to index
          %get3A_800 = arith.constant 112 : index
          %get3A_801 = tpu.vector_load %arg7[%get3A_799, %get3A_800] {strides = array<i32>} : memref<321x144xf32, #tpu.memory_space<vmem>>, vector<16xf32>,
          %get3A_802 = arith.index_cast %add3A_728 : i32 to index
          %get3A_803 = arith.constant 112 : index
          %get3A_804 = tpu.vector_load %arg12[%get3A_802, %get3A_803] {strides = array<i32>} : memref<128x144xf32, #tpu.memory_space<vmem>>, vector<16xf32>,
          %max3A_805 = arith.maximumf %get3A_801, %get3A_804 : vector<16xf32>
          %swap3A_806 = arith.index_cast %reduce_max3A_724 : i32 to index
          %swap3A_807 = arith.constant 112 : index
          %swap3A_808 = tpu.vector_load %arg7[%swap3A_806, %swap3A_807] {strides = array<i32>} : memref<321x144xf32, #tpu.memory_space<vmem>>, vector<16xf32>,
          tpu.vector_store %arg7[%swap3A_806, %swap3A_807], %max3A_805 {strides = array<i32>} : memref<321x144xf32, #tpu.memory_space<vmem>>, vector<16xf32>,
          %get3A_809 = arith.index_cast %reduce_max3A_724 : i32 to index
          %get3A_810 = arith.constant 128 : index
          %get3A_811 = tpu.vector_load %arg7[%get3A_809, %get3A_810] {strides = array<i32>} : memref<321x144xf32, #tpu.memory_space<vmem>>, vector<16xf32>,
          %get3A_812 = arith.index_cast %add3A_728 : i32 to index
          %get3A_813 = arith.constant 128 : index
          %get3A_814 = tpu.vector_load %arg12[%get3A_812, %get3A_813] {strides = array<i32>} : memref<128x144xf32, #tpu.memory_space<vmem>>, vector<16xf32>,
          %max3A_815 = arith.maximumf %get3A_811, %get3A_814 : vector<16xf32>
          %swap3A_816 = arith.index_cast %reduce_max3A_724 : i32 to index
          %swap3A_817 = arith.constant 128 : index
          %swap3A_818 = tpu.vector_load %arg7[%swap3A_816, %swap3A_817] {strides = array<i32>} : memref<321x144xf32, #tpu.memory_space<vmem>>, vector<16xf32>,
          tpu.vector_store %arg7[%swap3A_816, %swap3A_817], %max3A_815 {strides = array<i32>} : memref<321x144xf32, #tpu.memory_space<vmem>>, vector<16xf32>,
          %eq3A_819 = arith.constant 6 : i32
          %eq3A_820 = vector.broadcast %eq3A_819 : i32 to vector<16xi32>
          %eq3A_821 = arith.cmpi eq, %iota3A, %eq3A_820 : vector<16xi32>
          %jit3A_822 = arith.constant 0 : i32
          %broadcast_in_dim3A_823 = vector.broadcast %jit3A_822 : i32 to vector<16xi32>
          %select_n3A_824 = arith.select %eq3A_821, %get3A_174, %broadcast_in_dim3A_823 : vector<16xi1>, vector<16xi32>
          %reduce_max3A_825 = arith.constant true
          %reduce_max3A_826 = vector.broadcast %reduce_max3A_825 : i1 to vector<16xi1>
          %reduce_max3A_827 = arith.constant -2147483648 : i32
          %reduce_max3A_828 = vector.broadcast %reduce_max3A_827 : i32 to vector<16xi32>
          %reduce_max3A_829 = arith.xori %select_n3A_824, %reduce_max3A_828 : vector<16xi32>
          %reduce_max3A_830 = tpu.scan <max>, %reduce_max3A_829 masked %reduce_max3A_826 : vector<16xi32>, vector<16xi1> -> vector<16xi32>
          %reduce_max3A_831 = arith.xori %reduce_max3A_830, %reduce_max3A_828 : vector<16xi32>
          %reduce_max3A_832 = vector.extract %reduce_max3A_831[15] : i32 from vector<16xi32>
          %mul3A_833 = arith.constant 16 : i32
          %mul3A_834 = arith.muli %scan3A_168, %mul3A_833 : i32
          %add3A_835 = arith.constant 6 : i32
          %add3A_836 = arith.addi %mul3A_834, %add3A_835 : i32
          %get3A_837 = arith.index_cast %reduce_max3A_832 : i32 to index
          %get3A_838 = arith.constant 0 : index
          %get3A_839 = tpu.vector_load %arg7[%get3A_837, %get3A_838] {strides = array<i32>} : memref<321x144xf32, #tpu.memory_space<vmem>>, vector<16xf32>,
          %get3A_840 = arith.index_cast %add3A_836 : i32 to index
          %get3A_841 = arith.constant 0 : index
          %get3A_842 = tpu.vector_load %arg12[%get3A_840, %get3A_841] {strides = array<i32>} : memref<128x144xf32, #tpu.memory_space<vmem>>, vector<16xf32>,
          %max3A_843 = arith.maximumf %get3A_839, %get3A_842 : vector<16xf32>
          %swap3A_844 = arith.index_cast %reduce_max3A_832 : i32 to index
          %swap3A_845 = arith.constant 0 : index
          %swap3A_846 = tpu.vector_load %arg7[%swap3A_844, %swap3A_845] {strides = array<i32>} : memref<321x144xf32, #tpu.memory_space<vmem>>, vector<16xf32>,
          tpu.vector_store %arg7[%swap3A_844, %swap3A_845], %max3A_843 {strides = array<i32>} : memref<321x144xf32, #tpu.memory_space<vmem>>, vector<16xf32>,
          %get3A_847 = arith.index_cast %reduce_max3A_832 : i32 to index
          %get3A_848 = arith.constant 16 : index
          %get3A_849 = tpu.vector_load %arg7[%get3A_847, %get3A_848] {strides = array<i32>} : memref<321x144xf32, #tpu.memory_space<vmem>>, vector<16xf32>,
          %get3A_850 = arith.index_cast %add3A_836 : i32 to index
          %get3A_851 = arith.constant 16 : index
          %get3A_852 = tpu.vector_load %arg12[%get3A_850, %get3A_851] {strides = array<i32>} : memref<128x144xf32, #tpu.memory_space<vmem>>, vector<16xf32>,
          %max3A_853 = arith.maximumf %get3A_849, %get3A_852 : vector<16xf32>
          %swap3A_854 = arith.index_cast %reduce_max3A_832 : i32 to index
          %swap3A_855 = arith.constant 16 : index
          %swap3A_856 = tpu.vector_load %arg7[%swap3A_854, %swap3A_855] {strides = array<i32>} : memref<321x144xf32, #tpu.memory_space<vmem>>, vector<16xf32>,
          tpu.vector_store %arg7[%swap3A_854, %swap3A_855], %max3A_853 {strides = array<i32>} : memref<321x144xf32, #tpu.memory_space<vmem>>, vector<16xf32>,
          %get3A_857 = arith.index_cast %reduce_max3A_832 : i32 to index
          %get3A_858 = arith.constant 32 : index
          %get3A_859 = tpu.vector_load %arg7[%get3A_857, %get3A_858] {strides = array<i32>} : memref<321x144xf32, #tpu.memory_space<vmem>>, vector<16xf32>,
          %get3A_860 = arith.index_cast %add3A_836 : i32 to index
          %get3A_861 = arith.constant 32 : index
          %get3A_862 = tpu.vector_load %arg12[%get3A_860, %get3A_861] {strides = array<i32>} : memref<128x144xf32, #tpu.memory_space<vmem>>, vector<16xf32>,
          %max3A_863 = arith.maximumf %get3A_859, %get3A_862 : vector<16xf32>
          %swap3A_864 = arith.index_cast %reduce_max3A_832 : i32 to index
          %swap3A_865 = arith.constant 32 : index
          %swap3A_866 = tpu.vector_load %arg7[%swap3A_864, %swap3A_865] {strides = array<i32>} : memref<321x144xf32, #tpu.memory_space<vmem>>, vector<16xf32>,
          tpu.vector_store %arg7[%swap3A_864, %swap3A_865], %max3A_863 {strides = array<i32>} : memref<321x144xf32, #tpu.memory_space<vmem>>, vector<16xf32>,
          %get3A_867 = arith.index_cast %reduce_max3A_832 : i32 to index
          %get3A_868 = arith.constant 48 : index
          %get3A_869 = tpu.vector_load %arg7[%get3A_867, %get3A_868] {strides = array<i32>} : memref<321x144xf32, #tpu.memory_space<vmem>>, vector<16xf32>,
          %get3A_870 = arith.index_cast %add3A_836 : i32 to index
          %get3A_871 = arith.constant 48 : index
          %get3A_872 = tpu.vector_load %arg12[%get3A_870, %get3A_871] {strides = array<i32>} : memref<128x144xf32, #tpu.memory_space<vmem>>, vector<16xf32>,
          %max3A_873 = arith.maximumf %get3A_869, %get3A_872 : vector<16xf32>
          %swap3A_874 = arith.index_cast %reduce_max3A_832 : i32 to index
          %swap3A_875 = arith.constant 48 : index
          %swap3A_876 = tpu.vector_load %arg7[%swap3A_874, %swap3A_875] {strides = array<i32>} : memref<321x144xf32, #tpu.memory_space<vmem>>, vector<16xf32>,
          tpu.vector_store %arg7[%swap3A_874, %swap3A_875], %max3A_873 {strides = array<i32>} : memref<321x144xf32, #tpu.memory_space<vmem>>, vector<16xf32>,
          %get3A_877 = arith.index_cast %reduce_max3A_832 : i32 to index
          %get3A_878 = arith.constant 64 : index
          %get3A_879 = tpu.vector_load %arg7[%get3A_877, %get3A_878] {strides = array<i32>} : memref<321x144xf32, #tpu.memory_space<vmem>>, vector<16xf32>,
          %get3A_880 = arith.index_cast %add3A_836 : i32 to index
          %get3A_881 = arith.constant 64 : index
          %get3A_882 = tpu.vector_load %arg12[%get3A_880, %get3A_881] {strides = array<i32>} : memref<128x144xf32, #tpu.memory_space<vmem>>, vector<16xf32>,
          %max3A_883 = arith.maximumf %get3A_879, %get3A_882 : vector<16xf32>
          %swap3A_884 = arith.index_cast %reduce_max3A_832 : i32 to index
          %swap3A_885 = arith.constant 64 : index
          %swap3A_886 = tpu.vector_load %arg7[%swap3A_884, %swap3A_885] {strides = array<i32>} : memref<321x144xf32, #tpu.memory_space<vmem>>, vector<16xf32>,
          tpu.vector_store %arg7[%swap3A_884, %swap3A_885], %max3A_883 {strides = array<i32>} : memref<321x144xf32, #tpu.memory_space<vmem>>, vector<16xf32>,
          %get3A_887 = arith.index_cast %reduce_max3A_832 : i32 to index
          %get3A_888 = arith.constant 80 : index
          %get3A_889 = tpu.vector_load %arg7[%get3A_887, %get3A_888] {strides = array<i32>} : memref<321x144xf32, #tpu.memory_space<vmem>>, vector<16xf32>,
          %get3A_890 = arith.index_cast %add3A_836 : i32 to index
          %get3A_891 = arith.constant 80 : index
          %get3A_892 = tpu.vector_load %arg12[%get3A_890, %get3A_891] {strides = array<i32>} : memref<128x144xf32, #tpu.memory_space<vmem>>, vector<16xf32>,
          %max3A_893 = arith.maximumf %get3A_889, %get3A_892 : vector<16xf32>
          %swap3A_894 = arith.index_cast %reduce_max3A_832 : i32 to index
          %swap3A_895 = arith.constant 80 : index
          %swap3A_896 = tpu.vector_load %arg7[%swap3A_894, %swap3A_895] {strides = array<i32>} : memref<321x144xf32, #tpu.memory_space<vmem>>, vector<16xf32>,
          tpu.vector_store %arg7[%swap3A_894, %swap3A_895], %max3A_893 {strides = array<i32>} : memref<321x144xf32, #tpu.memory_space<vmem>>, vector<16xf32>,
          %get3A_897 = arith.index_cast %reduce_max3A_832 : i32 to index
          %get3A_898 = arith.constant 96 : index
          %get3A_899 = tpu.vector_load %arg7[%get3A_897, %get3A_898] {strides = array<i32>} : memref<321x144xf32, #tpu.memory_space<vmem>>, vector<16xf32>,
          %get3A_900 = arith.index_cast %add3A_836 : i32 to index
          %get3A_901 = arith.constant 96 : index
          %get3A_902 = tpu.vector_load %arg12[%get3A_900, %get3A_901] {strides = array<i32>} : memref<128x144xf32, #tpu.memory_space<vmem>>, vector<16xf32>,
          %max3A_903 = arith.maximumf %get3A_899, %get3A_902 : vector<16xf32>
          %swap3A_904 = arith.index_cast %reduce_max3A_832 : i32 to index
          %swap3A_905 = arith.constant 96 : index
          %swap3A_906 = tpu.vector_load %arg7[%swap3A_904, %swap3A_905] {strides = array<i32>} : memref<321x144xf32, #tpu.memory_space<vmem>>, vector<16xf32>,
          tpu.vector_store %arg7[%swap3A_904, %swap3A_905], %max3A_903 {strides = array<i32>} : memref<321x144xf32, #tpu.memory_space<vmem>>, vector<16xf32>,
          %get3A_907 = arith.index_cast %reduce_max3A_832 : i32 to index
          %get3A_908 = arith.constant 112 : index
          %get3A_909 = tpu.vector_load %arg7[%get3A_907, %get3A_908] {strides = array<i32>} : memref<321x144xf32, #tpu.memory_space<vmem>>, vector<16xf32>,
          %get3A_910 = arith.index_cast %add3A_836 : i32 to index
          %get3A_911 = arith.constant 112 : index
          %get3A_912 = tpu.vector_load %arg12[%get3A_910, %get3A_911] {strides = array<i32>} : memref<128x144xf32, #tpu.memory_space<vmem>>, vector<16xf32>,
          %max3A_913 = arith.maximumf %get3A_909, %get3A_912 : vector<16xf32>
          %swap3A_914 = arith.index_cast %reduce_max3A_832 : i32 to index
          %swap3A_915 = arith.constant 112 : index
          %swap3A_916 = tpu.vector_load %arg7[%swap3A_914, %swap3A_915] {strides = array<i32>} : memref<321x144xf32, #tpu.memory_space<vmem>>, vector<16xf32>,
          tpu.vector_store %arg7[%swap3A_914, %swap3A_915], %max3A_913 {strides = array<i32>} : memref<321x144xf32, #tpu.memory_space<vmem>>, vector<16xf32>,
          %get3A_917 = arith.index_cast %reduce_max3A_832 : i32 to index
          %get3A_918 = arith.constant 128 : index
          %get3A_919 = tpu.vector_load %arg7[%get3A_917, %get3A_918] {strides = array<i32>} : memref<321x144xf32, #tpu.memory_space<vmem>>, vector<16xf32>,
          %get3A_920 = arith.index_cast %add3A_836 : i32 to index
          %get3A_921 = arith.constant 128 : index
          %get3A_922 = tpu.vector_load %arg12[%get3A_920, %get3A_921] {strides = array<i32>} : memref<128x144xf32, #tpu.memory_space<vmem>>, vector<16xf32>,
          %max3A_923 = arith.maximumf %get3A_919, %get3A_922 : vector<16xf32>
          %swap3A_924 = arith.index_cast %reduce_max3A_832 : i32 to index
          %swap3A_925 = arith.constant 128 : index
          %swap3A_926 = tpu.vector_load %arg7[%swap3A_924, %swap3A_925] {strides = array<i32>} : memref<321x144xf32, #tpu.memory_space<vmem>>, vector<16xf32>,
          tpu.vector_store %arg7[%swap3A_924, %swap3A_925], %max3A_923 {strides = array<i32>} : memref<321x144xf32, #tpu.memory_space<vmem>>, vector<16xf32>,
          %eq3A_927 = arith.constant 7 : i32
          %eq3A_928 = vector.broadcast %eq3A_927 : i32 to vector<16xi32>
          %eq3A_929 = arith.cmpi eq, %iota3A, %eq3A_928 : vector<16xi32>
          %jit3A_930 = arith.constant 0 : i32
          %broadcast_in_dim3A_931 = vector.broadcast %jit3A_930 : i32 to vector<16xi32>
          %select_n3A_932 = arith.select %eq3A_929, %get3A_174, %broadcast_in_dim3A_931 : vector<16xi1>, vector<16xi32>
          %reduce_max3A_933 = arith.constant true
          %reduce_max3A_934 = vector.broadcast %reduce_max3A_933 : i1 to vector<16xi1>
          %reduce_max3A_935 = arith.constant -2147483648 : i32
          %reduce_max3A_936 = vector.broadcast %reduce_max3A_935 : i32 to vector<16xi32>
          %reduce_max3A_937 = arith.xori %select_n3A_932, %reduce_max3A_936 : vector<16xi32>
          %reduce_max3A_938 = tpu.scan <max>, %reduce_max3A_937 masked %reduce_max3A_934 : vector<16xi32>, vector<16xi1> -> vector<16xi32>
          %reduce_max3A_939 = arith.xori %reduce_max3A_938, %reduce_max3A_936 : vector<16xi32>
          %reduce_max3A_940 = vector.extract %reduce_max3A_939[15] : i32 from vector<16xi32>
          %mul3A_941 = arith.constant 16 : i32
          %mul3A_942 = arith.muli %scan3A_168, %mul3A_941 : i32
          %add3A_943 = arith.constant 7 : i32
          %add3A_944 = arith.addi %mul3A_942, %add3A_943 : i32
          %get3A_945 = arith.index_cast %reduce_max3A_940 : i32 to index
          %get3A_946 = arith.constant 0 : index
          %get3A_947 = tpu.vector_load %arg7[%get3A_945, %get3A_946] {strides = array<i32>} : memref<321x144xf32, #tpu.memory_space<vmem>>, vector<16xf32>,
          %get3A_948 = arith.index_cast %add3A_944 : i32 to index
          %get3A_949 = arith.constant 0 : index
          %get3A_950 = tpu.vector_load %arg12[%get3A_948, %get3A_949] {strides = array<i32>} : memref<128x144xf32, #tpu.memory_space<vmem>>, vector<16xf32>,
          %max3A_951 = arith.maximumf %get3A_947, %get3A_950 : vector<16xf32>
          %swap3A_952 = arith.index_cast %reduce_max3A_940 : i32 to index
          %swap3A_953 = arith.constant 0 : index
          %swap3A_954 = tpu.vector_load %arg7[%swap3A_952, %swap3A_953] {strides = array<i32>} : memref<321x144xf32, #tpu.memory_space<vmem>>, vector<16xf32>,
          tpu.vector_store %arg7[%swap3A_952, %swap3A_953], %max3A_951 {strides = array<i32>} : memref<321x144xf32, #tpu.memory_space<vmem>>, vector<16xf32>,
          %get3A_955 = arith.index_cast %reduce_max3A_940 : i32 to index
          %get3A_956 = arith.constant 16 : index
          %get3A_957 = tpu.vector_load %arg7[%get3A_955, %get3A_956] {strides = array<i32>} : memref<321x144xf32, #tpu.memory_space<vmem>>, vector<16xf32>,
          %get3A_958 = arith.index_cast %add3A_944 : i32 to index
          %get3A_959 = arith.constant 16 : index
          %get3A_960 = tpu.vector_load %arg12[%get3A_958, %get3A_959] {strides = array<i32>} : memref<128x144xf32, #tpu.memory_space<vmem>>, vector<16xf32>,
          %max3A_961 = arith.maximumf %get3A_957, %get3A_960 : vector<16xf32>
          %swap3A_962 = arith.index_cast %reduce_max3A_940 : i32 to index
          %swap3A_963 = arith.constant 16 : index
          %swap3A_964 = tpu.vector_load %arg7[%swap3A_962, %swap3A_963] {strides = array<i32>} : memref<321x144xf32, #tpu.memory_space<vmem>>, vector<16xf32>,
          tpu.vector_store %arg7[%swap3A_962, %swap3A_963], %max3A_961 {strides = array<i32>} : memref<321x144xf32, #tpu.memory_space<vmem>>, vector<16xf32>,
          %get3A_965 = arith.index_cast %reduce_max3A_940 : i32 to index
          %get3A_966 = arith.constant 32 : index
          %get3A_967 = tpu.vector_load %arg7[%get3A_965, %get3A_966] {strides = array<i32>} : memref<321x144xf32, #tpu.memory_space<vmem>>, vector<16xf32>,
          %get3A_968 = arith.index_cast %add3A_944 : i32 to index
          %get3A_969 = arith.constant 32 : index
          %get3A_970 = tpu.vector_load %arg12[%get3A_968, %get3A_969] {strides = array<i32>} : memref<128x144xf32, #tpu.memory_space<vmem>>, vector<16xf32>,
          %max3A_971 = arith.maximumf %get3A_967, %get3A_970 : vector<16xf32>
          %swap3A_972 = arith.index_cast %reduce_max3A_940 : i32 to index
          %swap3A_973 = arith.constant 32 : index
          %swap3A_974 = tpu.vector_load %arg7[%swap3A_972, %swap3A_973] {strides = array<i32>} : memref<321x144xf32, #tpu.memory_space<vmem>>, vector<16xf32>,
          tpu.vector_store %arg7[%swap3A_972, %swap3A_973], %max3A_971 {strides = array<i32>} : memref<321x144xf32, #tpu.memory_space<vmem>>, vector<16xf32>,
          %get3A_975 = arith.index_cast %reduce_max3A_940 : i32 to index
          %get3A_976 = arith.constant 48 : index
          %get3A_977 = tpu.vector_load %arg7[%get3A_975, %get3A_976] {strides = array<i32>} : memref<321x144xf32, #tpu.memory_space<vmem>>, vector<16xf32>,
          %get3A_978 = arith.index_cast %add3A_944 : i32 to index
          %get3A_979 = arith.constant 48 : index
          %get3A_980 = tpu.vector_load %arg12[%get3A_978, %get3A_979] {strides = array<i32>} : memref<128x144xf32, #tpu.memory_space<vmem>>, vector<16xf32>,
          %max3A_981 = arith.maximumf %get3A_977, %get3A_980 : vector<16xf32>
          %swap3A_982 = arith.index_cast %reduce_max3A_940 : i32 to index
          %swap3A_983 = arith.constant 48 : index
          %swap3A_984 = tpu.vector_load %arg7[%swap3A_982, %swap3A_983] {strides = array<i32>} : memref<321x144xf32, #tpu.memory_space<vmem>>, vector<16xf32>,
          tpu.vector_store %arg7[%swap3A_982, %swap3A_983], %max3A_981 {strides = array<i32>} : memref<321x144xf32, #tpu.memory_space<vmem>>, vector<16xf32>,
          %get3A_985 = arith.index_cast %reduce_max3A_940 : i32 to index
          %get3A_986 = arith.constant 64 : index
          %get3A_987 = tpu.vector_load %arg7[%get3A_985, %get3A_986] {strides = array<i32>} : memref<321x144xf32, #tpu.memory_space<vmem>>, vector<16xf32>,
          %get3A_988 = arith.index_cast %add3A_944 : i32 to index
          %get3A_989 = arith.constant 64 : index
          %get3A_990 = tpu.vector_load %arg12[%get3A_988, %get3A_989] {strides = array<i32>} : memref<128x144xf32, #tpu.memory_space<vmem>>, vector<16xf32>,
          %max3A_991 = arith.maximumf %get3A_987, %get3A_990 : vector<16xf32>
          %swap3A_992 = arith.index_cast %reduce_max3A_940 : i32 to index
          %swap3A_993 = arith.constant 64 : index
          %swap3A_994 = tpu.vector_load %arg7[%swap3A_992, %swap3A_993] {strides = array<i32>} : memref<321x144xf32, #tpu.memory_space<vmem>>, vector<16xf32>,
          tpu.vector_store %arg7[%swap3A_992, %swap3A_993], %max3A_991 {strides = array<i32>} : memref<321x144xf32, #tpu.memory_space<vmem>>, vector<16xf32>,
          %get3A_995 = arith.index_cast %reduce_max3A_940 : i32 to index
          %get3A_996 = arith.constant 80 : index
          %get3A_997 = tpu.vector_load %arg7[%get3A_995, %get3A_996] {strides = array<i32>} : memref<321x144xf32, #tpu.memory_space<vmem>>, vector<16xf32>,
          %get3A_998 = arith.index_cast %add3A_944 : i32 to index
          %get3A_999 = arith.constant 80 : index
          %get3A_1000 = tpu.vector_load %arg12[%get3A_998, %get3A_999] {strides = array<i32>} : memref<128x144xf32, #tpu.memory_space<vmem>>, vector<16xf32>,
          %max3A_1001 = arith.maximumf %get3A_997, %get3A_1000 : vector<16xf32>
          %swap3A_1002 = arith.index_cast %reduce_max3A_940 : i32 to index
          %swap3A_1003 = arith.constant 80 : index
          %swap3A_1004 = tpu.vector_load %arg7[%swap3A_1002, %swap3A_1003] {strides = array<i32>} : memref<321x144xf32, #tpu.memory_space<vmem>>, vector<16xf32>,
          tpu.vector_store %arg7[%swap3A_1002, %swap3A_1003], %max3A_1001 {strides = array<i32>} : memref<321x144xf32, #tpu.memory_space<vmem>>, vector<16xf32>,
          %get3A_1005 = arith.index_cast %reduce_max3A_940 : i32 to index
          %get3A_1006 = arith.constant 96 : index
          %get3A_1007 = tpu.vector_load %arg7[%get3A_1005, %get3A_1006] {strides = array<i32>} : memref<321x144xf32, #tpu.memory_space<vmem>>, vector<16xf32>,
          %get3A_1008 = arith.index_cast %add3A_944 : i32 to index
          %get3A_1009 = arith.constant 96 : index
          %get3A_1010 = tpu.vector_load %arg12[%get3A_1008, %get3A_1009] {strides = array<i32>} : memref<128x144xf32, #tpu.memory_space<vmem>>, vector<16xf32>,
          %max3A_1011 = arith.maximumf %get3A_1007, %get3A_1010 : vector<16xf32>
          %swap3A_1012 = arith.index_cast %reduce_max3A_940 : i32 to index
          %swap3A_1013 = arith.constant 96 : index
          %swap3A_1014 = tpu.vector_load %arg7[%swap3A_1012, %swap3A_1013] {strides = array<i32>} : memref<321x144xf32, #tpu.memory_space<vmem>>, vector<16xf32>,
          tpu.vector_store %arg7[%swap3A_1012, %swap3A_1013], %max3A_1011 {strides = array<i32>} : memref<321x144xf32, #tpu.memory_space<vmem>>, vector<16xf32>,
          %get3A_1015 = arith.index_cast %reduce_max3A_940 : i32 to index
          %get3A_1016 = arith.constant 112 : index
          %get3A_1017 = tpu.vector_load %arg7[%get3A_1015, %get3A_1016] {strides = array<i32>} : memref<321x144xf32, #tpu.memory_space<vmem>>, vector<16xf32>,
          %get3A_1018 = arith.index_cast %add3A_944 : i32 to index
          %get3A_1019 = arith.constant 112 : index
          %get3A_1020 = tpu.vector_load %arg12[%get3A_1018, %get3A_1019] {strides = array<i32>} : memref<128x144xf32, #tpu.memory_space<vmem>>, vector<16xf32>,
          %max3A_1021 = arith.maximumf %get3A_1017, %get3A_1020 : vector<16xf32>
          %swap3A_1022 = arith.index_cast %reduce_max3A_940 : i32 to index
          %swap3A_1023 = arith.constant 112 : index
          %swap3A_1024 = tpu.vector_load %arg7[%swap3A_1022, %swap3A_1023] {strides = array<i32>} : memref<321x144xf32, #tpu.memory_space<vmem>>, vector<16xf32>,
          tpu.vector_store %arg7[%swap3A_1022, %swap3A_1023], %max3A_1021 {strides = array<i32>} : memref<321x144xf32, #tpu.memory_space<vmem>>, vector<16xf32>,
          %get3A_1025 = arith.index_cast %reduce_max3A_940 : i32 to index
          %get3A_1026 = arith.constant 128 : index
          %get3A_1027 = tpu.vector_load %arg7[%get3A_1025, %get3A_1026] {strides = array<i32>} : memref<321x144xf32, #tpu.memory_space<vmem>>, vector<16xf32>,
          %get3A_1028 = arith.index_cast %add3A_944 : i32 to index
          %get3A_1029 = arith.constant 128 : index
          %get3A_1030 = tpu.vector_load %arg12[%get3A_1028, %get3A_1029] {strides = array<i32>} : memref<128x144xf32, #tpu.memory_space<vmem>>, vector<16xf32>,
          %max3A_1031 = arith.maximumf %get3A_1027, %get3A_1030 : vector<16xf32>
          %swap3A_1032 = arith.index_cast %reduce_max3A_940 : i32 to index
          %swap3A_1033 = arith.constant 128 : index
          %swap3A_1034 = tpu.vector_load %arg7[%swap3A_1032, %swap3A_1033] {strides = array<i32>} : memref<321x144xf32, #tpu.memory_space<vmem>>, vector<16xf32>,
          tpu.vector_store %arg7[%swap3A_1032, %swap3A_1033], %max3A_1031 {strides = array<i32>} : memref<321x144xf32, #tpu.memory_space<vmem>>, vector<16xf32>,
          %eq3A_1035 = arith.constant 8 : i32
          %eq3A_1036 = vector.broadcast %eq3A_1035 : i32 to vector<16xi32>
          %eq3A_1037 = arith.cmpi eq, %iota3A, %eq3A_1036 : vector<16xi32>
          %jit3A_1038 = arith.constant 0 : i32
          %broadcast_in_dim3A_1039 = vector.broadcast %jit3A_1038 : i32 to vector<16xi32>
          %select_n3A_1040 = arith.select %eq3A_1037, %get3A_174, %broadcast_in_dim3A_1039 : vector<16xi1>, vector<16xi32>
          %reduce_max3A_1041 = arith.constant true
          %reduce_max3A_1042 = vector.broadcast %reduce_max3A_1041 : i1 to vector<16xi1>
          %reduce_max3A_1043 = arith.constant -2147483648 : i32
          %reduce_max3A_1044 = vector.broadcast %reduce_max3A_1043 : i32 to vector<16xi32>
          %reduce_max3A_1045 = arith.xori %select_n3A_1040, %reduce_max3A_1044 : vector<16xi32>
          %reduce_max3A_1046 = tpu.scan <max>, %reduce_max3A_1045 masked %reduce_max3A_1042 : vector<16xi32>, vector<16xi1> -> vector<16xi32>
          %reduce_max3A_1047 = arith.xori %reduce_max3A_1046, %reduce_max3A_1044 : vector<16xi32>
          %reduce_max3A_1048 = vector.extract %reduce_max3A_1047[15] : i32 from vector<16xi32>
          %mul3A_1049 = arith.constant 16 : i32
          %mul3A_1050 = arith.muli %scan3A_168, %mul3A_1049 : i32
          %add3A_1051 = arith.constant 8 : i32
          %add3A_1052 = arith.addi %mul3A_1050, %add3A_1051 : i32
          %get3A_1053 = arith.index_cast %reduce_max3A_1048 : i32 to index
          %get3A_1054 = arith.constant 0 : index
          %get3A_1055 = tpu.vector_load %arg7[%get3A_1053, %get3A_1054] {strides = array<i32>} : memref<321x144xf32, #tpu.memory_space<vmem>>, vector<16xf32>,
          %get3A_1056 = arith.index_cast %add3A_1052 : i32 to index
          %get3A_1057 = arith.constant 0 : index
          %get3A_1058 = tpu.vector_load %arg12[%get3A_1056, %get3A_1057] {strides = array<i32>} : memref<128x144xf32, #tpu.memory_space<vmem>>, vector<16xf32>,
          %max3A_1059 = arith.maximumf %get3A_1055, %get3A_1058 : vector<16xf32>
          %swap3A_1060 = arith.index_cast %reduce_max3A_1048 : i32 to index
          %swap3A_1061 = arith.constant 0 : index
          %swap3A_1062 = tpu.vector_load %arg7[%swap3A_1060, %swap3A_1061] {strides = array<i32>} : memref<321x144xf32, #tpu.memory_space<vmem>>, vector<16xf32>,
          tpu.vector_store %arg7[%swap3A_1060, %swap3A_1061], %max3A_1059 {strides = array<i32>} : memref<321x144xf32, #tpu.memory_space<vmem>>, vector<16xf32>,
          %get3A_1063 = arith.index_cast %reduce_max3A_1048 : i32 to index
          %get3A_1064 = arith.constant 16 : index
          %get3A_1065 = tpu.vector_load %arg7[%get3A_1063, %get3A_1064] {strides = array<i32>} : memref<321x144xf32, #tpu.memory_space<vmem>>, vector<16xf32>,
          %get3A_1066 = arith.index_cast %add3A_1052 : i32 to index
          %get3A_1067 = arith.constant 16 : index
          %get3A_1068 = tpu.vector_load %arg12[%get3A_1066, %get3A_1067] {strides = array<i32>} : memref<128x144xf32, #tpu.memory_space<vmem>>, vector<16xf32>,
          %max3A_1069 = arith.maximumf %get3A_1065, %get3A_1068 : vector<16xf32>
          %swap3A_1070 = arith.index_cast %reduce_max3A_1048 : i32 to index
          %swap3A_1071 = arith.constant 16 : index
          %swap3A_1072 = tpu.vector_load %arg7[%swap3A_1070, %swap3A_1071] {strides = array<i32>} : memref<321x144xf32, #tpu.memory_space<vmem>>, vector<16xf32>,
          tpu.vector_store %arg7[%swap3A_1070, %swap3A_1071], %max3A_1069 {strides = array<i32>} : memref<321x144xf32, #tpu.memory_space<vmem>>, vector<16xf32>,
          %get3A_1073 = arith.index_cast %reduce_max3A_1048 : i32 to index
          %get3A_1074 = arith.constant 32 : index
          %get3A_1075 = tpu.vector_load %arg7[%get3A_1073, %get3A_1074] {strides = array<i32>} : memref<321x144xf32, #tpu.memory_space<vmem>>, vector<16xf32>,
          %get3A_1076 = arith.index_cast %add3A_1052 : i32 to index
          %get3A_1077 = arith.constant 32 : index
          %get3A_1078 = tpu.vector_load %arg12[%get3A_1076, %get3A_1077] {strides = array<i32>} : memref<128x144xf32, #tpu.memory_space<vmem>>, vector<16xf32>,
          %max3A_1079 = arith.maximumf %get3A_1075, %get3A_1078 : vector<16xf32>
          %swap3A_1080 = arith.index_cast %reduce_max3A_1048 : i32 to index
          %swap3A_1081 = arith.constant 32 : index
          %swap3A_1082 = tpu.vector_load %arg7[%swap3A_1080, %swap3A_1081] {strides = array<i32>} : memref<321x144xf32, #tpu.memory_space<vmem>>, vector<16xf32>,
          tpu.vector_store %arg7[%swap3A_1080, %swap3A_1081], %max3A_1079 {strides = array<i32>} : memref<321x144xf32, #tpu.memory_space<vmem>>, vector<16xf32>,
          %get3A_1083 = arith.index_cast %reduce_max3A_1048 : i32 to index
          %get3A_1084 = arith.constant 48 : index
          %get3A_1085 = tpu.vector_load %arg7[%get3A_1083, %get3A_1084] {strides = array<i32>} : memref<321x144xf32, #tpu.memory_space<vmem>>, vector<16xf32>,
          %get3A_1086 = arith.index_cast %add3A_1052 : i32 to index
          %get3A_1087 = arith.constant 48 : index
          %get3A_1088 = tpu.vector_load %arg12[%get3A_1086, %get3A_1087] {strides = array<i32>} : memref<128x144xf32, #tpu.memory_space<vmem>>, vector<16xf32>,
          %max3A_1089 = arith.maximumf %get3A_1085, %get3A_1088 : vector<16xf32>
          %swap3A_1090 = arith.index_cast %reduce_max3A_1048 : i32 to index
          %swap3A_1091 = arith.constant 48 : index
          %swap3A_1092 = tpu.vector_load %arg7[%swap3A_1090, %swap3A_1091] {strides = array<i32>} : memref<321x144xf32, #tpu.memory_space<vmem>>, vector<16xf32>,
          tpu.vector_store %arg7[%swap3A_1090, %swap3A_1091], %max3A_1089 {strides = array<i32>} : memref<321x144xf32, #tpu.memory_space<vmem>>, vector<16xf32>,
          %get3A_1093 = arith.index_cast %reduce_max3A_1048 : i32 to index
          %get3A_1094 = arith.constant 64 : index
          %get3A_1095 = tpu.vector_load %arg7[%get3A_1093, %get3A_1094] {strides = array<i32>} : memref<321x144xf32, #tpu.memory_space<vmem>>, vector<16xf32>,
          %get3A_1096 = arith.index_cast %add3A_1052 : i32 to index
          %get3A_1097 = arith.constant 64 : index
          %get3A_1098 = tpu.vector_load %arg12[%get3A_1096, %get3A_1097] {strides = array<i32>} : memref<128x144xf32, #tpu.memory_space<vmem>>, vector<16xf32>,
          %max3A_1099 = arith.maximumf %get3A_1095, %get3A_1098 : vector<16xf32>
          %swap3A_1100 = arith.index_cast %reduce_max3A_1048 : i32 to index
          %swap3A_1101 = arith.constant 64 : index
          %swap3A_1102 = tpu.vector_load %arg7[%swap3A_1100, %swap3A_1101] {strides = array<i32>} : memref<321x144xf32, #tpu.memory_space<vmem>>, vector<16xf32>,
          tpu.vector_store %arg7[%swap3A_1100, %swap3A_1101], %max3A_1099 {strides = array<i32>} : memref<321x144xf32, #tpu.memory_space<vmem>>, vector<16xf32>,
          %get3A_1103 = arith.index_cast %reduce_max3A_1048 : i32 to index
          %get3A_1104 = arith.constant 80 : index
          %get3A_1105 = tpu.vector_load %arg7[%get3A_1103, %get3A_1104] {strides = array<i32>} : memref<321x144xf32, #tpu.memory_space<vmem>>, vector<16xf32>,
          %get3A_1106 = arith.index_cast %add3A_1052 : i32 to index
          %get3A_1107 = arith.constant 80 : index
          %get3A_1108 = tpu.vector_load %arg12[%get3A_1106, %get3A_1107] {strides = array<i32>} : memref<128x144xf32, #tpu.memory_space<vmem>>, vector<16xf32>,
          %max3A_1109 = arith.maximumf %get3A_1105, %get3A_1108 : vector<16xf32>
          %swap3A_1110 = arith.index_cast %reduce_max3A_1048 : i32 to index
          %swap3A_1111 = arith.constant 80 : index
          %swap3A_1112 = tpu.vector_load %arg7[%swap3A_1110, %swap3A_1111] {strides = array<i32>} : memref<321x144xf32, #tpu.memory_space<vmem>>, vector<16xf32>,
          tpu.vector_store %arg7[%swap3A_1110, %swap3A_1111], %max3A_1109 {strides = array<i32>} : memref<321x144xf32, #tpu.memory_space<vmem>>, vector<16xf32>,
          %get3A_1113 = arith.index_cast %reduce_max3A_1048 : i32 to index
          %get3A_1114 = arith.constant 96 : index
          %get3A_1115 = tpu.vector_load %arg7[%get3A_1113, %get3A_1114] {strides = array<i32>} : memref<321x144xf32, #tpu.memory_space<vmem>>, vector<16xf32>,
          %get3A_1116 = arith.index_cast %add3A_1052 : i32 to index
          %get3A_1117 = arith.constant 96 : index
          %get3A_1118 = tpu.vector_load %arg12[%get3A_1116, %get3A_1117] {strides = array<i32>} : memref<128x144xf32, #tpu.memory_space<vmem>>, vector<16xf32>,
          %max3A_1119 = arith.maximumf %get3A_1115, %get3A_1118 : vector<16xf32>
          %swap3A_1120 = arith.index_cast %reduce_max3A_1048 : i32 to index
          %swap3A_1121 = arith.constant 96 : index
          %swap3A_1122 = tpu.vector_load %arg7[%swap3A_1120, %swap3A_1121] {strides = array<i32>} : memref<321x144xf32, #tpu.memory_space<vmem>>, vector<16xf32>,
          tpu.vector_store %arg7[%swap3A_1120, %swap3A_1121], %max3A_1119 {strides = array<i32>} : memref<321x144xf32, #tpu.memory_space<vmem>>, vector<16xf32>,
          %get3A_1123 = arith.index_cast %reduce_max3A_1048 : i32 to index
          %get3A_1124 = arith.constant 112 : index
          %get3A_1125 = tpu.vector_load %arg7[%get3A_1123, %get3A_1124] {strides = array<i32>} : memref<321x144xf32, #tpu.memory_space<vmem>>, vector<16xf32>,
          %get3A_1126 = arith.index_cast %add3A_1052 : i32 to index
          %get3A_1127 = arith.constant 112 : index
          %get3A_1128 = tpu.vector_load %arg12[%get3A_1126, %get3A_1127] {strides = array<i32>} : memref<128x144xf32, #tpu.memory_space<vmem>>, vector<16xf32>,
          %max3A_1129 = arith.maximumf %get3A_1125, %get3A_1128 : vector<16xf32>
          %swap3A_1130 = arith.index_cast %reduce_max3A_1048 : i32 to index
          %swap3A_1131 = arith.constant 112 : index
          %swap3A_1132 = tpu.vector_load %arg7[%swap3A_1130, %swap3A_1131] {strides = array<i32>} : memref<321x144xf32, #tpu.memory_space<vmem>>, vector<16xf32>,
          tpu.vector_store %arg7[%swap3A_1130, %swap3A_1131], %max3A_1129 {strides = array<i32>} : memref<321x144xf32, #tpu.memory_space<vmem>>, vector<16xf32>,
          %get3A_1133 = arith.index_cast %reduce_max3A_1048 : i32 to index
          %get3A_1134 = arith.constant 128 : index
          %get3A_1135 = tpu.vector_load %arg7[%get3A_1133, %get3A_1134] {strides = array<i32>} : memref<321x144xf32, #tpu.memory_space<vmem>>, vector<16xf32>,
          %get3A_1136 = arith.index_cast %add3A_1052 : i32 to index
          %get3A_1137 = arith.constant 128 : index
          %get3A_1138 = tpu.vector_load %arg12[%get3A_1136, %get3A_1137] {strides = array<i32>} : memref<128x144xf32, #tpu.memory_space<vmem>>, vector<16xf32>,
          %max3A_1139 = arith.maximumf %get3A_1135, %get3A_1138 : vector<16xf32>
          %swap3A_1140 = arith.index_cast %reduce_max3A_1048 : i32 to index
          %swap3A_1141 = arith.constant 128 : index
          %swap3A_1142 = tpu.vector_load %arg7[%swap3A_1140, %swap3A_1141] {strides = array<i32>} : memref<321x144xf32, #tpu.memory_space<vmem>>, vector<16xf32>,
          tpu.vector_store %arg7[%swap3A_1140, %swap3A_1141], %max3A_1139 {strides = array<i32>} : memref<321x144xf32, #tpu.memory_space<vmem>>, vector<16xf32>,
          %eq3A_1143 = arith.constant 9 : i32
          %eq3A_1144 = vector.broadcast %eq3A_1143 : i32 to vector<16xi32>
          %eq3A_1145 = arith.cmpi eq, %iota3A, %eq3A_1144 : vector<16xi32>
          %jit3A_1146 = arith.constant 0 : i32
          %broadcast_in_dim3A_1147 = vector.broadcast %jit3A_1146 : i32 to vector<16xi32>
          %select_n3A_1148 = arith.select %eq3A_1145, %get3A_174, %broadcast_in_dim3A_1147 : vector<16xi1>, vector<16xi32>
          %reduce_max3A_1149 = arith.constant true
          %reduce_max3A_1150 = vector.broadcast %reduce_max3A_1149 : i1 to vector<16xi1>
          %reduce_max3A_1151 = arith.constant -2147483648 : i32
          %reduce_max3A_1152 = vector.broadcast %reduce_max3A_1151 : i32 to vector<16xi32>
          %reduce_max3A_1153 = arith.xori %select_n3A_1148, %reduce_max3A_1152 : vector<16xi32>
          %reduce_max3A_1154 = tpu.scan <max>, %reduce_max3A_1153 masked %reduce_max3A_1150 : vector<16xi32>, vector<16xi1> -> vector<16xi32>
          %reduce_max3A_1155 = arith.xori %reduce_max3A_1154, %reduce_max3A_1152 : vector<16xi32>
          %reduce_max3A_1156 = vector.extract %reduce_max3A_1155[15] : i32 from vector<16xi32>
          %mul3A_1157 = arith.constant 16 : i32
          %mul3A_1158 = arith.muli %scan3A_168, %mul3A_1157 : i32
          %add3A_1159 = arith.constant 9 : i32
          %add3A_1160 = arith.addi %mul3A_1158, %add3A_1159 : i32
          %get3A_1161 = arith.index_cast %reduce_max3A_1156 : i32 to index
          %get3A_1162 = arith.constant 0 : index
          %get3A_1163 = tpu.vector_load %arg7[%get3A_1161, %get3A_1162] {strides = array<i32>} : memref<321x144xf32, #tpu.memory_space<vmem>>, vector<16xf32>,
          %get3A_1164 = arith.index_cast %add3A_1160 : i32 to index
          %get3A_1165 = arith.constant 0 : index
          %get3A_1166 = tpu.vector_load %arg12[%get3A_1164, %get3A_1165] {strides = array<i32>} : memref<128x144xf32, #tpu.memory_space<vmem>>, vector<16xf32>,
          %max3A_1167 = arith.maximumf %get3A_1163, %get3A_1166 : vector<16xf32>
          %swap3A_1168 = arith.index_cast %reduce_max3A_1156 : i32 to index
          %swap3A_1169 = arith.constant 0 : index
          %swap3A_1170 = tpu.vector_load %arg7[%swap3A_1168, %swap3A_1169] {strides = array<i32>} : memref<321x144xf32, #tpu.memory_space<vmem>>, vector<16xf32>,
          tpu.vector_store %arg7[%swap3A_1168, %swap3A_1169], %max3A_1167 {strides = array<i32>} : memref<321x144xf32, #tpu.memory_space<vmem>>, vector<16xf32>,
          %get3A_1171 = arith.index_cast %reduce_max3A_1156 : i32 to index
          %get3A_1172 = arith.constant 16 : index
          %get3A_1173 = tpu.vector_load %arg7[%get3A_1171, %get3A_1172] {strides = array<i32>} : memref<321x144xf32, #tpu.memory_space<vmem>>, vector<16xf32>,
          %get3A_1174 = arith.index_cast %add3A_1160 : i32 to index
          %get3A_1175 = arith.constant 16 : index
          %get3A_1176 = tpu.vector_load %arg12[%get3A_1174, %get3A_1175] {strides = array<i32>} : memref<128x144xf32, #tpu.memory_space<vmem>>, vector<16xf32>,
          %max3A_1177 = arith.maximumf %get3A_1173, %get3A_1176 : vector<16xf32>
          %swap3A_1178 = arith.index_cast %reduce_max3A_1156 : i32 to index
          %swap3A_1179 = arith.constant 16 : index
          %swap3A_1180 = tpu.vector_load %arg7[%swap3A_1178, %swap3A_1179] {strides = array<i32>} : memref<321x144xf32, #tpu.memory_space<vmem>>, vector<16xf32>,
          tpu.vector_store %arg7[%swap3A_1178, %swap3A_1179], %max3A_1177 {strides = array<i32>} : memref<321x144xf32, #tpu.memory_space<vmem>>, vector<16xf32>,
          %get3A_1181 = arith.index_cast %reduce_max3A_1156 : i32 to index
          %get3A_1182 = arith.constant 32 : index
          %get3A_1183 = tpu.vector_load %arg7[%get3A_1181, %get3A_1182] {strides = array<i32>} : memref<321x144xf32, #tpu.memory_space<vmem>>, vector<16xf32>,
          %get3A_1184 = arith.index_cast %add3A_1160 : i32 to index
          %get3A_1185 = arith.constant 32 : index
          %get3A_1186 = tpu.vector_load %arg12[%get3A_1184, %get3A_1185] {strides = array<i32>} : memref<128x144xf32, #tpu.memory_space<vmem>>, vector<16xf32>,
          %max3A_1187 = arith.maximumf %get3A_1183, %get3A_1186 : vector<16xf32>
          %swap3A_1188 = arith.index_cast %reduce_max3A_1156 : i32 to index
          %swap3A_1189 = arith.constant 32 : index
          %swap3A_1190 = tpu.vector_load %arg7[%swap3A_1188, %swap3A_1189] {strides = array<i32>} : memref<321x144xf32, #tpu.memory_space<vmem>>, vector<16xf32>,
          tpu.vector_store %arg7[%swap3A_1188, %swap3A_1189], %max3A_1187 {strides = array<i32>} : memref<321x144xf32, #tpu.memory_space<vmem>>, vector<16xf32>,
          %get3A_1191 = arith.index_cast %reduce_max3A_1156 : i32 to index
          %get3A_1192 = arith.constant 48 : index
          %get3A_1193 = tpu.vector_load %arg7[%get3A_1191, %get3A_1192] {strides = array<i32>} : memref<321x144xf32, #tpu.memory_space<vmem>>, vector<16xf32>,
          %get3A_1194 = arith.index_cast %add3A_1160 : i32 to index
          %get3A_1195 = arith.constant 48 : index
          %get3A_1196 = tpu.vector_load %arg12[%get3A_1194, %get3A_1195] {strides = array<i32>} : memref<128x144xf32, #tpu.memory_space<vmem>>, vector<16xf32>,
          %max3A_1197 = arith.maximumf %get3A_1193, %get3A_1196 : vector<16xf32>
          %swap3A_1198 = arith.index_cast %reduce_max3A_1156 : i32 to index
          %swap3A_1199 = arith.constant 48 : index
          %swap3A_1200 = tpu.vector_load %arg7[%swap3A_1198, %swap3A_1199] {strides = array<i32>} : memref<321x144xf32, #tpu.memory_space<vmem>>, vector<16xf32>,
          tpu.vector_store %arg7[%swap3A_1198, %swap3A_1199], %max3A_1197 {strides = array<i32>} : memref<321x144xf32, #tpu.memory_space<vmem>>, vector<16xf32>,
          %get3A_1201 = arith.index_cast %reduce_max3A_1156 : i32 to index
          %get3A_1202 = arith.constant 64 : index
          %get3A_1203 = tpu.vector_load %arg7[%get3A_1201, %get3A_1202] {strides = array<i32>} : memref<321x144xf32, #tpu.memory_space<vmem>>, vector<16xf32>,
          %get3A_1204 = arith.index_cast %add3A_1160 : i32 to index
          %get3A_1205 = arith.constant 64 : index
          %get3A_1206 = tpu.vector_load %arg12[%get3A_1204, %get3A_1205] {strides = array<i32>} : memref<128x144xf32, #tpu.memory_space<vmem>>, vector<16xf32>,
          %max3A_1207 = arith.maximumf %get3A_1203, %get3A_1206 : vector<16xf32>
          %swap3A_1208 = arith.index_cast %reduce_max3A_1156 : i32 to index
          %swap3A_1209 = arith.constant 64 : index
          %swap3A_1210 = tpu.vector_load %arg7[%swap3A_1208, %swap3A_1209] {strides = array<i32>} : memref<321x144xf32, #tpu.memory_space<vmem>>, vector<16xf32>,
          tpu.vector_store %arg7[%swap3A_1208, %swap3A_1209], %max3A_1207 {strides = array<i32>} : memref<321x144xf32, #tpu.memory_space<vmem>>, vector<16xf32>,
          %get3A_1211 = arith.index_cast %reduce_max3A_1156 : i32 to index
          %get3A_1212 = arith.constant 80 : index
          %get3A_1213 = tpu.vector_load %arg7[%get3A_1211, %get3A_1212] {strides = array<i32>} : memref<321x144xf32, #tpu.memory_space<vmem>>, vector<16xf32>,
          %get3A_1214 = arith.index_cast %add3A_1160 : i32 to index
          %get3A_1215 = arith.constant 80 : index
          %get3A_1216 = tpu.vector_load %arg12[%get3A_1214, %get3A_1215] {strides = array<i32>} : memref<128x144xf32, #tpu.memory_space<vmem>>, vector<16xf32>,
          %max3A_1217 = arith.maximumf %get3A_1213, %get3A_1216 : vector<16xf32>
          %swap3A_1218 = arith.index_cast %reduce_max3A_1156 : i32 to index
          %swap3A_1219 = arith.constant 80 : index
          %swap3A_1220 = tpu.vector_load %arg7[%swap3A_1218, %swap3A_1219] {strides = array<i32>} : memref<321x144xf32, #tpu.memory_space<vmem>>, vector<16xf32>,
          tpu.vector_store %arg7[%swap3A_1218, %swap3A_1219], %max3A_1217 {strides = array<i32>} : memref<321x144xf32, #tpu.memory_space<vmem>>, vector<16xf32>,
          %get3A_1221 = arith.index_cast %reduce_max3A_1156 : i32 to index
          %get3A_1222 = arith.constant 96 : index
          %get3A_1223 = tpu.vector_load %arg7[%get3A_1221, %get3A_1222] {strides = array<i32>} : memref<321x144xf32, #tpu.memory_space<vmem>>, vector<16xf32>,
          %get3A_1224 = arith.index_cast %add3A_1160 : i32 to index
          %get3A_1225 = arith.constant 96 : index
          %get3A_1226 = tpu.vector_load %arg12[%get3A_1224, %get3A_1225] {strides = array<i32>} : memref<128x144xf32, #tpu.memory_space<vmem>>, vector<16xf32>,
          %max3A_1227 = arith.maximumf %get3A_1223, %get3A_1226 : vector<16xf32>
          %swap3A_1228 = arith.index_cast %reduce_max3A_1156 : i32 to index
          %swap3A_1229 = arith.constant 96 : index
          %swap3A_1230 = tpu.vector_load %arg7[%swap3A_1228, %swap3A_1229] {strides = array<i32>} : memref<321x144xf32, #tpu.memory_space<vmem>>, vector<16xf32>,
          tpu.vector_store %arg7[%swap3A_1228, %swap3A_1229], %max3A_1227 {strides = array<i32>} : memref<321x144xf32, #tpu.memory_space<vmem>>, vector<16xf32>,
          %get3A_1231 = arith.index_cast %reduce_max3A_1156 : i32 to index
          %get3A_1232 = arith.constant 112 : index
          %get3A_1233 = tpu.vector_load %arg7[%get3A_1231, %get3A_1232] {strides = array<i32>} : memref<321x144xf32, #tpu.memory_space<vmem>>, vector<16xf32>,
          %get3A_1234 = arith.index_cast %add3A_1160 : i32 to index
          %get3A_1235 = arith.constant 112 : index
          %get3A_1236 = tpu.vector_load %arg12[%get3A_1234, %get3A_1235] {strides = array<i32>} : memref<128x144xf32, #tpu.memory_space<vmem>>, vector<16xf32>,
          %max3A_1237 = arith.maximumf %get3A_1233, %get3A_1236 : vector<16xf32>
          %swap3A_1238 = arith.index_cast %reduce_max3A_1156 : i32 to index
          %swap3A_1239 = arith.constant 112 : index
          %swap3A_1240 = tpu.vector_load %arg7[%swap3A_1238, %swap3A_1239] {strides = array<i32>} : memref<321x144xf32, #tpu.memory_space<vmem>>, vector<16xf32>,
          tpu.vector_store %arg7[%swap3A_1238, %swap3A_1239], %max3A_1237 {strides = array<i32>} : memref<321x144xf32, #tpu.memory_space<vmem>>, vector<16xf32>,
          %get3A_1241 = arith.index_cast %reduce_max3A_1156 : i32 to index
          %get3A_1242 = arith.constant 128 : index
          %get3A_1243 = tpu.vector_load %arg7[%get3A_1241, %get3A_1242] {strides = array<i32>} : memref<321x144xf32, #tpu.memory_space<vmem>>, vector<16xf32>,
          %get3A_1244 = arith.index_cast %add3A_1160 : i32 to index
          %get3A_1245 = arith.constant 128 : index
          %get3A_1246 = tpu.vector_load %arg12[%get3A_1244, %get3A_1245] {strides = array<i32>} : memref<128x144xf32, #tpu.memory_space<vmem>>, vector<16xf32>,
          %max3A_1247 = arith.maximumf %get3A_1243, %get3A_1246 : vector<16xf32>
          %swap3A_1248 = arith.index_cast %reduce_max3A_1156 : i32 to index
          %swap3A_1249 = arith.constant 128 : index
          %swap3A_1250 = tpu.vector_load %arg7[%swap3A_1248, %swap3A_1249] {strides = array<i32>} : memref<321x144xf32, #tpu.memory_space<vmem>>, vector<16xf32>,
          tpu.vector_store %arg7[%swap3A_1248, %swap3A_1249], %max3A_1247 {strides = array<i32>} : memref<321x144xf32, #tpu.memory_space<vmem>>, vector<16xf32>,
          %eq3A_1251 = arith.constant 10 : i32
          %eq3A_1252 = vector.broadcast %eq3A_1251 : i32 to vector<16xi32>
          %eq3A_1253 = arith.cmpi eq, %iota3A, %eq3A_1252 : vector<16xi32>
          %jit3A_1254 = arith.constant 0 : i32
          %broadcast_in_dim3A_1255 = vector.broadcast %jit3A_1254 : i32 to vector<16xi32>
          %select_n3A_1256 = arith.select %eq3A_1253, %get3A_174, %broadcast_in_dim3A_1255 : vector<16xi1>, vector<16xi32>
          %reduce_max3A_1257 = arith.constant true
          %reduce_max3A_1258 = vector.broadcast %reduce_max3A_1257 : i1 to vector<16xi1>
          %reduce_max3A_1259 = arith.constant -2147483648 : i32
          %reduce_max3A_1260 = vector.broadcast %reduce_max3A_1259 : i32 to vector<16xi32>
          %reduce_max3A_1261 = arith.xori %select_n3A_1256, %reduce_max3A_1260 : vector<16xi32>
          %reduce_max3A_1262 = tpu.scan <max>, %reduce_max3A_1261 masked %reduce_max3A_1258 : vector<16xi32>, vector<16xi1> -> vector<16xi32>
          %reduce_max3A_1263 = arith.xori %reduce_max3A_1262, %reduce_max3A_1260 : vector<16xi32>
          %reduce_max3A_1264 = vector.extract %reduce_max3A_1263[15] : i32 from vector<16xi32>
          %mul3A_1265 = arith.constant 16 : i32
          %mul3A_1266 = arith.muli %scan3A_168, %mul3A_1265 : i32
          %add3A_1267 = arith.constant 10 : i32
          %add3A_1268 = arith.addi %mul3A_1266, %add3A_1267 : i32
          %get3A_1269 = arith.index_cast %reduce_max3A_1264 : i32 to index
          %get3A_1270 = arith.constant 0 : index
          %get3A_1271 = tpu.vector_load %arg7[%get3A_1269, %get3A_1270] {strides = array<i32>} : memref<321x144xf32, #tpu.memory_space<vmem>>, vector<16xf32>,
          %get3A_1272 = arith.index_cast %add3A_1268 : i32 to index
          %get3A_1273 = arith.constant 0 : index
          %get3A_1274 = tpu.vector_load %arg12[%get3A_1272, %get3A_1273] {strides = array<i32>} : memref<128x144xf32, #tpu.memory_space<vmem>>, vector<16xf32>,
          %max3A_1275 = arith.maximumf %get3A_1271, %get3A_1274 : vector<16xf32>
          %swap3A_1276 = arith.index_cast %reduce_max3A_1264 : i32 to index
          %swap3A_1277 = arith.constant 0 : index
          %swap3A_1278 = tpu.vector_load %arg7[%swap3A_1276, %swap3A_1277] {strides = array<i32>} : memref<321x144xf32, #tpu.memory_space<vmem>>, vector<16xf32>,
          tpu.vector_store %arg7[%swap3A_1276, %swap3A_1277], %max3A_1275 {strides = array<i32>} : memref<321x144xf32, #tpu.memory_space<vmem>>, vector<16xf32>,
          %get3A_1279 = arith.index_cast %reduce_max3A_1264 : i32 to index
          %get3A_1280 = arith.constant 16 : index
          %get3A_1281 = tpu.vector_load %arg7[%get3A_1279, %get3A_1280] {strides = array<i32>} : memref<321x144xf32, #tpu.memory_space<vmem>>, vector<16xf32>,
          %get3A_1282 = arith.index_cast %add3A_1268 : i32 to index
          %get3A_1283 = arith.constant 16 : index
          %get3A_1284 = tpu.vector_load %arg12[%get3A_1282, %get3A_1283] {strides = array<i32>} : memref<128x144xf32, #tpu.memory_space<vmem>>, vector<16xf32>,
          %max3A_1285 = arith.maximumf %get3A_1281, %get3A_1284 : vector<16xf32>
          %swap3A_1286 = arith.index_cast %reduce_max3A_1264 : i32 to index
          %swap3A_1287 = arith.constant 16 : index
          %swap3A_1288 = tpu.vector_load %arg7[%swap3A_1286, %swap3A_1287] {strides = array<i32>} : memref<321x144xf32, #tpu.memory_space<vmem>>, vector<16xf32>,
          tpu.vector_store %arg7[%swap3A_1286, %swap3A_1287], %max3A_1285 {strides = array<i32>} : memref<321x144xf32, #tpu.memory_space<vmem>>, vector<16xf32>,
          %get3A_1289 = arith.index_cast %reduce_max3A_1264 : i32 to index
          %get3A_1290 = arith.constant 32 : index
          %get3A_1291 = tpu.vector_load %arg7[%get3A_1289, %get3A_1290] {strides = array<i32>} : memref<321x144xf32, #tpu.memory_space<vmem>>, vector<16xf32>,
          %get3A_1292 = arith.index_cast %add3A_1268 : i32 to index
          %get3A_1293 = arith.constant 32 : index
          %get3A_1294 = tpu.vector_load %arg12[%get3A_1292, %get3A_1293] {strides = array<i32>} : memref<128x144xf32, #tpu.memory_space<vmem>>, vector<16xf32>,
          %max3A_1295 = arith.maximumf %get3A_1291, %get3A_1294 : vector<16xf32>
          %swap3A_1296 = arith.index_cast %reduce_max3A_1264 : i32 to index
          %swap3A_1297 = arith.constant 32 : index
          %swap3A_1298 = tpu.vector_load %arg7[%swap3A_1296, %swap3A_1297] {strides = array<i32>} : memref<321x144xf32, #tpu.memory_space<vmem>>, vector<16xf32>,
          tpu.vector_store %arg7[%swap3A_1296, %swap3A_1297], %max3A_1295 {strides = array<i32>} : memref<321x144xf32, #tpu.memory_space<vmem>>, vector<16xf32>,
          %get3A_1299 = arith.index_cast %reduce_max3A_1264 : i32 to index
          %get3A_1300 = arith.constant 48 : index
          %get3A_1301 = tpu.vector_load %arg7[%get3A_1299, %get3A_1300] {strides = array<i32>} : memref<321x144xf32, #tpu.memory_space<vmem>>, vector<16xf32>,
          %get3A_1302 = arith.index_cast %add3A_1268 : i32 to index
          %get3A_1303 = arith.constant 48 : index
          %get3A_1304 = tpu.vector_load %arg12[%get3A_1302, %get3A_1303] {strides = array<i32>} : memref<128x144xf32, #tpu.memory_space<vmem>>, vector<16xf32>,
          %max3A_1305 = arith.maximumf %get3A_1301, %get3A_1304 : vector<16xf32>
          %swap3A_1306 = arith.index_cast %reduce_max3A_1264 : i32 to index
          %swap3A_1307 = arith.constant 48 : index
          %swap3A_1308 = tpu.vector_load %arg7[%swap3A_1306, %swap3A_1307] {strides = array<i32>} : memref<321x144xf32, #tpu.memory_space<vmem>>, vector<16xf32>,
          tpu.vector_store %arg7[%swap3A_1306, %swap3A_1307], %max3A_1305 {strides = array<i32>} : memref<321x144xf32, #tpu.memory_space<vmem>>, vector<16xf32>,
          %get3A_1309 = arith.index_cast %reduce_max3A_1264 : i32 to index
          %get3A_1310 = arith.constant 64 : index
          %get3A_1311 = tpu.vector_load %arg7[%get3A_1309, %get3A_1310] {strides = array<i32>} : memref<321x144xf32, #tpu.memory_space<vmem>>, vector<16xf32>,
          %get3A_1312 = arith.index_cast %add3A_1268 : i32 to index
          %get3A_1313 = arith.constant 64 : index
          %get3A_1314 = tpu.vector_load %arg12[%get3A_1312, %get3A_1313] {strides = array<i32>} : memref<128x144xf32, #tpu.memory_space<vmem>>, vector<16xf32>,
          %max3A_1315 = arith.maximumf %get3A_1311, %get3A_1314 : vector<16xf32>
          %swap3A_1316 = arith.index_cast %reduce_max3A_1264 : i32 to index
          %swap3A_1317 = arith.constant 64 : index
          %swap3A_1318 = tpu.vector_load %arg7[%swap3A_1316, %swap3A_1317] {strides = array<i32>} : memref<321x144xf32, #tpu.memory_space<vmem>>, vector<16xf32>,
          tpu.vector_store %arg7[%swap3A_1316, %swap3A_1317], %max3A_1315 {strides = array<i32>} : memref<321x144xf32, #tpu.memory_space<vmem>>, vector<16xf32>,
          %get3A_1319 = arith.index_cast %reduce_max3A_1264 : i32 to index
          %get3A_1320 = arith.constant 80 : index
          %get3A_1321 = tpu.vector_load %arg7[%get3A_1319, %get3A_1320] {strides = array<i32>} : memref<321x144xf32, #tpu.memory_space<vmem>>, vector<16xf32>,
          %get3A_1322 = arith.index_cast %add3A_1268 : i32 to index
          %get3A_1323 = arith.constant 80 : index
          %get3A_1324 = tpu.vector_load %arg12[%get3A_1322, %get3A_1323] {strides = array<i32>} : memref<128x144xf32, #tpu.memory_space<vmem>>, vector<16xf32>,
          %max3A_1325 = arith.maximumf %get3A_1321, %get3A_1324 : vector<16xf32>
          %swap3A_1326 = arith.index_cast %reduce_max3A_1264 : i32 to index
          %swap3A_1327 = arith.constant 80 : index
          %swap3A_1328 = tpu.vector_load %arg7[%swap3A_1326, %swap3A_1327] {strides = array<i32>} : memref<321x144xf32, #tpu.memory_space<vmem>>, vector<16xf32>,
          tpu.vector_store %arg7[%swap3A_1326, %swap3A_1327], %max3A_1325 {strides = array<i32>} : memref<321x144xf32, #tpu.memory_space<vmem>>, vector<16xf32>,
          %get3A_1329 = arith.index_cast %reduce_max3A_1264 : i32 to index
          %get3A_1330 = arith.constant 96 : index
          %get3A_1331 = tpu.vector_load %arg7[%get3A_1329, %get3A_1330] {strides = array<i32>} : memref<321x144xf32, #tpu.memory_space<vmem>>, vector<16xf32>,
          %get3A_1332 = arith.index_cast %add3A_1268 : i32 to index
          %get3A_1333 = arith.constant 96 : index
          %get3A_1334 = tpu.vector_load %arg12[%get3A_1332, %get3A_1333] {strides = array<i32>} : memref<128x144xf32, #tpu.memory_space<vmem>>, vector<16xf32>,
          %max3A_1335 = arith.maximumf %get3A_1331, %get3A_1334 : vector<16xf32>
          %swap3A_1336 = arith.index_cast %reduce_max3A_1264 : i32 to index
          %swap3A_1337 = arith.constant 96 : index
          %swap3A_1338 = tpu.vector_load %arg7[%swap3A_1336, %swap3A_1337] {strides = array<i32>} : memref<321x144xf32, #tpu.memory_space<vmem>>, vector<16xf32>,
          tpu.vector_store %arg7[%swap3A_1336, %swap3A_1337], %max3A_1335 {strides = array<i32>} : memref<321x144xf32, #tpu.memory_space<vmem>>, vector<16xf32>,
          %get3A_1339 = arith.index_cast %reduce_max3A_1264 : i32 to index
          %get3A_1340 = arith.constant 112 : index
          %get3A_1341 = tpu.vector_load %arg7[%get3A_1339, %get3A_1340] {strides = array<i32>} : memref<321x144xf32, #tpu.memory_space<vmem>>, vector<16xf32>,
          %get3A_1342 = arith.index_cast %add3A_1268 : i32 to index
          %get3A_1343 = arith.constant 112 : index
          %get3A_1344 = tpu.vector_load %arg12[%get3A_1342, %get3A_1343] {strides = array<i32>} : memref<128x144xf32, #tpu.memory_space<vmem>>, vector<16xf32>,
          %max3A_1345 = arith.maximumf %get3A_1341, %get3A_1344 : vector<16xf32>
          %swap3A_1346 = arith.index_cast %reduce_max3A_1264 : i32 to index
          %swap3A_1347 = arith.constant 112 : index
          %swap3A_1348 = tpu.vector_load %arg7[%swap3A_1346, %swap3A_1347] {strides = array<i32>} : memref<321x144xf32, #tpu.memory_space<vmem>>, vector<16xf32>,
          tpu.vector_store %arg7[%swap3A_1346, %swap3A_1347], %max3A_1345 {strides = array<i32>} : memref<321x144xf32, #tpu.memory_space<vmem>>, vector<16xf32>,
          %get3A_1349 = arith.index_cast %reduce_max3A_1264 : i32 to index
          %get3A_1350 = arith.constant 128 : index
          %get3A_1351 = tpu.vector_load %arg7[%get3A_1349, %get3A_1350] {strides = array<i32>} : memref<321x144xf32, #tpu.memory_space<vmem>>, vector<16xf32>,
          %get3A_1352 = arith.index_cast %add3A_1268 : i32 to index
          %get3A_1353 = arith.constant 128 : index
          %get3A_1354 = tpu.vector_load %arg12[%get3A_1352, %get3A_1353] {strides = array<i32>} : memref<128x144xf32, #tpu.memory_space<vmem>>, vector<16xf32>,
          %max3A_1355 = arith.maximumf %get3A_1351, %get3A_1354 : vector<16xf32>
          %swap3A_1356 = arith.index_cast %reduce_max3A_1264 : i32 to index
          %swap3A_1357 = arith.constant 128 : index
          %swap3A_1358 = tpu.vector_load %arg7[%swap3A_1356, %swap3A_1357] {strides = array<i32>} : memref<321x144xf32, #tpu.memory_space<vmem>>, vector<16xf32>,
          tpu.vector_store %arg7[%swap3A_1356, %swap3A_1357], %max3A_1355 {strides = array<i32>} : memref<321x144xf32, #tpu.memory_space<vmem>>, vector<16xf32>,
          %eq3A_1359 = arith.constant 11 : i32
          %eq3A_1360 = vector.broadcast %eq3A_1359 : i32 to vector<16xi32>
          %eq3A_1361 = arith.cmpi eq, %iota3A, %eq3A_1360 : vector<16xi32>
          %jit3A_1362 = arith.constant 0 : i32
          %broadcast_in_dim3A_1363 = vector.broadcast %jit3A_1362 : i32 to vector<16xi32>
          %select_n3A_1364 = arith.select %eq3A_1361, %get3A_174, %broadcast_in_dim3A_1363 : vector<16xi1>, vector<16xi32>
          %reduce_max3A_1365 = arith.constant true
          %reduce_max3A_1366 = vector.broadcast %reduce_max3A_1365 : i1 to vector<16xi1>
          %reduce_max3A_1367 = arith.constant -2147483648 : i32
          %reduce_max3A_1368 = vector.broadcast %reduce_max3A_1367 : i32 to vector<16xi32>
          %reduce_max3A_1369 = arith.xori %select_n3A_1364, %reduce_max3A_1368 : vector<16xi32>
          %reduce_max3A_1370 = tpu.scan <max>, %reduce_max3A_1369 masked %reduce_max3A_1366 : vector<16xi32>, vector<16xi1> -> vector<16xi32>
          %reduce_max3A_1371 = arith.xori %reduce_max3A_1370, %reduce_max3A_1368 : vector<16xi32>
          %reduce_max3A_1372 = vector.extract %reduce_max3A_1371[15] : i32 from vector<16xi32>
          %mul3A_1373 = arith.constant 16 : i32
          %mul3A_1374 = arith.muli %scan3A_168, %mul3A_1373 : i32
          %add3A_1375 = arith.constant 11 : i32
          %add3A_1376 = arith.addi %mul3A_1374, %add3A_1375 : i32
          %get3A_1377 = arith.index_cast %reduce_max3A_1372 : i32 to index
          %get3A_1378 = arith.constant 0 : index
          %get3A_1379 = tpu.vector_load %arg7[%get3A_1377, %get3A_1378] {strides = array<i32>} : memref<321x144xf32, #tpu.memory_space<vmem>>, vector<16xf32>,
          %get3A_1380 = arith.index_cast %add3A_1376 : i32 to index
          %get3A_1381 = arith.constant 0 : index
          %get3A_1382 = tpu.vector_load %arg12[%get3A_1380, %get3A_1381] {strides = array<i32>} : memref<128x144xf32, #tpu.memory_space<vmem>>, vector<16xf32>,
          %max3A_1383 = arith.maximumf %get3A_1379, %get3A_1382 : vector<16xf32>
          %swap3A_1384 = arith.index_cast %reduce_max3A_1372 : i32 to index
          %swap3A_1385 = arith.constant 0 : index
          %swap3A_1386 = tpu.vector_load %arg7[%swap3A_1384, %swap3A_1385] {strides = array<i32>} : memref<321x144xf32, #tpu.memory_space<vmem>>, vector<16xf32>,
          tpu.vector_store %arg7[%swap3A_1384, %swap3A_1385], %max3A_1383 {strides = array<i32>} : memref<321x144xf32, #tpu.memory_space<vmem>>, vector<16xf32>,
          %get3A_1387 = arith.index_cast %reduce_max3A_1372 : i32 to index
          %get3A_1388 = arith.constant 16 : index
          %get3A_1389 = tpu.vector_load %arg7[%get3A_1387, %get3A_1388] {strides = array<i32>} : memref<321x144xf32, #tpu.memory_space<vmem>>, vector<16xf32>,
          %get3A_1390 = arith.index_cast %add3A_1376 : i32 to index
          %get3A_1391 = arith.constant 16 : index
          %get3A_1392 = tpu.vector_load %arg12[%get3A_1390, %get3A_1391] {strides = array<i32>} : memref<128x144xf32, #tpu.memory_space<vmem>>, vector<16xf32>,
          %max3A_1393 = arith.maximumf %get3A_1389, %get3A_1392 : vector<16xf32>
          %swap3A_1394 = arith.index_cast %reduce_max3A_1372 : i32 to index
          %swap3A_1395 = arith.constant 16 : index
          %swap3A_1396 = tpu.vector_load %arg7[%swap3A_1394, %swap3A_1395] {strides = array<i32>} : memref<321x144xf32, #tpu.memory_space<vmem>>, vector<16xf32>,
          tpu.vector_store %arg7[%swap3A_1394, %swap3A_1395], %max3A_1393 {strides = array<i32>} : memref<321x144xf32, #tpu.memory_space<vmem>>, vector<16xf32>,
          %get3A_1397 = arith.index_cast %reduce_max3A_1372 : i32 to index
          %get3A_1398 = arith.constant 32 : index
          %get3A_1399 = tpu.vector_load %arg7[%get3A_1397, %get3A_1398] {strides = array<i32>} : memref<321x144xf32, #tpu.memory_space<vmem>>, vector<16xf32>,
          %get3A_1400 = arith.index_cast %add3A_1376 : i32 to index
          %get3A_1401 = arith.constant 32 : index
          %get3A_1402 = tpu.vector_load %arg12[%get3A_1400, %get3A_1401] {strides = array<i32>} : memref<128x144xf32, #tpu.memory_space<vmem>>, vector<16xf32>,
          %max3A_1403 = arith.maximumf %get3A_1399, %get3A_1402 : vector<16xf32>
          %swap3A_1404 = arith.index_cast %reduce_max3A_1372 : i32 to index
          %swap3A_1405 = arith.constant 32 : index
          %swap3A_1406 = tpu.vector_load %arg7[%swap3A_1404, %swap3A_1405] {strides = array<i32>} : memref<321x144xf32, #tpu.memory_space<vmem>>, vector<16xf32>,
          tpu.vector_store %arg7[%swap3A_1404, %swap3A_1405], %max3A_1403 {strides = array<i32>} : memref<321x144xf32, #tpu.memory_space<vmem>>, vector<16xf32>,
          %get3A_1407 = arith.index_cast %reduce_max3A_1372 : i32 to index
          %get3A_1408 = arith.constant 48 : index
          %get3A_1409 = tpu.vector_load %arg7[%get3A_1407, %get3A_1408] {strides = array<i32>} : memref<321x144xf32, #tpu.memory_space<vmem>>, vector<16xf32>,
          %get3A_1410 = arith.index_cast %add3A_1376 : i32 to index
          %get3A_1411 = arith.constant 48 : index
          %get3A_1412 = tpu.vector_load %arg12[%get3A_1410, %get3A_1411] {strides = array<i32>} : memref<128x144xf32, #tpu.memory_space<vmem>>, vector<16xf32>,
          %max3A_1413 = arith.maximumf %get3A_1409, %get3A_1412 : vector<16xf32>
          %swap3A_1414 = arith.index_cast %reduce_max3A_1372 : i32 to index
          %swap3A_1415 = arith.constant 48 : index
          %swap3A_1416 = tpu.vector_load %arg7[%swap3A_1414, %swap3A_1415] {strides = array<i32>} : memref<321x144xf32, #tpu.memory_space<vmem>>, vector<16xf32>,
          tpu.vector_store %arg7[%swap3A_1414, %swap3A_1415], %max3A_1413 {strides = array<i32>} : memref<321x144xf32, #tpu.memory_space<vmem>>, vector<16xf32>,
          %get3A_1417 = arith.index_cast %reduce_max3A_1372 : i32 to index
          %get3A_1418 = arith.constant 64 : index
          %get3A_1419 = tpu.vector_load %arg7[%get3A_1417, %get3A_1418] {strides = array<i32>} : memref<321x144xf32, #tpu.memory_space<vmem>>, vector<16xf32>,
          %get3A_1420 = arith.index_cast %add3A_1376 : i32 to index
          %get3A_1421 = arith.constant 64 : index
          %get3A_1422 = tpu.vector_load %arg12[%get3A_1420, %get3A_1421] {strides = array<i32>} : memref<128x144xf32, #tpu.memory_space<vmem>>, vector<16xf32>,
          %max3A_1423 = arith.maximumf %get3A_1419, %get3A_1422 : vector<16xf32>
          %swap3A_1424 = arith.index_cast %reduce_max3A_1372 : i32 to index
          %swap3A_1425 = arith.constant 64 : index
          %swap3A_1426 = tpu.vector_load %arg7[%swap3A_1424, %swap3A_1425] {strides = array<i32>} : memref<321x144xf32, #tpu.memory_space<vmem>>, vector<16xf32>,
          tpu.vector_store %arg7[%swap3A_1424, %swap3A_1425], %max3A_1423 {strides = array<i32>} : memref<321x144xf32, #tpu.memory_space<vmem>>, vector<16xf32>,
          %get3A_1427 = arith.index_cast %reduce_max3A_1372 : i32 to index
          %get3A_1428 = arith.constant 80 : index
          %get3A_1429 = tpu.vector_load %arg7[%get3A_1427, %get3A_1428] {strides = array<i32>} : memref<321x144xf32, #tpu.memory_space<vmem>>, vector<16xf32>,
          %get3A_1430 = arith.index_cast %add3A_1376 : i32 to index
          %get3A_1431 = arith.constant 80 : index
          %get3A_1432 = tpu.vector_load %arg12[%get3A_1430, %get3A_1431] {strides = array<i32>} : memref<128x144xf32, #tpu.memory_space<vmem>>, vector<16xf32>,
          %max3A_1433 = arith.maximumf %get3A_1429, %get3A_1432 : vector<16xf32>
          %swap3A_1434 = arith.index_cast %reduce_max3A_1372 : i32 to index
          %swap3A_1435 = arith.constant 80 : index
          %swap3A_1436 = tpu.vector_load %arg7[%swap3A_1434, %swap3A_1435] {strides = array<i32>} : memref<321x144xf32, #tpu.memory_space<vmem>>, vector<16xf32>,
          tpu.vector_store %arg7[%swap3A_1434, %swap3A_1435], %max3A_1433 {strides = array<i32>} : memref<321x144xf32, #tpu.memory_space<vmem>>, vector<16xf32>,
          %get3A_1437 = arith.index_cast %reduce_max3A_1372 : i32 to index
          %get3A_1438 = arith.constant 96 : index
          %get3A_1439 = tpu.vector_load %arg7[%get3A_1437, %get3A_1438] {strides = array<i32>} : memref<321x144xf32, #tpu.memory_space<vmem>>, vector<16xf32>,
          %get3A_1440 = arith.index_cast %add3A_1376 : i32 to index
          %get3A_1441 = arith.constant 96 : index
          %get3A_1442 = tpu.vector_load %arg12[%get3A_1440, %get3A_1441] {strides = array<i32>} : memref<128x144xf32, #tpu.memory_space<vmem>>, vector<16xf32>,
          %max3A_1443 = arith.maximumf %get3A_1439, %get3A_1442 : vector<16xf32>
          %swap3A_1444 = arith.index_cast %reduce_max3A_1372 : i32 to index
          %swap3A_1445 = arith.constant 96 : index
          %swap3A_1446 = tpu.vector_load %arg7[%swap3A_1444, %swap3A_1445] {strides = array<i32>} : memref<321x144xf32, #tpu.memory_space<vmem>>, vector<16xf32>,
          tpu.vector_store %arg7[%swap3A_1444, %swap3A_1445], %max3A_1443 {strides = array<i32>} : memref<321x144xf32, #tpu.memory_space<vmem>>, vector<16xf32>,
          %get3A_1447 = arith.index_cast %reduce_max3A_1372 : i32 to index
          %get3A_1448 = arith.constant 112 : index
          %get3A_1449 = tpu.vector_load %arg7[%get3A_1447, %get3A_1448] {strides = array<i32>} : memref<321x144xf32, #tpu.memory_space<vmem>>, vector<16xf32>,
          %get3A_1450 = arith.index_cast %add3A_1376 : i32 to index
          %get3A_1451 = arith.constant 112 : index
          %get3A_1452 = tpu.vector_load %arg12[%get3A_1450, %get3A_1451] {strides = array<i32>} : memref<128x144xf32, #tpu.memory_space<vmem>>, vector<16xf32>,
          %max3A_1453 = arith.maximumf %get3A_1449, %get3A_1452 : vector<16xf32>
          %swap3A_1454 = arith.index_cast %reduce_max3A_1372 : i32 to index
          %swap3A_1455 = arith.constant 112 : index
          %swap3A_1456 = tpu.vector_load %arg7[%swap3A_1454, %swap3A_1455] {strides = array<i32>} : memref<321x144xf32, #tpu.memory_space<vmem>>, vector<16xf32>,
          tpu.vector_store %arg7[%swap3A_1454, %swap3A_1455], %max3A_1453 {strides = array<i32>} : memref<321x144xf32, #tpu.memory_space<vmem>>, vector<16xf32>,
          %get3A_1457 = arith.index_cast %reduce_max3A_1372 : i32 to index
          %get3A_1458 = arith.constant 128 : index
          %get3A_1459 = tpu.vector_load %arg7[%get3A_1457, %get3A_1458] {strides = array<i32>} : memref<321x144xf32, #tpu.memory_space<vmem>>, vector<16xf32>,
          %get3A_1460 = arith.index_cast %add3A_1376 : i32 to index
          %get3A_1461 = arith.constant 128 : index
          %get3A_1462 = tpu.vector_load %arg12[%get3A_1460, %get3A_1461] {strides = array<i32>} : memref<128x144xf32, #tpu.memory_space<vmem>>, vector<16xf32>,
          %max3A_1463 = arith.maximumf %get3A_1459, %get3A_1462 : vector<16xf32>
          %swap3A_1464 = arith.index_cast %reduce_max3A_1372 : i32 to index
          %swap3A_1465 = arith.constant 128 : index
          %swap3A_1466 = tpu.vector_load %arg7[%swap3A_1464, %swap3A_1465] {strides = array<i32>} : memref<321x144xf32, #tpu.memory_space<vmem>>, vector<16xf32>,
          tpu.vector_store %arg7[%swap3A_1464, %swap3A_1465], %max3A_1463 {strides = array<i32>} : memref<321x144xf32, #tpu.memory_space<vmem>>, vector<16xf32>,
          %eq3A_1467 = arith.constant 12 : i32
          %eq3A_1468 = vector.broadcast %eq3A_1467 : i32 to vector<16xi32>
          %eq3A_1469 = arith.cmpi eq, %iota3A, %eq3A_1468 : vector<16xi32>
          %jit3A_1470 = arith.constant 0 : i32
          %broadcast_in_dim3A_1471 = vector.broadcast %jit3A_1470 : i32 to vector<16xi32>
          %select_n3A_1472 = arith.select %eq3A_1469, %get3A_174, %broadcast_in_dim3A_1471 : vector<16xi1>, vector<16xi32>
          %reduce_max3A_1473 = arith.constant true
          %reduce_max3A_1474 = vector.broadcast %reduce_max3A_1473 : i1 to vector<16xi1>
          %reduce_max3A_1475 = arith.constant -2147483648 : i32
          %reduce_max3A_1476 = vector.broadcast %reduce_max3A_1475 : i32 to vector<16xi32>
          %reduce_max3A_1477 = arith.xori %select_n3A_1472, %reduce_max3A_1476 : vector<16xi32>
          %reduce_max3A_1478 = tpu.scan <max>, %reduce_max3A_1477 masked %reduce_max3A_1474 : vector<16xi32>, vector<16xi1> -> vector<16xi32>
          %reduce_max3A_1479 = arith.xori %reduce_max3A_1478, %reduce_max3A_1476 : vector<16xi32>
          %reduce_max3A_1480 = vector.extract %reduce_max3A_1479[15] : i32 from vector<16xi32>
          %mul3A_1481 = arith.constant 16 : i32
          %mul3A_1482 = arith.muli %scan3A_168, %mul3A_1481 : i32
          %add3A_1483 = arith.constant 12 : i32
          %add3A_1484 = arith.addi %mul3A_1482, %add3A_1483 : i32
          %get3A_1485 = arith.index_cast %reduce_max3A_1480 : i32 to index
          %get3A_1486 = arith.constant 0 : index
          %get3A_1487 = tpu.vector_load %arg7[%get3A_1485, %get3A_1486] {strides = array<i32>} : memref<321x144xf32, #tpu.memory_space<vmem>>, vector<16xf32>,
          %get3A_1488 = arith.index_cast %add3A_1484 : i32 to index
          %get3A_1489 = arith.constant 0 : index
          %get3A_1490 = tpu.vector_load %arg12[%get3A_1488, %get3A_1489] {strides = array<i32>} : memref<128x144xf32, #tpu.memory_space<vmem>>, vector<16xf32>,
          %max3A_1491 = arith.maximumf %get3A_1487, %get3A_1490 : vector<16xf32>
          %swap3A_1492 = arith.index_cast %reduce_max3A_1480 : i32 to index
          %swap3A_1493 = arith.constant 0 : index
          %swap3A_1494 = tpu.vector_load %arg7[%swap3A_1492, %swap3A_1493] {strides = array<i32>} : memref<321x144xf32, #tpu.memory_space<vmem>>, vector<16xf32>,
          tpu.vector_store %arg7[%swap3A_1492, %swap3A_1493], %max3A_1491 {strides = array<i32>} : memref<321x144xf32, #tpu.memory_space<vmem>>, vector<16xf32>,
          %get3A_1495 = arith.index_cast %reduce_max3A_1480 : i32 to index
          %get3A_1496 = arith.constant 16 : index
          %get3A_1497 = tpu.vector_load %arg7[%get3A_1495, %get3A_1496] {strides = array<i32>} : memref<321x144xf32, #tpu.memory_space<vmem>>, vector<16xf32>,
          %get3A_1498 = arith.index_cast %add3A_1484 : i32 to index
          %get3A_1499 = arith.constant 16 : index
          %get3A_1500 = tpu.vector_load %arg12[%get3A_1498, %get3A_1499] {strides = array<i32>} : memref<128x144xf32, #tpu.memory_space<vmem>>, vector<16xf32>,
          %max3A_1501 = arith.maximumf %get3A_1497, %get3A_1500 : vector<16xf32>
          %swap3A_1502 = arith.index_cast %reduce_max3A_1480 : i32 to index
          %swap3A_1503 = arith.constant 16 : index
          %swap3A_1504 = tpu.vector_load %arg7[%swap3A_1502, %swap3A_1503] {strides = array<i32>} : memref<321x144xf32, #tpu.memory_space<vmem>>, vector<16xf32>,
          tpu.vector_store %arg7[%swap3A_1502, %swap3A_1503], %max3A_1501 {strides = array<i32>} : memref<321x144xf32, #tpu.memory_space<vmem>>, vector<16xf32>,
          %get3A_1505 = arith.index_cast %reduce_max3A_1480 : i32 to index
          %get3A_1506 = arith.constant 32 : index
          %get3A_1507 = tpu.vector_load %arg7[%get3A_1505, %get3A_1506] {strides = array<i32>} : memref<321x144xf32, #tpu.memory_space<vmem>>, vector<16xf32>,
          %get3A_1508 = arith.index_cast %add3A_1484 : i32 to index
          %get3A_1509 = arith.constant 32 : index
          %get3A_1510 = tpu.vector_load %arg12[%get3A_1508, %get3A_1509] {strides = array<i32>} : memref<128x144xf32, #tpu.memory_space<vmem>>, vector<16xf32>,
          %max3A_1511 = arith.maximumf %get3A_1507, %get3A_1510 : vector<16xf32>
          %swap3A_1512 = arith.index_cast %reduce_max3A_1480 : i32 to index
          %swap3A_1513 = arith.constant 32 : index
          %swap3A_1514 = tpu.vector_load %arg7[%swap3A_1512, %swap3A_1513] {strides = array<i32>} : memref<321x144xf32, #tpu.memory_space<vmem>>, vector<16xf32>,
          tpu.vector_store %arg7[%swap3A_1512, %swap3A_1513], %max3A_1511 {strides = array<i32>} : memref<321x144xf32, #tpu.memory_space<vmem>>, vector<16xf32>,
          %get3A_1515 = arith.index_cast %reduce_max3A_1480 : i32 to index
          %get3A_1516 = arith.constant 48 : index
          %get3A_1517 = tpu.vector_load %arg7[%get3A_1515, %get3A_1516] {strides = array<i32>} : memref<321x144xf32, #tpu.memory_space<vmem>>, vector<16xf32>,
          %get3A_1518 = arith.index_cast %add3A_1484 : i32 to index
          %get3A_1519 = arith.constant 48 : index
          %get3A_1520 = tpu.vector_load %arg12[%get3A_1518, %get3A_1519] {strides = array<i32>} : memref<128x144xf32, #tpu.memory_space<vmem>>, vector<16xf32>,
          %max3A_1521 = arith.maximumf %get3A_1517, %get3A_1520 : vector<16xf32>
          %swap3A_1522 = arith.index_cast %reduce_max3A_1480 : i32 to index
          %swap3A_1523 = arith.constant 48 : index
          %swap3A_1524 = tpu.vector_load %arg7[%swap3A_1522, %swap3A_1523] {strides = array<i32>} : memref<321x144xf32, #tpu.memory_space<vmem>>, vector<16xf32>,
          tpu.vector_store %arg7[%swap3A_1522, %swap3A_1523], %max3A_1521 {strides = array<i32>} : memref<321x144xf32, #tpu.memory_space<vmem>>, vector<16xf32>,
          %get3A_1525 = arith.index_cast %reduce_max3A_1480 : i32 to index
          %get3A_1526 = arith.constant 64 : index
          %get3A_1527 = tpu.vector_load %arg7[%get3A_1525, %get3A_1526] {strides = array<i32>} : memref<321x144xf32, #tpu.memory_space<vmem>>, vector<16xf32>,
          %get3A_1528 = arith.index_cast %add3A_1484 : i32 to index
          %get3A_1529 = arith.constant 64 : index
          %get3A_1530 = tpu.vector_load %arg12[%get3A_1528, %get3A_1529] {strides = array<i32>} : memref<128x144xf32, #tpu.memory_space<vmem>>, vector<16xf32>,
          %max3A_1531 = arith.maximumf %get3A_1527, %get3A_1530 : vector<16xf32>
          %swap3A_1532 = arith.index_cast %reduce_max3A_1480 : i32 to index
          %swap3A_1533 = arith.constant 64 : index
          %swap3A_1534 = tpu.vector_load %arg7[%swap3A_1532, %swap3A_1533] {strides = array<i32>} : memref<321x144xf32, #tpu.memory_space<vmem>>, vector<16xf32>,
          tpu.vector_store %arg7[%swap3A_1532, %swap3A_1533], %max3A_1531 {strides = array<i32>} : memref<321x144xf32, #tpu.memory_space<vmem>>, vector<16xf32>,
          %get3A_1535 = arith.index_cast %reduce_max3A_1480 : i32 to index
          %get3A_1536 = arith.constant 80 : index
          %get3A_1537 = tpu.vector_load %arg7[%get3A_1535, %get3A_1536] {strides = array<i32>} : memref<321x144xf32, #tpu.memory_space<vmem>>, vector<16xf32>,
          %get3A_1538 = arith.index_cast %add3A_1484 : i32 to index
          %get3A_1539 = arith.constant 80 : index
          %get3A_1540 = tpu.vector_load %arg12[%get3A_1538, %get3A_1539] {strides = array<i32>} : memref<128x144xf32, #tpu.memory_space<vmem>>, vector<16xf32>,
          %max3A_1541 = arith.maximumf %get3A_1537, %get3A_1540 : vector<16xf32>
          %swap3A_1542 = arith.index_cast %reduce_max3A_1480 : i32 to index
          %swap3A_1543 = arith.constant 80 : index
          %swap3A_1544 = tpu.vector_load %arg7[%swap3A_1542, %swap3A_1543] {strides = array<i32>} : memref<321x144xf32, #tpu.memory_space<vmem>>, vector<16xf32>,
          tpu.vector_store %arg7[%swap3A_1542, %swap3A_1543], %max3A_1541 {strides = array<i32>} : memref<321x144xf32, #tpu.memory_space<vmem>>, vector<16xf32>,
          %get3A_1545 = arith.index_cast %reduce_max3A_1480 : i32 to index
          %get3A_1546 = arith.constant 96 : index
          %get3A_1547 = tpu.vector_load %arg7[%get3A_1545, %get3A_1546] {strides = array<i32>} : memref<321x144xf32, #tpu.memory_space<vmem>>, vector<16xf32>,
          %get3A_1548 = arith.index_cast %add3A_1484 : i32 to index
          %get3A_1549 = arith.constant 96 : index
          %get3A_1550 = tpu.vector_load %arg12[%get3A_1548, %get3A_1549] {strides = array<i32>} : memref<128x144xf32, #tpu.memory_space<vmem>>, vector<16xf32>,
          %max3A_1551 = arith.maximumf %get3A_1547, %get3A_1550 : vector<16xf32>
          %swap3A_1552 = arith.index_cast %reduce_max3A_1480 : i32 to index
          %swap3A_1553 = arith.constant 96 : index
          %swap3A_1554 = tpu.vector_load %arg7[%swap3A_1552, %swap3A_1553] {strides = array<i32>} : memref<321x144xf32, #tpu.memory_space<vmem>>, vector<16xf32>,
          tpu.vector_store %arg7[%swap3A_1552, %swap3A_1553], %max3A_1551 {strides = array<i32>} : memref<321x144xf32, #tpu.memory_space<vmem>>, vector<16xf32>,
          %get3A_1555 = arith.index_cast %reduce_max3A_1480 : i32 to index
          %get3A_1556 = arith.constant 112 : index
          %get3A_1557 = tpu.vector_load %arg7[%get3A_1555, %get3A_1556] {strides = array<i32>} : memref<321x144xf32, #tpu.memory_space<vmem>>, vector<16xf32>,
          %get3A_1558 = arith.index_cast %add3A_1484 : i32 to index
          %get3A_1559 = arith.constant 112 : index
          %get3A_1560 = tpu.vector_load %arg12[%get3A_1558, %get3A_1559] {strides = array<i32>} : memref<128x144xf32, #tpu.memory_space<vmem>>, vector<16xf32>,
          %max3A_1561 = arith.maximumf %get3A_1557, %get3A_1560 : vector<16xf32>
          %swap3A_1562 = arith.index_cast %reduce_max3A_1480 : i32 to index
          %swap3A_1563 = arith.constant 112 : index
          %swap3A_1564 = tpu.vector_load %arg7[%swap3A_1562, %swap3A_1563] {strides = array<i32>} : memref<321x144xf32, #tpu.memory_space<vmem>>, vector<16xf32>,
          tpu.vector_store %arg7[%swap3A_1562, %swap3A_1563], %max3A_1561 {strides = array<i32>} : memref<321x144xf32, #tpu.memory_space<vmem>>, vector<16xf32>,
          %get3A_1565 = arith.index_cast %reduce_max3A_1480 : i32 to index
          %get3A_1566 = arith.constant 128 : index
          %get3A_1567 = tpu.vector_load %arg7[%get3A_1565, %get3A_1566] {strides = array<i32>} : memref<321x144xf32, #tpu.memory_space<vmem>>, vector<16xf32>,
          %get3A_1568 = arith.index_cast %add3A_1484 : i32 to index
          %get3A_1569 = arith.constant 128 : index
          %get3A_1570 = tpu.vector_load %arg12[%get3A_1568, %get3A_1569] {strides = array<i32>} : memref<128x144xf32, #tpu.memory_space<vmem>>, vector<16xf32>,
          %max3A_1571 = arith.maximumf %get3A_1567, %get3A_1570 : vector<16xf32>
          %swap3A_1572 = arith.index_cast %reduce_max3A_1480 : i32 to index
          %swap3A_1573 = arith.constant 128 : index
          %swap3A_1574 = tpu.vector_load %arg7[%swap3A_1572, %swap3A_1573] {strides = array<i32>} : memref<321x144xf32, #tpu.memory_space<vmem>>, vector<16xf32>,
          tpu.vector_store %arg7[%swap3A_1572, %swap3A_1573], %max3A_1571 {strides = array<i32>} : memref<321x144xf32, #tpu.memory_space<vmem>>, vector<16xf32>,
          %eq3A_1575 = arith.constant 13 : i32
          %eq3A_1576 = vector.broadcast %eq3A_1575 : i32 to vector<16xi32>
          %eq3A_1577 = arith.cmpi eq, %iota3A, %eq3A_1576 : vector<16xi32>
          %jit3A_1578 = arith.constant 0 : i32
          %broadcast_in_dim3A_1579 = vector.broadcast %jit3A_1578 : i32 to vector<16xi32>
          %select_n3A_1580 = arith.select %eq3A_1577, %get3A_174, %broadcast_in_dim3A_1579 : vector<16xi1>, vector<16xi32>
          %reduce_max3A_1581 = arith.constant true
          %reduce_max3A_1582 = vector.broadcast %reduce_max3A_1581 : i1 to vector<16xi1>
          %reduce_max3A_1583 = arith.constant -2147483648 : i32
          %reduce_max3A_1584 = vector.broadcast %reduce_max3A_1583 : i32 to vector<16xi32>
          %reduce_max3A_1585 = arith.xori %select_n3A_1580, %reduce_max3A_1584 : vector<16xi32>
          %reduce_max3A_1586 = tpu.scan <max>, %reduce_max3A_1585 masked %reduce_max3A_1582 : vector<16xi32>, vector<16xi1> -> vector<16xi32>
          %reduce_max3A_1587 = arith.xori %reduce_max3A_1586, %reduce_max3A_1584 : vector<16xi32>
          %reduce_max3A_1588 = vector.extract %reduce_max3A_1587[15] : i32 from vector<16xi32>
          %mul3A_1589 = arith.constant 16 : i32
          %mul3A_1590 = arith.muli %scan3A_168, %mul3A_1589 : i32
          %add3A_1591 = arith.constant 13 : i32
          %add3A_1592 = arith.addi %mul3A_1590, %add3A_1591 : i32
          %get3A_1593 = arith.index_cast %reduce_max3A_1588 : i32 to index
          %get3A_1594 = arith.constant 0 : index
          %get3A_1595 = tpu.vector_load %arg7[%get3A_1593, %get3A_1594] {strides = array<i32>} : memref<321x144xf32, #tpu.memory_space<vmem>>, vector<16xf32>,
          %get3A_1596 = arith.index_cast %add3A_1592 : i32 to index
          %get3A_1597 = arith.constant 0 : index
          %get3A_1598 = tpu.vector_load %arg12[%get3A_1596, %get3A_1597] {strides = array<i32>} : memref<128x144xf32, #tpu.memory_space<vmem>>, vector<16xf32>,
          %max3A_1599 = arith.maximumf %get3A_1595, %get3A_1598 : vector<16xf32>
          %swap3A_1600 = arith.index_cast %reduce_max3A_1588 : i32 to index
          %swap3A_1601 = arith.constant 0 : index
          %swap3A_1602 = tpu.vector_load %arg7[%swap3A_1600, %swap3A_1601] {strides = array<i32>} : memref<321x144xf32, #tpu.memory_space<vmem>>, vector<16xf32>,
          tpu.vector_store %arg7[%swap3A_1600, %swap3A_1601], %max3A_1599 {strides = array<i32>} : memref<321x144xf32, #tpu.memory_space<vmem>>, vector<16xf32>,
          %get3A_1603 = arith.index_cast %reduce_max3A_1588 : i32 to index
          %get3A_1604 = arith.constant 16 : index
          %get3A_1605 = tpu.vector_load %arg7[%get3A_1603, %get3A_1604] {strides = array<i32>} : memref<321x144xf32, #tpu.memory_space<vmem>>, vector<16xf32>,
          %get3A_1606 = arith.index_cast %add3A_1592 : i32 to index
          %get3A_1607 = arith.constant 16 : index
          %get3A_1608 = tpu.vector_load %arg12[%get3A_1606, %get3A_1607] {strides = array<i32>} : memref<128x144xf32, #tpu.memory_space<vmem>>, vector<16xf32>,
          %max3A_1609 = arith.maximumf %get3A_1605, %get3A_1608 : vector<16xf32>
          %swap3A_1610 = arith.index_cast %reduce_max3A_1588 : i32 to index
          %swap3A_1611 = arith.constant 16 : index
          %swap3A_1612 = tpu.vector_load %arg7[%swap3A_1610, %swap3A_1611] {strides = array<i32>} : memref<321x144xf32, #tpu.memory_space<vmem>>, vector<16xf32>,
          tpu.vector_store %arg7[%swap3A_1610, %swap3A_1611], %max3A_1609 {strides = array<i32>} : memref<321x144xf32, #tpu.memory_space<vmem>>, vector<16xf32>,
          %get3A_1613 = arith.index_cast %reduce_max3A_1588 : i32 to index
          %get3A_1614 = arith.constant 32 : index
          %get3A_1615 = tpu.vector_load %arg7[%get3A_1613, %get3A_1614] {strides = array<i32>} : memref<321x144xf32, #tpu.memory_space<vmem>>, vector<16xf32>,
          %get3A_1616 = arith.index_cast %add3A_1592 : i32 to index
          %get3A_1617 = arith.constant 32 : index
          %get3A_1618 = tpu.vector_load %arg12[%get3A_1616, %get3A_1617] {strides = array<i32>} : memref<128x144xf32, #tpu.memory_space<vmem>>, vector<16xf32>,
          %max3A_1619 = arith.maximumf %get3A_1615, %get3A_1618 : vector<16xf32>
          %swap3A_1620 = arith.index_cast %reduce_max3A_1588 : i32 to index
          %swap3A_1621 = arith.constant 32 : index
          %swap3A_1622 = tpu.vector_load %arg7[%swap3A_1620, %swap3A_1621] {strides = array<i32>} : memref<321x144xf32, #tpu.memory_space<vmem>>, vector<16xf32>,
          tpu.vector_store %arg7[%swap3A_1620, %swap3A_1621], %max3A_1619 {strides = array<i32>} : memref<321x144xf32, #tpu.memory_space<vmem>>, vector<16xf32>,
          %get3A_1623 = arith.index_cast %reduce_max3A_1588 : i32 to index
          %get3A_1624 = arith.constant 48 : index
          %get3A_1625 = tpu.vector_load %arg7[%get3A_1623, %get3A_1624] {strides = array<i32>} : memref<321x144xf32, #tpu.memory_space<vmem>>, vector<16xf32>,
          %get3A_1626 = arith.index_cast %add3A_1592 : i32 to index
          %get3A_1627 = arith.constant 48 : index
          %get3A_1628 = tpu.vector_load %arg12[%get3A_1626, %get3A_1627] {strides = array<i32>} : memref<128x144xf32, #tpu.memory_space<vmem>>, vector<16xf32>,
          %max3A_1629 = arith.maximumf %get3A_1625, %get3A_1628 : vector<16xf32>
          %swap3A_1630 = arith.index_cast %reduce_max3A_1588 : i32 to index
          %swap3A_1631 = arith.constant 48 : index
          %swap3A_1632 = tpu.vector_load %arg7[%swap3A_1630, %swap3A_1631] {strides = array<i32>} : memref<321x144xf32, #tpu.memory_space<vmem>>, vector<16xf32>,
          tpu.vector_store %arg7[%swap3A_1630, %swap3A_1631], %max3A_1629 {strides = array<i32>} : memref<321x144xf32, #tpu.memory_space<vmem>>, vector<16xf32>,
          %get3A_1633 = arith.index_cast %reduce_max3A_1588 : i32 to index
          %get3A_1634 = arith.constant 64 : index
          %get3A_1635 = tpu.vector_load %arg7[%get3A_1633, %get3A_1634] {strides = array<i32>} : memref<321x144xf32, #tpu.memory_space<vmem>>, vector<16xf32>,
          %get3A_1636 = arith.index_cast %add3A_1592 : i32 to index
          %get3A_1637 = arith.constant 64 : index
          %get3A_1638 = tpu.vector_load %arg12[%get3A_1636, %get3A_1637] {strides = array<i32>} : memref<128x144xf32, #tpu.memory_space<vmem>>, vector<16xf32>,
          %max3A_1639 = arith.maximumf %get3A_1635, %get3A_1638 : vector<16xf32>
          %swap3A_1640 = arith.index_cast %reduce_max3A_1588 : i32 to index
          %swap3A_1641 = arith.constant 64 : index
          %swap3A_1642 = tpu.vector_load %arg7[%swap3A_1640, %swap3A_1641] {strides = array<i32>} : memref<321x144xf32, #tpu.memory_space<vmem>>, vector<16xf32>,
          tpu.vector_store %arg7[%swap3A_1640, %swap3A_1641], %max3A_1639 {strides = array<i32>} : memref<321x144xf32, #tpu.memory_space<vmem>>, vector<16xf32>,
          %get3A_1643 = arith.index_cast %reduce_max3A_1588 : i32 to index
          %get3A_1644 = arith.constant 80 : index
          %get3A_1645 = tpu.vector_load %arg7[%get3A_1643, %get3A_1644] {strides = array<i32>} : memref<321x144xf32, #tpu.memory_space<vmem>>, vector<16xf32>,
          %get3A_1646 = arith.index_cast %add3A_1592 : i32 to index
          %get3A_1647 = arith.constant 80 : index
          %get3A_1648 = tpu.vector_load %arg12[%get3A_1646, %get3A_1647] {strides = array<i32>} : memref<128x144xf32, #tpu.memory_space<vmem>>, vector<16xf32>,
          %max3A_1649 = arith.maximumf %get3A_1645, %get3A_1648 : vector<16xf32>
          %swap3A_1650 = arith.index_cast %reduce_max3A_1588 : i32 to index
          %swap3A_1651 = arith.constant 80 : index
          %swap3A_1652 = tpu.vector_load %arg7[%swap3A_1650, %swap3A_1651] {strides = array<i32>} : memref<321x144xf32, #tpu.memory_space<vmem>>, vector<16xf32>,
          tpu.vector_store %arg7[%swap3A_1650, %swap3A_1651], %max3A_1649 {strides = array<i32>} : memref<321x144xf32, #tpu.memory_space<vmem>>, vector<16xf32>,
          %get3A_1653 = arith.index_cast %reduce_max3A_1588 : i32 to index
          %get3A_1654 = arith.constant 96 : index
          %get3A_1655 = tpu.vector_load %arg7[%get3A_1653, %get3A_1654] {strides = array<i32>} : memref<321x144xf32, #tpu.memory_space<vmem>>, vector<16xf32>,
          %get3A_1656 = arith.index_cast %add3A_1592 : i32 to index
          %get3A_1657 = arith.constant 96 : index
          %get3A_1658 = tpu.vector_load %arg12[%get3A_1656, %get3A_1657] {strides = array<i32>} : memref<128x144xf32, #tpu.memory_space<vmem>>, vector<16xf32>,
          %max3A_1659 = arith.maximumf %get3A_1655, %get3A_1658 : vector<16xf32>
          %swap3A_1660 = arith.index_cast %reduce_max3A_1588 : i32 to index
          %swap3A_1661 = arith.constant 96 : index
          %swap3A_1662 = tpu.vector_load %arg7[%swap3A_1660, %swap3A_1661] {strides = array<i32>} : memref<321x144xf32, #tpu.memory_space<vmem>>, vector<16xf32>,
          tpu.vector_store %arg7[%swap3A_1660, %swap3A_1661], %max3A_1659 {strides = array<i32>} : memref<321x144xf32, #tpu.memory_space<vmem>>, vector<16xf32>,
          %get3A_1663 = arith.index_cast %reduce_max3A_1588 : i32 to index
          %get3A_1664 = arith.constant 112 : index
          %get3A_1665 = tpu.vector_load %arg7[%get3A_1663, %get3A_1664] {strides = array<i32>} : memref<321x144xf32, #tpu.memory_space<vmem>>, vector<16xf32>,
          %get3A_1666 = arith.index_cast %add3A_1592 : i32 to index
          %get3A_1667 = arith.constant 112 : index
          %get3A_1668 = tpu.vector_load %arg12[%get3A_1666, %get3A_1667] {strides = array<i32>} : memref<128x144xf32, #tpu.memory_space<vmem>>, vector<16xf32>,
          %max3A_1669 = arith.maximumf %get3A_1665, %get3A_1668 : vector<16xf32>
          %swap3A_1670 = arith.index_cast %reduce_max3A_1588 : i32 to index
          %swap3A_1671 = arith.constant 112 : index
          %swap3A_1672 = tpu.vector_load %arg7[%swap3A_1670, %swap3A_1671] {strides = array<i32>} : memref<321x144xf32, #tpu.memory_space<vmem>>, vector<16xf32>,
          tpu.vector_store %arg7[%swap3A_1670, %swap3A_1671], %max3A_1669 {strides = array<i32>} : memref<321x144xf32, #tpu.memory_space<vmem>>, vector<16xf32>,
          %get3A_1673 = arith.index_cast %reduce_max3A_1588 : i32 to index
          %get3A_1674 = arith.constant 128 : index
          %get3A_1675 = tpu.vector_load %arg7[%get3A_1673, %get3A_1674] {strides = array<i32>} : memref<321x144xf32, #tpu.memory_space<vmem>>, vector<16xf32>,
          %get3A_1676 = arith.index_cast %add3A_1592 : i32 to index
          %get3A_1677 = arith.constant 128 : index
          %get3A_1678 = tpu.vector_load %arg12[%get3A_1676, %get3A_1677] {strides = array<i32>} : memref<128x144xf32, #tpu.memory_space<vmem>>, vector<16xf32>,
          %max3A_1679 = arith.maximumf %get3A_1675, %get3A_1678 : vector<16xf32>
          %swap3A_1680 = arith.index_cast %reduce_max3A_1588 : i32 to index
          %swap3A_1681 = arith.constant 128 : index
          %swap3A_1682 = tpu.vector_load %arg7[%swap3A_1680, %swap3A_1681] {strides = array<i32>} : memref<321x144xf32, #tpu.memory_space<vmem>>, vector<16xf32>,
          tpu.vector_store %arg7[%swap3A_1680, %swap3A_1681], %max3A_1679 {strides = array<i32>} : memref<321x144xf32, #tpu.memory_space<vmem>>, vector<16xf32>,
          %eq3A_1683 = arith.constant 14 : i32
          %eq3A_1684 = vector.broadcast %eq3A_1683 : i32 to vector<16xi32>
          %eq3A_1685 = arith.cmpi eq, %iota3A, %eq3A_1684 : vector<16xi32>
          %jit3A_1686 = arith.constant 0 : i32
          %broadcast_in_dim3A_1687 = vector.broadcast %jit3A_1686 : i32 to vector<16xi32>
          %select_n3A_1688 = arith.select %eq3A_1685, %get3A_174, %broadcast_in_dim3A_1687 : vector<16xi1>, vector<16xi32>
          %reduce_max3A_1689 = arith.constant true
          %reduce_max3A_1690 = vector.broadcast %reduce_max3A_1689 : i1 to vector<16xi1>
          %reduce_max3A_1691 = arith.constant -2147483648 : i32
          %reduce_max3A_1692 = vector.broadcast %reduce_max3A_1691 : i32 to vector<16xi32>
          %reduce_max3A_1693 = arith.xori %select_n3A_1688, %reduce_max3A_1692 : vector<16xi32>
          %reduce_max3A_1694 = tpu.scan <max>, %reduce_max3A_1693 masked %reduce_max3A_1690 : vector<16xi32>, vector<16xi1> -> vector<16xi32>
          %reduce_max3A_1695 = arith.xori %reduce_max3A_1694, %reduce_max3A_1692 : vector<16xi32>
          %reduce_max3A_1696 = vector.extract %reduce_max3A_1695[15] : i32 from vector<16xi32>
          %mul3A_1697 = arith.constant 16 : i32
          %mul3A_1698 = arith.muli %scan3A_168, %mul3A_1697 : i32
          %add3A_1699 = arith.constant 14 : i32
          %add3A_1700 = arith.addi %mul3A_1698, %add3A_1699 : i32
          %get3A_1701 = arith.index_cast %reduce_max3A_1696 : i32 to index
          %get3A_1702 = arith.constant 0 : index
          %get3A_1703 = tpu.vector_load %arg7[%get3A_1701, %get3A_1702] {strides = array<i32>} : memref<321x144xf32, #tpu.memory_space<vmem>>, vector<16xf32>,
          %get3A_1704 = arith.index_cast %add3A_1700 : i32 to index
          %get3A_1705 = arith.constant 0 : index
          %get3A_1706 = tpu.vector_load %arg12[%get3A_1704, %get3A_1705] {strides = array<i32>} : memref<128x144xf32, #tpu.memory_space<vmem>>, vector<16xf32>,
          %max3A_1707 = arith.maximumf %get3A_1703, %get3A_1706 : vector<16xf32>
          %swap3A_1708 = arith.index_cast %reduce_max3A_1696 : i32 to index
          %swap3A_1709 = arith.constant 0 : index
          %swap3A_1710 = tpu.vector_load %arg7[%swap3A_1708, %swap3A_1709] {strides = array<i32>} : memref<321x144xf32, #tpu.memory_space<vmem>>, vector<16xf32>,
          tpu.vector_store %arg7[%swap3A_1708, %swap3A_1709], %max3A_1707 {strides = array<i32>} : memref<321x144xf32, #tpu.memory_space<vmem>>, vector<16xf32>,
          %get3A_1711 = arith.index_cast %reduce_max3A_1696 : i32 to index
          %get3A_1712 = arith.constant 16 : index
          %get3A_1713 = tpu.vector_load %arg7[%get3A_1711, %get3A_1712] {strides = array<i32>} : memref<321x144xf32, #tpu.memory_space<vmem>>, vector<16xf32>,
          %get3A_1714 = arith.index_cast %add3A_1700 : i32 to index
          %get3A_1715 = arith.constant 16 : index
          %get3A_1716 = tpu.vector_load %arg12[%get3A_1714, %get3A_1715] {strides = array<i32>} : memref<128x144xf32, #tpu.memory_space<vmem>>, vector<16xf32>,
          %max3A_1717 = arith.maximumf %get3A_1713, %get3A_1716 : vector<16xf32>
          %swap3A_1718 = arith.index_cast %reduce_max3A_1696 : i32 to index
          %swap3A_1719 = arith.constant 16 : index
          %swap3A_1720 = tpu.vector_load %arg7[%swap3A_1718, %swap3A_1719] {strides = array<i32>} : memref<321x144xf32, #tpu.memory_space<vmem>>, vector<16xf32>,
          tpu.vector_store %arg7[%swap3A_1718, %swap3A_1719], %max3A_1717 {strides = array<i32>} : memref<321x144xf32, #tpu.memory_space<vmem>>, vector<16xf32>,
          %get3A_1721 = arith.index_cast %reduce_max3A_1696 : i32 to index
          %get3A_1722 = arith.constant 32 : index
          %get3A_1723 = tpu.vector_load %arg7[%get3A_1721, %get3A_1722] {strides = array<i32>} : memref<321x144xf32, #tpu.memory_space<vmem>>, vector<16xf32>,
          %get3A_1724 = arith.index_cast %add3A_1700 : i32 to index
          %get3A_1725 = arith.constant 32 : index
          %get3A_1726 = tpu.vector_load %arg12[%get3A_1724, %get3A_1725] {strides = array<i32>} : memref<128x144xf32, #tpu.memory_space<vmem>>, vector<16xf32>,
          %max3A_1727 = arith.maximumf %get3A_1723, %get3A_1726 : vector<16xf32>
          %swap3A_1728 = arith.index_cast %reduce_max3A_1696 : i32 to index
          %swap3A_1729 = arith.constant 32 : index
          %swap3A_1730 = tpu.vector_load %arg7[%swap3A_1728, %swap3A_1729] {strides = array<i32>} : memref<321x144xf32, #tpu.memory_space<vmem>>, vector<16xf32>,
          tpu.vector_store %arg7[%swap3A_1728, %swap3A_1729], %max3A_1727 {strides = array<i32>} : memref<321x144xf32, #tpu.memory_space<vmem>>, vector<16xf32>,
          %get3A_1731 = arith.index_cast %reduce_max3A_1696 : i32 to index
          %get3A_1732 = arith.constant 48 : index
          %get3A_1733 = tpu.vector_load %arg7[%get3A_1731, %get3A_1732] {strides = array<i32>} : memref<321x144xf32, #tpu.memory_space<vmem>>, vector<16xf32>,
          %get3A_1734 = arith.index_cast %add3A_1700 : i32 to index
          %get3A_1735 = arith.constant 48 : index
          %get3A_1736 = tpu.vector_load %arg12[%get3A_1734, %get3A_1735] {strides = array<i32>} : memref<128x144xf32, #tpu.memory_space<vmem>>, vector<16xf32>,
          %max3A_1737 = arith.maximumf %get3A_1733, %get3A_1736 : vector<16xf32>
          %swap3A_1738 = arith.index_cast %reduce_max3A_1696 : i32 to index
          %swap3A_1739 = arith.constant 48 : index
          %swap3A_1740 = tpu.vector_load %arg7[%swap3A_1738, %swap3A_1739] {strides = array<i32>} : memref<321x144xf32, #tpu.memory_space<vmem>>, vector<16xf32>,
          tpu.vector_store %arg7[%swap3A_1738, %swap3A_1739], %max3A_1737 {strides = array<i32>} : memref<321x144xf32, #tpu.memory_space<vmem>>, vector<16xf32>,
          %get3A_1741 = arith.index_cast %reduce_max3A_1696 : i32 to index
          %get3A_1742 = arith.constant 64 : index
          %get3A_1743 = tpu.vector_load %arg7[%get3A_1741, %get3A_1742] {strides = array<i32>} : memref<321x144xf32, #tpu.memory_space<vmem>>, vector<16xf32>,
          %get3A_1744 = arith.index_cast %add3A_1700 : i32 to index
          %get3A_1745 = arith.constant 64 : index
          %get3A_1746 = tpu.vector_load %arg12[%get3A_1744, %get3A_1745] {strides = array<i32>} : memref<128x144xf32, #tpu.memory_space<vmem>>, vector<16xf32>,
          %max3A_1747 = arith.maximumf %get3A_1743, %get3A_1746 : vector<16xf32>
          %swap3A_1748 = arith.index_cast %reduce_max3A_1696 : i32 to index
          %swap3A_1749 = arith.constant 64 : index
          %swap3A_1750 = tpu.vector_load %arg7[%swap3A_1748, %swap3A_1749] {strides = array<i32>} : memref<321x144xf32, #tpu.memory_space<vmem>>, vector<16xf32>,
          tpu.vector_store %arg7[%swap3A_1748, %swap3A_1749], %max3A_1747 {strides = array<i32>} : memref<321x144xf32, #tpu.memory_space<vmem>>, vector<16xf32>,
          %get3A_1751 = arith.index_cast %reduce_max3A_1696 : i32 to index
          %get3A_1752 = arith.constant 80 : index
          %get3A_1753 = tpu.vector_load %arg7[%get3A_1751, %get3A_1752] {strides = array<i32>} : memref<321x144xf32, #tpu.memory_space<vmem>>, vector<16xf32>,
          %get3A_1754 = arith.index_cast %add3A_1700 : i32 to index
          %get3A_1755 = arith.constant 80 : index
          %get3A_1756 = tpu.vector_load %arg12[%get3A_1754, %get3A_1755] {strides = array<i32>} : memref<128x144xf32, #tpu.memory_space<vmem>>, vector<16xf32>,
          %max3A_1757 = arith.maximumf %get3A_1753, %get3A_1756 : vector<16xf32>
          %swap3A_1758 = arith.index_cast %reduce_max3A_1696 : i32 to index
          %swap3A_1759 = arith.constant 80 : index
          %swap3A_1760 = tpu.vector_load %arg7[%swap3A_1758, %swap3A_1759] {strides = array<i32>} : memref<321x144xf32, #tpu.memory_space<vmem>>, vector<16xf32>,
          tpu.vector_store %arg7[%swap3A_1758, %swap3A_1759], %max3A_1757 {strides = array<i32>} : memref<321x144xf32, #tpu.memory_space<vmem>>, vector<16xf32>,
          %get3A_1761 = arith.index_cast %reduce_max3A_1696 : i32 to index
          %get3A_1762 = arith.constant 96 : index
          %get3A_1763 = tpu.vector_load %arg7[%get3A_1761, %get3A_1762] {strides = array<i32>} : memref<321x144xf32, #tpu.memory_space<vmem>>, vector<16xf32>,
          %get3A_1764 = arith.index_cast %add3A_1700 : i32 to index
          %get3A_1765 = arith.constant 96 : index
          %get3A_1766 = tpu.vector_load %arg12[%get3A_1764, %get3A_1765] {strides = array<i32>} : memref<128x144xf32, #tpu.memory_space<vmem>>, vector<16xf32>,
          %max3A_1767 = arith.maximumf %get3A_1763, %get3A_1766 : vector<16xf32>
          %swap3A_1768 = arith.index_cast %reduce_max3A_1696 : i32 to index
          %swap3A_1769 = arith.constant 96 : index
          %swap3A_1770 = tpu.vector_load %arg7[%swap3A_1768, %swap3A_1769] {strides = array<i32>} : memref<321x144xf32, #tpu.memory_space<vmem>>, vector<16xf32>,
          tpu.vector_store %arg7[%swap3A_1768, %swap3A_1769], %max3A_1767 {strides = array<i32>} : memref<321x144xf32, #tpu.memory_space<vmem>>, vector<16xf32>,
          %get3A_1771 = arith.index_cast %reduce_max3A_1696 : i32 to index
          %get3A_1772 = arith.constant 112 : index
          %get3A_1773 = tpu.vector_load %arg7[%get3A_1771, %get3A_1772] {strides = array<i32>} : memref<321x144xf32, #tpu.memory_space<vmem>>, vector<16xf32>,
          %get3A_1774 = arith.index_cast %add3A_1700 : i32 to index
          %get3A_1775 = arith.constant 112 : index
          %get3A_1776 = tpu.vector_load %arg12[%get3A_1774, %get3A_1775] {strides = array<i32>} : memref<128x144xf32, #tpu.memory_space<vmem>>, vector<16xf32>,
          %max3A_1777 = arith.maximumf %get3A_1773, %get3A_1776 : vector<16xf32>
          %swap3A_1778 = arith.index_cast %reduce_max3A_1696 : i32 to index
          %swap3A_1779 = arith.constant 112 : index
          %swap3A_1780 = tpu.vector_load %arg7[%swap3A_1778, %swap3A_1779] {strides = array<i32>} : memref<321x144xf32, #tpu.memory_space<vmem>>, vector<16xf32>,
          tpu.vector_store %arg7[%swap3A_1778, %swap3A_1779], %max3A_1777 {strides = array<i32>} : memref<321x144xf32, #tpu.memory_space<vmem>>, vector<16xf32>,
          %get3A_1781 = arith.index_cast %reduce_max3A_1696 : i32 to index
          %get3A_1782 = arith.constant 128 : index
          %get3A_1783 = tpu.vector_load %arg7[%get3A_1781, %get3A_1782] {strides = array<i32>} : memref<321x144xf32, #tpu.memory_space<vmem>>, vector<16xf32>,
          %get3A_1784 = arith.index_cast %add3A_1700 : i32 to index
          %get3A_1785 = arith.constant 128 : index
          %get3A_1786 = tpu.vector_load %arg12[%get3A_1784, %get3A_1785] {strides = array<i32>} : memref<128x144xf32, #tpu.memory_space<vmem>>, vector<16xf32>,
          %max3A_1787 = arith.maximumf %get3A_1783, %get3A_1786 : vector<16xf32>
          %swap3A_1788 = arith.index_cast %reduce_max3A_1696 : i32 to index
          %swap3A_1789 = arith.constant 128 : index
          %swap3A_1790 = tpu.vector_load %arg7[%swap3A_1788, %swap3A_1789] {strides = array<i32>} : memref<321x144xf32, #tpu.memory_space<vmem>>, vector<16xf32>,
          tpu.vector_store %arg7[%swap3A_1788, %swap3A_1789], %max3A_1787 {strides = array<i32>} : memref<321x144xf32, #tpu.memory_space<vmem>>, vector<16xf32>,
          %eq3A_1791 = arith.constant 15 : i32
          %eq3A_1792 = vector.broadcast %eq3A_1791 : i32 to vector<16xi32>
          %eq3A_1793 = arith.cmpi eq, %iota3A, %eq3A_1792 : vector<16xi32>
          %jit3A_1794 = arith.constant 0 : i32
          %broadcast_in_dim3A_1795 = vector.broadcast %jit3A_1794 : i32 to vector<16xi32>
          %select_n3A_1796 = arith.select %eq3A_1793, %get3A_174, %broadcast_in_dim3A_1795 : vector<16xi1>, vector<16xi32>
          %reduce_max3A_1797 = arith.constant true
          %reduce_max3A_1798 = vector.broadcast %reduce_max3A_1797 : i1 to vector<16xi1>
          %reduce_max3A_1799 = arith.constant -2147483648 : i32
          %reduce_max3A_1800 = vector.broadcast %reduce_max3A_1799 : i32 to vector<16xi32>
          %reduce_max3A_1801 = arith.xori %select_n3A_1796, %reduce_max3A_1800 : vector<16xi32>
          %reduce_max3A_1802 = tpu.scan <max>, %reduce_max3A_1801 masked %reduce_max3A_1798 : vector<16xi32>, vector<16xi1> -> vector<16xi32>
          %reduce_max3A_1803 = arith.xori %reduce_max3A_1802, %reduce_max3A_1800 : vector<16xi32>
          %reduce_max3A_1804 = vector.extract %reduce_max3A_1803[15] : i32 from vector<16xi32>
          %mul3A_1805 = arith.constant 16 : i32
          %mul3A_1806 = arith.muli %scan3A_168, %mul3A_1805 : i32
          %add3A_1807 = arith.constant 15 : i32
          %add3A_1808 = arith.addi %mul3A_1806, %add3A_1807 : i32
          %get3A_1809 = arith.index_cast %reduce_max3A_1804 : i32 to index
          %get3A_1810 = arith.constant 0 : index
          %get3A_1811 = tpu.vector_load %arg7[%get3A_1809, %get3A_1810] {strides = array<i32>} : memref<321x144xf32, #tpu.memory_space<vmem>>, vector<16xf32>,
          %get3A_1812 = arith.index_cast %add3A_1808 : i32 to index
          %get3A_1813 = arith.constant 0 : index
          %get3A_1814 = tpu.vector_load %arg12[%get3A_1812, %get3A_1813] {strides = array<i32>} : memref<128x144xf32, #tpu.memory_space<vmem>>, vector<16xf32>,
          %max3A_1815 = arith.maximumf %get3A_1811, %get3A_1814 : vector<16xf32>
          %swap3A_1816 = arith.index_cast %reduce_max3A_1804 : i32 to index
          %swap3A_1817 = arith.constant 0 : index
          %swap3A_1818 = tpu.vector_load %arg7[%swap3A_1816, %swap3A_1817] {strides = array<i32>} : memref<321x144xf32, #tpu.memory_space<vmem>>, vector<16xf32>,
          tpu.vector_store %arg7[%swap3A_1816, %swap3A_1817], %max3A_1815 {strides = array<i32>} : memref<321x144xf32, #tpu.memory_space<vmem>>, vector<16xf32>,
          %get3A_1819 = arith.index_cast %reduce_max3A_1804 : i32 to index
          %get3A_1820 = arith.constant 16 : index
          %get3A_1821 = tpu.vector_load %arg7[%get3A_1819, %get3A_1820] {strides = array<i32>} : memref<321x144xf32, #tpu.memory_space<vmem>>, vector<16xf32>,
          %get3A_1822 = arith.index_cast %add3A_1808 : i32 to index
          %get3A_1823 = arith.constant 16 : index
          %get3A_1824 = tpu.vector_load %arg12[%get3A_1822, %get3A_1823] {strides = array<i32>} : memref<128x144xf32, #tpu.memory_space<vmem>>, vector<16xf32>,
          %max3A_1825 = arith.maximumf %get3A_1821, %get3A_1824 : vector<16xf32>
          %swap3A_1826 = arith.index_cast %reduce_max3A_1804 : i32 to index
          %swap3A_1827 = arith.constant 16 : index
          %swap3A_1828 = tpu.vector_load %arg7[%swap3A_1826, %swap3A_1827] {strides = array<i32>} : memref<321x144xf32, #tpu.memory_space<vmem>>, vector<16xf32>,
          tpu.vector_store %arg7[%swap3A_1826, %swap3A_1827], %max3A_1825 {strides = array<i32>} : memref<321x144xf32, #tpu.memory_space<vmem>>, vector<16xf32>,
          %get3A_1829 = arith.index_cast %reduce_max3A_1804 : i32 to index
          %get3A_1830 = arith.constant 32 : index
          %get3A_1831 = tpu.vector_load %arg7[%get3A_1829, %get3A_1830] {strides = array<i32>} : memref<321x144xf32, #tpu.memory_space<vmem>>, vector<16xf32>,
          %get3A_1832 = arith.index_cast %add3A_1808 : i32 to index
          %get3A_1833 = arith.constant 32 : index
          %get3A_1834 = tpu.vector_load %arg12[%get3A_1832, %get3A_1833] {strides = array<i32>} : memref<128x144xf32, #tpu.memory_space<vmem>>, vector<16xf32>,
          %max3A_1835 = arith.maximumf %get3A_1831, %get3A_1834 : vector<16xf32>
          %swap3A_1836 = arith.index_cast %reduce_max3A_1804 : i32 to index
          %swap3A_1837 = arith.constant 32 : index
          %swap3A_1838 = tpu.vector_load %arg7[%swap3A_1836, %swap3A_1837] {strides = array<i32>} : memref<321x144xf32, #tpu.memory_space<vmem>>, vector<16xf32>,
          tpu.vector_store %arg7[%swap3A_1836, %swap3A_1837], %max3A_1835 {strides = array<i32>} : memref<321x144xf32, #tpu.memory_space<vmem>>, vector<16xf32>,
          %get3A_1839 = arith.index_cast %reduce_max3A_1804 : i32 to index
          %get3A_1840 = arith.constant 48 : index
          %get3A_1841 = tpu.vector_load %arg7[%get3A_1839, %get3A_1840] {strides = array<i32>} : memref<321x144xf32, #tpu.memory_space<vmem>>, vector<16xf32>,
          %get3A_1842 = arith.index_cast %add3A_1808 : i32 to index
          %get3A_1843 = arith.constant 48 : index
          %get3A_1844 = tpu.vector_load %arg12[%get3A_1842, %get3A_1843] {strides = array<i32>} : memref<128x144xf32, #tpu.memory_space<vmem>>, vector<16xf32>,
          %max3A_1845 = arith.maximumf %get3A_1841, %get3A_1844 : vector<16xf32>
          %swap3A_1846 = arith.index_cast %reduce_max3A_1804 : i32 to index
          %swap3A_1847 = arith.constant 48 : index
          %swap3A_1848 = tpu.vector_load %arg7[%swap3A_1846, %swap3A_1847] {strides = array<i32>} : memref<321x144xf32, #tpu.memory_space<vmem>>, vector<16xf32>,
          tpu.vector_store %arg7[%swap3A_1846, %swap3A_1847], %max3A_1845 {strides = array<i32>} : memref<321x144xf32, #tpu.memory_space<vmem>>, vector<16xf32>,
          %get3A_1849 = arith.index_cast %reduce_max3A_1804 : i32 to index
          %get3A_1850 = arith.constant 64 : index
          %get3A_1851 = tpu.vector_load %arg7[%get3A_1849, %get3A_1850] {strides = array<i32>} : memref<321x144xf32, #tpu.memory_space<vmem>>, vector<16xf32>,
          %get3A_1852 = arith.index_cast %add3A_1808 : i32 to index
          %get3A_1853 = arith.constant 64 : index
          %get3A_1854 = tpu.vector_load %arg12[%get3A_1852, %get3A_1853] {strides = array<i32>} : memref<128x144xf32, #tpu.memory_space<vmem>>, vector<16xf32>,
          %max3A_1855 = arith.maximumf %get3A_1851, %get3A_1854 : vector<16xf32>
          %swap3A_1856 = arith.index_cast %reduce_max3A_1804 : i32 to index
          %swap3A_1857 = arith.constant 64 : index
          %swap3A_1858 = tpu.vector_load %arg7[%swap3A_1856, %swap3A_1857] {strides = array<i32>} : memref<321x144xf32, #tpu.memory_space<vmem>>, vector<16xf32>,
          tpu.vector_store %arg7[%swap3A_1856, %swap3A_1857], %max3A_1855 {strides = array<i32>} : memref<321x144xf32, #tpu.memory_space<vmem>>, vector<16xf32>,
          %get3A_1859 = arith.index_cast %reduce_max3A_1804 : i32 to index
          %get3A_1860 = arith.constant 80 : index
          %get3A_1861 = tpu.vector_load %arg7[%get3A_1859, %get3A_1860] {strides = array<i32>} : memref<321x144xf32, #tpu.memory_space<vmem>>, vector<16xf32>,
          %get3A_1862 = arith.index_cast %add3A_1808 : i32 to index
          %get3A_1863 = arith.constant 80 : index
          %get3A_1864 = tpu.vector_load %arg12[%get3A_1862, %get3A_1863] {strides = array<i32>} : memref<128x144xf32, #tpu.memory_space<vmem>>, vector<16xf32>,
          %max3A_1865 = arith.maximumf %get3A_1861, %get3A_1864 : vector<16xf32>
          %swap3A_1866 = arith.index_cast %reduce_max3A_1804 : i32 to index
          %swap3A_1867 = arith.constant 80 : index
          %swap3A_1868 = tpu.vector_load %arg7[%swap3A_1866, %swap3A_1867] {strides = array<i32>} : memref<321x144xf32, #tpu.memory_space<vmem>>, vector<16xf32>,
          tpu.vector_store %arg7[%swap3A_1866, %swap3A_1867], %max3A_1865 {strides = array<i32>} : memref<321x144xf32, #tpu.memory_space<vmem>>, vector<16xf32>,
          %get3A_1869 = arith.index_cast %reduce_max3A_1804 : i32 to index
          %get3A_1870 = arith.constant 96 : index
          %get3A_1871 = tpu.vector_load %arg7[%get3A_1869, %get3A_1870] {strides = array<i32>} : memref<321x144xf32, #tpu.memory_space<vmem>>, vector<16xf32>,
          %get3A_1872 = arith.index_cast %add3A_1808 : i32 to index
          %get3A_1873 = arith.constant 96 : index
          %get3A_1874 = tpu.vector_load %arg12[%get3A_1872, %get3A_1873] {strides = array<i32>} : memref<128x144xf32, #tpu.memory_space<vmem>>, vector<16xf32>,
          %max3A_1875 = arith.maximumf %get3A_1871, %get3A_1874 : vector<16xf32>
          %swap3A_1876 = arith.index_cast %reduce_max3A_1804 : i32 to index
          %swap3A_1877 = arith.constant 96 : index
          %swap3A_1878 = tpu.vector_load %arg7[%swap3A_1876, %swap3A_1877] {strides = array<i32>} : memref<321x144xf32, #tpu.memory_space<vmem>>, vector<16xf32>,
          tpu.vector_store %arg7[%swap3A_1876, %swap3A_1877], %max3A_1875 {strides = array<i32>} : memref<321x144xf32, #tpu.memory_space<vmem>>, vector<16xf32>,
          %get3A_1879 = arith.index_cast %reduce_max3A_1804 : i32 to index
          %get3A_1880 = arith.constant 112 : index
          %get3A_1881 = tpu.vector_load %arg7[%get3A_1879, %get3A_1880] {strides = array<i32>} : memref<321x144xf32, #tpu.memory_space<vmem>>, vector<16xf32>,
          %get3A_1882 = arith.index_cast %add3A_1808 : i32 to index
          %get3A_1883 = arith.constant 112 : index
          %get3A_1884 = tpu.vector_load %arg12[%get3A_1882, %get3A_1883] {strides = array<i32>} : memref<128x144xf32, #tpu.memory_space<vmem>>, vector<16xf32>,
          %max3A_1885 = arith.maximumf %get3A_1881, %get3A_1884 : vector<16xf32>
          %swap3A_1886 = arith.index_cast %reduce_max3A_1804 : i32 to index
          %swap3A_1887 = arith.constant 112 : index
          %swap3A_1888 = tpu.vector_load %arg7[%swap3A_1886, %swap3A_1887] {strides = array<i32>} : memref<321x144xf32, #tpu.memory_space<vmem>>, vector<16xf32>,
          tpu.vector_store %arg7[%swap3A_1886, %swap3A_1887], %max3A_1885 {strides = array<i32>} : memref<321x144xf32, #tpu.memory_space<vmem>>, vector<16xf32>,
          %get3A_1889 = arith.index_cast %reduce_max3A_1804 : i32 to index
          %get3A_1890 = arith.constant 128 : index
          %get3A_1891 = tpu.vector_load %arg7[%get3A_1889, %get3A_1890] {strides = array<i32>} : memref<321x144xf32, #tpu.memory_space<vmem>>, vector<16xf32>,
          %get3A_1892 = arith.index_cast %add3A_1808 : i32 to index
          %get3A_1893 = arith.constant 128 : index
          %get3A_1894 = tpu.vector_load %arg12[%get3A_1892, %get3A_1893] {strides = array<i32>} : memref<128x144xf32, #tpu.memory_space<vmem>>, vector<16xf32>,
          %max3A_1895 = arith.maximumf %get3A_1891, %get3A_1894 : vector<16xf32>
          %swap3A_1896 = arith.index_cast %reduce_max3A_1804 : i32 to index
          %swap3A_1897 = arith.constant 128 : index
          %swap3A_1898 = tpu.vector_load %arg7[%swap3A_1896, %swap3A_1897] {strides = array<i32>} : memref<321x144xf32, #tpu.memory_space<vmem>>, vector<16xf32>,
          tpu.vector_store %arg7[%swap3A_1896, %swap3A_1897], %max3A_1895 {strides = array<i32>} : memref<321x144xf32, #tpu.memory_space<vmem>>, vector<16xf32>,
          %scan3A_1899 = arith.constant 0 : i32
          scf.yield %scan3A_1899 : i32
        }
        %scan3A_166 = arith.constant 8 : i32
        %while3A_167 = arith.constant 0 : i32
        scf.yield %while3A_167 : i32
      }
      %scan3A_149 = arith.constant 0 : i32
      scf.yield %scan3A_149 : i32
    }
    %scan3A_44 = arith.constant 40 : i32
    %scan3A_45 = arith.constant 0 : i32
    %scan3A_46 = arith.constant 0 : i32
    %scan3A_47 = arith.constant 320 : i32
    %scan3A_48 = arith.addi %scan3A_46, %scan3A_47 : i32
    %scan3A_49 = arith.constant 1 : i32
    %scan3A_50 = scf.for %scan3A_52 = %scan3A_46 to %scan3A_48 step %scan3A_49 iter_args(%scan3A_53 = %scan3A_45) -> (i32)  : i32 {
      %get3A = arith.index_cast %scan3A_52 : i32 to index
      %get3A_54 = arith.constant 128 : index
      %get3A_55 = tpu.vector_load %arg7[%get3A, %get3A_54] {strides = array<i32>} : memref<321x144xf32, #tpu.memory_space<vmem>>, vector<16xf32>,
      %get3A_56 = arith.index_cast %scan3A_52 : i32 to index
      %get3A_57 = arith.constant 0 : index
      %get3A_58 = tpu.vector_load %arg13[%get3A_56, %get3A_57] {strides = array<i32>} : memref<320x16xf32, #tpu.memory_space<vmem>>, vector<16xf32>,
      %sub3A = arith.subf %get3A_55, %get3A_58 : vector<16xf32>
      %swap3A_59 = arith.index_cast %scan3A_52 : i32 to index
      %swap3A_60 = arith.constant 128 : index
      %swap3A_61 = tpu.vector_load %arg7[%swap3A_59, %swap3A_60] {strides = array<i32>} : memref<321x144xf32, #tpu.memory_space<vmem>>, vector<16xf32>,
      tpu.vector_store %arg7[%swap3A_59, %swap3A_60], %sub3A {strides = array<i32>} : memref<321x144xf32, #tpu.memory_space<vmem>>, vector<16xf32>,
      %scan3A_62 = arith.constant 0 : i32
      scf.yield %scan3A_62 : i32
    }
    %scan3A_51 = arith.constant 320 : i32
    "tpu.region"() ({
      %run_scoped3A = tpu.sem_alloc : memref<!tpu.dma_semaphore, #tpu.memory_space<semaphore_mem>>
      %dma_start3A = arith.constant 0 : i32
      %dma_start3A_52 = arith.constant 0 : i32
      %dma_start3A_53 = tpu.memref_slice %arg7[%dma_start3A, %dma_start3A_52] : memref<321x144xf32, #tpu.memory_space<vmem>> -> memref<320x144xf32, #tpu.memory_space<vmem>>
      %dma_start3A_54 = arith.constant 0 : i32
      %dma_start3A_55 = tpu.memref_slice %arg6[%mul3A_2, %dma_start3A_54] : memref<10240x144xf32, #tpu.memory_space<hbm>> -> memref<320x144xf32, #tpu.memory_space<hbm>>
      %dma_start3A_56 = arith.constant 0 : i32
      %dma_start3A_57 = tpu.memref_slice %arg6[%mul3A_2, %dma_start3A_56] : memref<10240x144xf32, #tpu.memory_space<hbm>> -> memref<320x144xf32, #tpu.memory_space<hbm>>
      %dma_start3A_58 = arith.constant 0 : i32
      %dma_start3A_59 = arith.constant 0 : i32
      %dma_start3A_60 = tpu.memref_slice %arg7[%dma_start3A_58, %dma_start3A_59] : memref<321x144xf32, #tpu.memory_space<vmem>> -> memref<320x144xf32, #tpu.memory_space<vmem>>
      tpu.enqueue_dma source(%dma_start3A_60 : memref<320x144xf32, #tpu.memory_space<vmem>>) target(%dma_start3A_57 : memref<320x144xf32, #tpu.memory_space<hbm>>) target_semaphore(%run_scoped3A : memref<!tpu.dma_semaphore, #tpu.memory_space<semaphore_mem>>)
      %dma_wait3A = arith.constant 0 : i32
      %dma_wait3A_61 = arith.constant 0 : i32
      %dma_wait3A_62 = tpu.memref_slice %arg7[%dma_wait3A, %dma_wait3A_61] : memref<321x144xf32, #tpu.memory_space<vmem>> -> memref<320x144xf32, #tpu.memory_space<vmem>>
      %dma_wait3A_63 = arith.constant 0 : i32
      %dma_wait3A_64 = tpu.memref_slice %arg6[%mul3A_2, %dma_wait3A_63] : memref<10240x144xf32, #tpu.memory_space<hbm>> -> memref<320x144xf32, #tpu.memory_space<hbm>>
      %dma_wait3A_65 = arith.constant 0 : i32
      %dma_wait3A_66 = tpu.memref_slice %arg6[%mul3A_2, %dma_wait3A_65] : memref<10240x144xf32, #tpu.memory_space<hbm>> -> memref<320x144xf32, #tpu.memory_space<hbm>>
      %dma_wait3A_67 = arith.constant 0 : i32
      %dma_wait3A_68 = arith.constant 0 : i32
      %dma_wait3A_69 = tpu.memref_slice %arg7[%dma_wait3A_67, %dma_wait3A_68] : memref<321x144xf32, #tpu.memory_space<vmem>> -> memref<320x144xf32, #tpu.memory_space<vmem>>
      tpu.wait_dma2 semaphore(%run_scoped3A : memref<!tpu.dma_semaphore, #tpu.memory_space<semaphore_mem>>) src(%dma_wait3A_69 : memref<320x144xf32, #tpu.memory_space<vmem>>) dst(%dma_wait3A_66 : memref<320x144xf32, #tpu.memory_space<hbm>>)
      tpu.yield
    }) : () -> ()
    return
  }
}

</mosaic_0001>

<sc_bundles>
// kernel: _pointconv_sc.3.cloned.1.call-start
scs
__scs_entry_jumppad:
0x0: {  	(pc) =	sbr.rel $0x88, $3  }
0x1: {  	(tag) =	ssettag $0x0;
	lr =	simm.s32 $0x1  }
0x2: {  	[smem:$0x3F9D] =	sst lr;
	_ =	strace $0xD0000000  }
0x3: {  	_ = 	snop  }
0x4: {  	_ = 	snop  }
0x5: {  	_ = 	snop  }
0x6: {  	_ = 	snop  }
0x7: {  	_ = 	snop  }
__scs_overlays_trampoline_lowered:
0x8: {  	[smem:$0x3FAC] =	sst s0  }
0x9: {  	[smem:$0x3FAD] =	sst s1  }
0xa: {  	[smem:$0x3FAE] =	sst s2  }
0xb: {  	[smem:$0x3FAF] =	sst s3  }
0xc: {  	[smem:$0x3FB0] =	sst s4  }
0xd: {  	[smem:$0x3FB1] =	sst s5  }
0xe: {  	[smem:$0x3FB2] =	sst s6  }
0xf: {  	[smem:$0x3FB3] =	sst s7  }
0x10: {  	[smem:$0x3FB4] =	sst s8  }
0x11: {  	[smem:$0x3FB5] =	sst s9;
	s0 =	simm.s32 @!p0 $0x0  }
0x12: {  	s1 =	sld [smem:$0x3F9B];
	s0 =	simm.s32 @p0 $0x1  }
0x13: {  	[smem:$0x3FB6] =	sst s0;
	s0 =	simm.s32 @!p1 $0x0  }
0x14: {  	s2 =	sld [smem:$0x3F9A];
	s0 =	simm.s32 @p1 $0x1  }
0x15: {  	[smem:$0x3FB7] =	sst s0;
	s0 =	simm.s32 @!p2 $0x0  }
0x16: {  	s3 =	sld [smem:$0x3FDB];
	s0 =	simm.s32 @p2 $0x1  }
0x17: {  	s4 =	simm.s32 $0x1BF5;
	[smem:$0x3FB9] =	sst s0  }
0x18: {  	s0 =	sld [smem:$0x3F9C];
	_ =	swait.ge [sflag:s4], $0x0  }
0x19: {  	s7 =	sld [smem:$0x3F9D]  }
0x1a: {  	s8 =	sadd.s32 $0xFFFFE003, lr  }
0x1b: {  	s9 =	sadd.s32 $0xFFFFFEF7, lr;
	s5 =	simm.s32 $0xFFFFFFFF;
	p2 =	slt.u32 s8, $0xFFFFF086  }
0x1c: {  	p1 =	slt.u32 s9, $0xF7A;
	s5 =	simm.s32 @!p2 $0x0  }
0x1d: {  	s5 =	simm.s32 @p1 $0x1;
	p0 =	seq.s32 s7, s2  }
0x1e: {  	s7 =	smul.u32 @!p0 $0xF7A, s2;
	p2 =	seq.s32 @!p0 s5, $0x0  }
0x1f: {  	s9 =	smul.u32 $0xF7A, s1;
	s8 =	simm.s32 @!p0 $0x1BF5;
	p2 =	por !p2, p0  }
0x20: {  	[sflag:s8] =	ssyncset.s32 @!p0 $0xFFFFF086;
	s6 =	sadd.s32 @!p0 s3, s7;
	s7 =	simm.s32 @!p0 $0x108  }
0x21: {  	s3 =	sadd.s32 s3, s9;
	s6 =	sadd.s32 @!p0 $0x88, s6;
	s7 =	simm.s32 @p2 $0x1082  }
0x22: {  	[simem:s7], [sflag:s8] =	dma.local @!p0 [hbm:s6], $0xF7A  }
0x23: {  	s9 =	sor.u32 $0xD0000000, s2;
	s6 =	simm.s32 $0x108;
	_ =	swait.ge @!p0 [sflag:s8], $0x0  }
0x24: {  	s3 =	sadd.s32 $0x88, s3;
	s6 =	simm.s32 @!p1 $0x1082;
	[sflag:s4] =	ssyncset.s32 $0xFFFFF086  }
0x25: {  	[simem:s6], [sflag:s4] =	dma.local [hbm:s3], $0xF7A  }
0x26: {  	[smem:$0x3F9D] =	sst s1;
	(tag) =	ssettag s2;
	_ =	strace s9  }
0x27: {  	s1 =	sld [smem:$0x3FAD]  }
0x28: {  	s2 =	sld [smem:$0x3FAE]  }
0x29: {  	s4 =	sld [smem:$0x3FB0]  }
0x2a: {  	p0 =	seq.s32 s5, $0x0;
	s5 =	sld [smem:$0x3FB1]  }
0x2b: {  	s6 =	sld [smem:$0x3FB2]  }
0x2c: {  	s7 =	sld [smem:$0x3FB3]  }
0x2d: {  	s3 =	simm.s32 $0x108;
	s8 =	sld [smem:$0x3FB4]  }
0x2e: {  	s3 =	simm.s32 @!p0 $0x1082;
	s9 =	sld [smem:$0x3FB5]  }
0x2f: {  	lr =	sadd.s32 s0, s3;
	s0 =	sld [smem:$0x3FAC]  }
0x30: {  	s3 =	sld [smem:$0x3FAF]  }
0x31: {  	[smem:$0x3FB8] =	sst s10  }
0x32: {  	s10 =	sld [smem:$0x3FB6];
	_ =	sdelay $0x3  }
0x33: {  	p0 =	seq.s32 s10, $0x1;
	s10 =	sld [smem:$0x3FB8];
	_ =	sdelay $0x3  }
0x34: {  	[smem:$0x3FB8] =	sst s10  }
0x35: {  	s10 =	sld [smem:$0x3FB7];
	_ =	sdelay $0x3  }
0x36: {  	p1 =	seq.s32 s10, $0x1;
	s10 =	sld [smem:$0x3FB8];
	_ =	sdelay $0x3  }
0x37: {  	[smem:$0x3FB8] =	sst s10  }
0x38: {  	s10 =	sld [smem:$0x3FB9]  }
0x39: {  	_ = 	snop;
	(pc) =	sbr.ind lr, $3  }
0x3a: {  	_ = 	snop  }
0x3b: {  	_ = 	snop  }
0x3c: {  	p2 =	seq.s32 s10, $0x1;
	s10 =	sld [smem:$0x3FB8]  }
0x3d: {  	_ =	shalt  }
0x3e: {  	_ =	shalt  }
0x3f: {  	_ =	shalt  }
0x40: {  	_ =	shalt  }
0x41: {  	_ =	shalt  }
0x42: {  	_ =	shalt  }
0x43: {  	_ =	shalt  }
0x44: {  	_ =	shalt  }
0x45: {  	_ =	shalt  }
0x46: {  	_ =	shalt  }
0x47: {  	_ =	shalt  }
0x48: {  	_ =	shalt  }
0x49: {  	_ =	shalt  }
0x4a: {  	_ =	shalt  }
0x4b: {  	_ =	shalt  }
0x4c: {  	_ =	shalt  }
0x4d: {  	_ =	shalt  }
0x4e: {  	_ =	shalt  }
0x4f: {  	_ =	shalt  }
0x50: {  	_ =	shalt  }
0x51: {  	_ =	shalt  }
0x52: {  	_ =	shalt  }
0x53: {  	_ =	shalt  }
0x54: {  	_ =	shalt  }
0x55: {  	_ =	shalt  }
0x56: {  	_ =	shalt  }
0x57: {  	_ =	shalt  }
0x58: {  	_ =	shalt  }
0x59: {  	_ =	shalt  }
0x5a: {  	_ =	shalt  }
0x5b: {  	_ =	shalt  }
0x5c: {  	_ =	shalt  }
0x5d: {  	_ =	shalt  }
0x5e: {  	_ =	shalt  }
0x5f: {  	_ =	shalt  }
0x60: {  	_ =	shalt  }
0x61: {  	_ =	shalt  }
0x62: {  	_ =	shalt  }
0x63: {  	_ =	shalt  }
0x64: {  	_ =	shalt  }
0x65: {  	_ =	shalt  }
0x66: {  	_ =	shalt  }
0x67: {  	_ =	shalt  }
0x68: {  	_ =	shalt  }
0x69: {  	_ =	shalt  }
0x6a: {  	_ =	shalt  }
0x6b: {  	_ =	shalt  }
0x6c: {  	_ =	shalt  }
0x6d: {  	_ =	shalt  }
0x6e: {  	_ =	shalt  }
0x6f: {  	_ =	shalt  }
0x70: {  	_ =	shalt  }
0x71: {  	_ =	shalt  }
0x72: {  	_ =	shalt  }
0x73: {  	_ =	shalt  }
0x74: {  	_ =	shalt  }
0x75: {  	_ =	shalt  }
0x76: {  	_ =	shalt  }
0x77: {  	_ =	shalt  }
0x78: {  	_ =	shalt  }
0x79: {  	_ =	shalt  }
0x7a: {  	_ =	shalt  }
0x7b: {  	_ =	shalt  }
0x7c: {  	_ =	shalt  }
0x7d: {  	_ =	shalt  }
0x7e: {  	_ =	shalt  }
0x7f: {  	_ =	shalt  }
0x80: {  	_ =	shalt  }
0x81: {  	_ =	shalt  }
0x82: {  	_ =	shalt  }
0x83: {  	_ =	shalt  }
0x84: {  	_ =	shalt  }
0x85: {  	_ =	shalt  }
0x86: {  	_ =	shalt  }
0x87: {  	_ =	shalt  }
.Lfunc_end0:
.L_simem_size_0:
called_computation_lowered:
.L_overlay_start_0:
0x88: {  	s2 =	sld [smem:$0x3FD9]  }
0x89: {  	s3 =	sld [smem:$0x3FFE];
	_ =	sdelay $0x1  }
0x8a: {  	s1 =	srdreg.scid  }
0x8b: {  	s0 =	sand.u32 $0x1, s1  }
0x8c: {  	s17 =	sshll.u32 s0, $0xA;
	s2 =	sadd.s32 s3, s2  }
0x8d: {  	s2 =	sadd.s32 s2, s17  }
0x8e: {  	[smem:$0x3FC4] =	sst s2  }
0x8f: {  	_ = 	snop  }
0x90: {  	s2 =	sld [smem:$0x3FC7]  }
0x91: {  	s18 =	sld [smem:$0x3FC6]  }
0x92: {  	s4 =	sld [smem:$0x3FD0];
	(tm) =	ssettm $0x1  }
0x93: {  	s5 =	sld [smem:$0x3FFB];
	_ =	sdelay $0x3  }
0x94: {  	_ =	strace s5  }
0x95: {  	s5 =	sld [smem:$0x3FFC];
	_ =	sdelay $0x3  }
0x96: {  	_ =	strace s5  }
0x97: {  	s5 =	sld [smem:$0x3FFD];
	_ =	sdelay $0x3  }
0x98: {  	_ =	strace s5  }
0x99: {  	_ =	strace $0x8FFFFFFF  }
0x9a: {  	s19 =	sld [smem:$0x3FDB];
	_ =	sdelay $0x1  }
0x9b: {  	s6 =	simm.s32 $_scs_section_size  }
0x9c: {  	s7 =	simm.s32 $_size__tile_overlayer_lowered;
	s8 =	simm.s32 $_tile_overlayer_lowered  }
0x9d: {  	s22 =	simm.s32 $0x1BFF;
	s21 =	sshll.u32 s8, $0x1;
	s5 =	sadd.s32 s6, s19  }
0x9e: {  	s9 =	simm.s32 $0x0;
	s20 =	sshll.u32 s7, $0x1;
	s7 =	sadd.s32 s21, s5  }
0x9f: {  	[timem:s9], [sflag:s22] =	dma.local [hbm:s7], s20  }
0xa0: {  	_ =	swait.ge [sflag:s22], s20  }
0xa1: {  	s6 =	ssub.s32 $0x0, s20;
	[sflag:s22] =	ssyncset.done $0x0  }
0xa2: {  	[sflag:s22] =	ssyncadd.s32 s6;
	_ =	sdelay $0x1  }
0xa3: {  	s23 =	simm.s32 $0x1B8B  }
0xa4: {  	_ =	swait.ge [sflag:s23], $0x1  }
0xa5: {  	[sflag:s23] =	ssyncset.done $0x0  }
0xa6: {  	s25 =	simm.s32 $0x1B8E;
	s24 =	sld [smem:$0x3FFE];
	[sflag:s23] =	ssyncadd.s32 $0xFFFFFFFF  }
0xa7: {  	s26 =	simm.s32 $execute0_lowered;
	[smem:$0x3FD2] =	sst s25  }
0xa8: {  	s7 =	sshll.u32 s26, $0x1;
	_ =	strace $0x80000046;
	[dreg:$0x1] =	wrdreg $0xFFFFFFFF  }
0xa9: {  	s28 =	simm.s32 $_size_execute0_lowered;
	s5 =	sadd.s32 s5, s7;
	[dreg:$0x0] =	wrdreg $0x0  }
0xaa: {  	s7 =	sshll.u32 s28, $0x1;
	[dreg:$0x2] =	wrdreg s5  }
0xab: {  	[dreg:$0x3] =	wrdreg s7  }
0xac: {  	[dreg:$0x4] =	wrdreg $0xC0  }
0xad: {  	_ =	task [dreg:s9], $0x5FFFF  }
0xae: {  	[dreg:$0x1] =	wrdreg $0xFFFFFFFF  }
0xaf: {  	[dreg:$0x0] =	wrdreg $0x60  }
0xb0: {  	[dreg:$0x2] =	wrdreg s4  }
0xb1: {  	[dreg:$0x3] =	wrdreg s24  }
0xb2: {  	[dreg:$0x4] =	wrdreg s2  }
0xb3: {  	[dreg:$0x5] =	wrdreg s18  }
0xb4: {  	[dreg:$0x6] =	wrdreg $0x9  }
0xb5: {  	_ =	task.clear_ibuf [dreg:s9], $0x7FFFF;
	_ =	strace $0x90000046  }
0xb6: {  	s29 =	simm.s32 $0x9;
	_ =	strace $0x80000048  }
0xb7: {  	_ =	swait.ge [sflag:s29], $0x1  }
0xb8: {  	[sflag:s29] =	ssyncadd.s32 $0xFFFFFFFF  }
0xb9: {  	_ =	strace $0x90000048  }
0xba: {  	_ =	sfence  }
0xbb: {  	s30 =	sld [smem:$0x0];
	_ =	sdelay $0x2  }
0xbc: {  	s31 =	sshll.u32 s1, $0xD;
	s1 =	sshrl.u32 s1, $0x2  }
0xbd: {  	s3 =	sand.u32 $0x4000, s31;
	s1 =	sadd.s32 s1, s30  }
0xbe: {  	s0 =	sor.u32 s3, s0;
	s1 =	sshll.u32 s1, $0x11  }
0xbf: {  	s0 =	sor.u32 s1, s0  }
0xc0: {  	s0 =	sadd.s32 $0x8F2B, s0  }
0xc1: {  	[sflag:s0] =	ssyncadd.remote.s32 $0x1  }
0xc2: {  	_ =	sfence.sel $0xFFFF  }
0xc3: {  	[dreg:$0x0] =	wrdreg $0xFFFFFFFF;
	(pc) =	sbr.abs _section_cstart, $3  }
0xc4: {  	[dreg:$0x1] =	wrdreg $0xFFFFFFFF  }
0xc5: {  	_ =	task.clear_ibuf [dreg:s9], $0x2FFFF;
	_ =	strace $0x9FFFFFFF  }
0xc6: {  	(tm) =	ssettm $0x7FFFFFFF  }
0xc7: {  	_ =	shalt  }
tec
execute0_lowered:
.L_overlay_start_1:
0x0: {  	(tag) =	ssettag $0x1  }
0x1: {  	s8 =	rddreg [dreg:$0x1]  }
0x2: {  	s1 =	srdreg.scid;
	s3 =	rddreg [dreg:$0x2]  }
0x3: {  	s0 =	stileid.u32;
	s4 =	rddreg [dreg:$0x3]  }
0x4: {  	s5 =	simm.s32 $0x0;
	s11 =	simm.s32 $0x17A90;
	s12 =	simm.s32 $0xB490  }
0x5: {  	v1 =	vimm.f32 $0.0e+00;
	v2 =	vimm.s32 $0x0;
	v3 =	vlaneseq.u32;
	s13 =	simm.s32 $0xD3D0;
	s14 =	simm.s32 $0xF310;
	s15 =	simm.s32 $0x112D0  }
0x6: {  	v4 =	vimm.s32 $0x140;
	vm0 =	vmmov $0x1;
	vm2 =	vcmask $0x70C;
	s16 =	simm.s32 $0x80;
	s6 =	sand.u32 $0x1, s1;
	s2 =	sshll.u32 s0, $0x1  }
0x7: {  	vm3 =	vcmask $0xB10;
	vm4 =	vcmask $0xF14;
	vm5 =	vcmask $0x1318;
	s17 =	simm.s32 $0x13290;
	s18 =	simm.s32 $0x1;
	s7 =	sor.u32 s6, s2  }
0x8: {  	vm6 =	vcmask $0x171C;
	vm7 =	vcmask $0x1B20;
	vm8 =	vcmask $0x1F24;
	s19 =	simm.s32 $0x0;
	s6 =	ssub.s32 $0x2, s6;
	s2 =	smul.u32 $0xFFFFFEC0, s7  }
0x9: {  	vm9 =	vcmask $0x2328;
	vm10 =	vcmask $0x272C;
	vm11 =	vcmask $0x2B30;
	s1 =	rddreg [dreg:$0x0];
	s9 =	smul.u32 $0x280, s7;
	s10 =	sshrl.u32 s6, $0x1  }
0xa: {  	vm12 =	vcmask $0x2F34;
	vm13 =	vcmask $0x3338;
	vm14 =	vcmask $0x373C;
	[smem:$0x7FF] =	sst s5;
	s7 =	smul.u32 $0x1680, s7;
	s10 =	ssub.s32 s6, s10  }
0xb: {  	vm15 =	vmmov $0x7fff;
	v5 =	vor.u32 $0x10, v3;
	v0 =	vmov s2;
	s2 =	rddreg [dreg:$0x4];
	_ =	strace $0x80000047;
	s9 =	sadd.s32 s9, s8  }
0xc: {  	v6 =	vor.u32 $0x20, v3;
	v7 =	vor.u32 $0x30, v3;
	v8 =	vor.u32 $0x40, v3;
	s8 =	sadd.s32 s7, s8;
	s6 =	sadd.s32 s1, s7;
	s7 =	sadd.s32 $0x600, s9  }
0xd: {  	v9 =	vor.u32 $0x50, v3;
	v10 =	vor.u32 $0x60, v3;
	v11 =	vor.u32 $0x70, v3;
	s8 =	sadd.s32 $0x5600, s8;
	s9 =	smax.u32 s10, $0x1;
	s10 =	simm.s32 $0x2  }
.LBB2_1:
0xe: {  	[tilespmem:s5], [sflag:$0x2] =	stream.linear.gather [hbm4b:s6+s5], $0xB400, $0x38;
	[tilespmem:$0x18E90] =	vst v63  }
0xf: {  	_ =	swait.ge [sflag:s10], $0xB400  }
0x10: {  	[sflag:s10] =	ssyncset.done $0x0  }
0x11: {  	[sflag:s10] =	ssyncadd.s32 $0xFFFF4C00  }
0x12: {  	[tilespmem:$0xB400] =	vst v1  }
0x13: {  	[tilespmem:$0xB410] =	vst v1  }
0x14: {  	[tilespmem:$0xB420] =	vst v1  }
0x15: {  	[tilespmem:$0xB430] =	vst v1  }
0x16: {  	[tilespmem:$0xB440] =	vst v1  }
0x17: {  	[tilespmem:$0xB450] =	vst v1  }
0x18: {  	[tilespmem:$0xB460] =	vst v1  }
0x19: {  	[tilespmem:$0xB470] =	vst v1  }
.Ltmp0:
0x1a: {  	[tilespmem:$0xB480] =	vst v1;
	(pc) =	sbr.rel .LBB2_2-.Ltmp0, $4  }
0x1b: {  	[tilespmem:s11], [sflag:$0x2] =	stream.linear.gather [hbm4b:s7+s5], $0x1400, $0x38;
	[tilespmem:$0x18E90] =	vst v63  }
0x1c: {  	_ =	swait.ge [sflag:s10], $0x1400  }
0x1d: {  	[sflag:s10] =	ssyncset.done $0x0  }
0x1e: {  	s20 =	simm.s32 $0x0;
	[sflag:s10] =	ssyncadd.s32 $0xFFFFEC00  }
.LBB2_8:
0x1f: {  	s20 =	sadd.s32 $0x1, s20  }
0x20: {  	p0 =	sne.s32 s20, $0x28  }
.Ltmp1:
0x21: {  	_ = 	snop;
	(pc) =	sbr.rel @!p0 .LBB2_9-.Ltmp1, $1  }
0x22: {  	_ =	sdelay $0x3  }
.LBB2_2:
0x23: {  	s21 =	smul.u32 $0x3E8, s20;
	_ =	sdelay $0x1  }
0x24: {  	s23 =	simm.s32 $0x0;
	s22 =	sadd.s32 s4, s21  }
0x25: {  	[tilespmem:s12], [sflag:$0x2] =	stream.linear.gather [hbm4b:s22+s23], $0x1F40, $0x38;
	[tilespmem:$0x18E90] =	vst v63  }
0x26: {  	_ =	swait.ge [sflag:s10], $0x1F40  }
0x27: {  	[sflag:s10] =	ssyncset.done $0x0  }
0x28: {  	s21 =	sadd.s32 s3, s21;
	[sflag:s10] =	ssyncadd.s32 $0xFFFFE0C0  }
0x29: {  	[tilespmem:s13], [sflag:$0x2] =	stream.linear.gather [hbm4b:s21+s23], $0x1F40, $0x38;
	[tilespmem:$0x18E90] =	vst v63  }
0x2a: {  	_ =	swait.ge [sflag:s10], $0x1F40  }
0x2b: {  	[sflag:s10] =	ssyncset.done $0x0  }
0x2c: {  	s21 =	simm.s32 $0x0;
	[sflag:s10] =	ssyncadd.s32 $0xFFFFE0C0  }
0x2d: {  	v13 =	vimm.s32 $0x0;
	v12 =	vimm.s32 $0x0;
	s22 =	simm.s32 $0x40;
	v14 =	vld [tilespmem:s21+$0xB490]  }
.LBB2_3:
0x2e: {  	p0 =	sne.s32 s22, $0x7CC0;
	_ =	sdelay $0x3  }
0x2f: {  	v14 =	vadd.s32 v0, v14  }
0x30: {  	vm1 =	vlt.u32 v14, $0x140  }
0x31: {  	v15 =	vsel vm1, $0x1, v2;
	v16 =	vmpcnt.ones.xlane vm1  }
0x32: {  	(xrf0) =	vadd.scan.msk.s32 $0xffff, v15  }
0x33: {  	v13 =	vadd.s32 v13, v16;
	_ =	sdelay $0x4  }
0x34: {  	v15, _, _ =	vpop (xrf0)  }
0x35: {  	v15 =	vadd.s32 v15, v12;
	v12 =	vmov v13  }
0x36: {  	v16 =	vld [tilespmem:s21+$0xD3D0];
	v15 =	vadd.s32 $0xFFFFFFFF, v15;
	_ =	sdelay $0x2  }
.Ltmp2:
0x37: {  	(pc) =	sbr.rel @p0 .LBB2_3-.Ltmp2, $4  }
0x38: {  	_ = 	snop  }
0x39: {  	[tilespmem:v15+s14+$0x0] =	vst.idx.msk vm1, v16  }
0x3a: {  	s21 =	sshra.s32 s22, $0x2;
	[tilespmem:v15+s15+$0x0] =	vst.idx.msk vm1, v14  }
0x3b: {  	s22 =	sadd.s32 $0x40, s22;
	v14 =	vld [tilespmem:s21+$0xB490]  }
0x3c: {  	_ =	sdelay $0x3  }
0x3d: {  	v14 =	vadd.s32 v0, v14  }
0x3e: {  	vm1 =	vlt.u32 v14, $0x140  }
0x3f: {  	v16 =	vmpcnt.ones.xlane vm1;
	_ =	sdelay $0x1  }
0x40: {  	v15 =	vsel vm1, $0x1, v2;
	v13 =	vadd.s32 v13, v16  }
0x41: {  	(xrf0) =	vadd.scan.msk.s32 $0xffff, v15;
	v54 =	vxor.u32 $0x80000000, v13  }
0x42: {  	(xrf0) =	vmax.scan.msk.u32 $0xffff, v54;
	_ =	sdelay $0x4  }
0x43: {  	v55, _, _ =	vpop (xrf0)  }
0x44: {  	v57, _, _ =	vpop (xrf0)  }
0x45: {  	v12 =	vadd.s32 v55, v12;
	(v2sf) =	vpush v57, $0xF  }
0x46: {  	v56 =	vld [tilespmem:s21+$0xD3D0];
	v12 =	vadd.s32 $0xFFFFFFFF, v12;
	_ =	sdelay $0x1  }
0x47: {  	v17 =	vadd.s32 v3, v13;
	_ =	sdelay $0x1  }
0x48: {  	v58 =	vadd.s32 v5, v13  }
0x49: {  	[tilespmem:v12+s14+$0x0] =	vst.idx.msk vm1, v56  }
0x4a: {  	v59 =	vadd.s32 v6, v13;
	[tilespmem:v12+s15+$0x0] =	vst.idx.msk vm1, v14  }
0x4b: {  	s21 =	simm.s32 $0x112D0;
	[tilespmem:v17+s14+$0x0] =	vst.idx.msk $0xffff, v2  }
0x4c: {  	v60 =	vadd.s32 v7, v13;
	[tilespmem:v17+s21+$0x0] =	vst.idx.msk $0xffff, v4  }
0x4d: {  	[tilespmem:v58+s14+$0x0] =	vst.idx.msk $0xffff, v2  }
0x4e: {  	v61 =	vadd.s32 v8, v13;
	[tilespmem:v58+s21+$0x0] =	vst.idx.msk $0xffff, v4  }
0x4f: {  	[tilespmem:v59+s14+$0x0] =	vst.idx.msk $0xffff, v2  }
0x50: {  	v62 =	vadd.s32 v9, v13;
	[tilespmem:v59+s21+$0x0] =	vst.idx.msk $0xffff, v4  }
0x51: {  	[tilespmem:v60+s14+$0x0] =	vst.idx.msk $0xffff, v2  }
0x52: {  	v63 =	vadd.s32 v10, v13;
	[tilespmem:v60+s21+$0x0] =	vst.idx.msk $0xffff, v4;
	s22 =	spop (v2sf)  }
0x53: {  	[tilespmem:v61+s14+$0x0] =	vst.idx.msk $0xffff, v2;
	s22 =	sadd.s32 $0x8000007F, s22  }
0x54: {  	v13 =	vadd.s32 v11, v13;
	[tilespmem:v61+s21+$0x0] =	vst.idx.msk $0xffff, v4;
	s22 =	sshrl.u32 s22, $0x7  }
0x55: {  	[tilespmem:v62+s14+$0x0] =	vst.idx.msk $0xffff, v2;
	p0 =	seq.s32 s22, $0x0  }
.Ltmp3:
0x56: {  	[tilespmem:v62+s21+$0x0] =	vst.idx.msk $0xffff, v4;
	(pc) =	sbr.rel @p0 .LBB2_8-.Ltmp3, $4  }
0x57: {  	[tilespmem:v63+s14+$0x0] =	vst.idx.msk $0xffff, v2  }
0x58: {  	[tilespmem:v63+s21+$0x0] =	vst.idx.msk $0xffff, v4  }
0x59: {  	[tilespmem:v13+s14+$0x0] =	vst.idx.msk $0xffff, v2  }
0x5a: {  	s23 =	simm.s32 $0x0;
	vm1 =	vcmask $0x308;
	[tilespmem:v13+s21+$0x0] =	vst.idx.msk $0xffff, v4  }
.LBB2_5:
0x5b: {  	s24 =	sshll.u32 s23, $0x7  }
0x5c: {  	s24 =	sadd.s32 $0xF310, s24  }
0x5d: {  	v12 =	vmov s21;
	[tilespmem:s17], [sflag:$0x1] =	stream.indirect.gather [hbm4b:s1+s16], $0x90, s24, s16, $0xb8;
	[tilespmem:$0x18E90] =	vst v63  }
0x5e: {  	_ =	swait.ge [sflag:s18], $0x4800  }
0x5f: {  	[sflag:s18] =	ssyncset.done $0x0  }
0x60: {  	s25 =	simm.s32 $0x0;
	s24 =	simm.s32 $0x13710;
	[sflag:s18] =	ssyncadd.s32 $0xFFFFB800  }
.LBB2_6:
0x61: {  	s26 =	sshra.s32 s25, $0x2  }
0x62: {  	v13 =	vld.idx.msk [tilespmem:v12+s26+$0x0 ss:$0x1], $0xffff;
	_ =	sdelay $0x4  }
0x63: {  	v14 =	vnsel vm0, $0x0, v13  }
0x64: {  	v14 =	vxor.u32 $0x80000000, v14  }
0x65: {  	(xrf0) =	vmax.scan.msk.u32 $0xffff, v14;
	_ =	sdelay $0x5  }
0x66: {  	v14, _, _ =	vpop (xrf0)  }
0x67: {  	(v2sf) =	vpush v14, $0xF;
	_ =	sdelay $0xe  }
0x68: {  	s29 =	spop (v2sf)  }
0x69: {  	s26 =	smul.u32 $0x240, s29;
	_ =	sdelay $0x1  }
0x6a: {  	v15 =	vld [tilespmem:s24+$0xFFFFFB80];
	s26 =	sshra.s32 s26, $0x2  }
0x6b: {  	v14 =	vld [tilespmem:s26+$0x0];
	_ =	sdelay $0x4  }
0x6c: {  	v14 =	vmax.f32 v14, v15  }
0x6d: {  	[tilespmem:s26+$0x0] =	vst v14;
	v14 =	vld [tilespmem:s26+$0x10]  }
0x6e: {  	v15 =	vld [tilespmem:s24+$0xFFFFFB90];
	_ =	sdelay $0x4  }
0x6f: {  	v14 =	vmax.f32 v14, v15  }
0x70: {  	[tilespmem:s26+$0x10] =	vst v14;
	v14 =	vld [tilespmem:s26+$0x20]  }
0x71: {  	v15 =	vld [tilespmem:s24+$0xFFFFFBA0];
	_ =	sdelay $0x4  }
0x72: {  	v14 =	vmax.f32 v14, v15  }
0x73: {  	[tilespmem:s26+$0x20] =	vst v14;
	v14 =	vld [tilespmem:s26+$0x30]  }
0x74: {  	v15 =	vld [tilespmem:s24+$0xFFFFFBB0];
	_ =	sdelay $0x4  }
0x75: {  	v14 =	vmax.f32 v14, v15  }
0x76: {  	[tilespmem:s26+$0x30] =	vst v14;
	v14 =	vld [tilespmem:s26+$0x40]  }
0x77: {  	v15 =	vld [tilespmem:s24+$0xFFFFFBC0];
	_ =	sdelay $0x4  }
0x78: {  	v14 =	vmax.f32 v14, v15  }
0x79: {  	[tilespmem:s26+$0x40] =	vst v14;
	v14 =	vld [tilespmem:s26+$0x50]  }
0x7a: {  	v16 =	vsel vm1, $0x0, v13;
	v15 =	vld [tilespmem:s24+$0xFFFFFBD0]  }
0x7b: {  	v16 =	vxor.u32 $0x80000000, v16  }
0x7c: {  	(xrf0) =	vmax.scan.msk.u32 $0xffff, v16;
	_ =	sdelay $0x2  }
0x7d: {  	v14 =	vmax.f32 v14, v15  }
0x7e: {  	[tilespmem:s26+$0x50] =	vst v14;
	v14 =	vld [tilespmem:s26+$0x60]  }
0x7f: {  	v15 =	vld [tilespmem:s24+$0xFFFFFBE0]  }
0x80: {  	v16, _, _ =	vpop (xrf0)  }
0x81: {  	(v2sf) =	vpush v16, $0xF;
	_ =	sdelay $0x2  }
0x82: {  	v14 =	vmax.f32 v14, v15  }
0x83: {  	[tilespmem:s26+$0x60] =	vst v14;
	v14 =	vld [tilespmem:s26+$0x70]  }
0x84: {  	v15 =	vld [tilespmem:s24+$0xFFFFFBF0];
	_ =	sdelay $0x4  }
0x85: {  	v14 =	vmax.f32 v14, v15  }
0x86: {  	[tilespmem:s26+$0x70] =	vst v14;
	v14 =	vld [tilespmem:s26+$0x80]  }
0x87: {  	v15 =	vld [tilespmem:s24+$0xFFFFFC00];
	_ =	sdelay $0x2  }
0x88: {  	s28 =	spop (v2sf)  }
0x89: {  	s28 =	smul.u32 $0x240, s28  }
0x8a: {  	v14 =	vmax.f32 v14, v15  }
0x8b: {  	s30 =	sshra.s32 s28, $0x2;
	[tilespmem:s26+$0x80] =	vst v14  }
0x8c: {  	v14 =	vld [tilespmem:s30+$0x0]  }
0x8d: {  	v15 =	vld [tilespmem:s24+$0xFFFFFC10];
	_ =	sdelay $0x4  }
0x8e: {  	v14 =	vmax.f32 v14, v15  }
0x8f: {  	[tilespmem:s30+$0x0] =	vst v14;
	v14 =	vld [tilespmem:s30+$0x10]  }
0x90: {  	v15 =	vld [tilespmem:s24+$0xFFFFFC20];
	_ =	sdelay $0x4  }
0x91: {  	v14 =	vmax.f32 v14, v15  }
0x92: {  	[tilespmem:s30+$0x10] =	vst v14;
	v14 =	vld [tilespmem:s30+$0x20]  }
0x93: {  	v15 =	vld [tilespmem:s24+$0xFFFFFC30];
	_ =	sdelay $0x4  }
0x94: {  	v14 =	vmax.f32 v14, v15  }
0x95: {  	[tilespmem:s30+$0x20] =	vst v14;
	v14 =	vld [tilespmem:s30+$0x30]  }
0x96: {  	v15 =	vld [tilespmem:s24+$0xFFFFFC40];
	_ =	sdelay $0x4  }
0x97: {  	v14 =	vmax.f32 v14, v15  }
0x98: {  	[tilespmem:s30+$0x30] =	vst v14;
	v14 =	vld [tilespmem:s30+$0x40]  }
0x99: {  	v15 =	vld [tilespmem:s24+$0xFFFFFC50];
	_ =	sdelay $0x4  }
0x9a: {  	v14 =	vmax.f32 v14, v15  }
0x9b: {  	[tilespmem:s30+$0x40] =	vst v14;
	v14 =	vld [tilespmem:s30+$0x50]  }
0x9c: {  	v51 =	vsel vm2, $0x0, v13;
	v15 =	vld [tilespmem:s24+$0xFFFFFC60]  }
0x9d: {  	v16 =	vxor.u32 $0x80000000, v51  }
0x9e: {  	(xrf0) =	vmax.scan.msk.u32 $0xffff, v16;
	_ =	sdelay $0x2  }
0x9f: {  	v14 =	vmax.f32 v14, v15  }
0xa0: {  	[tilespmem:s30+$0x50] =	vst v14;
	v14 =	vld [tilespmem:s30+$0x60]  }
0xa1: {  	v15 =	vld [tilespmem:s24+$0xFFFFFC70]  }
0xa2: {  	v16, _, _ =	vpop (xrf0)  }
0xa3: {  	(v2sf) =	vpush v16, $0xF;
	_ =	sdelay $0x2  }
0xa4: {  	v14 =	vmax.f32 v14, v15  }
0xa5: {  	[tilespmem:s30+$0x60] =	vst v14;
	v14 =	vld [tilespmem:s30+$0x70]  }
0xa6: {  	v15 =	vld [tilespmem:s24+$0xFFFFFC80];
	_ =	sdelay $0x4  }
0xa7: {  	v14 =	vmax.f32 v14, v15  }
0xa8: {  	[tilespmem:s30+$0x70] =	vst v14;
	v14 =	vld [tilespmem:s30+$0x80]  }
0xa9: {  	v15 =	vld [tilespmem:s24+$0xFFFFFC90];
	_ =	sdelay $0x2  }
0xaa: {  	s31 =	spop (v2sf)  }
0xab: {  	s28 =	smul.u32 $0x240, s31  }
0xac: {  	v14 =	vmax.f32 v14, v15  }
0xad: {  	s29 =	sshra.s32 s28, $0x2;
	[tilespmem:s30+$0x80] =	vst v14  }
0xae: {  	v14 =	vld [tilespmem:s29+$0x0]  }
0xaf: {  	v15 =	vld [tilespmem:s24+$0xFFFFFCA0];
	_ =	sdelay $0x4  }
0xb0: {  	v14 =	vmax.f32 v14, v15  }
0xb1: {  	[tilespmem:s29+$0x0] =	vst v14;
	v14 =	vld [tilespmem:s29+$0x10]  }
0xb2: {  	v15 =	vld [tilespmem:s24+$0xFFFFFCB0];
	_ =	sdelay $0x4  }
0xb3: {  	v14 =	vmax.f32 v14, v15  }
0xb4: {  	[tilespmem:s29+$0x10] =	vst v14;
	v14 =	vld [tilespmem:s29+$0x20]  }
0xb5: {  	v15 =	vld [tilespmem:s24+$0xFFFFFCC0];
	_ =	sdelay $0x4  }
0xb6: {  	v14 =	vmax.f32 v14, v15  }
0xb7: {  	[tilespmem:s29+$0x20] =	vst v14;
	v14 =	vld [tilespmem:s29+$0x30]  }
0xb8: {  	v15 =	vld [tilespmem:s24+$0xFFFFFCD0];
	_ =	sdelay $0x4  }
0xb9: {  	v14 =	vmax.f32 v14, v15  }
0xba: {  	[tilespmem:s29+$0x30] =	vst v14;
	v14 =	vld [tilespmem:s29+$0x40]  }
0xbb: {  	v15 =	vld [tilespmem:s24+$0xFFFFFCE0];
	_ =	sdelay $0x4  }
0xbc: {  	v14 =	vmax.f32 v14, v15  }
0xbd: {  	[tilespmem:s29+$0x40] =	vst v14;
	v14 =	vld [tilespmem:s29+$0x50]  }
0xbe: {  	v52 =	vsel vm3, $0x0, v13;
	v15 =	vld [tilespmem:s24+$0xFFFFFCF0]  }
0xbf: {  	v16 =	vxor.u32 $0x80000000, v52  }
0xc0: {  	(xrf0) =	vmax.scan.msk.u32 $0xffff, v16;
	_ =	sdelay $0x2  }
0xc1: {  	v14 =	vmax.f32 v14, v15  }
0xc2: {  	[tilespmem:s29+$0x50] =	vst v14;
	v14 =	vld [tilespmem:s29+$0x60]  }
0xc3: {  	v15 =	vld [tilespmem:s24+$0xFFFFFD00]  }
0xc4: {  	v16, _, _ =	vpop (xrf0)  }
0xc5: {  	(v2sf) =	vpush v16, $0xF;
	_ =	sdelay $0x2  }
0xc6: {  	v14 =	vmax.f32 v14, v15  }
0xc7: {  	[tilespmem:s29+$0x60] =	vst v14;
	v14 =	vld [tilespmem:s29+$0x70]  }
0xc8: {  	v15 =	vld [tilespmem:s24+$0xFFFFFD10];
	_ =	sdelay $0x4  }
0xc9: {  	v14 =	vmax.f32 v14, v15  }
0xca: {  	[tilespmem:s29+$0x70] =	vst v14;
	v14 =	vld [tilespmem:s29+$0x80]  }
0xcb: {  	v15 =	vld [tilespmem:s24+$0xFFFFFD20];
	_ =	sdelay $0x2  }
0xcc: {  	s30 =	spop (v2sf)  }
0xcd: {  	s28 =	smul.u32 $0x240, s30  }
0xce: {  	v14 =	vmax.f32 v14, v15  }
0xcf: {  	s31 =	sshra.s32 s28, $0x2;
	[tilespmem:s29+$0x80] =	vst v14  }
0xd0: {  	v14 =	vld [tilespmem:s31+$0x0]  }
0xd1: {  	v15 =	vld [tilespmem:s24+$0xFFFFFD30];
	_ =	sdelay $0x4  }
0xd2: {  	v14 =	vmax.f32 v14, v15  }
0xd3: {  	[tilespmem:s31+$0x0] =	vst v14;
	v14 =	vld [tilespmem:s31+$0x10]  }
0xd4: {  	v15 =	vld [tilespmem:s24+$0xFFFFFD40];
	_ =	sdelay $0x4  }
0xd5: {  	v14 =	vmax.f32 v14, v15  }
0xd6: {  	[tilespmem:s31+$0x10] =	vst v14;
	v14 =	vld [tilespmem:s31+$0x20]  }
0xd7: {  	v15 =	vld [tilespmem:s24+$0xFFFFFD50];
	_ =	sdelay $0x4  }
0xd8: {  	v14 =	vmax.f32 v14, v15  }
0xd9: {  	[tilespmem:s31+$0x20] =	vst v14;
	v14 =	vld [tilespmem:s31+$0x30]  }
0xda: {  	v15 =	vld [tilespmem:s24+$0xFFFFFD60];
	_ =	sdelay $0x4  }
0xdb: {  	v14 =	vmax.f32 v14, v15  }
0xdc: {  	[tilespmem:s31+$0x30] =	vst v14;
	v14 =	vld [tilespmem:s31+$0x40]  }
0xdd: {  	v15 =	vld [tilespmem:s24+$0xFFFFFD70];
	_ =	sdelay $0x4  }
0xde: {  	v14 =	vmax.f32 v14, v15  }
0xdf: {  	[tilespmem:s31+$0x40] =	vst v14;
	v14 =	vld [tilespmem:s31+$0x50]  }
0xe0: {  	v53 =	vsel vm4, $0x0, v13;
	v15 =	vld [tilespmem:s24+$0xFFFFFD80]  }
0xe1: {  	v16 =	vxor.u32 $0x80000000, v53  }
0xe2: {  	(xrf0) =	vmax.scan.msk.u32 $0xffff, v16;
	_ =	sdelay $0x2  }
0xe3: {  	v14 =	vmax.f32 v14, v15  }
0xe4: {  	[tilespmem:s31+$0x50] =	vst v14;
	v14 =	vld [tilespmem:s31+$0x60]  }
0xe5: {  	v15 =	vld [tilespmem:s24+$0xFFFFFD90]  }
0xe6: {  	v16, _, _ =	vpop (xrf0)  }
0xe7: {  	(v2sf) =	vpush v16, $0xF;
	_ =	sdelay $0x2  }
0xe8: {  	v14 =	vmax.f32 v14, v15  }
0xe9: {  	[tilespmem:s31+$0x60] =	vst v14;
	v14 =	vld [tilespmem:s31+$0x70]  }
0xea: {  	v15 =	vld [tilespmem:s24+$0xFFFFFDA0];
	_ =	sdelay $0x4  }
0xeb: {  	v14 =	vmax.f32 v14, v15  }
0xec: {  	[tilespmem:s31+$0x70] =	vst v14;
	v14 =	vld [tilespmem:s31+$0x80]  }
0xed: {  	v15 =	vld [tilespmem:s24+$0xFFFFFDB0];
	_ =	sdelay $0x2  }
0xee: {  	s29 =	spop (v2sf)  }
0xef: {  	s28 =	smul.u32 $0x240, s29  }
0xf0: {  	v14 =	vmax.f32 v14, v15  }
0xf1: {  	s30 =	sshra.s32 s28, $0x2;
	[tilespmem:s31+$0x80] =	vst v14  }
0xf2: {  	v14 =	vld [tilespmem:s30+$0x0]  }
0xf3: {  	v15 =	vld [tilespmem:s24+$0xFFFFFDC0];
	_ =	sdelay $0x4  }
0xf4: {  	v14 =	vmax.f32 v14, v15  }
0xf5: {  	[tilespmem:s30+$0x0] =	vst v14;
	v14 =	vld [tilespmem:s30+$0x10]  }
0xf6: {  	v15 =	vld [tilespmem:s24+$0xFFFFFDD0];
	_ =	sdelay $0x4  }
0xf7: {  	v14 =	vmax.f32 v14, v15  }
0xf8: {  	[tilespmem:s30+$0x10] =	vst v14;
	v14 =	vld [tilespmem:s30+$0x20]  }
0xf9: {  	v15 =	vld [tilespmem:s24+$0xFFFFFDE0];
	_ =	sdelay $0x4  }
0xfa: {  	v14 =	vmax.f32 v14, v15  }
0xfb: {  	[tilespmem:s30+$0x20] =	vst v14;
	v14 =	vld [tilespmem:s30+$0x30]  }
0xfc: {  	v15 =	vld [tilespmem:s24+$0xFFFFFDF0];
	_ =	sdelay $0x4  }
0xfd: {  	v14 =	vmax.f32 v14, v15  }
0xfe: {  	[tilespmem:s30+$0x30] =	vst v14;
	v14 =	vld [tilespmem:s30+$0x40]  }
0xff: {  	v15 =	vld [tilespmem:s24+$0xFFFFFE00];
	_ =	sdelay $0x4  }
0x100: {  	v14 =	vmax.f32 v14, v15  }
0x101: {  	[tilespmem:s30+$0x40] =	vst v14;
	v14 =	vld [tilespmem:s30+$0x50]  }
0x102: {  	v54 =	vsel vm5, $0x0, v13;
	v15 =	vld [tilespmem:s24+$0xFFFFFE10]  }
0x103: {  	v16 =	vxor.u32 $0x80000000, v54  }
0x104: {  	(xrf0) =	vmax.scan.msk.u32 $0xffff, v16;
	_ =	sdelay $0x2  }
0x105: {  	v14 =	vmax.f32 v14, v15  }
0x106: {  	[tilespmem:s30+$0x50] =	vst v14;
	v14 =	vld [tilespmem:s30+$0x60]  }
0x107: {  	v15 =	vld [tilespmem:s24+$0xFFFFFE20]  }
0x108: {  	v16, _, _ =	vpop (xrf0)  }
0x109: {  	(v2sf) =	vpush v16, $0xF;
	_ =	sdelay $0x2  }
0x10a: {  	v14 =	vmax.f32 v14, v15  }
0x10b: {  	[tilespmem:s30+$0x60] =	vst v14;
	v14 =	vld [tilespmem:s30+$0x70]  }
0x10c: {  	v15 =	vld [tilespmem:s24+$0xFFFFFE30];
	_ =	sdelay $0x4  }
0x10d: {  	v14 =	vmax.f32 v14, v15  }
0x10e: {  	[tilespmem:s30+$0x70] =	vst v14;
	v14 =	vld [tilespmem:s30+$0x80]  }
0x10f: {  	v15 =	vld [tilespmem:s24+$0xFFFFFE40];
	_ =	sdelay $0x2  }
0x110: {  	s31 =	spop (v2sf)  }
0x111: {  	s28 =	smul.u32 $0x240, s31  }
0x112: {  	v14 =	vmax.f32 v14, v15  }
0x113: {  	s29 =	sshra.s32 s28, $0x2;
	[tilespmem:s30+$0x80] =	vst v14  }
0x114: {  	v14 =	vld [tilespmem:s29+$0x0]  }
0x115: {  	v15 =	vld [tilespmem:s24+$0xFFFFFE50];
	_ =	sdelay $0x4  }
0x116: {  	v14 =	vmax.f32 v14, v15  }
0x117: {  	[tilespmem:s29+$0x0] =	vst v14;
	v14 =	vld [tilespmem:s29+$0x10]  }
0x118: {  	v15 =	vld [tilespmem:s24+$0xFFFFFE60];
	_ =	sdelay $0x4  }
0x119: {  	v14 =	vmax.f32 v14, v15  }
0x11a: {  	[tilespmem:s29+$0x10] =	vst v14;
	v14 =	vld [tilespmem:s29+$0x20]  }
0x11b: {  	v15 =	vld [tilespmem:s24+$0xFFFFFE70];
	_ =	sdelay $0x4  }
0x11c: {  	v14 =	vmax.f32 v14, v15  }
0x11d: {  	[tilespmem:s29+$0x20] =	vst v14;
	v14 =	vld [tilespmem:s29+$0x30]  }
0x11e: {  	v15 =	vld [tilespmem:s24+$0xFFFFFE80];
	_ =	sdelay $0x4  }
0x11f: {  	v14 =	vmax.f32 v14, v15  }
0x120: {  	[tilespmem:s29+$0x30] =	vst v14;
	v14 =	vld [tilespmem:s29+$0x40]  }
0x121: {  	v15 =	vld [tilespmem:s24+$0xFFFFFE90];
	_ =	sdelay $0x4  }
0x122: {  	v14 =	vmax.f32 v14, v15  }
0x123: {  	[tilespmem:s29+$0x40] =	vst v14;
	v14 =	vld [tilespmem:s29+$0x50]  }
0x124: {  	v55 =	vsel vm6, $0x0, v13;
	v15 =	vld [tilespmem:s24+$0xFFFFFEA0]  }
0x125: {  	v16 =	vxor.u32 $0x80000000, v55  }
0x126: {  	(xrf0) =	vmax.scan.msk.u32 $0xffff, v16;
	_ =	sdelay $0x2  }
0x127: {  	v14 =	vmax.f32 v14, v15  }
0x128: {  	[tilespmem:s29+$0x50] =	vst v14;
	v14 =	vld [tilespmem:s29+$0x60]  }
0x129: {  	v15 =	vld [tilespmem:s24+$0xFFFFFEB0]  }
0x12a: {  	v16, _, _ =	vpop (xrf0)  }
0x12b: {  	(v2sf) =	vpush v16, $0xF;
	_ =	sdelay $0x2  }
0x12c: {  	v14 =	vmax.f32 v14, v15  }
0x12d: {  	[tilespmem:s29+$0x60] =	vst v14;
	v14 =	vld [tilespmem:s29+$0x70]  }
0x12e: {  	v15 =	vld [tilespmem:s24+$0xFFFFFEC0];
	_ =	sdelay $0x4  }
0x12f: {  	v14 =	vmax.f32 v14, v15  }
0x130: {  	[tilespmem:s29+$0x70] =	vst v14;
	v14 =	vld [tilespmem:s29+$0x80]  }
0x131: {  	v15 =	vld [tilespmem:s24+$0xFFFFFED0];
	_ =	sdelay $0x2  }
0x132: {  	s30 =	spop (v2sf)  }
0x133: {  	s28 =	smul.u32 $0x240, s30  }
0x134: {  	v14 =	vmax.f32 v14, v15  }
0x135: {  	s31 =	sshra.s32 s28, $0x2;
	[tilespmem:s29+$0x80] =	vst v14  }
0x136: {  	v14 =	vld [tilespmem:s31+$0x0]  }
0x137: {  	v15 =	vld [tilespmem:s24+$0xFFFFFEE0];
	_ =	sdelay $0x4  }
0x138: {  	v14 =	vmax.f32 v14, v15  }
0x139: {  	[tilespmem:s31+$0x0] =	vst v14;
	v14 =	vld [tilespmem:s31+$0x10]  }
0x13a: {  	v15 =	vld [tilespmem:s24+$0xFFFFFEF0];
	_ =	sdelay $0x4  }
0x13b: {  	v14 =	vmax.f32 v14, v15  }
0x13c: {  	[tilespmem:s31+$0x10] =	vst v14;
	v14 =	vld [tilespmem:s31+$0x20]  }
0x13d: {  	v15 =	vld [tilespmem:s24+$0xFFFFFF00];
	_ =	sdelay $0x4  }
0x13e: {  	v14 =	vmax.f32 v14, v15  }
0x13f: {  	[tilespmem:s31+$0x20] =	vst v14;
	v14 =	vld [tilespmem:s31+$0x30]  }
0x140: {  	v15 =	vld [tilespmem:s24+$0xFFFFFF10];
	_ =	sdelay $0x4  }
0x141: {  	v14 =	vmax.f32 v14, v15  }
0x142: {  	[tilespmem:s31+$0x30] =	vst v14;
	v14 =	vld [tilespmem:s31+$0x40]  }
0x143: {  	v15 =	vld [tilespmem:s24+$0xFFFFFF20];
	_ =	sdelay $0x4  }
0x144: {  	v14 =	vmax.f32 v14, v15  }
0x145: {  	[tilespmem:s31+$0x40] =	vst v14;
	v14 =	vld [tilespmem:s31+$0x50]  }
0x146: {  	v56 =	vsel vm7, $0x0, v13;
	v15 =	vld [tilespmem:s24+$0xFFFFFF30]  }
0x147: {  	v16 =	vxor.u32 $0x80000000, v56  }
0x148: {  	(xrf0) =	vmax.scan.msk.u32 $0xffff, v16;
	_ =	sdelay $0x2  }
0x149: {  	v14 =	vmax.f32 v14, v15  }
0x14a: {  	[tilespmem:s31+$0x50] =	vst v14;
	v14 =	vld [tilespmem:s31+$0x60]  }
0x14b: {  	v15 =	vld [tilespmem:s24+$0xFFFFFF40]  }
0x14c: {  	v16, _, _ =	vpop (xrf0)  }
0x14d: {  	(v2sf) =	vpush v16, $0xF;
	_ =	sdelay $0x2  }
0x14e: {  	v14 =	vmax.f32 v14, v15  }
0x14f: {  	[tilespmem:s31+$0x60] =	vst v14;
	v14 =	vld [tilespmem:s31+$0x70]  }
0x150: {  	v15 =	vld [tilespmem:s24+$0xFFFFFF50];
	_ =	sdelay $0x4  }
0x151: {  	v14 =	vmax.f32 v14, v15  }
0x152: {  	[tilespmem:s31+$0x70] =	vst v14;
	v14 =	vld [tilespmem:s31+$0x80]  }
0x153: {  	v15 =	vld [tilespmem:s24+$0xFFFFFF60];
	_ =	sdelay $0x2  }
0x154: {  	s29 =	spop (v2sf)  }
0x155: {  	s28 =	smul.u32 $0x240, s29  }
0x156: {  	v14 =	vmax.f32 v14, v15  }
0x157: {  	s30 =	sshra.s32 s28, $0x2;
	[tilespmem:s31+$0x80] =	vst v14  }
0x158: {  	v14 =	vld [tilespmem:s30+$0x0]  }
0x159: {  	v15 =	vld [tilespmem:s24+$0xFFFFFF70];
	_ =	sdelay $0x4  }
0x15a: {  	v14 =	vmax.f32 v14, v15  }
0x15b: {  	[tilespmem:s30+$0x0] =	vst v14;
	v14 =	vld [tilespmem:s30+$0x10]  }
0x15c: {  	v15 =	vld [tilespmem:s24+$0xFFFFFF80];
	_ =	sdelay $0x4  }
0x15d: {  	v14 =	vmax.f32 v14, v15  }
0x15e: {  	[tilespmem:s30+$0x10] =	vst v14;
	v14 =	vld [tilespmem:s30+$0x20]  }
0x15f: {  	v15 =	vld [tilespmem:s24+$0xFFFFFF90];
	_ =	sdelay $0x4  }
0x160: {  	v14 =	vmax.f32 v14, v15  }
0x161: {  	[tilespmem:s30+$0x20] =	vst v14;
	v14 =	vld [tilespmem:s30+$0x30]  }
0x162: {  	v15 =	vld [tilespmem:s24+$0xFFFFFFA0];
	_ =	sdelay $0x4  }
0x163: {  	v14 =	vmax.f32 v14, v15  }
0x164: {  	[tilespmem:s30+$0x30] =	vst v14;
	v14 =	vld [tilespmem:s30+$0x40]  }
0x165: {  	v15 =	vld [tilespmem:s24+$0xFFFFFFB0];
	_ =	sdelay $0x4  }
0x166: {  	v14 =	vmax.f32 v14, v15  }
0x167: {  	[tilespmem:s30+$0x40] =	vst v14;
	v14 =	vld [tilespmem:s30+$0x50]  }
0x168: {  	v57 =	vsel vm8, $0x0, v13;
	v15 =	vld [tilespmem:s24+$0xFFFFFFC0]  }
0x169: {  	v16 =	vxor.u32 $0x80000000, v57  }
0x16a: {  	(xrf0) =	vmax.scan.msk.u32 $0xffff, v16;
	_ =	sdelay $0x2  }
0x16b: {  	v14 =	vmax.f32 v14, v15  }
0x16c: {  	[tilespmem:s30+$0x50] =	vst v14;
	v14 =	vld [tilespmem:s30+$0x60]  }
0x16d: {  	v15 =	vld [tilespmem:s24+$0xFFFFFFD0]  }
0x16e: {  	v16, _, _ =	vpop (xrf0)  }
0x16f: {  	(v2sf) =	vpush v16, $0xF;
	_ =	sdelay $0x2  }
0x170: {  	v14 =	vmax.f32 v14, v15  }
0x171: {  	[tilespmem:s30+$0x60] =	vst v14;
	v14 =	vld [tilespmem:s30+$0x70]  }
0x172: {  	v15 =	vld [tilespmem:s24+$0xFFFFFFE0];
	_ =	sdelay $0x4  }
0x173: {  	v14 =	vmax.f32 v14, v15  }
0x174: {  	[tilespmem:s30+$0x70] =	vst v14;
	v14 =	vld [tilespmem:s30+$0x80]  }
0x175: {  	v15 =	vld [tilespmem:s24+$0xFFFFFFF0];
	_ =	sdelay $0x2  }
0x176: {  	s31 =	spop (v2sf)  }
0x177: {  	s28 =	smul.u32 $0x240, s31  }
0x178: {  	v14 =	vmax.f32 v14, v15  }
0x179: {  	s29 =	sshra.s32 s28, $0x2;
	[tilespmem:s30+$0x80] =	vst v14  }
0x17a: {  	v14 =	vld [tilespmem:s29+$0x0]  }
0x17b: {  	v15 =	vld [tilespmem:s24+$0x0];
	_ =	sdelay $0x4  }
0x17c: {  	v14 =	vmax.f32 v14, v15  }
0x17d: {  	[tilespmem:s29+$0x0] =	vst v14;
	v14 =	vld [tilespmem:s29+$0x10]  }
0x17e: {  	v15 =	vld [tilespmem:s24+$0x10];
	_ =	sdelay $0x4  }
0x17f: {  	v14 =	vmax.f32 v14, v15  }
0x180: {  	[tilespmem:s29+$0x10] =	vst v14;
	v14 =	vld [tilespmem:s29+$0x20]  }
0x181: {  	v15 =	vld [tilespmem:s24+$0x20];
	_ =	sdelay $0x4  }
0x182: {  	v14 =	vmax.f32 v14, v15  }
0x183: {  	[tilespmem:s29+$0x20] =	vst v14;
	v14 =	vld [tilespmem:s29+$0x30]  }
0x184: {  	v15 =	vld [tilespmem:s24+$0x30];
	_ =	sdelay $0x4  }
0x185: {  	v14 =	vmax.f32 v14, v15  }
0x186: {  	[tilespmem:s29+$0x30] =	vst v14;
	v14 =	vld [tilespmem:s29+$0x40]  }
0x187: {  	v15 =	vld [tilespmem:s24+$0x40];
	_ =	sdelay $0x4  }
0x188: {  	v14 =	vmax.f32 v14, v15  }
0x189: {  	[tilespmem:s29+$0x40] =	vst v14;
	v14 =	vld [tilespmem:s29+$0x50]  }
0x18a: {  	v58 =	vsel vm9, $0x0, v13;
	v15 =	vld [tilespmem:s24+$0x50]  }
0x18b: {  	v16 =	vxor.u32 $0x80000000, v58  }
0x18c: {  	(xrf0) =	vmax.scan.msk.u32 $0xffff, v16;
	_ =	sdelay $0x2  }
0x18d: {  	v14 =	vmax.f32 v14, v15  }
0x18e: {  	[tilespmem:s29+$0x50] =	vst v14;
	v14 =	vld [tilespmem:s29+$0x60]  }
0x18f: {  	v15 =	vld [tilespmem:s24+$0x60]  }
0x190: {  	v16, _, _ =	vpop (xrf0)  }
0x191: {  	(v2sf) =	vpush v16, $0xF;
	_ =	sdelay $0x2  }
0x192: {  	v14 =	vmax.f32 v14, v15  }
0x193: {  	[tilespmem:s29+$0x60] =	vst v14;
	v14 =	vld [tilespmem:s29+$0x70]  }
0x194: {  	v15 =	vld [tilespmem:s24+$0x70];
	_ =	sdelay $0x4  }
0x195: {  	v14 =	vmax.f32 v14, v15  }
0x196: {  	[tilespmem:s29+$0x70] =	vst v14;
	v14 =	vld [tilespmem:s29+$0x80]  }
0x197: {  	v15 =	vld [tilespmem:s24+$0x80];
	_ =	sdelay $0x2  }
0x198: {  	s30 =	spop (v2sf)  }
0x199: {  	s28 =	smul.u32 $0x240, s30  }
0x19a: {  	v14 =	vmax.f32 v14, v15  }
0x19b: {  	s31 =	sshra.s32 s28, $0x2;
	[tilespmem:s29+$0x80] =	vst v14  }
0x19c: {  	v14 =	vld [tilespmem:s31+$0x0]  }
0x19d: {  	v15 =	vld [tilespmem:s24+$0x90];
	_ =	sdelay $0x4  }
0x19e: {  	v14 =	vmax.f32 v14, v15  }
0x19f: {  	[tilespmem:s31+$0x0] =	vst v14;
	v14 =	vld [tilespmem:s31+$0x10]  }
0x1a0: {  	v15 =	vld [tilespmem:s24+$0xA0];
	_ =	sdelay $0x4  }
0x1a1: {  	v14 =	vmax.f32 v14, v15  }
0x1a2: {  	[tilespmem:s31+$0x10] =	vst v14;
	v14 =	vld [tilespmem:s31+$0x20]  }
0x1a3: {  	v15 =	vld [tilespmem:s24+$0xB0];
	_ =	sdelay $0x4  }
0x1a4: {  	v14 =	vmax.f32 v14, v15  }
0x1a5: {  	[tilespmem:s31+$0x20] =	vst v14;
	v14 =	vld [tilespmem:s31+$0x30]  }
0x1a6: {  	v15 =	vld [tilespmem:s24+$0xC0];
	_ =	sdelay $0x4  }
0x1a7: {  	v14 =	vmax.f32 v14, v15  }
0x1a8: {  	[tilespmem:s31+$0x30] =	vst v14;
	v14 =	vld [tilespmem:s31+$0x40]  }
0x1a9: {  	v15 =	vld [tilespmem:s24+$0xD0];
	_ =	sdelay $0x4  }
0x1aa: {  	v14 =	vmax.f32 v14, v15  }
0x1ab: {  	[tilespmem:s31+$0x40] =	vst v14;
	v14 =	vld [tilespmem:s31+$0x50]  }
0x1ac: {  	v59 =	vsel vm10, $0x0, v13;
	v15 =	vld [tilespmem:s24+$0xE0]  }
0x1ad: {  	v16 =	vxor.u32 $0x80000000, v59  }
0x1ae: {  	(xrf0) =	vmax.scan.msk.u32 $0xffff, v16;
	_ =	sdelay $0x2  }
0x1af: {  	v14 =	vmax.f32 v14, v15  }
0x1b0: {  	[tilespmem:s31+$0x50] =	vst v14;
	v14 =	vld [tilespmem:s31+$0x60]  }
0x1b1: {  	v15 =	vld [tilespmem:s24+$0xF0]  }
0x1b2: {  	v16, _, _ =	vpop (xrf0)  }
0x1b3: {  	(v2sf) =	vpush v16, $0xF;
	_ =	sdelay $0x2  }
0x1b4: {  	v14 =	vmax.f32 v14, v15  }
0x1b5: {  	[tilespmem:s31+$0x60] =	vst v14;
	v14 =	vld [tilespmem:s31+$0x70]  }
0x1b6: {  	v15 =	vld [tilespmem:s24+$0x100];
	_ =	sdelay $0x4  }
0x1b7: {  	v14 =	vmax.f32 v14, v15  }
0x1b8: {  	[tilespmem:s31+$0x70] =	vst v14;
	v14 =	vld [tilespmem:s31+$0x80]  }
0x1b9: {  	v15 =	vld [tilespmem:s24+$0x110];
	_ =	sdelay $0x2  }
0x1ba: {  	s29 =	spop (v2sf)  }
0x1bb: {  	s28 =	smul.u32 $0x240, s29  }
0x1bc: {  	v14 =	vmax.f32 v14, v15  }
0x1bd: {  	s30 =	sshra.s32 s28, $0x2;
	[tilespmem:s31+$0x80] =	vst v14  }
0x1be: {  	v14 =	vld [tilespmem:s30+$0x0]  }
0x1bf: {  	v15 =	vld [tilespmem:s24+$0x120];
	_ =	sdelay $0x4  }
0x1c0: {  	v14 =	vmax.f32 v14, v15  }
0x1c1: {  	[tilespmem:s30+$0x0] =	vst v14;
	v14 =	vld [tilespmem:s30+$0x10]  }
0x1c2: {  	v15 =	vld [tilespmem:s24+$0x130];
	_ =	sdelay $0x4  }
0x1c3: {  	v14 =	vmax.f32 v14, v15  }
0x1c4: {  	[tilespmem:s30+$0x10] =	vst v14;
	v14 =	vld [tilespmem:s30+$0x20]  }
0x1c5: {  	v15 =	vld [tilespmem:s24+$0x140];
	_ =	sdelay $0x4  }
0x1c6: {  	v14 =	vmax.f32 v14, v15  }
0x1c7: {  	[tilespmem:s30+$0x20] =	vst v14;
	v14 =	vld [tilespmem:s30+$0x30]  }
0x1c8: {  	v15 =	vld [tilespmem:s24+$0x150];
	_ =	sdelay $0x4  }
0x1c9: {  	v14 =	vmax.f32 v14, v15  }
0x1ca: {  	[tilespmem:s30+$0x30] =	vst v14;
	v14 =	vld [tilespmem:s30+$0x40]  }
0x1cb: {  	v15 =	vld [tilespmem:s24+$0x160];
	_ =	sdelay $0x4  }
0x1cc: {  	v14 =	vmax.f32 v14, v15  }
0x1cd: {  	[tilespmem:s30+$0x40] =	vst v14;
	v14 =	vld [tilespmem:s30+$0x50]  }
0x1ce: {  	v60 =	vsel vm11, $0x0, v13;
	v15 =	vld [tilespmem:s24+$0x170]  }
0x1cf: {  	v16 =	vxor.u32 $0x80000000, v60  }
0x1d0: {  	(xrf0) =	vmax.scan.msk.u32 $0xffff, v16;
	_ =	sdelay $0x2  }
0x1d1: {  	v14 =	vmax.f32 v14, v15  }
0x1d2: {  	[tilespmem:s30+$0x50] =	vst v14;
	v14 =	vld [tilespmem:s30+$0x60]  }
0x1d3: {  	v15 =	vld [tilespmem:s24+$0x180]  }
0x1d4: {  	v16, _, _ =	vpop (xrf0)  }
0x1d5: {  	(v2sf) =	vpush v16, $0xF;
	_ =	sdelay $0x2  }
0x1d6: {  	v14 =	vmax.f32 v14, v15  }
0x1d7: {  	[tilespmem:s30+$0x60] =	vst v14;
	v14 =	vld [tilespmem:s30+$0x70]  }
0x1d8: {  	v15 =	vld [tilespmem:s24+$0x190];
	_ =	sdelay $0x4  }
0x1d9: {  	v14 =	vmax.f32 v14, v15  }
0x1da: {  	[tilespmem:s30+$0x70] =	vst v14;
	v14 =	vld [tilespmem:s30+$0x80]  }
0x1db: {  	v15 =	vld [tilespmem:s24+$0x1A0];
	_ =	sdelay $0x2  }
0x1dc: {  	s31 =	spop (v2sf)  }
0x1dd: {  	s28 =	smul.u32 $0x240, s31  }
0x1de: {  	v14 =	vmax.f32 v14, v15  }
0x1df: {  	s29 =	sshra.s32 s28, $0x2;
	[tilespmem:s30+$0x80] =	vst v14  }
0x1e0: {  	v14 =	vld [tilespmem:s29+$0x0]  }
0x1e1: {  	v15 =	vld [tilespmem:s24+$0x1B0];
	_ =	sdelay $0x4  }
0x1e2: {  	v14 =	vmax.f32 v14, v15  }
0x1e3: {  	[tilespmem:s29+$0x0] =	vst v14;
	v14 =	vld [tilespmem:s29+$0x10]  }
0x1e4: {  	v15 =	vld [tilespmem:s24+$0x1C0];
	_ =	sdelay $0x4  }
0x1e5: {  	v14 =	vmax.f32 v14, v15  }
0x1e6: {  	[tilespmem:s29+$0x10] =	vst v14;
	v14 =	vld [tilespmem:s29+$0x20]  }
0x1e7: {  	v15 =	vld [tilespmem:s24+$0x1D0];
	_ =	sdelay $0x4  }
0x1e8: {  	v14 =	vmax.f32 v14, v15  }
0x1e9: {  	[tilespmem:s29+$0x20] =	vst v14;
	v14 =	vld [tilespmem:s29+$0x30]  }
0x1ea: {  	v15 =	vld [tilespmem:s24+$0x1E0];
	_ =	sdelay $0x4  }
0x1eb: {  	v14 =	vmax.f32 v14, v15  }
0x1ec: {  	[tilespmem:s29+$0x30] =	vst v14;
	v14 =	vld [tilespmem:s29+$0x40]  }
0x1ed: {  	v15 =	vld [tilespmem:s24+$0x1F0];
	_ =	sdelay $0x4  }
0x1ee: {  	v14 =	vmax.f32 v14, v15  }
0x1ef: {  	[tilespmem:s29+$0x40] =	vst v14;
	v14 =	vld [tilespmem:s29+$0x50]  }
0x1f0: {  	v61 =	vsel vm12, $0x0, v13;
	v15 =	vld [tilespmem:s24+$0x200]  }
0x1f1: {  	v16 =	vxor.u32 $0x80000000, v61  }
0x1f2: {  	(xrf0) =	vmax.scan.msk.u32 $0xffff, v16;
	_ =	sdelay $0x2  }
0x1f3: {  	v14 =	vmax.f32 v14, v15  }
0x1f4: {  	[tilespmem:s29+$0x50] =	vst v14;
	v14 =	vld [tilespmem:s29+$0x60]  }
0x1f5: {  	v15 =	vld [tilespmem:s24+$0x210]  }
0x1f6: {  	v16, _, _ =	vpop (xrf0)  }
0x1f7: {  	(v2sf) =	vpush v16, $0xF;
	_ =	sdelay $0x2  }
0x1f8: {  	v14 =	vmax.f32 v14, v15  }
0x1f9: {  	[tilespmem:s29+$0x60] =	vst v14;
	v14 =	vld [tilespmem:s29+$0x70]  }
0x1fa: {  	v15 =	vld [tilespmem:s24+$0x220];
	_ =	sdelay $0x4  }
0x1fb: {  	v14 =	vmax.f32 v14, v15  }
0x1fc: {  	[tilespmem:s29+$0x70] =	vst v14;
	v14 =	vld [tilespmem:s29+$0x80]  }
0x1fd: {  	v15 =	vld [tilespmem:s24+$0x230];
	_ =	sdelay $0x2  }
0x1fe: {  	s30 =	spop (v2sf)  }
0x1ff: {  	s28 =	smul.u32 $0x240, s30  }
0x200: {  	v14 =	vmax.f32 v14, v15  }
0x201: {  	s31 =	sshra.s32 s28, $0x2;
	[tilespmem:s29+$0x80] =	vst v14  }
0x202: {  	v14 =	vld [tilespmem:s31+$0x0]  }
0x203: {  	v15 =	vld [tilespmem:s24+$0x240];
	_ =	sdelay $0x4  }
0x204: {  	v14 =	vmax.f32 v14, v15  }
0x205: {  	[tilespmem:s31+$0x0] =	vst v14;
	v14 =	vld [tilespmem:s31+$0x10]  }
0x206: {  	v15 =	vld [tilespmem:s24+$0x250];
	_ =	sdelay $0x4  }
0x207: {  	v14 =	vmax.f32 v14, v15  }
0x208: {  	[tilespmem:s31+$0x10] =	vst v14;
	v14 =	vld [tilespmem:s31+$0x20]  }
0x209: {  	v15 =	vld [tilespmem:s24+$0x260];
	_ =	sdelay $0x4  }
0x20a: {  	v14 =	vmax.f32 v14, v15  }
0x20b: {  	[tilespmem:s31+$0x20] =	vst v14;
	v14 =	vld [tilespmem:s31+$0x30]  }
0x20c: {  	v15 =	vld [tilespmem:s24+$0x270];
	_ =	sdelay $0x4  }
0x20d: {  	v14 =	vmax.f32 v14, v15  }
0x20e: {  	[tilespmem:s31+$0x30] =	vst v14;
	v14 =	vld [tilespmem:s31+$0x40]  }
0x20f: {  	v15 =	vld [tilespmem:s24+$0x280];
	_ =	sdelay $0x4  }
0x210: {  	v14 =	vmax.f32 v14, v15  }
0x211: {  	[tilespmem:s31+$0x40] =	vst v14;
	v14 =	vld [tilespmem:s31+$0x50]  }
0x212: {  	v62 =	vsel vm13, $0x0, v13;
	v15 =	vld [tilespmem:s24+$0x290]  }
0x213: {  	v16 =	vxor.u32 $0x80000000, v62  }
0x214: {  	(xrf0) =	vmax.scan.msk.u32 $0xffff, v16;
	_ =	sdelay $0x2  }
0x215: {  	v14 =	vmax.f32 v14, v15  }
0x216: {  	[tilespmem:s31+$0x50] =	vst v14;
	v14 =	vld [tilespmem:s31+$0x60]  }
0x217: {  	v15 =	vld [tilespmem:s24+$0x2A0]  }
0x218: {  	v16, _, _ =	vpop (xrf0)  }
0x219: {  	(v2sf) =	vpush v16, $0xF;
	_ =	sdelay $0x2  }
0x21a: {  	v14 =	vmax.f32 v14, v15  }
0x21b: {  	[tilespmem:s31+$0x60] =	vst v14;
	v14 =	vld [tilespmem:s31+$0x70]  }
0x21c: {  	v15 =	vld [tilespmem:s24+$0x2B0];
	_ =	sdelay $0x4  }
0x21d: {  	v14 =	vmax.f32 v14, v15  }
0x21e: {  	[tilespmem:s31+$0x70] =	vst v14;
	v14 =	vld [tilespmem:s31+$0x80]  }
0x21f: {  	v15 =	vld [tilespmem:s24+$0x2C0];
	_ =	sdelay $0x2  }
0x220: {  	s29 =	spop (v2sf)  }
0x221: {  	s28 =	smul.u32 $0x240, s29  }
0x222: {  	v14 =	vmax.f32 v14, v15  }
0x223: {  	s30 =	sshra.s32 s28, $0x2;
	[tilespmem:s31+$0x80] =	vst v14  }
0x224: {  	v14 =	vld [tilespmem:s30+$0x0]  }
0x225: {  	v15 =	vld [tilespmem:s24+$0x2D0];
	_ =	sdelay $0x4  }
0x226: {  	v14 =	vmax.f32 v14, v15  }
0x227: {  	[tilespmem:s30+$0x0] =	vst v14;
	v14 =	vld [tilespmem:s30+$0x10]  }
0x228: {  	v15 =	vld [tilespmem:s24+$0x2E0];
	_ =	sdelay $0x4  }
0x229: {  	v14 =	vmax.f32 v14, v15  }
0x22a: {  	[tilespmem:s30+$0x10] =	vst v14;
	v14 =	vld [tilespmem:s30+$0x20]  }
0x22b: {  	v15 =	vld [tilespmem:s24+$0x2F0];
	_ =	sdelay $0x4  }
0x22c: {  	v14 =	vmax.f32 v14, v15  }
0x22d: {  	[tilespmem:s30+$0x20] =	vst v14;
	v14 =	vld [tilespmem:s30+$0x30]  }
0x22e: {  	v15 =	vld [tilespmem:s24+$0x300];
	_ =	sdelay $0x4  }
0x22f: {  	v14 =	vmax.f32 v14, v15  }
0x230: {  	[tilespmem:s30+$0x30] =	vst v14;
	v14 =	vld [tilespmem:s30+$0x40]  }
0x231: {  	v15 =	vld [tilespmem:s24+$0x310];
	_ =	sdelay $0x4  }
0x232: {  	v14 =	vmax.f32 v14, v15  }
0x233: {  	[tilespmem:s30+$0x40] =	vst v14;
	v14 =	vld [tilespmem:s30+$0x50]  }
0x234: {  	v63 =	vsel vm14, $0x0, v13;
	v15 =	vld [tilespmem:s24+$0x320]  }
0x235: {  	v16 =	vxor.u32 $0x80000000, v63  }
0x236: {  	(xrf0) =	vmax.scan.msk.u32 $0xffff, v16;
	_ =	sdelay $0x2  }
0x237: {  	v14 =	vmax.f32 v14, v15  }
0x238: {  	[tilespmem:s30+$0x50] =	vst v14;
	v14 =	vld [tilespmem:s30+$0x60]  }
0x239: {  	v15 =	vld [tilespmem:s24+$0x330]  }
0x23a: {  	v16, _, _ =	vpop (xrf0)  }
0x23b: {  	(v2sf) =	vpush v16, $0xF;
	_ =	sdelay $0x2  }
0x23c: {  	v14 =	vmax.f32 v14, v15  }
0x23d: {  	[tilespmem:s30+$0x60] =	vst v14;
	v14 =	vld [tilespmem:s30+$0x70]  }
0x23e: {  	v15 =	vld [tilespmem:s24+$0x340];
	_ =	sdelay $0x4  }
0x23f: {  	v14 =	vmax.f32 v14, v15  }
0x240: {  	[tilespmem:s30+$0x70] =	vst v14;
	v14 =	vld [tilespmem:s30+$0x80]  }
0x241: {  	v15 =	vld [tilespmem:s24+$0x350];
	_ =	sdelay $0x2  }
0x242: {  	s31 =	spop (v2sf)  }
0x243: {  	s28 =	smul.u32 $0x240, s31  }
0x244: {  	v14 =	vmax.f32 v14, v15  }
0x245: {  	s29 =	sshra.s32 s28, $0x2;
	[tilespmem:s30+$0x80] =	vst v14  }
0x246: {  	v14 =	vld [tilespmem:s29+$0x0]  }
0x247: {  	v15 =	vld [tilespmem:s24+$0x360];
	_ =	sdelay $0x4  }
0x248: {  	v14 =	vmax.f32 v14, v15  }
0x249: {  	[tilespmem:s29+$0x0] =	vst v14;
	v14 =	vld [tilespmem:s29+$0x10]  }
0x24a: {  	v15 =	vld [tilespmem:s24+$0x370];
	_ =	sdelay $0x4  }
0x24b: {  	v14 =	vmax.f32 v14, v15  }
0x24c: {  	[tilespmem:s29+$0x10] =	vst v14;
	v14 =	vld [tilespmem:s29+$0x20]  }
0x24d: {  	v15 =	vld [tilespmem:s24+$0x380];
	_ =	sdelay $0x4  }
0x24e: {  	v14 =	vmax.f32 v14, v15  }
0x24f: {  	[tilespmem:s29+$0x20] =	vst v14;
	v14 =	vld [tilespmem:s29+$0x30]  }
0x250: {  	v15 =	vld [tilespmem:s24+$0x390];
	_ =	sdelay $0x4  }
0x251: {  	v14 =	vmax.f32 v14, v15  }
0x252: {  	[tilespmem:s29+$0x30] =	vst v14;
	v14 =	vld [tilespmem:s29+$0x40]  }
0x253: {  	v15 =	vld [tilespmem:s24+$0x3A0];
	_ =	sdelay $0x4  }
0x254: {  	v14 =	vmax.f32 v14, v15  }
0x255: {  	[tilespmem:s29+$0x40] =	vst v14;
	v14 =	vld [tilespmem:s29+$0x50]  }
0x256: {  	v13 =	vsel vm15, $0x0, v13;
	v15 =	vld [tilespmem:s24+$0x3B0]  }
0x257: {  	v13 =	vxor.u32 $0x80000000, v13  }
0x258: {  	(xrf0) =	vmax.scan.msk.u32 $0xffff, v13;
	_ =	sdelay $0x2  }
0x259: {  	v13 =	vmax.f32 v14, v15  }
0x25a: {  	[tilespmem:s29+$0x50] =	vst v13;
	v13 =	vld [tilespmem:s29+$0x60]  }
0x25b: {  	v14 =	vld [tilespmem:s24+$0x3C0]  }
0x25c: {  	v15, _, _ =	vpop (xrf0)  }
0x25d: {  	(v2sf) =	vpush v15, $0xF;
	_ =	sdelay $0x2  }
0x25e: {  	v13 =	vmax.f32 v13, v14  }
0x25f: {  	[tilespmem:s29+$0x60] =	vst v13;
	v13 =	vld [tilespmem:s29+$0x70]  }
0x260: {  	v14 =	vld [tilespmem:s24+$0x3D0];
	_ =	sdelay $0x4  }
0x261: {  	v13 =	vmax.f32 v13, v14  }
0x262: {  	[tilespmem:s29+$0x70] =	vst v13;
	v13 =	vld [tilespmem:s29+$0x80]  }
0x263: {  	v14 =	vld [tilespmem:s24+$0x3E0];
	_ =	sdelay $0x2  }
0x264: {  	s30 =	spop (v2sf)  }
0x265: {  	s28 =	smul.u32 $0x240, s30  }
0x266: {  	v13 =	vmax.f32 v13, v14  }
0x267: {  	s31 =	sshra.s32 s28, $0x2;
	[tilespmem:s29+$0x80] =	vst v13  }
0x268: {  	v13 =	vld [tilespmem:s31+$0x0]  }
0x269: {  	v14 =	vld [tilespmem:s24+$0x3F0];
	_ =	sdelay $0x4  }
0x26a: {  	v13 =	vmax.f32 v13, v14  }
0x26b: {  	[tilespmem:s31+$0x0] =	vst v13;
	v13 =	vld [tilespmem:s31+$0x10]  }
0x26c: {  	v14 =	vld [tilespmem:s24+$0x400];
	_ =	sdelay $0x4  }
0x26d: {  	v13 =	vmax.f32 v13, v14  }
0x26e: {  	[tilespmem:s31+$0x10] =	vst v13;
	v13 =	vld [tilespmem:s31+$0x20]  }
0x26f: {  	v14 =	vld [tilespmem:s24+$0x410];
	_ =	sdelay $0x4  }
0x270: {  	v13 =	vmax.f32 v13, v14  }
0x271: {  	[tilespmem:s31+$0x20] =	vst v13;
	v13 =	vld [tilespmem:s31+$0x30]  }
0x272: {  	v14 =	vld [tilespmem:s24+$0x420];
	_ =	sdelay $0x4  }
0x273: {  	v13 =	vmax.f32 v13, v14  }
0x274: {  	[tilespmem:s31+$0x30] =	vst v13;
	v13 =	vld [tilespmem:s31+$0x40]  }
0x275: {  	v14 =	vld [tilespmem:s24+$0x430];
	_ =	sdelay $0x4  }
0x276: {  	v13 =	vmax.f32 v13, v14  }
0x277: {  	[tilespmem:s31+$0x40] =	vst v13;
	v13 =	vld [tilespmem:s31+$0x50]  }
0x278: {  	v14 =	vld [tilespmem:s24+$0x440];
	_ =	sdelay $0x4  }
0x279: {  	v13 =	vmax.f32 v13, v14  }
0x27a: {  	[tilespmem:s31+$0x50] =	vst v13;
	v13 =	vld [tilespmem:s31+$0x60]  }
0x27b: {  	v14 =	vld [tilespmem:s24+$0x450];
	_ =	sdelay $0x4  }
0x27c: {  	v13 =	vmax.f32 v13, v14  }
0x27d: {  	[tilespmem:s31+$0x60] =	vst v13;
	v13 =	vld [tilespmem:s31+$0x70]  }
0x27e: {  	v14 =	vld [tilespmem:s24+$0x460];
	_ =	sdelay $0x4  }
0x27f: {  	v13 =	vmax.f32 v13, v14  }
0x280: {  	[tilespmem:s31+$0x70] =	vst v13;
	v13 =	vld [tilespmem:s31+$0x80]  }
0x281: {  	v14 =	vld [tilespmem:s24+$0x470]  }
0x282: {  	p0 =	sne.s32 s25, $0x1C0  }
.Ltmp4:
0x283: {  	_ = 	snop;
	(pc) =	sbr.rel @p0 .LBB2_6-.Ltmp4, $3  }
0x284: {  	_ =	sdelay $0x1  }
0x285: {  	v13 =	vmax.f32 v13, v14  }
0x286: {  	s25 =	sadd.s32 $0x40, s25;
	s24 =	sadd.s32 $0x900, s24;
	[tilespmem:s31+$0x80] =	vst v13  }
0x287: {  	s23 =	sadd.s32 $0x1, s23  }
0x288: {  	p0 =	sne.s32 s23, s22  }
.Ltmp5:
0x289: {  	_ = 	snop;
	(pc) =	sbr.rel @p0 .LBB2_5-.Ltmp5, $4  }
.Ltmp6:
0x28a: {  	_ = 	snop;
	(pc) =	sbr.rel @!p0 .LBB2_8-.Ltmp6, $4  }
0x28b: {  	_ = 	snop  }
0x28c: {  	_ = 	snop  }
0x28d: {  	s21 =	sadd.s32 $0x80, s21  }
0x28e: {  	_ = 	snop  }
.LBB2_9:
0x28f: {  	s21 =	simm.s32 $0x0  }
0x290: {  	s20 =	simm.s32 $0x80;
	v12 =	vld [tilespmem:s21+$0x17A90];
	s21 =	simm.s32 $0x40  }
.LBB2_10:
0x291: {  	p0 =	sne.s32 s21, $0x4FC0;
	v13 =	vld [tilespmem:s20+$0x0];
	_ =	sdelay $0x3  }
.Ltmp7:
0x292: {  	(pc) =	sbr.rel @p0 .LBB2_10-.Ltmp7, $3  }
0x293: {  	v12 =	vsub.f32 v13, v12;
	_ =	sdelay $0x1  }
0x294: {  	s22 =	sshra.s32 s21, $0x2;
	[tilespmem:s20+$0x0] =	vst v12  }
0x295: {  	s21 =	sadd.s32 $0x40, s21;
	s20 =	sadd.s32 $0x90, s20;
	v12 =	vld [tilespmem:s22+$0x17A90]  }
0x296: {  	v13 =	vld [tilespmem:s20+$0x0];
	_ =	sdelay $0x4  }
0x297: {  	s19 =	sadd.s32 $0x1, s19;
	v12 =	vsub.f32 v13, v12  }
0x298: {  	p0 =	sne.s32 s19, s9  }
.Ltmp8:
0x299: {  	[tilespmem:s20+$0x0] =	vst v12;
	(pc) =	sbr.rel @p0 .LBB2_1-.Ltmp8, $4  }
0x29a: {  	[hbm4b:s8+s5] =	stream.linear.scatter [tilespmem:s5], [sflag:$0x2], $0xB400, $0x38;
	[tilespmem:$0x18E90] =	vst v63  }
0x29b: {  	_ =	swait.ge [sflag:s10], $0xB400  }
0x29c: {  	[sflag:s10] =	ssyncset.done $0x0  }
0x29d: {  	[sflag:s10] =	ssyncadd.s32 $0xFFFF4C00  }
0x29e: {  	_ =	sfence.sel $0x180000  }
0x29f: {  	[bflag:$0x0] =	sbarrier.arrive $0xFFFF  }
0x2a0: {  	p0 =	sne.s32 s0, $0x0;
	_ =	strace $0x90000047  }
0x2a1: {  	s0 =	sadd.s32 @!p0 $0x100000, s2;
	[bflag:$0x2] =	sbarrier.arrive $0xFFFF  }
0x2a2: {  	[sflag:s0] =	ssyncadd.tile.s32 @!p0 $0x1;
	_ =	shalt  }
.Lfunc_end2:
_tile_overlayer_lowered:
.L_overlay_start_2:
0x2a3: {  	(tag) =	ssettag $0x2  }
0x2a4: {  	s0 =	rddreg [dreg:$0x0];
	s2 =	stileid.u32  }
0x2a5: {  	s1 =	rddreg [dreg:$0x1];
	p0 =	sne.s32 s2, $0x0  }
0x2a6: {  	s3 =	rddreg [dreg:$0x2];
	[bflag:$0x3] =	sbarrier.arrive $0xFFFF;
	s2 =	simm.s32 @!p0 $0x1C02  }
0x2a7: {  	[timem:s3], [sflag:s2] =	dma.local @!p0 [hbm:s0], s1  }
0x2a8: {  	s0 =	simm.s32 @!p0 $0x2  }
0x2a9: {  	_ =	swait.ge @!p0 [sflag:s0], s1  }
0x2aa: {  	s1 =	ssub.s32 @!p0 $0x0, s1;
	[sflag:s0] =	ssyncset.done @!p0 $0x0  }
0x2ab: {  	[sflag:s0] =	ssyncadd.s32 @!p0 s1  }
0x2ac: {  	[bflag:$0x3] =	sbarrier.arrive $0xFFFF  }
0x2ad: {  	_ =	shalt  }

</sc_bundles>
